<compile_context>
chip_gen: v7x
topology: tpu7x:2x2x1
jax: 0.10.2.dev20260603
libtpu: 0.0.44.dev20260713+nightly
codegen_flags: <defaults>
</compile_context>

<pallas_src>
import jax
import jax.numpy as jnp
from jax import lax
from jax.experimental import pallas as pl
from jax.experimental.pallas import tpu as pltpu
from jax.experimental.pallas import tpu_sc as plsc

N = 10000
NP = 10240
D = 128
E = 320000
CHUNK = 128
NCHUNKS = E // CHUNK
NC, NS = 2, 16
NW = NC * NS
ROWS_PER_TILE = NP // NS
ZROWS = CHUNK

_sc_mesh = plsc.VectorSubcoreMesh(
    core_axis_name="c", subcore_axis_name="s", num_cores=NC, num_subcores=NS)


NCHUNKSP = 2560
CPW = NCHUNKSP // NW
DGRP = 8


def _deg_body(dst2_hbm, ones_hbm, zeros_hbm, out_hbm, acc_sh, didx_v, ones_v,
              zbuf_v, *dsems):
    cid = lax.axis_index("c")
    sid = lax.axis_index("s")
    wid = sid * NC + cid
    base = sid * ROWS_PER_TILE
    pltpu.sync_copy(zeros_hbm, zbuf_v)
    pltpu.sync_copy(zbuf_v, acc_sh.at[pl.ds(base, ROWS_PER_TILE)])
    pltpu.sync_copy(ones_hbm, ones_v)
    pltpu.sync_copy(dst2_hbm.at[pl.ds(wid * CPW, CPW)], didx_v)
    plsc.subcore_barrier()

    def body(g, carry):
        c0 = g * DGRP
        descs = [
            pltpu.async_copy(ones_v, acc_sh.at[didx_v.at[c0 + b]], dsems[b],
                             add=True)
            for b in range(DGRP)
        ]
        for d in descs:
            d.wait()
        return carry

    lax.fori_loop(0, CPW // DGRP, body, 0)
    plsc.subcore_barrier()
    pltpu.sync_copy(acc_sh.at[pl.ds(base, ROWS_PER_TILE)],
                    out_hbm.at[pl.ds(cid * NP + base, ROWS_PER_TILE)])


_deg_call = pl.kernel(
    _deg_body,
    out_type=jax.ShapeDtypeStruct((NC * NP,), jnp.float32),
    mesh=_sc_mesh,
    scratch_types=[
        pltpu.VMEM_SHARED((NP,), jnp.float32),
        pltpu.VMEM((CPW, CHUNK), jnp.int32),
        pltpu.VMEM((CHUNK,), jnp.float32),
        pltpu.VMEM((ROWS_PER_TILE,), jnp.float32),
    ] + [pltpu.SemaphoreType.DMA] * DGRP,
)


NB = 2
NH = 2
HC = CPW // NH
NGRP = HC // NB


def _scatter_body(g_hbm, src2_hbm, dst2_hbm, zeros_hbm, out_hbm, acc_sh,
                  sidx_v, didx_v, rows_v, *sems):
    gsems, ssems = sems[:NB], sems[NB:]
    cid = lax.axis_index("c")
    sid = lax.axis_index("s")
    wid = sid * NC + cid
    base = sid * ROWS_PER_TILE
    start = wid * CPW
    pltpu.sync_copy(zeros_hbm, rows_v.at[0])
    zdescs = [
        pltpu.async_copy(rows_v.at[0], acc_sh.at[pl.ds(base + k * ZROWS,
                                                       ZROWS)],
                         ssems[k % NB])
        for k in range(ROWS_PER_TILE // ZROWS)
    ]
    for d in zdescs:
        d.wait()
    plsc.subcore_barrier()

    def _fire(c, b):
        cc = jnp.minimum(c, HC - 1)
        pltpu.async_copy(g_hbm.at[sidx_v.at[cc]], rows_v.at[b], gsems[b])

    def _gwait(b):
        pltpu.make_async_copy(g_hbm.at[sidx_v.at[0]], rows_v.at[b],
                              gsems[b]).wait()

    def _scat(c, b):
        pltpu.sync_copy(rows_v.at[b], acc_sh.at[didx_v.at[c]], add=True)

    for h in range(NH):
        pltpu.sync_copy(src2_hbm.at[pl.ds(start + h * HC, HC)], sidx_v)
        pltpu.sync_copy(dst2_hbm.at[pl.ds(start + h * HC, HC)], didx_v)
        _fire(0, 0)

        def body(p, carry):
            c0 = 2 * p
            _fire(c0 + 1, 1)
            _gwait(0)
            _scat(c0, 0)
            _fire(c0 + 2, 0)
            _gwait(1)
            _scat(c0 + 1, 1)
            return carry

        lax.fori_loop(0, HC // 2, body, 0)
        _gwait(0)

    plsc.subcore_barrier()
    pltpu.sync_copy(acc_sh.at[pl.ds(base, ROWS_PER_TILE)],
                    out_hbm.at[cid, pl.ds(base, ROWS_PER_TILE)])


_scatter_call = pl.kernel(
    _scatter_body,
    out_type=jax.ShapeDtypeStruct((NC, NP, D), jnp.float32),
    mesh=_sc_mesh,
    scratch_types=[
        pltpu.VMEM_SHARED((NP, D), jnp.float32),
        pltpu.VMEM((HC, CHUNK), jnp.int32),
        pltpu.VMEM((HC, CHUNK), jnp.int32),
        pltpu.VMEM((NB, CHUNK, D), jnp.float32),
    ] + [pltpu.SemaphoreType.DMA] * (2 * NB),
)

BN = 2000
GRID = N // BN


def _tc_first_body(degp_ref, x_ref, w_ref, g_ref, dinv_ref):
    dp = degp_ref[...]
    deg = dp[0, :, 0:1] + dp[1, :, 0:1] + 1.0
    dinv = lax.rsqrt(deg)
    h = jnp.dot(x_ref[...], w_ref[...], preferred_element_type=jnp.float32)
    g_ref[...] = dinv * h
    dinv_ref[...] = dinv


_tc_first = pl.pallas_call(
    _tc_first_body,
    grid=(GRID,),
    in_specs=[
        pl.BlockSpec((NC, BN, 1), lambda i: (0, i, 0)),
        pl.BlockSpec((BN, D), lambda i: (i, 0)),
        pl.BlockSpec((D, D), lambda i: (0, 0)),
    ],
    out_specs=[
        pl.BlockSpec((BN, D), lambda i: (i, 0)),
        pl.BlockSpec((BN, 1), lambda i: (i, 0)),
    ],
    out_shape=[
        jax.ShapeDtypeStruct((N, D), jnp.float32),
        jax.ShapeDtypeStruct((N, 1), jnp.float32),
    ],
)


def _tc_mid_body(sp_ref, g_ref, dinv_ref, b_ref, w_ref, gout_ref):
    s = sp_ref[0] + sp_ref[1]
    dinv = dinv_ref[...]
    t = dinv * (s + g_ref[...]) + b_ref[...]
    xl = jnp.maximum(t, 0.0)
    h = jnp.dot(xl, w_ref[...], preferred_element_type=jnp.float32)
    gout_ref[...] = dinv * h


_tc_mid = pl.pallas_call(
    _tc_mid_body,
    grid=(GRID,),
    in_specs=[
        pl.BlockSpec((NC, BN, D), lambda i: (0, i, 0)),
        pl.BlockSpec((BN, D), lambda i: (i, 0)),
        pl.BlockSpec((BN, 1), lambda i: (i, 0)),
        pl.BlockSpec((1, D), lambda i: (0, 0)),
        pl.BlockSpec((D, D), lambda i: (0, 0)),
    ],
    out_specs=pl.BlockSpec((BN, D), lambda i: (i, 0)),
    out_shape=jax.ShapeDtypeStruct((N, D), jnp.float32),
)


def _tc_final_body(sp_ref, g_ref, dinv_ref, b_ref, out_ref):
    s = sp_ref[0] + sp_ref[1]
    out_ref[...] = dinv_ref[...] * (s + g_ref[...]) + b_ref[...]


_tc_final = pl.pallas_call(
    _tc_final_body,
    grid=(GRID,),
    in_specs=[
        pl.BlockSpec((NC, BN, D), lambda i: (0, i, 0)),
        pl.BlockSpec((BN, D), lambda i: (i, 0)),
        pl.BlockSpec((BN, 1), lambda i: (i, 0)),
        pl.BlockSpec((1, D), lambda i: (0, 0)),
    ],
    out_specs=pl.BlockSpec((BN, D), lambda i: (i, 0)),
    out_shape=jax.ShapeDtypeStruct((N, D), jnp.float32),
)


def kernel(x, edge_index, W1, b1, W2, b2, W3, b3):
    src = edge_index[0].astype(jnp.int32)
    dst = edge_index[1].astype(jnp.int32)
    zeros_l = jnp.zeros((ZROWS, D), jnp.float32)
    zeros_d = jnp.zeros((ROWS_PER_TILE,), jnp.float32)
    ones_d = jnp.ones((CHUNK,), jnp.float32)

    npad = (NCHUNKSP - NCHUNKS) * CHUNK
    pads = jnp.arange(npad, dtype=jnp.int32) % N
    src2 = jnp.concatenate([src, pads]).reshape(NCHUNKSP, CHUNK)
    padv = N + jnp.arange(npad, dtype=jnp.int32) % (NP - N)
    dst2 = jnp.concatenate([dst, padv]).reshape(NCHUNKSP, CHUNK)
    degp = _deg_call(dst2, ones_d, zeros_d).reshape(NC, NP, 1)
    g1, dinv = _tc_first(degp, x, W1)
    s1 = _scatter_call(g1, src2, dst2, zeros_l)
    g2 = _tc_mid(s1, g1, dinv, b1.reshape(1, D), W2)
    s2 = _scatter_call(g2, src2, dst2, zeros_l)
    g3 = _tc_mid(s2, g2, dinv, b2.reshape(1, D), W3)
    s3 = _scatter_call(g3, src2, dst2, zeros_l)
    return _tc_final(s3, g3, dinv, b3.reshape(1, D))

# --- scband reference (transcript-rebuilt; emitter-appended) ---
"""Pipeline reference for scband-product-gnn-88115549044789 (READ-ONLY COPY).

The authoritative reference and input builder live on the scoring server;
editing this copy changes nothing except your own understanding.
"""

import jax, jax.numpy as jnp
import numpy as np

N_NODES = 10000
N_EDGES = 320000
D_IN = 128
D_HID = 128


def gcn_conv(x, edge_index, W, b):
    # Faithful translation of PyG GCNConv (default: add_self_loops=True,
    # normalize=True, symmetric normalization, bias=True).
    N = x.shape[0]
    loop = jnp.arange(N, dtype=edge_index.dtype)
    src = jnp.concatenate([edge_index[0], loop])
    dst = jnp.concatenate([edge_index[1], loop])
    # degree computed on destination nodes with unit edge weights
    deg = jnp.zeros((N,), dtype=x.dtype).at[dst].add(1.0)
    deg_inv_sqrt = jnp.where(deg > 0, deg ** -0.5, 0.0)
    norm = deg_inv_sqrt[src] * deg_inv_sqrt[dst]
    # linear transform first, then propagate (scatter-add of normalized messages)
    h = x @ W
    msgs = h[src] * norm[:, None]
    out = jnp.zeros((N, h.shape[1]), dtype=x.dtype).at[dst].add(msgs)
    return out + b


def setup_inputs(seed: int = 0) -> dict:
    key = jax.random.key(seed)
    ks = jax.random.split(key, 8)
    x = jax.random.normal(ks[0], (N_NODES, D_IN), dtype=jnp.float32)
    edge_index = jax.random.randint(ks[1], (2, N_EDGES), 0, N_NODES, dtype=jnp.int64)
    def glorot(k, fan_in, fan_out):
        lim = np.sqrt(6.0 / (fan_in + fan_out))
        return jax.random.uniform(k, (fan_in, fan_out), dtype=jnp.float32, minval=-lim, maxval=lim)
    W1 = glorot(ks[2], D_IN, D_HID)
    b1 = jnp.zeros((D_HID,), dtype=jnp.float32)
    W2 = glorot(ks[3], D_HID, D_HID)
    b2 = jnp.zeros((D_HID,), dtype=jnp.float32)
    W3 = glorot(ks[4], D_HID, D_HID)
    b3 = jnp.zeros((D_HID,), dtype=jnp.float32)
    return {"x": x, "edge_index": edge_index, "W1": W1, "b1": b1, "W2": W2, "b2": b2, "W3": W3, "b3": b3}


def reference(x, edge_index, W1, b1, W2, b2, W3, b3):
    # ProductGNN.forward: 3 GCN layers, ReLU between layers (dropout inactive in eval)
    h = gcn_conv(x, edge_index, W1, b1)
    h = jax.nn.relu(h)
    h = gcn_conv(h, edge_index, W2, b2)
    h = jax.nn.relu(h)
    h = gcn_conv(h, edge_index, W3, b3)
    return h

if __name__ == "__main__":
    import jax
    _d = setup_inputs()
    print(jax.jit(kernel)(*tuple(_d.values())))

</pallas_src>

<mosaic_0001>
#map = affine_map<(d0, d1) -> (0, 0)>
#map1 = affine_map<(d0, d1) -> (0, 0, 0)>
module attributes {stable_mosaic.version = 14 : i64} {
  func.func @_scatter_body(%arg0: i32, %arg1: i32, %arg2: memref<10000x128xf32, #tpu.memory_space<hbm>>, %arg3: memref<2560x128xi32, #tpu.memory_space<hbm>>, %arg4: memref<2560x128xi32, #tpu.memory_space<hbm>>, %arg5: memref<128x128xf32, #tpu.memory_space<hbm>>, %arg6: memref<2x10240x128xf32, #tpu.memory_space<hbm>>, %arg7: memref<10240x128xf32, #tpu.memory_space<vmem_shared>>, %arg8: memref<40x128xi32, #tpu.memory_space<vmem>>, %arg9: memref<40x128xi32, #tpu.memory_space<vmem>>, %arg10: memref<2x128x128xf32, #tpu.memory_space<vmem>>, %arg11: memref<!tpu.dma_semaphore, #tpu.memory_space<semaphore_mem>>, %arg12: memref<!tpu.dma_semaphore, #tpu.memory_space<semaphore_mem>>, %arg13: memref<!tpu.dma_semaphore, #tpu.memory_space<semaphore_mem>>, %arg14: memref<!tpu.dma_semaphore, #tpu.memory_space<semaphore_mem>>) attributes {dimension_semantics = [#tpu.dimension_semantics<core_parallel>, #tpu.dimension_semantics<subcore_parallel>], iteration_bounds = array<i64: 2, 16>, scalar_prefetch = 0 : i64, scratch_operands = 8 : i64, tpu.core_type = #tpu.core_type<sc_vector_subcore>, window_params = [{transform_indices = #map}, {transform_indices = #map}, {transform_indices = #map}, {transform_indices = #map}, {transform_indices = #map1}]} {
    %mul3A = arith.constant 2 : i32
    %mul3A_0 = arith.muli %arg1, %mul3A : i32
    %add3A = arith.addi %mul3A_0, %arg0 : i32
    %mul3A_1 = arith.constant 640 : i32
    %mul3A_2 = arith.muli %arg1, %mul3A_1 : i32
    %mul3A_3 = arith.constant 80 : i32
    %mul3A_4 = arith.muli %add3A, %mul3A_3 : i32
    %run_scoped3A = arith.constant 0 : i32
    "tpu.region"() ({
      %run_scoped3A_214 = tpu.sem_alloc : memref<!tpu.dma_semaphore, #tpu.memory_space<semaphore_mem>>
      %dma_start3A_215 = arith.constant 0 : i32
      %dma_start3A_216 = arith.constant 0 : i32
      %dma_start3A_217 = tpu.memref_slice %arg10[%run_scoped3A, %dma_start3A_215, %dma_start3A_216] : memref<2x128x128xf32, #tpu.memory_space<vmem>> -> memref<1x128x128xf32, #tpu.memory_space<vmem>>
      %dma_start3A_218 = tpu.memref_squeeze %dma_start3A_217 : memref<1x128x128xf32, #tpu.memory_space<vmem>> -> memref<128x128xf32, #tpu.memory_space<vmem>>
      %dma_start3A_219 = arith.constant 0 : i32
      %dma_start3A_220 = arith.constant 0 : i32
      %dma_start3A_221 = tpu.memref_slice %arg10[%run_scoped3A, %dma_start3A_219, %dma_start3A_220] : memref<2x128x128xf32, #tpu.memory_space<vmem>> -> memref<1x128x128xf32, #tpu.memory_space<vmem>>
      %dma_start3A_222 = tpu.memref_squeeze %dma_start3A_221 : memref<1x128x128xf32, #tpu.memory_space<vmem>> -> memref<128x128xf32, #tpu.memory_space<vmem>>
      tpu.enqueue_dma source(%arg5 : memref<128x128xf32, #tpu.memory_space<hbm>>) target(%dma_start3A_222 : memref<128x128xf32, #tpu.memory_space<vmem>>) target_semaphore(%run_scoped3A_214 : memref<!tpu.dma_semaphore, #tpu.memory_space<semaphore_mem>>)
      %dma_wait3A_223 = arith.constant 0 : i32
      %dma_wait3A_224 = arith.constant 0 : i32
      %dma_wait3A_225 = tpu.memref_slice %arg10[%run_scoped3A, %dma_wait3A_223, %dma_wait3A_224] : memref<2x128x128xf32, #tpu.memory_space<vmem>> -> memref<1x128x128xf32, #tpu.memory_space<vmem>>
      %dma_wait3A_226 = tpu.memref_squeeze %dma_wait3A_225 : memref<1x128x128xf32, #tpu.memory_space<vmem>> -> memref<128x128xf32, #tpu.memory_space<vmem>>
      %dma_wait3A_227 = arith.constant 0 : i32
      %dma_wait3A_228 = arith.constant 0 : i32
      %dma_wait3A_229 = tpu.memref_slice %arg10[%run_scoped3A, %dma_wait3A_227, %dma_wait3A_228] : memref<2x128x128xf32, #tpu.memory_space<vmem>> -> memref<1x128x128xf32, #tpu.memory_space<vmem>>
      %dma_wait3A_230 = tpu.memref_squeeze %dma_wait3A_229 : memref<1x128x128xf32, #tpu.memory_space<vmem>> -> memref<128x128xf32, #tpu.memory_space<vmem>>
      tpu.wait_dma2 semaphore(%run_scoped3A_214 : memref<!tpu.dma_semaphore, #tpu.memory_space<semaphore_mem>>) src(%arg5 : memref<128x128xf32, #tpu.memory_space<hbm>>) dst(%dma_wait3A_230 : memref<128x128xf32, #tpu.memory_space<vmem>>)
      tpu.yield
    }) : () -> ()
    %add3A_5 = arith.constant 0 : i32
    %add3A_6 = arith.addi %mul3A_2, %add3A_5 : i32
    %dma_start3A = arith.constant 0 : i32
    %dma_start3A_7 = arith.constant 0 : i32
    %dma_start3A_8 = arith.constant 0 : i32
    %dma_start3A_9 = tpu.memref_slice %arg10[%dma_start3A, %dma_start3A_7, %dma_start3A_8] : memref<2x128x128xf32, #tpu.memory_space<vmem>> -> memref<1x128x128xf32, #tpu.memory_space<vmem>>
    %dma_start3A_10 = tpu.memref_squeeze %dma_start3A_9 : memref<1x128x128xf32, #tpu.memory_space<vmem>> -> memref<128x128xf32, #tpu.memory_space<vmem>>
    %dma_start3A_11 = arith.constant 0 : i32
    %dma_start3A_12 = tpu.memref_slice %arg7[%add3A_6, %dma_start3A_11] : memref<10240x128xf32, #tpu.memory_space<vmem_shared>> -> memref<128x128xf32, #tpu.memory_space<vmem_shared>>
    %dma_start3A_13 = arith.constant 0 : i32
    %dma_start3A_14 = tpu.memref_slice %arg7[%add3A_6, %dma_start3A_13] : memref<10240x128xf32, #tpu.memory_space<vmem_shared>> -> memref<128x128xf32, #tpu.memory_space<vmem_shared>>
    %dma_start3A_15 = arith.constant 0 : i32
    %dma_start3A_16 = arith.constant 0 : i32
    %dma_start3A_17 = tpu.memref_slice %arg10[%dma_start3A, %dma_start3A_15, %dma_start3A_16] : memref<2x128x128xf32, #tpu.memory_space<vmem>> -> memref<1x128x128xf32, #tpu.memory_space<vmem>>
    %dma_start3A_18 = tpu.memref_squeeze %dma_start3A_17 : memref<1x128x128xf32, #tpu.memory_space<vmem>> -> memref<128x128xf32, #tpu.memory_space<vmem>>
    tpu.enqueue_dma source(%dma_start3A_18 : memref<128x128xf32, #tpu.memory_space<vmem>>) target(%dma_start3A_14 : memref<128x128xf32, #tpu.memory_space<vmem_shared>>) target_semaphore(%arg13 : memref<!tpu.dma_semaphore, #tpu.memory_space<semaphore_mem>>)
    %add3A_19 = arith.constant 128 : i32
    %add3A_20 = arith.addi %mul3A_2, %add3A_19 : i32
    %dma_start3A_21 = arith.constant 0 : i32
    %dma_start3A_22 = arith.constant 0 : i32
    %dma_start3A_23 = arith.constant 0 : i32
    %dma_start3A_24 = tpu.memref_slice %arg10[%dma_start3A_21, %dma_start3A_22, %dma_start3A_23] : memref<2x128x128xf32, #tpu.memory_space<vmem>> -> memref<1x128x128xf32, #tpu.memory_space<vmem>>
    %dma_start3A_25 = tpu.memref_squeeze %dma_start3A_24 : memref<1x128x128xf32, #tpu.memory_space<vmem>> -> memref<128x128xf32, #tpu.memory_space<vmem>>
    %dma_start3A_26 = arith.constant 0 : i32
    %dma_start3A_27 = tpu.memref_slice %arg7[%add3A_20, %dma_start3A_26] : memref<10240x128xf32, #tpu.memory_space<vmem_shared>> -> memref<128x128xf32, #tpu.memory_space<vmem_shared>>
    %dma_start3A_28 = arith.constant 0 : i32
    %dma_start3A_29 = tpu.memref_slice %arg7[%add3A_20, %dma_start3A_28] : memref<10240x128xf32, #tpu.memory_space<vmem_shared>> -> memref<128x128xf32, #tpu.memory_space<vmem_shared>>
    %dma_start3A_30 = arith.constant 0 : i32
    %dma_start3A_31 = arith.constant 0 : i32
    %dma_start3A_32 = tpu.memref_slice %arg10[%dma_start3A_21, %dma_start3A_30, %dma_start3A_31] : memref<2x128x128xf32, #tpu.memory_space<vmem>> -> memref<1x128x128xf32, #tpu.memory_space<vmem>>
    %dma_start3A_33 = tpu.memref_squeeze %dma_start3A_32 : memref<1x128x128xf32, #tpu.memory_space<vmem>> -> memref<128x128xf32, #tpu.memory_space<vmem>>
    tpu.enqueue_dma source(%dma_start3A_33 : memref<128x128xf32, #tpu.memory_space<vmem>>) target(%dma_start3A_29 : memref<128x128xf32, #tpu.memory_space<vmem_shared>>) target_semaphore(%arg14 : memref<!tpu.dma_semaphore, #tpu.memory_space<semaphore_mem>>)
    %add3A_34 = arith.constant 256 : i32
    %add3A_35 = arith.addi %mul3A_2, %add3A_34 : i32
    %dma_start3A_36 = arith.constant 0 : i32
    %dma_start3A_37 = arith.constant 0 : i32
    %dma_start3A_38 = arith.constant 0 : i32
    %dma_start3A_39 = tpu.memref_slice %arg10[%dma_start3A_36, %dma_start3A_37, %dma_start3A_38] : memref<2x128x128xf32, #tpu.memory_space<vmem>> -> memref<1x128x128xf32, #tpu.memory_space<vmem>>
    %dma_start3A_40 = tpu.memref_squeeze %dma_start3A_39 : memref<1x128x128xf32, #tpu.memory_space<vmem>> -> memref<128x128xf32, #tpu.memory_space<vmem>>
    %dma_start3A_41 = arith.constant 0 : i32
    %dma_start3A_42 = tpu.memref_slice %arg7[%add3A_35, %dma_start3A_41] : memref<10240x128xf32, #tpu.memory_space<vmem_shared>> -> memref<128x128xf32, #tpu.memory_space<vmem_shared>>
    %dma_start3A_43 = arith.constant 0 : i32
    %dma_start3A_44 = tpu.memref_slice %arg7[%add3A_35, %dma_start3A_43] : memref<10240x128xf32, #tpu.memory_space<vmem_shared>> -> memref<128x128xf32, #tpu.memory_space<vmem_shared>>
    %dma_start3A_45 = arith.constant 0 : i32
    %dma_start3A_46 = arith.constant 0 : i32
    %dma_start3A_47 = tpu.memref_slice %arg10[%dma_start3A_36, %dma_start3A_45, %dma_start3A_46] : memref<2x128x128xf32, #tpu.memory_space<vmem>> -> memref<1x128x128xf32, #tpu.memory_space<vmem>>
    %dma_start3A_48 = tpu.memref_squeeze %dma_start3A_47 : memref<1x128x128xf32, #tpu.memory_space<vmem>> -> memref<128x128xf32, #tpu.memory_space<vmem>>
    tpu.enqueue_dma source(%dma_start3A_48 : memref<128x128xf32, #tpu.memory_space<vmem>>) target(%dma_start3A_44 : memref<128x128xf32, #tpu.memory_space<vmem_shared>>) target_semaphore(%arg13 : memref<!tpu.dma_semaphore, #tpu.memory_space<semaphore_mem>>)
    %add3A_49 = arith.constant 384 : i32
    %add3A_50 = arith.addi %mul3A_2, %add3A_49 : i32
    %dma_start3A_51 = arith.constant 0 : i32
    %dma_start3A_52 = arith.constant 0 : i32
    %dma_start3A_53 = arith.constant 0 : i32
    %dma_start3A_54 = tpu.memref_slice %arg10[%dma_start3A_51, %dma_start3A_52, %dma_start3A_53] : memref<2x128x128xf32, #tpu.memory_space<vmem>> -> memref<1x128x128xf32, #tpu.memory_space<vmem>>
    %dma_start3A_55 = tpu.memref_squeeze %dma_start3A_54 : memref<1x128x128xf32, #tpu.memory_space<vmem>> -> memref<128x128xf32, #tpu.memory_space<vmem>>
    %dma_start3A_56 = arith.constant 0 : i32
    %dma_start3A_57 = tpu.memref_slice %arg7[%add3A_50, %dma_start3A_56] : memref<10240x128xf32, #tpu.memory_space<vmem_shared>> -> memref<128x128xf32, #tpu.memory_space<vmem_shared>>
    %dma_start3A_58 = arith.constant 0 : i32
    %dma_start3A_59 = tpu.memref_slice %arg7[%add3A_50, %dma_start3A_58] : memref<10240x128xf32, #tpu.memory_space<vmem_shared>> -> memref<128x128xf32, #tpu.memory_space<vmem_shared>>
    %dma_start3A_60 = arith.constant 0 : i32
    %dma_start3A_61 = arith.constant 0 : i32
    %dma_start3A_62 = tpu.memref_slice %arg10[%dma_start3A_51, %dma_start3A_60, %dma_start3A_61] : memref<2x128x128xf32, #tpu.memory_space<vmem>> -> memref<1x128x128xf32, #tpu.memory_space<vmem>>
    %dma_start3A_63 = tpu.memref_squeeze %dma_start3A_62 : memref<1x128x128xf32, #tpu.memory_space<vmem>> -> memref<128x128xf32, #tpu.memory_space<vmem>>
    tpu.enqueue_dma source(%dma_start3A_63 : memref<128x128xf32, #tpu.memory_space<vmem>>) target(%dma_start3A_59 : memref<128x128xf32, #tpu.memory_space<vmem_shared>>) target_semaphore(%arg14 : memref<!tpu.dma_semaphore, #tpu.memory_space<semaphore_mem>>)
    %add3A_64 = arith.constant 512 : i32
    %add3A_65 = arith.addi %mul3A_2, %add3A_64 : i32
    %dma_start3A_66 = arith.constant 0 : i32
    %dma_start3A_67 = arith.constant 0 : i32
    %dma_start3A_68 = arith.constant 0 : i32
    %dma_start3A_69 = tpu.memref_slice %arg10[%dma_start3A_66, %dma_start3A_67, %dma_start3A_68] : memref<2x128x128xf32, #tpu.memory_space<vmem>> -> memref<1x128x128xf32, #tpu.memory_space<vmem>>
    %dma_start3A_70 = tpu.memref_squeeze %dma_start3A_69 : memref<1x128x128xf32, #tpu.memory_space<vmem>> -> memref<128x128xf32, #tpu.memory_space<vmem>>
    %dma_start3A_71 = arith.constant 0 : i32
    %dma_start3A_72 = tpu.memref_slice %arg7[%add3A_65, %dma_start3A_71] : memref<10240x128xf32, #tpu.memory_space<vmem_shared>> -> memref<128x128xf32, #tpu.memory_space<vmem_shared>>
    %dma_start3A_73 = arith.constant 0 : i32
    %dma_start3A_74 = tpu.memref_slice %arg7[%add3A_65, %dma_start3A_73] : memref<10240x128xf32, #tpu.memory_space<vmem_shared>> -> memref<128x128xf32, #tpu.memory_space<vmem_shared>>
    %dma_start3A_75 = arith.constant 0 : i32
    %dma_start3A_76 = arith.constant 0 : i32
    %dma_start3A_77 = tpu.memref_slice %arg10[%dma_start3A_66, %dma_start3A_75, %dma_start3A_76] : memref<2x128x128xf32, #tpu.memory_space<vmem>> -> memref<1x128x128xf32, #tpu.memory_space<vmem>>
    %dma_start3A_78 = tpu.memref_squeeze %dma_start3A_77 : memref<1x128x128xf32, #tpu.memory_space<vmem>> -> memref<128x128xf32, #tpu.memory_space<vmem>>
    tpu.enqueue_dma source(%dma_start3A_78 : memref<128x128xf32, #tpu.memory_space<vmem>>) target(%dma_start3A_74 : memref<128x128xf32, #tpu.memory_space<vmem_shared>>) target_semaphore(%arg13 : memref<!tpu.dma_semaphore, #tpu.memory_space<semaphore_mem>>)
    %dma_wait3A = arith.constant 0 : i32
    %dma_wait3A_79 = arith.constant 0 : i32
    %dma_wait3A_80 = arith.constant 0 : i32
    %dma_wait3A_81 = tpu.memref_slice %arg10[%dma_wait3A, %dma_wait3A_79, %dma_wait3A_80] : memref<2x128x128xf32, #tpu.memory_space<vmem>> -> memref<1x128x128xf32, #tpu.memory_space<vmem>>
    %dma_wait3A_82 = tpu.memref_squeeze %dma_wait3A_81 : memref<1x128x128xf32, #tpu.memory_space<vmem>> -> memref<128x128xf32, #tpu.memory_space<vmem>>
    %dma_wait3A_83 = arith.constant 0 : i32
    %dma_wait3A_84 = tpu.memref_slice %arg7[%add3A_6, %dma_wait3A_83] : memref<10240x128xf32, #tpu.memory_space<vmem_shared>> -> memref<128x128xf32, #tpu.memory_space<vmem_shared>>
    %dma_wait3A_85 = arith.constant 0 : i32
    %dma_wait3A_86 = tpu.memref_slice %arg7[%add3A_6, %dma_wait3A_85] : memref<10240x128xf32, #tpu.memory_space<vmem_shared>> -> memref<128x128xf32, #tpu.memory_space<vmem_shared>>
    %dma_wait3A_87 = arith.constant 0 : i32
    %dma_wait3A_88 = arith.constant 0 : i32
    %dma_wait3A_89 = tpu.memref_slice %arg10[%dma_wait3A, %dma_wait3A_87, %dma_wait3A_88] : memref<2x128x128xf32, #tpu.memory_space<vmem>> -> memref<1x128x128xf32, #tpu.memory_space<vmem>>
    %dma_wait3A_90 = tpu.memref_squeeze %dma_wait3A_89 : memref<1x128x128xf32, #tpu.memory_space<vmem>> -> memref<128x128xf32, #tpu.memory_space<vmem>>
    tpu.wait_dma2 semaphore(%arg13 : memref<!tpu.dma_semaphore, #tpu.memory_space<semaphore_mem>>) src(%dma_wait3A_90 : memref<128x128xf32, #tpu.memory_space<vmem>>) dst(%dma_wait3A_86 : memref<128x128xf32, #tpu.memory_space<vmem_shared>>)
    %dma_wait3A_91 = arith.constant 0 : i32
    %dma_wait3A_92 = arith.constant 0 : i32
    %dma_wait3A_93 = arith.constant 0 : i32
    %dma_wait3A_94 = tpu.memref_slice %arg10[%dma_wait3A_91, %dma_wait3A_92, %dma_wait3A_93] : memref<2x128x128xf32, #tpu.memory_space<vmem>> -> memref<1x128x128xf32, #tpu.memory_space<vmem>>
    %dma_wait3A_95 = tpu.memref_squeeze %dma_wait3A_94 : memref<1x128x128xf32, #tpu.memory_space<vmem>> -> memref<128x128xf32, #tpu.memory_space<vmem>>
    %dma_wait3A_96 = arith.constant 0 : i32
    %dma_wait3A_97 = tpu.memref_slice %arg7[%add3A_20, %dma_wait3A_96] : memref<10240x128xf32, #tpu.memory_space<vmem_shared>> -> memref<128x128xf32, #tpu.memory_space<vmem_shared>>
    %dma_wait3A_98 = arith.constant 0 : i32
    %dma_wait3A_99 = tpu.memref_slice %arg7[%add3A_20, %dma_wait3A_98] : memref<10240x128xf32, #tpu.memory_space<vmem_shared>> -> memref<128x128xf32, #tpu.memory_space<vmem_shared>>
    %dma_wait3A_100 = arith.constant 0 : i32
    %dma_wait3A_101 = arith.constant 0 : i32
    %dma_wait3A_102 = tpu.memref_slice %arg10[%dma_wait3A_91, %dma_wait3A_100, %dma_wait3A_101] : memref<2x128x128xf32, #tpu.memory_space<vmem>> -> memref<1x128x128xf32, #tpu.memory_space<vmem>>
    %dma_wait3A_103 = tpu.memref_squeeze %dma_wait3A_102 : memref<1x128x128xf32, #tpu.memory_space<vmem>> -> memref<128x128xf32, #tpu.memory_space<vmem>>
    tpu.wait_dma2 semaphore(%arg14 : memref<!tpu.dma_semaphore, #tpu.memory_space<semaphore_mem>>) src(%dma_wait3A_103 : memref<128x128xf32, #tpu.memory_space<vmem>>) dst(%dma_wait3A_99 : memref<128x128xf32, #tpu.memory_space<vmem_shared>>)
    %dma_wait3A_104 = arith.constant 0 : i32
    %dma_wait3A_105 = arith.constant 0 : i32
    %dma_wait3A_106 = arith.constant 0 : i32
    %dma_wait3A_107 = tpu.memref_slice %arg10[%dma_wait3A_104, %dma_wait3A_105, %dma_wait3A_106] : memref<2x128x128xf32, #tpu.memory_space<vmem>> -> memref<1x128x128xf32, #tpu.memory_space<vmem>>
    %dma_wait3A_108 = tpu.memref_squeeze %dma_wait3A_107 : memref<1x128x128xf32, #tpu.memory_space<vmem>> -> memref<128x128xf32, #tpu.memory_space<vmem>>
    %dma_wait3A_109 = arith.constant 0 : i32
    %dma_wait3A_110 = tpu.memref_slice %arg7[%add3A_35, %dma_wait3A_109] : memref<10240x128xf32, #tpu.memory_space<vmem_shared>> -> memref<128x128xf32, #tpu.memory_space<vmem_shared>>
    %dma_wait3A_111 = arith.constant 0 : i32
    %dma_wait3A_112 = tpu.memref_slice %arg7[%add3A_35, %dma_wait3A_111] : memref<10240x128xf32, #tpu.memory_space<vmem_shared>> -> memref<128x128xf32, #tpu.memory_space<vmem_shared>>
    %dma_wait3A_113 = arith.constant 0 : i32
    %dma_wait3A_114 = arith.constant 0 : i32
    %dma_wait3A_115 = tpu.memref_slice %arg10[%dma_wait3A_104, %dma_wait3A_113, %dma_wait3A_114] : memref<2x128x128xf32, #tpu.memory_space<vmem>> -> memref<1x128x128xf32, #tpu.memory_space<vmem>>
    %dma_wait3A_116 = tpu.memref_squeeze %dma_wait3A_115 : memref<1x128x128xf32, #tpu.memory_space<vmem>> -> memref<128x128xf32, #tpu.memory_space<vmem>>
    tpu.wait_dma2 semaphore(%arg13 : memref<!tpu.dma_semaphore, #tpu.memory_space<semaphore_mem>>) src(%dma_wait3A_116 : memref<128x128xf32, #tpu.memory_space<vmem>>) dst(%dma_wait3A_112 : memref<128x128xf32, #tpu.memory_space<vmem_shared>>)
    %dma_wait3A_117 = arith.constant 0 : i32
    %dma_wait3A_118 = arith.constant 0 : i32
    %dma_wait3A_119 = arith.constant 0 : i32
    %dma_wait3A_120 = tpu.memref_slice %arg10[%dma_wait3A_117, %dma_wait3A_118, %dma_wait3A_119] : memref<2x128x128xf32, #tpu.memory_space<vmem>> -> memref<1x128x128xf32, #tpu.memory_space<vmem>>
    %dma_wait3A_121 = tpu.memref_squeeze %dma_wait3A_120 : memref<1x128x128xf32, #tpu.memory_space<vmem>> -> memref<128x128xf32, #tpu.memory_space<vmem>>
    %dma_wait3A_122 = arith.constant 0 : i32
    %dma_wait3A_123 = tpu.memref_slice %arg7[%add3A_50, %dma_wait3A_122] : memref<10240x128xf32, #tpu.memory_space<vmem_shared>> -> memref<128x128xf32, #tpu.memory_space<vmem_shared>>
    %dma_wait3A_124 = arith.constant 0 : i32
    %dma_wait3A_125 = tpu.memref_slice %arg7[%add3A_50, %dma_wait3A_124] : memref<10240x128xf32, #tpu.memory_space<vmem_shared>> -> memref<128x128xf32, #tpu.memory_space<vmem_shared>>
    %dma_wait3A_126 = arith.constant 0 : i32
    %dma_wait3A_127 = arith.constant 0 : i32
    %dma_wait3A_128 = tpu.memref_slice %arg10[%dma_wait3A_117, %dma_wait3A_126, %dma_wait3A_127] : memref<2x128x128xf32, #tpu.memory_space<vmem>> -> memref<1x128x128xf32, #tpu.memory_space<vmem>>
    %dma_wait3A_129 = tpu.memref_squeeze %dma_wait3A_128 : memref<1x128x128xf32, #tpu.memory_space<vmem>> -> memref<128x128xf32, #tpu.memory_space<vmem>>
    tpu.wait_dma2 semaphore(%arg14 : memref<!tpu.dma_semaphore, #tpu.memory_space<semaphore_mem>>) src(%dma_wait3A_129 : memref<128x128xf32, #tpu.memory_space<vmem>>) dst(%dma_wait3A_125 : memref<128x128xf32, #tpu.memory_space<vmem_shared>>)
    %dma_wait3A_130 = arith.constant 0 : i32
    %dma_wait3A_131 = arith.constant 0 : i32
    %dma_wait3A_132 = arith.constant 0 : i32
    %dma_wait3A_133 = tpu.memref_slice %arg10[%dma_wait3A_130, %dma_wait3A_131, %dma_wait3A_132] : memref<2x128x128xf32, #tpu.memory_space<vmem>> -> memref<1x128x128xf32, #tpu.memory_space<vmem>>
    %dma_wait3A_134 = tpu.memref_squeeze %dma_wait3A_133 : memref<1x128x128xf32, #tpu.memory_space<vmem>> -> memref<128x128xf32, #tpu.memory_space<vmem>>
    %dma_wait3A_135 = arith.constant 0 : i32
    %dma_wait3A_136 = tpu.memref_slice %arg7[%add3A_65, %dma_wait3A_135] : memref<10240x128xf32, #tpu.memory_space<vmem_shared>> -> memref<128x128xf32, #tpu.memory_space<vmem_shared>>
    %dma_wait3A_137 = arith.constant 0 : i32
    %dma_wait3A_138 = tpu.memref_slice %arg7[%add3A_65, %dma_wait3A_137] : memref<10240x128xf32, #tpu.memory_space<vmem_shared>> -> memref<128x128xf32, #tpu.memory_space<vmem_shared>>
    %dma_wait3A_139 = arith.constant 0 : i32
    %dma_wait3A_140 = arith.constant 0 : i32
    %dma_wait3A_141 = tpu.memref_slice %arg10[%dma_wait3A_130, %dma_wait3A_139, %dma_wait3A_140] : memref<2x128x128xf32, #tpu.memory_space<vmem>> -> memref<1x128x128xf32, #tpu.memory_space<vmem>>
    %dma_wait3A_142 = tpu.memref_squeeze %dma_wait3A_141 : memref<1x128x128xf32, #tpu.memory_space<vmem>> -> memref<128x128xf32, #tpu.memory_space<vmem>>
    tpu.wait_dma2 semaphore(%arg13 : memref<!tpu.dma_semaphore, #tpu.memory_space<semaphore_mem>>) src(%dma_wait3A_142 : memref<128x128xf32, #tpu.memory_space<vmem>>) dst(%dma_wait3A_138 : memref<128x128xf32, #tpu.memory_space<vmem_shared>>)
    %barrier3A = arith.constant 0 : index
    tpu.barrier barrier_id(%barrier3A)
    %add3A_143 = arith.constant 0 : i32
    %add3A_144 = arith.addi %mul3A_4, %add3A_143 : i32
    "tpu.region"() ({
      %run_scoped3A_214 = tpu.sem_alloc : memref<!tpu.dma_semaphore, #tpu.memory_space<semaphore_mem>>
      %dma_start3A_215 = arith.constant 0 : i32
      %dma_start3A_216 = tpu.memref_slice %arg3[%add3A_144, %dma_start3A_215] : memref<2560x128xi32, #tpu.memory_space<hbm>> -> memref<40x128xi32, #tpu.memory_space<hbm>>
      %dma_start3A_217 = arith.constant 0 : i32
      %dma_start3A_218 = tpu.memref_slice %arg3[%add3A_144, %dma_start3A_217] : memref<2560x128xi32, #tpu.memory_space<hbm>> -> memref<40x128xi32, #tpu.memory_space<hbm>>
      tpu.enqueue_dma source(%dma_start3A_218 : memref<40x128xi32, #tpu.memory_space<hbm>>) target(%arg8 : memref<40x128xi32, #tpu.memory_space<vmem>>) target_semaphore(%run_scoped3A_214 : memref<!tpu.dma_semaphore, #tpu.memory_space<semaphore_mem>>)
      %dma_wait3A_219 = arith.constant 0 : i32
      %dma_wait3A_220 = tpu.memref_slice %arg3[%add3A_144, %dma_wait3A_219] : memref<2560x128xi32, #tpu.memory_space<hbm>> -> memref<40x128xi32, #tpu.memory_space<hbm>>
      %dma_wait3A_221 = arith.constant 0 : i32
      %dma_wait3A_222 = tpu.memref_slice %arg3[%add3A_144, %dma_wait3A_221] : memref<2560x128xi32, #tpu.memory_space<hbm>> -> memref<40x128xi32, #tpu.memory_space<hbm>>
      tpu.wait_dma2 semaphore(%run_scoped3A_214 : memref<!tpu.dma_semaphore, #tpu.memory_space<semaphore_mem>>) src(%dma_wait3A_222 : memref<40x128xi32, #tpu.memory_space<hbm>>) dst(%arg8 : memref<40x128xi32, #tpu.memory_space<vmem>>)
      tpu.yield
    }) : () -> ()
    %add3A_145 = arith.constant 0 : i32
    %add3A_146 = arith.addi %mul3A_4, %add3A_145 : i32
    "tpu.region"() ({
      %run_scoped3A_214 = tpu.sem_alloc : memref<!tpu.dma_semaphore, #tpu.memory_space<semaphore_mem>>
      %dma_start3A_215 = arith.constant 0 : i32
      %dma_start3A_216 = tpu.memref_slice %arg4[%add3A_146, %dma_start3A_215] : memref<2560x128xi32, #tpu.memory_space<hbm>> -> memref<40x128xi32, #tpu.memory_space<hbm>>
      %dma_start3A_217 = arith.constant 0 : i32
      %dma_start3A_218 = tpu.memref_slice %arg4[%add3A_146, %dma_start3A_217] : memref<2560x128xi32, #tpu.memory_space<hbm>> -> memref<40x128xi32, #tpu.memory_space<hbm>>
      tpu.enqueue_dma source(%dma_start3A_218 : memref<40x128xi32, #tpu.memory_space<hbm>>) target(%arg9 : memref<40x128xi32, #tpu.memory_space<vmem>>) target_semaphore(%run_scoped3A_214 : memref<!tpu.dma_semaphore, #tpu.memory_space<semaphore_mem>>)
      %dma_wait3A_219 = arith.constant 0 : i32
      %dma_wait3A_220 = tpu.memref_slice %arg4[%add3A_146, %dma_wait3A_219] : memref<2560x128xi32, #tpu.memory_space<hbm>> -> memref<40x128xi32, #tpu.memory_space<hbm>>
      %dma_wait3A_221 = arith.constant 0 : i32
      %dma_wait3A_222 = tpu.memref_slice %arg4[%add3A_146, %dma_wait3A_221] : memref<2560x128xi32, #tpu.memory_space<hbm>> -> memref<40x128xi32, #tpu.memory_space<hbm>>
      tpu.wait_dma2 semaphore(%run_scoped3A_214 : memref<!tpu.dma_semaphore, #tpu.memory_space<semaphore_mem>>) src(%dma_wait3A_222 : memref<40x128xi32, #tpu.memory_space<hbm>>) dst(%arg9 : memref<40x128xi32, #tpu.memory_space<vmem>>)
      tpu.yield
    }) : () -> ()
    %min3A = arith.constant 0 : i32
    %min3A_147 = arith.constant 39 : i32
    %min3A_148 = arith.minsi %min3A, %min3A_147 : i32
    %dma_start3A_149 = arith.constant 0 : i32
    %dma_start3A_150 = arith.constant 0 : i32
    %dma_start3A_151 = arith.constant 0 : i32
    %dma_start3A_152 = tpu.memref_slice %arg10[%dma_start3A_149, %dma_start3A_150, %dma_start3A_151] : memref<2x128x128xf32, #tpu.memory_space<vmem>> -> memref<1x128x128xf32, #tpu.memory_space<vmem>>
    %dma_start3A_153 = tpu.memref_squeeze %dma_start3A_152 : memref<1x128x128xf32, #tpu.memory_space<vmem>> -> memref<128x128xf32, #tpu.memory_space<vmem>>
    %dma_start3A_154 = arith.constant 0 : i32
    %dma_start3A_155 = tpu.memref_slice %arg8[%min3A_148, %dma_start3A_154] : memref<40x128xi32, #tpu.memory_space<vmem>> -> memref<1x128xi32, #tpu.memory_space<vmem>>
    %dma_start3A_156 = tpu.memref_squeeze %dma_start3A_155 : memref<1x128xi32, #tpu.memory_space<vmem>> -> memref<128xi32, #tpu.memory_space<vmem>>
    %dma_start3A_157 = arith.constant 0 : i32
    %dma_start3A_158 = arith.constant 0 : i32
    %dma_start3A_159 = tpu.memref_slice %arg2[%dma_start3A_157, %dma_start3A_158] : memref<10000x128xf32, #tpu.memory_space<hbm>> -> memref<10000x128xf32, #tpu.memory_space<hbm>>
    tpu.enqueue_indirect_dma source(%dma_start3A_159 : memref<10000x128xf32, #tpu.memory_space<hbm>>) target(%dma_start3A_153 : memref<128x128xf32, #tpu.memory_space<vmem>>) offsets(%dma_start3A_156 : memref<128xi32, #tpu.memory_space<vmem>>) semaphore(%arg11 : memref<!tpu.dma_semaphore, #tpu.memory_space<semaphore_mem>>)
    %scan3A = arith.constant 0 : i32
    %scan3A_160 = arith.constant 0 : i32
    %scan3A_161 = arith.constant 20 : i32
    %scan3A_162 = arith.addi %scan3A_160, %scan3A_161 : i32
    %scan3A_163 = arith.constant 1 : i32
    scf.for %scan3A_214 = %scan3A_160 to %scan3A_162 step %scan3A_163  : i32 {
      %mul3A_215 = arith.constant 2 : i32
      %mul3A_216 = arith.muli %mul3A_215, %scan3A_214 : i32
      %add3A_217 = arith.constant 1 : i32
      %add3A_218 = arith.addi %mul3A_216, %add3A_217 : i32
      %min3A_219 = arith.constant 39 : i32
      %min3A_220 = arith.minsi %add3A_218, %min3A_219 : i32
      %dma_start3A_221 = arith.constant 1 : i32
      %dma_start3A_222 = arith.constant 0 : i32
      %dma_start3A_223 = arith.constant 0 : i32
      %dma_start3A_224 = tpu.memref_slice %arg10[%dma_start3A_221, %dma_start3A_222, %dma_start3A_223] : memref<2x128x128xf32, #tpu.memory_space<vmem>> -> memref<1x128x128xf32, #tpu.memory_space<vmem>>
      %dma_start3A_225 = tpu.memref_squeeze %dma_start3A_224 : memref<1x128x128xf32, #tpu.memory_space<vmem>> -> memref<128x128xf32, #tpu.memory_space<vmem>>
      %dma_start3A_226 = arith.constant 0 : i32
      %dma_start3A_227 = tpu.memref_slice %arg8[%min3A_220, %dma_start3A_226] : memref<40x128xi32, #tpu.memory_space<vmem>> -> memref<1x128xi32, #tpu.memory_space<vmem>>
      %dma_start3A_228 = tpu.memref_squeeze %dma_start3A_227 : memref<1x128xi32, #tpu.memory_space<vmem>> -> memref<128xi32, #tpu.memory_space<vmem>>
      %dma_start3A_229 = arith.constant 0 : i32
      %dma_start3A_230 = arith.constant 0 : i32
      %dma_start3A_231 = tpu.memref_slice %arg2[%dma_start3A_229, %dma_start3A_230] : memref<10000x128xf32, #tpu.memory_space<hbm>> -> memref<10000x128xf32, #tpu.memory_space<hbm>>
      tpu.enqueue_indirect_dma source(%dma_start3A_231 : memref<10000x128xf32, #tpu.memory_space<hbm>>) target(%dma_start3A_225 : memref<128x128xf32, #tpu.memory_space<vmem>>) offsets(%dma_start3A_228 : memref<128xi32, #tpu.memory_space<vmem>>) semaphore(%arg12 : memref<!tpu.dma_semaphore, #tpu.memory_space<semaphore_mem>>)
      %dma_wait3A_232 = arith.constant 0 : i32
      %dma_wait3A_233 = arith.constant 0 : i32
      %dma_wait3A_234 = arith.constant 0 : i32
      %dma_wait3A_235 = arith.constant 0 : i32
      %dma_wait3A_236 = tpu.memref_slice %arg10[%dma_wait3A_233, %dma_wait3A_234, %dma_wait3A_235] : memref<2x128x128xf32, #tpu.memory_space<vmem>> -> memref<1x128x128xf32, #tpu.memory_space<vmem>>
      %dma_wait3A_237 = tpu.memref_squeeze %dma_wait3A_236 : memref<1x128x128xf32, #tpu.memory_space<vmem>> -> memref<128x128xf32, #tpu.memory_space<vmem>>
      %dma_wait3A_238 = arith.constant 0 : i32
      %dma_wait3A_239 = tpu.memref_slice %arg8[%dma_wait3A_232, %dma_wait3A_238] : memref<40x128xi32, #tpu.memory_space<vmem>> -> memref<1x128xi32, #tpu.memory_space<vmem>>
      %dma_wait3A_240 = tpu.memref_squeeze %dma_wait3A_239 : memref<1x128xi32, #tpu.memory_space<vmem>> -> memref<128xi32, #tpu.memory_space<vmem>>
      %dma_wait3A_241 = arith.constant 0 : i32
      %dma_wait3A_242 = arith.constant 0 : i32
      %dma_wait3A_243 = tpu.memref_slice %arg2[%dma_wait3A_241, %dma_wait3A_242] : memref<10000x128xf32, #tpu.memory_space<hbm>> -> memref<10000x128xf32, #tpu.memory_space<hbm>>
      tpu.wait_indirect_dma semaphore(%arg11 : memref<!tpu.dma_semaphore, #tpu.memory_space<semaphore_mem>>) src(%dma_wait3A_243 : memref<10000x128xf32, #tpu.memory_space<hbm>>) dst(%dma_wait3A_237 : memref<128x128xf32, #tpu.memory_space<vmem>>)
      %run_scoped3A_244 = arith.constant 0 : i32
      "tpu.region"() ({
        %run_scoped3A_275 = tpu.sem_alloc : memref<!tpu.dma_semaphore, #tpu.memory_space<semaphore_mem>>
        %dma_start3A_276 = arith.constant 0 : i32
        %dma_start3A_277 = arith.constant 0 : i32
        %dma_start3A_278 = tpu.memref_slice %arg10[%run_scoped3A_244, %dma_start3A_276, %dma_start3A_277] : memref<2x128x128xf32, #tpu.memory_space<vmem>> -> memref<1x128x128xf32, #tpu.memory_space<vmem>>
        %dma_start3A_279 = tpu.memref_squeeze %dma_start3A_278 : memref<1x128x128xf32, #tpu.memory_space<vmem>> -> memref<128x128xf32, #tpu.memory_space<vmem>>
        %dma_start3A_280 = arith.constant 0 : i32
        %dma_start3A_281 = tpu.memref_slice %arg9[%mul3A_216, %dma_start3A_280] : memref<40x128xi32, #tpu.memory_space<vmem>> -> memref<1x128xi32, #tpu.memory_space<vmem>>
        %dma_start3A_282 = tpu.memref_squeeze %dma_start3A_281 : memref<1x128xi32, #tpu.memory_space<vmem>> -> memref<128xi32, #tpu.memory_space<vmem>>
        %dma_start3A_283 = arith.constant 0 : i32
        %dma_start3A_284 = arith.constant 0 : i32
        %dma_start3A_285 = tpu.memref_slice %arg7[%dma_start3A_283, %dma_start3A_284] : memref<10240x128xf32, #tpu.memory_space<vmem_shared>> -> memref<10240x128xf32, #tpu.memory_space<vmem_shared>>
        tpu.enqueue_indirect_dma source(%dma_start3A_279 : memref<128x128xf32, #tpu.memory_space<vmem>>) target(%dma_start3A_285 : memref<10240x128xf32, #tpu.memory_space<vmem_shared>>) offsets(%dma_start3A_282 : memref<128xi32, #tpu.memory_space<vmem>>) semaphore(%run_scoped3A_275 : memref<!tpu.dma_semaphore, #tpu.memory_space<semaphore_mem>>) {add = true}
        %dma_wait3A_286 = arith.constant 0 : i32
        %dma_wait3A_287 = arith.constant 0 : i32
        %dma_wait3A_288 = tpu.memref_slice %arg10[%run_scoped3A_244, %dma_wait3A_286, %dma_wait3A_287] : memref<2x128x128xf32, #tpu.memory_space<vmem>> -> memref<1x128x128xf32, #tpu.memory_space<vmem>>
        %dma_wait3A_289 = tpu.memref_squeeze %dma_wait3A_288 : memref<1x128x128xf32, #tpu.memory_space<vmem>> -> memref<128x128xf32, #tpu.memory_space<vmem>>
        %dma_wait3A_290 = arith.constant 0 : i32
        %dma_wait3A_291 = tpu.memref_slice %arg9[%mul3A_216, %dma_wait3A_290] : memref<40x128xi32, #tpu.memory_space<vmem>> -> memref<1x128xi32, #tpu.memory_space<vmem>>
        %dma_wait3A_292 = tpu.memref_squeeze %dma_wait3A_291 : memref<1x128xi32, #tpu.memory_space<vmem>> -> memref<128xi32, #tpu.memory_space<vmem>>
        %dma_wait3A_293 = arith.constant 0 : i32
        %dma_wait3A_294 = arith.constant 0 : i32
        %dma_wait3A_295 = tpu.memref_slice %arg7[%dma_wait3A_293, %dma_wait3A_294] : memref<10240x128xf32, #tpu.memory_space<vmem_shared>> -> memref<10240x128xf32, #tpu.memory_space<vmem_shared>>
        tpu.wait_indirect_dma semaphore(%run_scoped3A_275 : memref<!tpu.dma_semaphore, #tpu.memory_space<semaphore_mem>>) src(%dma_wait3A_289 : memref<128x128xf32, #tpu.memory_space<vmem>>) dst(%dma_wait3A_295 : memref<10240x128xf32, #tpu.memory_space<vmem_shared>>)
        tpu.yield
      }) : () -> ()
      %add3A_245 = arith.constant 2 : i32
      %add3A_246 = arith.addi %mul3A_216, %add3A_245 : i32
      %min3A_247 = arith.constant 39 : i32
      %min3A_248 = arith.minsi %add3A_246, %min3A_247 : i32
      %dma_start3A_249 = arith.constant 0 : i32
      %dma_start3A_250 = arith.constant 0 : i32
      %dma_start3A_251 = arith.constant 0 : i32
      %dma_start3A_252 = tpu.memref_slice %arg10[%dma_start3A_249, %dma_start3A_250, %dma_start3A_251] : memref<2x128x128xf32, #tpu.memory_space<vmem>> -> memref<1x128x128xf32, #tpu.memory_space<vmem>>
      %dma_start3A_253 = tpu.memref_squeeze %dma_start3A_252 : memref<1x128x128xf32, #tpu.memory_space<vmem>> -> memref<128x128xf32, #tpu.memory_space<vmem>>
      %dma_start3A_254 = arith.constant 0 : i32
      %dma_start3A_255 = tpu.memref_slice %arg8[%min3A_248, %dma_start3A_254] : memref<40x128xi32, #tpu.memory_space<vmem>> -> memref<1x128xi32, #tpu.memory_space<vmem>>
      %dma_start3A_256 = tpu.memref_squeeze %dma_start3A_255 : memref<1x128xi32, #tpu.memory_space<vmem>> -> memref<128xi32, #tpu.memory_space<vmem>>
      %dma_start3A_257 = arith.constant 0 : i32
      %dma_start3A_258 = arith.constant 0 : i32
      %dma_start3A_259 = tpu.memref_slice %arg2[%dma_start3A_257, %dma_start3A_258] : memref<10000x128xf32, #tpu.memory_space<hbm>> -> memref<10000x128xf32, #tpu.memory_space<hbm>>
      tpu.enqueue_indirect_dma source(%dma_start3A_259 : memref<10000x128xf32, #tpu.memory_space<hbm>>) target(%dma_start3A_253 : memref<128x128xf32, #tpu.memory_space<vmem>>) offsets(%dma_start3A_256 : memref<128xi32, #tpu.memory_space<vmem>>) semaphore(%arg11 : memref<!tpu.dma_semaphore, #tpu.memory_space<semaphore_mem>>)
      %dma_wait3A_260 = arith.constant 0 : i32
      %dma_wait3A_261 = arith.constant 1 : i32
      %dma_wait3A_262 = arith.constant 0 : i32
      %dma_wait3A_263 = arith.constant 0 : i32
      %dma_wait3A_264 = tpu.memref_slice %arg10[%dma_wait3A_261, %dma_wait3A_262, %dma_wait3A_263] : memref<2x128x128xf32, #tpu.memory_space<vmem>> -> memref<1x128x128xf32, #tpu.memory_space<vmem>>
      %dma_wait3A_265 = tpu.memref_squeeze %dma_wait3A_264 : memref<1x128x128xf32, #tpu.memory_space<vmem>> -> memref<128x128xf32, #tpu.memory_space<vmem>>
      %dma_wait3A_266 = arith.constant 0 : i32
      %dma_wait3A_267 = tpu.memref_slice %arg8[%dma_wait3A_260, %dma_wait3A_266] : memref<40x128xi32, #tpu.memory_space<vmem>> -> memref<1x128xi32, #tpu.memory_space<vmem>>
      %dma_wait3A_268 = tpu.memref_squeeze %dma_wait3A_267 : memref<1x128xi32, #tpu.memory_space<vmem>> -> memref<128xi32, #tpu.memory_space<vmem>>
      %dma_wait3A_269 = arith.constant 0 : i32
      %dma_wait3A_270 = arith.constant 0 : i32
      %dma_wait3A_271 = tpu.memref_slice %arg2[%dma_wait3A_269, %dma_wait3A_270] : memref<10000x128xf32, #tpu.memory_space<hbm>> -> memref<10000x128xf32, #tpu.memory_space<hbm>>
      tpu.wait_indirect_dma semaphore(%arg12 : memref<!tpu.dma_semaphore, #tpu.memory_space<semaphore_mem>>) src(%dma_wait3A_271 : memref<10000x128xf32, #tpu.memory_space<hbm>>) dst(%dma_wait3A_265 : memref<128x128xf32, #tpu.memory_space<vmem>>)
      %add3A_272 = arith.constant 1 : i32
      %add3A_273 = arith.addi %mul3A_216, %add3A_272 : i32
      %run_scoped3A_274 = arith.constant 1 : i32
      "tpu.region"() ({
        %run_scoped3A_275 = tpu.sem_alloc : memref<!tpu.dma_semaphore, #tpu.memory_space<semaphore_mem>>
        %dma_start3A_276 = arith.constant 0 : i32
        %dma_start3A_277 = arith.constant 0 : i32
        %dma_start3A_278 = tpu.memref_slice %arg10[%run_scoped3A_274, %dma_start3A_276, %dma_start3A_277] : memref<2x128x128xf32, #tpu.memory_space<vmem>> -> memref<1x128x128xf32, #tpu.memory_space<vmem>>
        %dma_start3A_279 = tpu.memref_squeeze %dma_start3A_278 : memref<1x128x128xf32, #tpu.memory_space<vmem>> -> memref<128x128xf32, #tpu.memory_space<vmem>>
        %dma_start3A_280 = arith.constant 0 : i32
        %dma_start3A_281 = tpu.memref_slice %arg9[%add3A_273, %dma_start3A_280] : memref<40x128xi32, #tpu.memory_space<vmem>> -> memref<1x128xi32, #tpu.memory_space<vmem>>
        %dma_start3A_282 = tpu.memref_squeeze %dma_start3A_281 : memref<1x128xi32, #tpu.memory_space<vmem>> -> memref<128xi32, #tpu.memory_space<vmem>>
        %dma_start3A_283 = arith.constant 0 : i32
        %dma_start3A_284 = arith.constant 0 : i32
        %dma_start3A_285 = tpu.memref_slice %arg7[%dma_start3A_283, %dma_start3A_284] : memref<10240x128xf32, #tpu.memory_space<vmem_shared>> -> memref<10240x128xf32, #tpu.memory_space<vmem_shared>>
        tpu.enqueue_indirect_dma source(%dma_start3A_279 : memref<128x128xf32, #tpu.memory_space<vmem>>) target(%dma_start3A_285 : memref<10240x128xf32, #tpu.memory_space<vmem_shared>>) offsets(%dma_start3A_282 : memref<128xi32, #tpu.memory_space<vmem>>) semaphore(%run_scoped3A_275 : memref<!tpu.dma_semaphore, #tpu.memory_space<semaphore_mem>>) {add = true}
        %dma_wait3A_286 = arith.constant 0 : i32
        %dma_wait3A_287 = arith.constant 0 : i32
        %dma_wait3A_288 = tpu.memref_slice %arg10[%run_scoped3A_274, %dma_wait3A_286, %dma_wait3A_287] : memref<2x128x128xf32, #tpu.memory_space<vmem>> -> memref<1x128x128xf32, #tpu.memory_space<vmem>>
        %dma_wait3A_289 = tpu.memref_squeeze %dma_wait3A_288 : memref<1x128x128xf32, #tpu.memory_space<vmem>> -> memref<128x128xf32, #tpu.memory_space<vmem>>
        %dma_wait3A_290 = arith.constant 0 : i32
        %dma_wait3A_291 = tpu.memref_slice %arg9[%add3A_273, %dma_wait3A_290] : memref<40x128xi32, #tpu.memory_space<vmem>> -> memref<1x128xi32, #tpu.memory_space<vmem>>
        %dma_wait3A_292 = tpu.memref_squeeze %dma_wait3A_291 : memref<1x128xi32, #tpu.memory_space<vmem>> -> memref<128xi32, #tpu.memory_space<vmem>>
        %dma_wait3A_293 = arith.constant 0 : i32
        %dma_wait3A_294 = arith.constant 0 : i32
        %dma_wait3A_295 = tpu.memref_slice %arg7[%dma_wait3A_293, %dma_wait3A_294] : memref<10240x128xf32, #tpu.memory_space<vmem_shared>> -> memref<10240x128xf32, #tpu.memory_space<vmem_shared>>
        tpu.wait_indirect_dma semaphore(%run_scoped3A_275 : memref<!tpu.dma_semaphore, #tpu.memory_space<semaphore_mem>>) src(%dma_wait3A_289 : memref<128x128xf32, #tpu.memory_space<vmem>>) dst(%dma_wait3A_295 : memref<10240x128xf32, #tpu.memory_space<vmem_shared>>)
        tpu.yield
      }) : () -> ()
    }
    %scan3A_164 = arith.constant 20 : i32
    %dma_wait3A_165 = arith.constant 0 : i32
    %dma_wait3A_166 = arith.constant 0 : i32
    %dma_wait3A_167 = arith.constant 0 : i32
    %dma_wait3A_168 = arith.constant 0 : i32
    %dma_wait3A_169 = tpu.memref_slice %arg10[%dma_wait3A_166, %dma_wait3A_167, %dma_wait3A_168] : memref<2x128x128xf32, #tpu.memory_space<vmem>> -> memref<1x128x128xf32, #tpu.memory_space<vmem>>
    %dma_wait3A_170 = tpu.memref_squeeze %dma_wait3A_169 : memref<1x128x128xf32, #tpu.memory_space<vmem>> -> memref<128x128xf32, #tpu.memory_space<vmem>>
    %dma_wait3A_171 = arith.constant 0 : i32
    %dma_wait3A_172 = tpu.memref_slice %arg8[%dma_wait3A_165, %dma_wait3A_171] : memref<40x128xi32, #tpu.memory_space<vmem>> -> memref<1x128xi32, #tpu.memory_space<vmem>>
    %dma_wait3A_173 = tpu.memref_squeeze %dma_wait3A_172 : memref<1x128xi32, #tpu.memory_space<vmem>> -> memref<128xi32, #tpu.memory_space<vmem>>
    %dma_wait3A_174 = arith.constant 0 : i32
    %dma_wait3A_175 = arith.constant 0 : i32
    %dma_wait3A_176 = tpu.memref_slice %arg2[%dma_wait3A_174, %dma_wait3A_175] : memref<10000x128xf32, #tpu.memory_space<hbm>> -> memref<10000x128xf32, #tpu.memory_space<hbm>>
    tpu.wait_indirect_dma semaphore(%arg11 : memref<!tpu.dma_semaphore, #tpu.memory_space<semaphore_mem>>) src(%dma_wait3A_176 : memref<10000x128xf32, #tpu.memory_space<hbm>>) dst(%dma_wait3A_170 : memref<128x128xf32, #tpu.memory_space<vmem>>)
    %add3A_177 = arith.constant 40 : i32
    %add3A_178 = arith.addi %mul3A_4, %add3A_177 : i32
    "tpu.region"() ({
      %run_scoped3A_214 = tpu.sem_alloc : memref<!tpu.dma_semaphore, #tpu.memory_space<semaphore_mem>>
      %dma_start3A_215 = arith.constant 0 : i32
      %dma_start3A_216 = tpu.memref_slice %arg3[%add3A_178, %dma_start3A_215] : memref<2560x128xi32, #tpu.memory_space<hbm>> -> memref<40x128xi32, #tpu.memory_space<hbm>>
      %dma_start3A_217 = arith.constant 0 : i32
      %dma_start3A_218 = tpu.memref_slice %arg3[%add3A_178, %dma_start3A_217] : memref<2560x128xi32, #tpu.memory_space<hbm>> -> memref<40x128xi32, #tpu.memory_space<hbm>>
      tpu.enqueue_dma source(%dma_start3A_218 : memref<40x128xi32, #tpu.memory_space<hbm>>) target(%arg8 : memref<40x128xi32, #tpu.memory_space<vmem>>) target_semaphore(%run_scoped3A_214 : memref<!tpu.dma_semaphore, #tpu.memory_space<semaphore_mem>>)
      %dma_wait3A_219 = arith.constant 0 : i32
      %dma_wait3A_220 = tpu.memref_slice %arg3[%add3A_178, %dma_wait3A_219] : memref<2560x128xi32, #tpu.memory_space<hbm>> -> memref<40x128xi32, #tpu.memory_space<hbm>>
      %dma_wait3A_221 = arith.constant 0 : i32
      %dma_wait3A_222 = tpu.memref_slice %arg3[%add3A_178, %dma_wait3A_221] : memref<2560x128xi32, #tpu.memory_space<hbm>> -> memref<40x128xi32, #tpu.memory_space<hbm>>
      tpu.wait_dma2 semaphore(%run_scoped3A_214 : memref<!tpu.dma_semaphore, #tpu.memory_space<semaphore_mem>>) src(%dma_wait3A_222 : memref<40x128xi32, #tpu.memory_space<hbm>>) dst(%arg8 : memref<40x128xi32, #tpu.memory_space<vmem>>)
      tpu.yield
    }) : () -> ()
    %add3A_179 = arith.constant 40 : i32
    %add3A_180 = arith.addi %mul3A_4, %add3A_179 : i32
    "tpu.region"() ({
      %run_scoped3A_214 = tpu.sem_alloc : memref<!tpu.dma_semaphore, #tpu.memory_space<semaphore_mem>>
      %dma_start3A_215 = arith.constant 0 : i32
      %dma_start3A_216 = tpu.memref_slice %arg4[%add3A_180, %dma_start3A_215] : memref<2560x128xi32, #tpu.memory_space<hbm>> -> memref<40x128xi32, #tpu.memory_space<hbm>>
      %dma_start3A_217 = arith.constant 0 : i32
      %dma_start3A_218 = tpu.memref_slice %arg4[%add3A_180, %dma_start3A_217] : memref<2560x128xi32, #tpu.memory_space<hbm>> -> memref<40x128xi32, #tpu.memory_space<hbm>>
      tpu.enqueue_dma source(%dma_start3A_218 : memref<40x128xi32, #tpu.memory_space<hbm>>) target(%arg9 : memref<40x128xi32, #tpu.memory_space<vmem>>) target_semaphore(%run_scoped3A_214 : memref<!tpu.dma_semaphore, #tpu.memory_space<semaphore_mem>>)
      %dma_wait3A_219 = arith.constant 0 : i32
      %dma_wait3A_220 = tpu.memref_slice %arg4[%add3A_180, %dma_wait3A_219] : memref<2560x128xi32, #tpu.memory_space<hbm>> -> memref<40x128xi32, #tpu.memory_space<hbm>>
      %dma_wait3A_221 = arith.constant 0 : i32
      %dma_wait3A_222 = tpu.memref_slice %arg4[%add3A_180, %dma_wait3A_221] : memref<2560x128xi32, #tpu.memory_space<hbm>> -> memref<40x128xi32, #tpu.memory_space<hbm>>
      tpu.wait_dma2 semaphore(%run_scoped3A_214 : memref<!tpu.dma_semaphore, #tpu.memory_space<semaphore_mem>>) src(%dma_wait3A_222 : memref<40x128xi32, #tpu.memory_space<hbm>>) dst(%arg9 : memref<40x128xi32, #tpu.memory_space<vmem>>)
      tpu.yield
    }) : () -> ()
    %min3A_181 = arith.constant 0 : i32
    %min3A_182 = arith.constant 39 : i32
    %min3A_183 = arith.minsi %min3A_181, %min3A_182 : i32
    %dma_start3A_184 = arith.constant 0 : i32
    %dma_start3A_185 = arith.constant 0 : i32
    %dma_start3A_186 = arith.constant 0 : i32
    %dma_start3A_187 = tpu.memref_slice %arg10[%dma_start3A_184, %dma_start3A_185, %dma_start3A_186] : memref<2x128x128xf32, #tpu.memory_space<vmem>> -> memref<1x128x128xf32, #tpu.memory_space<vmem>>
    %dma_start3A_188 = tpu.memref_squeeze %dma_start3A_187 : memref<1x128x128xf32, #tpu.memory_space<vmem>> -> memref<128x128xf32, #tpu.memory_space<vmem>>
    %dma_start3A_189 = arith.constant 0 : i32
    %dma_start3A_190 = tpu.memref_slice %arg8[%min3A_183, %dma_start3A_189] : memref<40x128xi32, #tpu.memory_space<vmem>> -> memref<1x128xi32, #tpu.memory_space<vmem>>
    %dma_start3A_191 = tpu.memref_squeeze %dma_start3A_190 : memref<1x128xi32, #tpu.memory_space<vmem>> -> memref<128xi32, #tpu.memory_space<vmem>>
    %dma_start3A_192 = arith.constant 0 : i32
    %dma_start3A_193 = arith.constant 0 : i32
    %dma_start3A_194 = tpu.memref_slice %arg2[%dma_start3A_192, %dma_start3A_193] : memref<10000x128xf32, #tpu.memory_space<hbm>> -> memref<10000x128xf32, #tpu.memory_space<hbm>>
    tpu.enqueue_indirect_dma source(%dma_start3A_194 : memref<10000x128xf32, #tpu.memory_space<hbm>>) target(%dma_start3A_188 : memref<128x128xf32, #tpu.memory_space<vmem>>) offsets(%dma_start3A_191 : memref<128xi32, #tpu.memory_space<vmem>>) semaphore(%arg11 : memref<!tpu.dma_semaphore, #tpu.memory_space<semaphore_mem>>)
    %scan3A_195 = arith.constant 0 : i32
    %scan3A_196 = arith.constant 0 : i32
    %scan3A_197 = arith.constant 20 : i32
    %scan3A_198 = arith.addi %scan3A_196, %scan3A_197 : i32
    %scan3A_199 = arith.constant 1 : i32
    scf.for %scan3A_214 = %scan3A_196 to %scan3A_198 step %scan3A_199  : i32 {
      %mul3A_215 = arith.constant 2 : i32
      %mul3A_216 = arith.muli %mul3A_215, %scan3A_214 : i32
      %add3A_217 = arith.constant 1 : i32
      %add3A_218 = arith.addi %mul3A_216, %add3A_217 : i32
      %min3A_219 = arith.constant 39 : i32
      %min3A_220 = arith.minsi %add3A_218, %min3A_219 : i32
      %dma_start3A_221 = arith.constant 1 : i32
      %dma_start3A_222 = arith.constant 0 : i32
      %dma_start3A_223 = arith.constant 0 : i32
      %dma_start3A_224 = tpu.memref_slice %arg10[%dma_start3A_221, %dma_start3A_222, %dma_start3A_223] : memref<2x128x128xf32, #tpu.memory_space<vmem>> -> memref<1x128x128xf32, #tpu.memory_space<vmem>>
      %dma_start3A_225 = tpu.memref_squeeze %dma_start3A_224 : memref<1x128x128xf32, #tpu.memory_space<vmem>> -> memref<128x128xf32, #tpu.memory_space<vmem>>
      %dma_start3A_226 = arith.constant 0 : i32
      %dma_start3A_227 = tpu.memref_slice %arg8[%min3A_220, %dma_start3A_226] : memref<40x128xi32, #tpu.memory_space<vmem>> -> memref<1x128xi32, #tpu.memory_space<vmem>>
      %dma_start3A_228 = tpu.memref_squeeze %dma_start3A_227 : memref<1x128xi32, #tpu.memory_space<vmem>> -> memref<128xi32, #tpu.memory_space<vmem>>
      %dma_start3A_229 = arith.constant 0 : i32
      %dma_start3A_230 = arith.constant 0 : i32
      %dma_start3A_231 = tpu.memref_slice %arg2[%dma_start3A_229, %dma_start3A_230] : memref<10000x128xf32, #tpu.memory_space<hbm>> -> memref<10000x128xf32, #tpu.memory_space<hbm>>
      tpu.enqueue_indirect_dma source(%dma_start3A_231 : memref<10000x128xf32, #tpu.memory_space<hbm>>) target(%dma_start3A_225 : memref<128x128xf32, #tpu.memory_space<vmem>>) offsets(%dma_start3A_228 : memref<128xi32, #tpu.memory_space<vmem>>) semaphore(%arg12 : memref<!tpu.dma_semaphore, #tpu.memory_space<semaphore_mem>>)
      %dma_wait3A_232 = arith.constant 0 : i32
      %dma_wait3A_233 = arith.constant 0 : i32
      %dma_wait3A_234 = arith.constant 0 : i32
      %dma_wait3A_235 = arith.constant 0 : i32
      %dma_wait3A_236 = tpu.memref_slice %arg10[%dma_wait3A_233, %dma_wait3A_234, %dma_wait3A_235] : memref<2x128x128xf32, #tpu.memory_space<vmem>> -> memref<1x128x128xf32, #tpu.memory_space<vmem>>
      %dma_wait3A_237 = tpu.memref_squeeze %dma_wait3A_236 : memref<1x128x128xf32, #tpu.memory_space<vmem>> -> memref<128x128xf32, #tpu.memory_space<vmem>>
      %dma_wait3A_238 = arith.constant 0 : i32
      %dma_wait3A_239 = tpu.memref_slice %arg8[%dma_wait3A_232, %dma_wait3A_238] : memref<40x128xi32, #tpu.memory_space<vmem>> -> memref<1x128xi32, #tpu.memory_space<vmem>>
      %dma_wait3A_240 = tpu.memref_squeeze %dma_wait3A_239 : memref<1x128xi32, #tpu.memory_space<vmem>> -> memref<128xi32, #tpu.memory_space<vmem>>
      %dma_wait3A_241 = arith.constant 0 : i32
      %dma_wait3A_242 = arith.constant 0 : i32
      %dma_wait3A_243 = tpu.memref_slice %arg2[%dma_wait3A_241, %dma_wait3A_242] : memref<10000x128xf32, #tpu.memory_space<hbm>> -> memref<10000x128xf32, #tpu.memory_space<hbm>>
      tpu.wait_indirect_dma semaphore(%arg11 : memref<!tpu.dma_semaphore, #tpu.memory_space<semaphore_mem>>) src(%dma_wait3A_243 : memref<10000x128xf32, #tpu.memory_space<hbm>>) dst(%dma_wait3A_237 : memref<128x128xf32, #tpu.memory_space<vmem>>)
      %run_scoped3A_244 = arith.constant 0 : i32
      "tpu.region"() ({
        %run_scoped3A_275 = tpu.sem_alloc : memref<!tpu.dma_semaphore, #tpu.memory_space<semaphore_mem>>
        %dma_start3A_276 = arith.constant 0 : i32
        %dma_start3A_277 = arith.constant 0 : i32
        %dma_start3A_278 = tpu.memref_slice %arg10[%run_scoped3A_244, %dma_start3A_276, %dma_start3A_277] : memref<2x128x128xf32, #tpu.memory_space<vmem>> -> memref<1x128x128xf32, #tpu.memory_space<vmem>>
        %dma_start3A_279 = tpu.memref_squeeze %dma_start3A_278 : memref<1x128x128xf32, #tpu.memory_space<vmem>> -> memref<128x128xf32, #tpu.memory_space<vmem>>
        %dma_start3A_280 = arith.constant 0 : i32
        %dma_start3A_281 = tpu.memref_slice %arg9[%mul3A_216, %dma_start3A_280] : memref<40x128xi32, #tpu.memory_space<vmem>> -> memref<1x128xi32, #tpu.memory_space<vmem>>
        %dma_start3A_282 = tpu.memref_squeeze %dma_start3A_281 : memref<1x128xi32, #tpu.memory_space<vmem>> -> memref<128xi32, #tpu.memory_space<vmem>>
        %dma_start3A_283 = arith.constant 0 : i32
        %dma_start3A_284 = arith.constant 0 : i32
        %dma_start3A_285 = tpu.memref_slice %arg7[%dma_start3A_283, %dma_start3A_284] : memref<10240x128xf32, #tpu.memory_space<vmem_shared>> -> memref<10240x128xf32, #tpu.memory_space<vmem_shared>>
        tpu.enqueue_indirect_dma source(%dma_start3A_279 : memref<128x128xf32, #tpu.memory_space<vmem>>) target(%dma_start3A_285 : memref<10240x128xf32, #tpu.memory_space<vmem_shared>>) offsets(%dma_start3A_282 : memref<128xi32, #tpu.memory_space<vmem>>) semaphore(%run_scoped3A_275 : memref<!tpu.dma_semaphore, #tpu.memory_space<semaphore_mem>>) {add = true}
        %dma_wait3A_286 = arith.constant 0 : i32
        %dma_wait3A_287 = arith.constant 0 : i32
        %dma_wait3A_288 = tpu.memref_slice %arg10[%run_scoped3A_244, %dma_wait3A_286, %dma_wait3A_287] : memref<2x128x128xf32, #tpu.memory_space<vmem>> -> memref<1x128x128xf32, #tpu.memory_space<vmem>>
        %dma_wait3A_289 = tpu.memref_squeeze %dma_wait3A_288 : memref<1x128x128xf32, #tpu.memory_space<vmem>> -> memref<128x128xf32, #tpu.memory_space<vmem>>
        %dma_wait3A_290 = arith.constant 0 : i32
        %dma_wait3A_291 = tpu.memref_slice %arg9[%mul3A_216, %dma_wait3A_290] : memref<40x128xi32, #tpu.memory_space<vmem>> -> memref<1x128xi32, #tpu.memory_space<vmem>>
        %dma_wait3A_292 = tpu.memref_squeeze %dma_wait3A_291 : memref<1x128xi32, #tpu.memory_space<vmem>> -> memref<128xi32, #tpu.memory_space<vmem>>
        %dma_wait3A_293 = arith.constant 0 : i32
        %dma_wait3A_294 = arith.constant 0 : i32
        %dma_wait3A_295 = tpu.memref_slice %arg7[%dma_wait3A_293, %dma_wait3A_294] : memref<10240x128xf32, #tpu.memory_space<vmem_shared>> -> memref<10240x128xf32, #tpu.memory_space<vmem_shared>>
        tpu.wait_indirect_dma semaphore(%run_scoped3A_275 : memref<!tpu.dma_semaphore, #tpu.memory_space<semaphore_mem>>) src(%dma_wait3A_289 : memref<128x128xf32, #tpu.memory_space<vmem>>) dst(%dma_wait3A_295 : memref<10240x128xf32, #tpu.memory_space<vmem_shared>>)
        tpu.yield
      }) : () -> ()
      %add3A_245 = arith.constant 2 : i32
      %add3A_246 = arith.addi %mul3A_216, %add3A_245 : i32
      %min3A_247 = arith.constant 39 : i32
      %min3A_248 = arith.minsi %add3A_246, %min3A_247 : i32
      %dma_start3A_249 = arith.constant 0 : i32
      %dma_start3A_250 = arith.constant 0 : i32
      %dma_start3A_251 = arith.constant 0 : i32
      %dma_start3A_252 = tpu.memref_slice %arg10[%dma_start3A_249, %dma_start3A_250, %dma_start3A_251] : memref<2x128x128xf32, #tpu.memory_space<vmem>> -> memref<1x128x128xf32, #tpu.memory_space<vmem>>
      %dma_start3A_253 = tpu.memref_squeeze %dma_start3A_252 : memref<1x128x128xf32, #tpu.memory_space<vmem>> -> memref<128x128xf32, #tpu.memory_space<vmem>>
      %dma_start3A_254 = arith.constant 0 : i32
      %dma_start3A_255 = tpu.memref_slice %arg8[%min3A_248, %dma_start3A_254] : memref<40x128xi32, #tpu.memory_space<vmem>> -> memref<1x128xi32, #tpu.memory_space<vmem>>
      %dma_start3A_256 = tpu.memref_squeeze %dma_start3A_255 : memref<1x128xi32, #tpu.memory_space<vmem>> -> memref<128xi32, #tpu.memory_space<vmem>>
      %dma_start3A_257 = arith.constant 0 : i32
      %dma_start3A_258 = arith.constant 0 : i32
      %dma_start3A_259 = tpu.memref_slice %arg2[%dma_start3A_257, %dma_start3A_258] : memref<10000x128xf32, #tpu.memory_space<hbm>> -> memref<10000x128xf32, #tpu.memory_space<hbm>>
      tpu.enqueue_indirect_dma source(%dma_start3A_259 : memref<10000x128xf32, #tpu.memory_space<hbm>>) target(%dma_start3A_253 : memref<128x128xf32, #tpu.memory_space<vmem>>) offsets(%dma_start3A_256 : memref<128xi32, #tpu.memory_space<vmem>>) semaphore(%arg11 : memref<!tpu.dma_semaphore, #tpu.memory_space<semaphore_mem>>)
      %dma_wait3A_260 = arith.constant 0 : i32
      %dma_wait3A_261 = arith.constant 1 : i32
      %dma_wait3A_262 = arith.constant 0 : i32
      %dma_wait3A_263 = arith.constant 0 : i32
      %dma_wait3A_264 = tpu.memref_slice %arg10[%dma_wait3A_261, %dma_wait3A_262, %dma_wait3A_263] : memref<2x128x128xf32, #tpu.memory_space<vmem>> -> memref<1x128x128xf32, #tpu.memory_space<vmem>>
      %dma_wait3A_265 = tpu.memref_squeeze %dma_wait3A_264 : memref<1x128x128xf32, #tpu.memory_space<vmem>> -> memref<128x128xf32, #tpu.memory_space<vmem>>
      %dma_wait3A_266 = arith.constant 0 : i32
      %dma_wait3A_267 = tpu.memref_slice %arg8[%dma_wait3A_260, %dma_wait3A_266] : memref<40x128xi32, #tpu.memory_space<vmem>> -> memref<1x128xi32, #tpu.memory_space<vmem>>
      %dma_wait3A_268 = tpu.memref_squeeze %dma_wait3A_267 : memref<1x128xi32, #tpu.memory_space<vmem>> -> memref<128xi32, #tpu.memory_space<vmem>>
      %dma_wait3A_269 = arith.constant 0 : i32
      %dma_wait3A_270 = arith.constant 0 : i32
      %dma_wait3A_271 = tpu.memref_slice %arg2[%dma_wait3A_269, %dma_wait3A_270] : memref<10000x128xf32, #tpu.memory_space<hbm>> -> memref<10000x128xf32, #tpu.memory_space<hbm>>
      tpu.wait_indirect_dma semaphore(%arg12 : memref<!tpu.dma_semaphore, #tpu.memory_space<semaphore_mem>>) src(%dma_wait3A_271 : memref<10000x128xf32, #tpu.memory_space<hbm>>) dst(%dma_wait3A_265 : memref<128x128xf32, #tpu.memory_space<vmem>>)
      %add3A_272 = arith.constant 1 : i32
      %add3A_273 = arith.addi %mul3A_216, %add3A_272 : i32
      %run_scoped3A_274 = arith.constant 1 : i32
      "tpu.region"() ({
        %run_scoped3A_275 = tpu.sem_alloc : memref<!tpu.dma_semaphore, #tpu.memory_space<semaphore_mem>>
        %dma_start3A_276 = arith.constant 0 : i32
        %dma_start3A_277 = arith.constant 0 : i32
        %dma_start3A_278 = tpu.memref_slice %arg10[%run_scoped3A_274, %dma_start3A_276, %dma_start3A_277] : memref<2x128x128xf32, #tpu.memory_space<vmem>> -> memref<1x128x128xf32, #tpu.memory_space<vmem>>
        %dma_start3A_279 = tpu.memref_squeeze %dma_start3A_278 : memref<1x128x128xf32, #tpu.memory_space<vmem>> -> memref<128x128xf32, #tpu.memory_space<vmem>>
        %dma_start3A_280 = arith.constant 0 : i32
        %dma_start3A_281 = tpu.memref_slice %arg9[%add3A_273, %dma_start3A_280] : memref<40x128xi32, #tpu.memory_space<vmem>> -> memref<1x128xi32, #tpu.memory_space<vmem>>
        %dma_start3A_282 = tpu.memref_squeeze %dma_start3A_281 : memref<1x128xi32, #tpu.memory_space<vmem>> -> memref<128xi32, #tpu.memory_space<vmem>>
        %dma_start3A_283 = arith.constant 0 : i32
        %dma_start3A_284 = arith.constant 0 : i32
        %dma_start3A_285 = tpu.memref_slice %arg7[%dma_start3A_283, %dma_start3A_284] : memref<10240x128xf32, #tpu.memory_space<vmem_shared>> -> memref<10240x128xf32, #tpu.memory_space<vmem_shared>>
        tpu.enqueue_indirect_dma source(%dma_start3A_279 : memref<128x128xf32, #tpu.memory_space<vmem>>) target(%dma_start3A_285 : memref<10240x128xf32, #tpu.memory_space<vmem_shared>>) offsets(%dma_start3A_282 : memref<128xi32, #tpu.memory_space<vmem>>) semaphore(%run_scoped3A_275 : memref<!tpu.dma_semaphore, #tpu.memory_space<semaphore_mem>>) {add = true}
        %dma_wait3A_286 = arith.constant 0 : i32
        %dma_wait3A_287 = arith.constant 0 : i32
        %dma_wait3A_288 = tpu.memref_slice %arg10[%run_scoped3A_274, %dma_wait3A_286, %dma_wait3A_287] : memref<2x128x128xf32, #tpu.memory_space<vmem>> -> memref<1x128x128xf32, #tpu.memory_space<vmem>>
        %dma_wait3A_289 = tpu.memref_squeeze %dma_wait3A_288 : memref<1x128x128xf32, #tpu.memory_space<vmem>> -> memref<128x128xf32, #tpu.memory_space<vmem>>
        %dma_wait3A_290 = arith.constant 0 : i32
        %dma_wait3A_291 = tpu.memref_slice %arg9[%add3A_273, %dma_wait3A_290] : memref<40x128xi32, #tpu.memory_space<vmem>> -> memref<1x128xi32, #tpu.memory_space<vmem>>
        %dma_wait3A_292 = tpu.memref_squeeze %dma_wait3A_291 : memref<1x128xi32, #tpu.memory_space<vmem>> -> memref<128xi32, #tpu.memory_space<vmem>>
        %dma_wait3A_293 = arith.constant 0 : i32
        %dma_wait3A_294 = arith.constant 0 : i32
        %dma_wait3A_295 = tpu.memref_slice %arg7[%dma_wait3A_293, %dma_wait3A_294] : memref<10240x128xf32, #tpu.memory_space<vmem_shared>> -> memref<10240x128xf32, #tpu.memory_space<vmem_shared>>
        tpu.wait_indirect_dma semaphore(%run_scoped3A_275 : memref<!tpu.dma_semaphore, #tpu.memory_space<semaphore_mem>>) src(%dma_wait3A_289 : memref<128x128xf32, #tpu.memory_space<vmem>>) dst(%dma_wait3A_295 : memref<10240x128xf32, #tpu.memory_space<vmem_shared>>)
        tpu.yield
      }) : () -> ()
    }
    %scan3A_200 = arith.constant 20 : i32
    %dma_wait3A_201 = arith.constant 0 : i32
    %dma_wait3A_202 = arith.constant 0 : i32
    %dma_wait3A_203 = arith.constant 0 : i32
    %dma_wait3A_204 = arith.constant 0 : i32
    %dma_wait3A_205 = tpu.memref_slice %arg10[%dma_wait3A_202, %dma_wait3A_203, %dma_wait3A_204] : memref<2x128x128xf32, #tpu.memory_space<vmem>> -> memref<1x128x128xf32, #tpu.memory_space<vmem>>
    %dma_wait3A_206 = tpu.memref_squeeze %dma_wait3A_205 : memref<1x128x128xf32, #tpu.memory_space<vmem>> -> memref<128x128xf32, #tpu.memory_space<vmem>>
    %dma_wait3A_207 = arith.constant 0 : i32
    %dma_wait3A_208 = tpu.memref_slice %arg8[%dma_wait3A_201, %dma_wait3A_207] : memref<40x128xi32, #tpu.memory_space<vmem>> -> memref<1x128xi32, #tpu.memory_space<vmem>>
    %dma_wait3A_209 = tpu.memref_squeeze %dma_wait3A_208 : memref<1x128xi32, #tpu.memory_space<vmem>> -> memref<128xi32, #tpu.memory_space<vmem>>
    %dma_wait3A_210 = arith.constant 0 : i32
    %dma_wait3A_211 = arith.constant 0 : i32
    %dma_wait3A_212 = tpu.memref_slice %arg2[%dma_wait3A_210, %dma_wait3A_211] : memref<10000x128xf32, #tpu.memory_space<hbm>> -> memref<10000x128xf32, #tpu.memory_space<hbm>>
    tpu.wait_indirect_dma semaphore(%arg11 : memref<!tpu.dma_semaphore, #tpu.memory_space<semaphore_mem>>) src(%dma_wait3A_212 : memref<10000x128xf32, #tpu.memory_space<hbm>>) dst(%dma_wait3A_206 : memref<128x128xf32, #tpu.memory_space<vmem>>)
    %barrier3A_213 = arith.constant 0 : index
    tpu.barrier barrier_id(%barrier3A_213)
    "tpu.region"() ({
      %run_scoped3A_214 = tpu.sem_alloc : memref<!tpu.dma_semaphore, #tpu.memory_space<semaphore_mem>>
      %dma_start3A_215 = arith.constant 0 : i32
      %dma_start3A_216 = tpu.memref_slice %arg6[%arg0, %mul3A_2, %dma_start3A_215] : memref<2x10240x128xf32, #tpu.memory_space<hbm>> -> memref<1x640x128xf32, #tpu.memory_space<hbm>>
      %dma_start3A_217 = tpu.memref_squeeze %dma_start3A_216 : memref<1x640x128xf32, #tpu.memory_space<hbm>> -> memref<640x128xf32, #tpu.memory_space<hbm>>
      %dma_start3A_218 = arith.constant 0 : i32
      %dma_start3A_219 = tpu.memref_slice %arg7[%mul3A_2, %dma_start3A_218] : memref<10240x128xf32, #tpu.memory_space<vmem_shared>> -> memref<640x128xf32, #tpu.memory_space<vmem_shared>>
      tpu.enqueue_dma source(%dma_start3A_219 : memref<640x128xf32, #tpu.memory_space<vmem_shared>>) target(%dma_start3A_217 : memref<640x128xf32, #tpu.memory_space<hbm>>) target_semaphore(%run_scoped3A_214 : memref<!tpu.dma_semaphore, #tpu.memory_space<semaphore_mem>>)
      %dma_wait3A_220 = arith.constant 0 : i32
      %dma_wait3A_221 = tpu.memref_slice %arg6[%arg0, %mul3A_2, %dma_wait3A_220] : memref<2x10240x128xf32, #tpu.memory_space<hbm>> -> memref<1x640x128xf32, #tpu.memory_space<hbm>>
      %dma_wait3A_222 = tpu.memref_squeeze %dma_wait3A_221 : memref<1x640x128xf32, #tpu.memory_space<hbm>> -> memref<640x128xf32, #tpu.memory_space<hbm>>
      %dma_wait3A_223 = arith.constant 0 : i32
      %dma_wait3A_224 = tpu.memref_slice %arg7[%mul3A_2, %dma_wait3A_223] : memref<10240x128xf32, #tpu.memory_space<vmem_shared>> -> memref<640x128xf32, #tpu.memory_space<vmem_shared>>
      tpu.wait_dma2 semaphore(%run_scoped3A_214 : memref<!tpu.dma_semaphore, #tpu.memory_space<semaphore_mem>>) src(%dma_wait3A_224 : memref<640x128xf32, #tpu.memory_space<vmem_shared>>) dst(%dma_wait3A_222 : memref<640x128xf32, #tpu.memory_space<hbm>>)
      tpu.yield
    }) : () -> ()
    return
  }
}

#map = affine_map<(d0, d1) -> (0, 0)>
#map1 = affine_map<(d0, d1) -> (0)>
module attributes {stable_mosaic.version = 14 : i64} {
  func.func @_deg_body(%arg0: i32, %arg1: i32, %arg2: memref<2560x128xi32, #tpu.memory_space<hbm>>, %arg3: memref<128xf32, #tpu.memory_space<hbm>>, %arg4: memref<640xf32, #tpu.memory_space<hbm>>, %arg5: memref<20480xf32, #tpu.memory_space<hbm>>, %arg6: memref<10240xf32, #tpu.memory_space<vmem_shared>>, %arg7: memref<80x128xi32, #tpu.memory_space<vmem>>, %arg8: memref<128xf32, #tpu.memory_space<vmem>>, %arg9: memref<640xf32, #tpu.memory_space<vmem>>, %arg10: memref<!tpu.dma_semaphore, #tpu.memory_space<semaphore_mem>>, %arg11: memref<!tpu.dma_semaphore, #tpu.memory_space<semaphore_mem>>, %arg12: memref<!tpu.dma_semaphore, #tpu.memory_space<semaphore_mem>>, %arg13: memref<!tpu.dma_semaphore, #tpu.memory_space<semaphore_mem>>, %arg14: memref<!tpu.dma_semaphore, #tpu.memory_space<semaphore_mem>>, %arg15: memref<!tpu.dma_semaphore, #tpu.memory_space<semaphore_mem>>, %arg16: memref<!tpu.dma_semaphore, #tpu.memory_space<semaphore_mem>>, %arg17: memref<!tpu.dma_semaphore, #tpu.memory_space<semaphore_mem>>) attributes {dimension_semantics = [#tpu.dimension_semantics<core_parallel>, #tpu.dimension_semantics<subcore_parallel>], iteration_bounds = array<i64: 2, 16>, scalar_prefetch = 0 : i64, scratch_operands = 12 : i64, tpu.core_type = #tpu.core_type<sc_vector_subcore>, window_params = [{transform_indices = #map}, {transform_indices = #map1}, {transform_indices = #map1}, {transform_indices = #map1}]} {
    %mul3A = arith.constant 2 : i32
    %mul3A_0 = arith.muli %arg1, %mul3A : i32
    %add3A = arith.addi %mul3A_0, %arg0 : i32
    %mul3A_1 = arith.constant 640 : i32
    %mul3A_2 = arith.muli %arg1, %mul3A_1 : i32
    "tpu.region"() ({
      %run_scoped3A = tpu.sem_alloc : memref<!tpu.dma_semaphore, #tpu.memory_space<semaphore_mem>>
      tpu.enqueue_dma source(%arg4 : memref<640xf32, #tpu.memory_space<hbm>>) target(%arg9 : memref<640xf32, #tpu.memory_space<vmem>>) target_semaphore(%run_scoped3A : memref<!tpu.dma_semaphore, #tpu.memory_space<semaphore_mem>>)
      tpu.wait_dma2 semaphore(%run_scoped3A : memref<!tpu.dma_semaphore, #tpu.memory_space<semaphore_mem>>) src(%arg4 : memref<640xf32, #tpu.memory_space<hbm>>) dst(%arg9 : memref<640xf32, #tpu.memory_space<vmem>>)
      tpu.yield
    }) : () -> ()
    "tpu.region"() ({
      %run_scoped3A = tpu.sem_alloc : memref<!tpu.dma_semaphore, #tpu.memory_space<semaphore_mem>>
      %dma_start3A = tpu.memref_slice %arg6[%mul3A_2] : memref<10240xf32, #tpu.memory_space<vmem_shared>> -> memref<640xf32, #tpu.memory_space<vmem_shared>>
      %dma_start3A_14 = tpu.memref_slice %arg6[%mul3A_2] : memref<10240xf32, #tpu.memory_space<vmem_shared>> -> memref<640xf32, #tpu.memory_space<vmem_shared>>
      tpu.enqueue_dma source(%arg9 : memref<640xf32, #tpu.memory_space<vmem>>) target(%dma_start3A_14 : memref<640xf32, #tpu.memory_space<vmem_shared>>) target_semaphore(%run_scoped3A : memref<!tpu.dma_semaphore, #tpu.memory_space<semaphore_mem>>)
      %dma_wait3A = tpu.memref_slice %arg6[%mul3A_2] : memref<10240xf32, #tpu.memory_space<vmem_shared>> -> memref<640xf32, #tpu.memory_space<vmem_shared>>
      %dma_wait3A_15 = tpu.memref_slice %arg6[%mul3A_2] : memref<10240xf32, #tpu.memory_space<vmem_shared>> -> memref<640xf32, #tpu.memory_space<vmem_shared>>
      tpu.wait_dma2 semaphore(%run_scoped3A : memref<!tpu.dma_semaphore, #tpu.memory_space<semaphore_mem>>) src(%arg9 : memref<640xf32, #tpu.memory_space<vmem>>) dst(%dma_wait3A_15 : memref<640xf32, #tpu.memory_space<vmem_shared>>)
      tpu.yield
    }) : () -> ()
    "tpu.region"() ({
      %run_scoped3A = tpu.sem_alloc : memref<!tpu.dma_semaphore, #tpu.memory_space<semaphore_mem>>
      tpu.enqueue_dma source(%arg3 : memref<128xf32, #tpu.memory_space<hbm>>) target(%arg8 : memref<128xf32, #tpu.memory_space<vmem>>) target_semaphore(%run_scoped3A : memref<!tpu.dma_semaphore, #tpu.memory_space<semaphore_mem>>)
      tpu.wait_dma2 semaphore(%run_scoped3A : memref<!tpu.dma_semaphore, #tpu.memory_space<semaphore_mem>>) src(%arg3 : memref<128xf32, #tpu.memory_space<hbm>>) dst(%arg8 : memref<128xf32, #tpu.memory_space<vmem>>)
      tpu.yield
    }) : () -> ()
    %mul3A_3 = arith.constant 80 : i32
    %mul3A_4 = arith.muli %add3A, %mul3A_3 : i32
    "tpu.region"() ({
      %run_scoped3A = tpu.sem_alloc : memref<!tpu.dma_semaphore, #tpu.memory_space<semaphore_mem>>
      %dma_start3A = arith.constant 0 : i32
      %dma_start3A_14 = tpu.memref_slice %arg2[%mul3A_4, %dma_start3A] : memref<2560x128xi32, #tpu.memory_space<hbm>> -> memref<80x128xi32, #tpu.memory_space<hbm>>
      %dma_start3A_15 = arith.constant 0 : i32
      %dma_start3A_16 = tpu.memref_slice %arg2[%mul3A_4, %dma_start3A_15] : memref<2560x128xi32, #tpu.memory_space<hbm>> -> memref<80x128xi32, #tpu.memory_space<hbm>>
      tpu.enqueue_dma source(%dma_start3A_16 : memref<80x128xi32, #tpu.memory_space<hbm>>) target(%arg7 : memref<80x128xi32, #tpu.memory_space<vmem>>) target_semaphore(%run_scoped3A : memref<!tpu.dma_semaphore, #tpu.memory_space<semaphore_mem>>)
      %dma_wait3A = arith.constant 0 : i32
      %dma_wait3A_17 = tpu.memref_slice %arg2[%mul3A_4, %dma_wait3A] : memref<2560x128xi32, #tpu.memory_space<hbm>> -> memref<80x128xi32, #tpu.memory_space<hbm>>
      %dma_wait3A_18 = arith.constant 0 : i32
      %dma_wait3A_19 = tpu.memref_slice %arg2[%mul3A_4, %dma_wait3A_18] : memref<2560x128xi32, #tpu.memory_space<hbm>> -> memref<80x128xi32, #tpu.memory_space<hbm>>
      tpu.wait_dma2 semaphore(%run_scoped3A : memref<!tpu.dma_semaphore, #tpu.memory_space<semaphore_mem>>) src(%dma_wait3A_19 : memref<80x128xi32, #tpu.memory_space<hbm>>) dst(%arg7 : memref<80x128xi32, #tpu.memory_space<vmem>>)
      tpu.yield
    }) : () -> ()
    %barrier3A = arith.constant 0 : index
    tpu.barrier barrier_id(%barrier3A)
    %scan3A = arith.constant 0 : i32
    %scan3A_5 = arith.constant 0 : i32
    %scan3A_6 = arith.constant 10 : i32
    %scan3A_7 = arith.addi %scan3A_5, %scan3A_6 : i32
    %scan3A_8 = arith.constant 1 : i32
    scf.for %scan3A_14 = %scan3A_5 to %scan3A_7 step %scan3A_8  : i32 {
      %mul3A_15 = arith.constant 8 : i32
      %mul3A_16 = arith.muli %scan3A_14, %mul3A_15 : i32
      %add3A_17 = arith.constant 0 : i32
      %add3A_18 = arith.addi %mul3A_16, %add3A_17 : i32
      %dma_start3A = arith.constant 0 : i32
      %dma_start3A_19 = tpu.memref_slice %arg7[%add3A_18, %dma_start3A] : memref<80x128xi32, #tpu.memory_space<vmem>> -> memref<1x128xi32, #tpu.memory_space<vmem>>
      %dma_start3A_20 = tpu.memref_squeeze %dma_start3A_19 : memref<1x128xi32, #tpu.memory_space<vmem>> -> memref<128xi32, #tpu.memory_space<vmem>>
      %dma_start3A_21 = arith.constant 0 : i32
      %dma_start3A_22 = tpu.memref_slice %arg6[%dma_start3A_21] : memref<10240xf32, #tpu.memory_space<vmem_shared>> -> memref<10240xf32, #tpu.memory_space<vmem_shared>>
      tpu.enqueue_indirect_dma source(%arg8 : memref<128xf32, #tpu.memory_space<vmem>>) target(%dma_start3A_22 : memref<10240xf32, #tpu.memory_space<vmem_shared>>) offsets(%dma_start3A_20 : memref<128xi32, #tpu.memory_space<vmem>>) semaphore(%arg10 : memref<!tpu.dma_semaphore, #tpu.memory_space<semaphore_mem>>) {add = true}
      %add3A_23 = arith.constant 1 : i32
      %add3A_24 = arith.addi %mul3A_16, %add3A_23 : i32
      %dma_start3A_25 = arith.constant 0 : i32
      %dma_start3A_26 = tpu.memref_slice %arg7[%add3A_24, %dma_start3A_25] : memref<80x128xi32, #tpu.memory_space<vmem>> -> memref<1x128xi32, #tpu.memory_space<vmem>>
      %dma_start3A_27 = tpu.memref_squeeze %dma_start3A_26 : memref<1x128xi32, #tpu.memory_space<vmem>> -> memref<128xi32, #tpu.memory_space<vmem>>
      %dma_start3A_28 = arith.constant 0 : i32
      %dma_start3A_29 = tpu.memref_slice %arg6[%dma_start3A_28] : memref<10240xf32, #tpu.memory_space<vmem_shared>> -> memref<10240xf32, #tpu.memory_space<vmem_shared>>
      tpu.enqueue_indirect_dma source(%arg8 : memref<128xf32, #tpu.memory_space<vmem>>) target(%dma_start3A_29 : memref<10240xf32, #tpu.memory_space<vmem_shared>>) offsets(%dma_start3A_27 : memref<128xi32, #tpu.memory_space<vmem>>) semaphore(%arg11 : memref<!tpu.dma_semaphore, #tpu.memory_space<semaphore_mem>>) {add = true}
      %add3A_30 = arith.constant 2 : i32
      %add3A_31 = arith.addi %mul3A_16, %add3A_30 : i32
      %dma_start3A_32 = arith.constant 0 : i32
      %dma_start3A_33 = tpu.memref_slice %arg7[%add3A_31, %dma_start3A_32] : memref<80x128xi32, #tpu.memory_space<vmem>> -> memref<1x128xi32, #tpu.memory_space<vmem>>
      %dma_start3A_34 = tpu.memref_squeeze %dma_start3A_33 : memref<1x128xi32, #tpu.memory_space<vmem>> -> memref<128xi32, #tpu.memory_space<vmem>>
      %dma_start3A_35 = arith.constant 0 : i32
      %dma_start3A_36 = tpu.memref_slice %arg6[%dma_start3A_35] : memref<10240xf32, #tpu.memory_space<vmem_shared>> -> memref<10240xf32, #tpu.memory_space<vmem_shared>>
      tpu.enqueue_indirect_dma source(%arg8 : memref<128xf32, #tpu.memory_space<vmem>>) target(%dma_start3A_36 : memref<10240xf32, #tpu.memory_space<vmem_shared>>) offsets(%dma_start3A_34 : memref<128xi32, #tpu.memory_space<vmem>>) semaphore(%arg12 : memref<!tpu.dma_semaphore, #tpu.memory_space<semaphore_mem>>) {add = true}
      %add3A_37 = arith.constant 3 : i32
      %add3A_38 = arith.addi %mul3A_16, %add3A_37 : i32
      %dma_start3A_39 = arith.constant 0 : i32
      %dma_start3A_40 = tpu.memref_slice %arg7[%add3A_38, %dma_start3A_39] : memref<80x128xi32, #tpu.memory_space<vmem>> -> memref<1x128xi32, #tpu.memory_space<vmem>>
      %dma_start3A_41 = tpu.memref_squeeze %dma_start3A_40 : memref<1x128xi32, #tpu.memory_space<vmem>> -> memref<128xi32, #tpu.memory_space<vmem>>
      %dma_start3A_42 = arith.constant 0 : i32
      %dma_start3A_43 = tpu.memref_slice %arg6[%dma_start3A_42] : memref<10240xf32, #tpu.memory_space<vmem_shared>> -> memref<10240xf32, #tpu.memory_space<vmem_shared>>
      tpu.enqueue_indirect_dma source(%arg8 : memref<128xf32, #tpu.memory_space<vmem>>) target(%dma_start3A_43 : memref<10240xf32, #tpu.memory_space<vmem_shared>>) offsets(%dma_start3A_41 : memref<128xi32, #tpu.memory_space<vmem>>) semaphore(%arg13 : memref<!tpu.dma_semaphore, #tpu.memory_space<semaphore_mem>>) {add = true}
      %add3A_44 = arith.constant 4 : i32
      %add3A_45 = arith.addi %mul3A_16, %add3A_44 : i32
      %dma_start3A_46 = arith.constant 0 : i32
      %dma_start3A_47 = tpu.memref_slice %arg7[%add3A_45, %dma_start3A_46] : memref<80x128xi32, #tpu.memory_space<vmem>> -> memref<1x128xi32, #tpu.memory_space<vmem>>
      %dma_start3A_48 = tpu.memref_squeeze %dma_start3A_47 : memref<1x128xi32, #tpu.memory_space<vmem>> -> memref<128xi32, #tpu.memory_space<vmem>>
      %dma_start3A_49 = arith.constant 0 : i32
      %dma_start3A_50 = tpu.memref_slice %arg6[%dma_start3A_49] : memref<10240xf32, #tpu.memory_space<vmem_shared>> -> memref<10240xf32, #tpu.memory_space<vmem_shared>>
      tpu.enqueue_indirect_dma source(%arg8 : memref<128xf32, #tpu.memory_space<vmem>>) target(%dma_start3A_50 : memref<10240xf32, #tpu.memory_space<vmem_shared>>) offsets(%dma_start3A_48 : memref<128xi32, #tpu.memory_space<vmem>>) semaphore(%arg14 : memref<!tpu.dma_semaphore, #tpu.memory_space<semaphore_mem>>) {add = true}
      %add3A_51 = arith.constant 5 : i32
      %add3A_52 = arith.addi %mul3A_16, %add3A_51 : i32
      %dma_start3A_53 = arith.constant 0 : i32
      %dma_start3A_54 = tpu.memref_slice %arg7[%add3A_52, %dma_start3A_53] : memref<80x128xi32, #tpu.memory_space<vmem>> -> memref<1x128xi32, #tpu.memory_space<vmem>>
      %dma_start3A_55 = tpu.memref_squeeze %dma_start3A_54 : memref<1x128xi32, #tpu.memory_space<vmem>> -> memref<128xi32, #tpu.memory_space<vmem>>
      %dma_start3A_56 = arith.constant 0 : i32
      %dma_start3A_57 = tpu.memref_slice %arg6[%dma_start3A_56] : memref<10240xf32, #tpu.memory_space<vmem_shared>> -> memref<10240xf32, #tpu.memory_space<vmem_shared>>
      tpu.enqueue_indirect_dma source(%arg8 : memref<128xf32, #tpu.memory_space<vmem>>) target(%dma_start3A_57 : memref<10240xf32, #tpu.memory_space<vmem_shared>>) offsets(%dma_start3A_55 : memref<128xi32, #tpu.memory_space<vmem>>) semaphore(%arg15 : memref<!tpu.dma_semaphore, #tpu.memory_space<semaphore_mem>>) {add = true}
      %add3A_58 = arith.constant 6 : i32
      %add3A_59 = arith.addi %mul3A_16, %add3A_58 : i32
      %dma_start3A_60 = arith.constant 0 : i32
      %dma_start3A_61 = tpu.memref_slice %arg7[%add3A_59, %dma_start3A_60] : memref<80x128xi32, #tpu.memory_space<vmem>> -> memref<1x128xi32, #tpu.memory_space<vmem>>
      %dma_start3A_62 = tpu.memref_squeeze %dma_start3A_61 : memref<1x128xi32, #tpu.memory_space<vmem>> -> memref<128xi32, #tpu.memory_space<vmem>>
      %dma_start3A_63 = arith.constant 0 : i32
      %dma_start3A_64 = tpu.memref_slice %arg6[%dma_start3A_63] : memref<10240xf32, #tpu.memory_space<vmem_shared>> -> memref<10240xf32, #tpu.memory_space<vmem_shared>>
      tpu.enqueue_indirect_dma source(%arg8 : memref<128xf32, #tpu.memory_space<vmem>>) target(%dma_start3A_64 : memref<10240xf32, #tpu.memory_space<vmem_shared>>) offsets(%dma_start3A_62 : memref<128xi32, #tpu.memory_space<vmem>>) semaphore(%arg16 : memref<!tpu.dma_semaphore, #tpu.memory_space<semaphore_mem>>) {add = true}
      %add3A_65 = arith.constant 7 : i32
      %add3A_66 = arith.addi %mul3A_16, %add3A_65 : i32
      %dma_start3A_67 = arith.constant 0 : i32
      %dma_start3A_68 = tpu.memref_slice %arg7[%add3A_66, %dma_start3A_67] : memref<80x128xi32, #tpu.memory_space<vmem>> -> memref<1x128xi32, #tpu.memory_space<vmem>>
      %dma_start3A_69 = tpu.memref_squeeze %dma_start3A_68 : memref<1x128xi32, #tpu.memory_space<vmem>> -> memref<128xi32, #tpu.memory_space<vmem>>
      %dma_start3A_70 = arith.constant 0 : i32
      %dma_start3A_71 = tpu.memref_slice %arg6[%dma_start3A_70] : memref<10240xf32, #tpu.memory_space<vmem_shared>> -> memref<10240xf32, #tpu.memory_space<vmem_shared>>
      tpu.enqueue_indirect_dma source(%arg8 : memref<128xf32, #tpu.memory_space<vmem>>) target(%dma_start3A_71 : memref<10240xf32, #tpu.memory_space<vmem_shared>>) offsets(%dma_start3A_69 : memref<128xi32, #tpu.memory_space<vmem>>) semaphore(%arg17 : memref<!tpu.dma_semaphore, #tpu.memory_space<semaphore_mem>>) {add = true}
      %dma_wait3A = arith.constant 0 : i32
      %dma_wait3A_72 = tpu.memref_slice %arg7[%add3A_18, %dma_wait3A] : memref<80x128xi32, #tpu.memory_space<vmem>> -> memref<1x128xi32, #tpu.memory_space<vmem>>
      %dma_wait3A_73 = tpu.memref_squeeze %dma_wait3A_72 : memref<1x128xi32, #tpu.memory_space<vmem>> -> memref<128xi32, #tpu.memory_space<vmem>>
      %dma_wait3A_74 = arith.constant 0 : i32
      %dma_wait3A_75 = tpu.memref_slice %arg6[%dma_wait3A_74] : memref<10240xf32, #tpu.memory_space<vmem_shared>> -> memref<10240xf32, #tpu.memory_space<vmem_shared>>
      tpu.wait_indirect_dma semaphore(%arg10 : memref<!tpu.dma_semaphore, #tpu.memory_space<semaphore_mem>>) src(%arg8 : memref<128xf32, #tpu.memory_space<vmem>>) dst(%dma_wait3A_75 : memref<10240xf32, #tpu.memory_space<vmem_shared>>)
      %dma_wait3A_76 = arith.constant 0 : i32
      %dma_wait3A_77 = tpu.memref_slice %arg7[%add3A_24, %dma_wait3A_76] : memref<80x128xi32, #tpu.memory_space<vmem>> -> memref<1x128xi32, #tpu.memory_space<vmem>>
      %dma_wait3A_78 = tpu.memref_squeeze %dma_wait3A_77 : memref<1x128xi32, #tpu.memory_space<vmem>> -> memref<128xi32, #tpu.memory_space<vmem>>
      %dma_wait3A_79 = arith.constant 0 : i32
      %dma_wait3A_80 = tpu.memref_slice %arg6[%dma_wait3A_79] : memref<10240xf32, #tpu.memory_space<vmem_shared>> -> memref<10240xf32, #tpu.memory_space<vmem_shared>>
      tpu.wait_indirect_dma semaphore(%arg11 : memref<!tpu.dma_semaphore, #tpu.memory_space<semaphore_mem>>) src(%arg8 : memref<128xf32, #tpu.memory_space<vmem>>) dst(%dma_wait3A_80 : memref<10240xf32, #tpu.memory_space<vmem_shared>>)
      %dma_wait3A_81 = arith.constant 0 : i32
      %dma_wait3A_82 = tpu.memref_slice %arg7[%add3A_31, %dma_wait3A_81] : memref<80x128xi32, #tpu.memory_space<vmem>> -> memref<1x128xi32, #tpu.memory_space<vmem>>
      %dma_wait3A_83 = tpu.memref_squeeze %dma_wait3A_82 : memref<1x128xi32, #tpu.memory_space<vmem>> -> memref<128xi32, #tpu.memory_space<vmem>>
      %dma_wait3A_84 = arith.constant 0 : i32
      %dma_wait3A_85 = tpu.memref_slice %arg6[%dma_wait3A_84] : memref<10240xf32, #tpu.memory_space<vmem_shared>> -> memref<10240xf32, #tpu.memory_space<vmem_shared>>
      tpu.wait_indirect_dma semaphore(%arg12 : memref<!tpu.dma_semaphore, #tpu.memory_space<semaphore_mem>>) src(%arg8 : memref<128xf32, #tpu.memory_space<vmem>>) dst(%dma_wait3A_85 : memref<10240xf32, #tpu.memory_space<vmem_shared>>)
      %dma_wait3A_86 = arith.constant 0 : i32
      %dma_wait3A_87 = tpu.memref_slice %arg7[%add3A_38, %dma_wait3A_86] : memref<80x128xi32, #tpu.memory_space<vmem>> -> memref<1x128xi32, #tpu.memory_space<vmem>>
      %dma_wait3A_88 = tpu.memref_squeeze %dma_wait3A_87 : memref<1x128xi32, #tpu.memory_space<vmem>> -> memref<128xi32, #tpu.memory_space<vmem>>
      %dma_wait3A_89 = arith.constant 0 : i32
      %dma_wait3A_90 = tpu.memref_slice %arg6[%dma_wait3A_89] : memref<10240xf32, #tpu.memory_space<vmem_shared>> -> memref<10240xf32, #tpu.memory_space<vmem_shared>>
      tpu.wait_indirect_dma semaphore(%arg13 : memref<!tpu.dma_semaphore, #tpu.memory_space<semaphore_mem>>) src(%arg8 : memref<128xf32, #tpu.memory_space<vmem>>) dst(%dma_wait3A_90 : memref<10240xf32, #tpu.memory_space<vmem_shared>>)
      %dma_wait3A_91 = arith.constant 0 : i32
      %dma_wait3A_92 = tpu.memref_slice %arg7[%add3A_45, %dma_wait3A_91] : memref<80x128xi32, #tpu.memory_space<vmem>> -> memref<1x128xi32, #tpu.memory_space<vmem>>
      %dma_wait3A_93 = tpu.memref_squeeze %dma_wait3A_92 : memref<1x128xi32, #tpu.memory_space<vmem>> -> memref<128xi32, #tpu.memory_space<vmem>>
      %dma_wait3A_94 = arith.constant 0 : i32
      %dma_wait3A_95 = tpu.memref_slice %arg6[%dma_wait3A_94] : memref<10240xf32, #tpu.memory_space<vmem_shared>> -> memref<10240xf32, #tpu.memory_space<vmem_shared>>
      tpu.wait_indirect_dma semaphore(%arg14 : memref<!tpu.dma_semaphore, #tpu.memory_space<semaphore_mem>>) src(%arg8 : memref<128xf32, #tpu.memory_space<vmem>>) dst(%dma_wait3A_95 : memref<10240xf32, #tpu.memory_space<vmem_shared>>)
      %dma_wait3A_96 = arith.constant 0 : i32
      %dma_wait3A_97 = tpu.memref_slice %arg7[%add3A_52, %dma_wait3A_96] : memref<80x128xi32, #tpu.memory_space<vmem>> -> memref<1x128xi32, #tpu.memory_space<vmem>>
      %dma_wait3A_98 = tpu.memref_squeeze %dma_wait3A_97 : memref<1x128xi32, #tpu.memory_space<vmem>> -> memref<128xi32, #tpu.memory_space<vmem>>
      %dma_wait3A_99 = arith.constant 0 : i32
      %dma_wait3A_100 = tpu.memref_slice %arg6[%dma_wait3A_99] : memref<10240xf32, #tpu.memory_space<vmem_shared>> -> memref<10240xf32, #tpu.memory_space<vmem_shared>>
      tpu.wait_indirect_dma semaphore(%arg15 : memref<!tpu.dma_semaphore, #tpu.memory_space<semaphore_mem>>) src(%arg8 : memref<128xf32, #tpu.memory_space<vmem>>) dst(%dma_wait3A_100 : memref<10240xf32, #tpu.memory_space<vmem_shared>>)
      %dma_wait3A_101 = arith.constant 0 : i32
      %dma_wait3A_102 = tpu.memref_slice %arg7[%add3A_59, %dma_wait3A_101] : memref<80x128xi32, #tpu.memory_space<vmem>> -> memref<1x128xi32, #tpu.memory_space<vmem>>
      %dma_wait3A_103 = tpu.memref_squeeze %dma_wait3A_102 : memref<1x128xi32, #tpu.memory_space<vmem>> -> memref<128xi32, #tpu.memory_space<vmem>>
      %dma_wait3A_104 = arith.constant 0 : i32
      %dma_wait3A_105 = tpu.memref_slice %arg6[%dma_wait3A_104] : memref<10240xf32, #tpu.memory_space<vmem_shared>> -> memref<10240xf32, #tpu.memory_space<vmem_shared>>
      tpu.wait_indirect_dma semaphore(%arg16 : memref<!tpu.dma_semaphore, #tpu.memory_space<semaphore_mem>>) src(%arg8 : memref<128xf32, #tpu.memory_space<vmem>>) dst(%dma_wait3A_105 : memref<10240xf32, #tpu.memory_space<vmem_shared>>)
      %dma_wait3A_106 = arith.constant 0 : i32
      %dma_wait3A_107 = tpu.memref_slice %arg7[%add3A_66, %dma_wait3A_106] : memref<80x128xi32, #tpu.memory_space<vmem>> -> memref<1x128xi32, #tpu.memory_space<vmem>>
      %dma_wait3A_108 = tpu.memref_squeeze %dma_wait3A_107 : memref<1x128xi32, #tpu.memory_space<vmem>> -> memref<128xi32, #tpu.memory_space<vmem>>
      %dma_wait3A_109 = arith.constant 0 : i32
      %dma_wait3A_110 = tpu.memref_slice %arg6[%dma_wait3A_109] : memref<10240xf32, #tpu.memory_space<vmem_shared>> -> memref<10240xf32, #tpu.memory_space<vmem_shared>>
      tpu.wait_indirect_dma semaphore(%arg17 : memref<!tpu.dma_semaphore, #tpu.memory_space<semaphore_mem>>) src(%arg8 : memref<128xf32, #tpu.memory_space<vmem>>) dst(%dma_wait3A_110 : memref<10240xf32, #tpu.memory_space<vmem_shared>>)
    }
    %scan3A_9 = arith.constant 10 : i32
    %barrier3A_10 = arith.constant 0 : index
    tpu.barrier barrier_id(%barrier3A_10)
    %mul3A_11 = arith.constant 10240 : i32
    %mul3A_12 = arith.muli %arg0, %mul3A_11 : i32
    %add3A_13 = arith.addi %mul3A_12, %mul3A_2 : i32
    "tpu.region"() ({
      %run_scoped3A = tpu.sem_alloc : memref<!tpu.dma_semaphore, #tpu.memory_space<semaphore_mem>>
      %dma_start3A = tpu.memref_slice %arg5[%add3A_13] : memref<20480xf32, #tpu.memory_space<hbm>> -> memref<640xf32, #tpu.memory_space<hbm>>
      %dma_start3A_14 = tpu.memref_slice %arg6[%mul3A_2] : memref<10240xf32, #tpu.memory_space<vmem_shared>> -> memref<640xf32, #tpu.memory_space<vmem_shared>>
      tpu.enqueue_dma source(%dma_start3A_14 : memref<640xf32, #tpu.memory_space<vmem_shared>>) target(%dma_start3A : memref<640xf32, #tpu.memory_space<hbm>>) target_semaphore(%run_scoped3A : memref<!tpu.dma_semaphore, #tpu.memory_space<semaphore_mem>>)
      %dma_wait3A = tpu.memref_slice %arg5[%add3A_13] : memref<20480xf32, #tpu.memory_space<hbm>> -> memref<640xf32, #tpu.memory_space<hbm>>
      %dma_wait3A_15 = tpu.memref_slice %arg6[%mul3A_2] : memref<10240xf32, #tpu.memory_space<vmem_shared>> -> memref<640xf32, #tpu.memory_space<vmem_shared>>
      tpu.wait_dma2 semaphore(%run_scoped3A : memref<!tpu.dma_semaphore, #tpu.memory_space<semaphore_mem>>) src(%dma_wait3A_15 : memref<640xf32, #tpu.memory_space<vmem_shared>>) dst(%dma_wait3A : memref<640xf32, #tpu.memory_space<hbm>>)
      tpu.yield
    }) : () -> ()
    return
  }
}

#map = affine_map<(d0, d1) -> (0, 0)>
#map1 = affine_map<(d0, d1) -> (0, 0, 0)>
module attributes {stable_mosaic.version = 14 : i64} {
  func.func @_scatter_body(%arg0: i32, %arg1: i32, %arg2: memref<10000x128xf32, #tpu.memory_space<hbm>>, %arg3: memref<2560x128xi32, #tpu.memory_space<hbm>>, %arg4: memref<2560x128xi32, #tpu.memory_space<hbm>>, %arg5: memref<128x128xf32, #tpu.memory_space<hbm>>, %arg6: memref<2x10240x128xf32, #tpu.memory_space<hbm>>, %arg7: memref<10240x128xf32, #tpu.memory_space<vmem_shared>>, %arg8: memref<40x128xi32, #tpu.memory_space<vmem>>, %arg9: memref<40x128xi32, #tpu.memory_space<vmem>>, %arg10: memref<2x128x128xf32, #tpu.memory_space<vmem>>, %arg11: memref<!tpu.dma_semaphore, #tpu.memory_space<semaphore_mem>>, %arg12: memref<!tpu.dma_semaphore, #tpu.memory_space<semaphore_mem>>, %arg13: memref<!tpu.dma_semaphore, #tpu.memory_space<semaphore_mem>>, %arg14: memref<!tpu.dma_semaphore, #tpu.memory_space<semaphore_mem>>) attributes {dimension_semantics = [#tpu.dimension_semantics<core_parallel>, #tpu.dimension_semantics<subcore_parallel>], iteration_bounds = array<i64: 2, 16>, scalar_prefetch = 0 : i64, scratch_operands = 8 : i64, tpu.core_type = #tpu.core_type<sc_vector_subcore>, window_params = [{transform_indices = #map}, {transform_indices = #map}, {transform_indices = #map}, {transform_indices = #map}, {transform_indices = #map1}]} {
    %mul3A = arith.constant 2 : i32
    %mul3A_0 = arith.muli %arg1, %mul3A : i32
    %add3A = arith.addi %mul3A_0, %arg0 : i32
    %mul3A_1 = arith.constant 640 : i32
    %mul3A_2 = arith.muli %arg1, %mul3A_1 : i32
    %mul3A_3 = arith.constant 80 : i32
    %mul3A_4 = arith.muli %add3A, %mul3A_3 : i32
    %run_scoped3A = arith.constant 0 : i32
    "tpu.region"() ({
      %run_scoped3A_214 = tpu.sem_alloc : memref<!tpu.dma_semaphore, #tpu.memory_space<semaphore_mem>>
      %dma_start3A_215 = arith.constant 0 : i32
      %dma_start3A_216 = arith.constant 0 : i32
      %dma_start3A_217 = tpu.memref_slice %arg10[%run_scoped3A, %dma_start3A_215, %dma_start3A_216] : memref<2x128x128xf32, #tpu.memory_space<vmem>> -> memref<1x128x128xf32, #tpu.memory_space<vmem>>
      %dma_start3A_218 = tpu.memref_squeeze %dma_start3A_217 : memref<1x128x128xf32, #tpu.memory_space<vmem>> -> memref<128x128xf32, #tpu.memory_space<vmem>>
      %dma_start3A_219 = arith.constant 0 : i32
      %dma_start3A_220 = arith.constant 0 : i32
      %dma_start3A_221 = tpu.memref_slice %arg10[%run_scoped3A, %dma_start3A_219, %dma_start3A_220] : memref<2x128x128xf32, #tpu.memory_space<vmem>> -> memref<1x128x128xf32, #tpu.memory_space<vmem>>
      %dma_start3A_222 = tpu.memref_squeeze %dma_start3A_221 : memref<1x128x128xf32, #tpu.memory_space<vmem>> -> memref<128x128xf32, #tpu.memory_space<vmem>>
      tpu.enqueue_dma source(%arg5 : memref<128x128xf32, #tpu.memory_space<hbm>>) target(%dma_start3A_222 : memref<128x128xf32, #tpu.memory_space<vmem>>) target_semaphore(%run_scoped3A_214 : memref<!tpu.dma_semaphore, #tpu.memory_space<semaphore_mem>>)
      %dma_wait3A_223 = arith.constant 0 : i32
      %dma_wait3A_224 = arith.constant 0 : i32
      %dma_wait3A_225 = tpu.memref_slice %arg10[%run_scoped3A, %dma_wait3A_223, %dma_wait3A_224] : memref<2x128x128xf32, #tpu.memory_space<vmem>> -> memref<1x128x128xf32, #tpu.memory_space<vmem>>
      %dma_wait3A_226 = tpu.memref_squeeze %dma_wait3A_225 : memref<1x128x128xf32, #tpu.memory_space<vmem>> -> memref<128x128xf32, #tpu.memory_space<vmem>>
      %dma_wait3A_227 = arith.constant 0 : i32
      %dma_wait3A_228 = arith.constant 0 : i32
      %dma_wait3A_229 = tpu.memref_slice %arg10[%run_scoped3A, %dma_wait3A_227, %dma_wait3A_228] : memref<2x128x128xf32, #tpu.memory_space<vmem>> -> memref<1x128x128xf32, #tpu.memory_space<vmem>>
      %dma_wait3A_230 = tpu.memref_squeeze %dma_wait3A_229 : memref<1x128x128xf32, #tpu.memory_space<vmem>> -> memref<128x128xf32, #tpu.memory_space<vmem>>
      tpu.wait_dma2 semaphore(%run_scoped3A_214 : memref<!tpu.dma_semaphore, #tpu.memory_space<semaphore_mem>>) src(%arg5 : memref<128x128xf32, #tpu.memory_space<hbm>>) dst(%dma_wait3A_230 : memref<128x128xf32, #tpu.memory_space<vmem>>)
      tpu.yield
    }) : () -> ()
    %add3A_5 = arith.constant 0 : i32
    %add3A_6 = arith.addi %mul3A_2, %add3A_5 : i32
    %dma_start3A = arith.constant 0 : i32
    %dma_start3A_7 = arith.constant 0 : i32
    %dma_start3A_8 = arith.constant 0 : i32
    %dma_start3A_9 = tpu.memref_slice %arg10[%dma_start3A, %dma_start3A_7, %dma_start3A_8] : memref<2x128x128xf32, #tpu.memory_space<vmem>> -> memref<1x128x128xf32, #tpu.memory_space<vmem>>
    %dma_start3A_10 = tpu.memref_squeeze %dma_start3A_9 : memref<1x128x128xf32, #tpu.memory_space<vmem>> -> memref<128x128xf32, #tpu.memory_space<vmem>>
    %dma_start3A_11 = arith.constant 0 : i32
    %dma_start3A_12 = tpu.memref_slice %arg7[%add3A_6, %dma_start3A_11] : memref<10240x128xf32, #tpu.memory_space<vmem_shared>> -> memref<128x128xf32, #tpu.memory_space<vmem_shared>>
    %dma_start3A_13 = arith.constant 0 : i32
    %dma_start3A_14 = tpu.memref_slice %arg7[%add3A_6, %dma_start3A_13] : memref<10240x128xf32, #tpu.memory_space<vmem_shared>> -> memref<128x128xf32, #tpu.memory_space<vmem_shared>>
    %dma_start3A_15 = arith.constant 0 : i32
    %dma_start3A_16 = arith.constant 0 : i32
    %dma_start3A_17 = tpu.memref_slice %arg10[%dma_start3A, %dma_start3A_15, %dma_start3A_16] : memref<2x128x128xf32, #tpu.memory_space<vmem>> -> memref<1x128x128xf32, #tpu.memory_space<vmem>>
    %dma_start3A_18 = tpu.memref_squeeze %dma_start3A_17 : memref<1x128x128xf32, #tpu.memory_space<vmem>> -> memref<128x128xf32, #tpu.memory_space<vmem>>
    tpu.enqueue_dma source(%dma_start3A_18 : memref<128x128xf32, #tpu.memory_space<vmem>>) target(%dma_start3A_14 : memref<128x128xf32, #tpu.memory_space<vmem_shared>>) target_semaphore(%arg13 : memref<!tpu.dma_semaphore, #tpu.memory_space<semaphore_mem>>)
    %add3A_19 = arith.constant 128 : i32
    %add3A_20 = arith.addi %mul3A_2, %add3A_19 : i32
    %dma_start3A_21 = arith.constant 0 : i32
    %dma_start3A_22 = arith.constant 0 : i32
    %dma_start3A_23 = arith.constant 0 : i32
    %dma_start3A_24 = tpu.memref_slice %arg10[%dma_start3A_21, %dma_start3A_22, %dma_start3A_23] : memref<2x128x128xf32, #tpu.memory_space<vmem>> -> memref<1x128x128xf32, #tpu.memory_space<vmem>>
    %dma_start3A_25 = tpu.memref_squeeze %dma_start3A_24 : memref<1x128x128xf32, #tpu.memory_space<vmem>> -> memref<128x128xf32, #tpu.memory_space<vmem>>
    %dma_start3A_26 = arith.constant 0 : i32
    %dma_start3A_27 = tpu.memref_slice %arg7[%add3A_20, %dma_start3A_26] : memref<10240x128xf32, #tpu.memory_space<vmem_shared>> -> memref<128x128xf32, #tpu.memory_space<vmem_shared>>
    %dma_start3A_28 = arith.constant 0 : i32
    %dma_start3A_29 = tpu.memref_slice %arg7[%add3A_20, %dma_start3A_28] : memref<10240x128xf32, #tpu.memory_space<vmem_shared>> -> memref<128x128xf32, #tpu.memory_space<vmem_shared>>
    %dma_start3A_30 = arith.constant 0 : i32
    %dma_start3A_31 = arith.constant 0 : i32
    %dma_start3A_32 = tpu.memref_slice %arg10[%dma_start3A_21, %dma_start3A_30, %dma_start3A_31] : memref<2x128x128xf32, #tpu.memory_space<vmem>> -> memref<1x128x128xf32, #tpu.memory_space<vmem>>
    %dma_start3A_33 = tpu.memref_squeeze %dma_start3A_32 : memref<1x128x128xf32, #tpu.memory_space<vmem>> -> memref<128x128xf32, #tpu.memory_space<vmem>>
    tpu.enqueue_dma source(%dma_start3A_33 : memref<128x128xf32, #tpu.memory_space<vmem>>) target(%dma_start3A_29 : memref<128x128xf32, #tpu.memory_space<vmem_shared>>) target_semaphore(%arg14 : memref<!tpu.dma_semaphore, #tpu.memory_space<semaphore_mem>>)
    %add3A_34 = arith.constant 256 : i32
    %add3A_35 = arith.addi %mul3A_2, %add3A_34 : i32
    %dma_start3A_36 = arith.constant 0 : i32
    %dma_start3A_37 = arith.constant 0 : i32
    %dma_start3A_38 = arith.constant 0 : i32
    %dma_start3A_39 = tpu.memref_slice %arg10[%dma_start3A_36, %dma_start3A_37, %dma_start3A_38] : memref<2x128x128xf32, #tpu.memory_space<vmem>> -> memref<1x128x128xf32, #tpu.memory_space<vmem>>
    %dma_start3A_40 = tpu.memref_squeeze %dma_start3A_39 : memref<1x128x128xf32, #tpu.memory_space<vmem>> -> memref<128x128xf32, #tpu.memory_space<vmem>>
    %dma_start3A_41 = arith.constant 0 : i32
    %dma_start3A_42 = tpu.memref_slice %arg7[%add3A_35, %dma_start3A_41] : memref<10240x128xf32, #tpu.memory_space<vmem_shared>> -> memref<128x128xf32, #tpu.memory_space<vmem_shared>>
    %dma_start3A_43 = arith.constant 0 : i32
    %dma_start3A_44 = tpu.memref_slice %arg7[%add3A_35, %dma_start3A_43] : memref<10240x128xf32, #tpu.memory_space<vmem_shared>> -> memref<128x128xf32, #tpu.memory_space<vmem_shared>>
    %dma_start3A_45 = arith.constant 0 : i32
    %dma_start3A_46 = arith.constant 0 : i32
    %dma_start3A_47 = tpu.memref_slice %arg10[%dma_start3A_36, %dma_start3A_45, %dma_start3A_46] : memref<2x128x128xf32, #tpu.memory_space<vmem>> -> memref<1x128x128xf32, #tpu.memory_space<vmem>>
    %dma_start3A_48 = tpu.memref_squeeze %dma_start3A_47 : memref<1x128x128xf32, #tpu.memory_space<vmem>> -> memref<128x128xf32, #tpu.memory_space<vmem>>
    tpu.enqueue_dma source(%dma_start3A_48 : memref<128x128xf32, #tpu.memory_space<vmem>>) target(%dma_start3A_44 : memref<128x128xf32, #tpu.memory_space<vmem_shared>>) target_semaphore(%arg13 : memref<!tpu.dma_semaphore, #tpu.memory_space<semaphore_mem>>)
    %add3A_49 = arith.constant 384 : i32
    %add3A_50 = arith.addi %mul3A_2, %add3A_49 : i32
    %dma_start3A_51 = arith.constant 0 : i32
    %dma_start3A_52 = arith.constant 0 : i32
    %dma_start3A_53 = arith.constant 0 : i32
    %dma_start3A_54 = tpu.memref_slice %arg10[%dma_start3A_51, %dma_start3A_52, %dma_start3A_53] : memref<2x128x128xf32, #tpu.memory_space<vmem>> -> memref<1x128x128xf32, #tpu.memory_space<vmem>>
    %dma_start3A_55 = tpu.memref_squeeze %dma_start3A_54 : memref<1x128x128xf32, #tpu.memory_space<vmem>> -> memref<128x128xf32, #tpu.memory_space<vmem>>
    %dma_start3A_56 = arith.constant 0 : i32
    %dma_start3A_57 = tpu.memref_slice %arg7[%add3A_50, %dma_start3A_56] : memref<10240x128xf32, #tpu.memory_space<vmem_shared>> -> memref<128x128xf32, #tpu.memory_space<vmem_shared>>
    %dma_start3A_58 = arith.constant 0 : i32
    %dma_start3A_59 = tpu.memref_slice %arg7[%add3A_50, %dma_start3A_58] : memref<10240x128xf32, #tpu.memory_space<vmem_shared>> -> memref<128x128xf32, #tpu.memory_space<vmem_shared>>
    %dma_start3A_60 = arith.constant 0 : i32
    %dma_start3A_61 = arith.constant 0 : i32
    %dma_start3A_62 = tpu.memref_slice %arg10[%dma_start3A_51, %dma_start3A_60, %dma_start3A_61] : memref<2x128x128xf32, #tpu.memory_space<vmem>> -> memref<1x128x128xf32, #tpu.memory_space<vmem>>
    %dma_start3A_63 = tpu.memref_squeeze %dma_start3A_62 : memref<1x128x128xf32, #tpu.memory_space<vmem>> -> memref<128x128xf32, #tpu.memory_space<vmem>>
    tpu.enqueue_dma source(%dma_start3A_63 : memref<128x128xf32, #tpu.memory_space<vmem>>) target(%dma_start3A_59 : memref<128x128xf32, #tpu.memory_space<vmem_shared>>) target_semaphore(%arg14 : memref<!tpu.dma_semaphore, #tpu.memory_space<semaphore_mem>>)
    %add3A_64 = arith.constant 512 : i32
    %add3A_65 = arith.addi %mul3A_2, %add3A_64 : i32
    %dma_start3A_66 = arith.constant 0 : i32
    %dma_start3A_67 = arith.constant 0 : i32
    %dma_start3A_68 = arith.constant 0 : i32
    %dma_start3A_69 = tpu.memref_slice %arg10[%dma_start3A_66, %dma_start3A_67, %dma_start3A_68] : memref<2x128x128xf32, #tpu.memory_space<vmem>> -> memref<1x128x128xf32, #tpu.memory_space<vmem>>
    %dma_start3A_70 = tpu.memref_squeeze %dma_start3A_69 : memref<1x128x128xf32, #tpu.memory_space<vmem>> -> memref<128x128xf32, #tpu.memory_space<vmem>>
    %dma_start3A_71 = arith.constant 0 : i32
    %dma_start3A_72 = tpu.memref_slice %arg7[%add3A_65, %dma_start3A_71] : memref<10240x128xf32, #tpu.memory_space<vmem_shared>> -> memref<128x128xf32, #tpu.memory_space<vmem_shared>>
    %dma_start3A_73 = arith.constant 0 : i32
    %dma_start3A_74 = tpu.memref_slice %arg7[%add3A_65, %dma_start3A_73] : memref<10240x128xf32, #tpu.memory_space<vmem_shared>> -> memref<128x128xf32, #tpu.memory_space<vmem_shared>>
    %dma_start3A_75 = arith.constant 0 : i32
    %dma_start3A_76 = arith.constant 0 : i32
    %dma_start3A_77 = tpu.memref_slice %arg10[%dma_start3A_66, %dma_start3A_75, %dma_start3A_76] : memref<2x128x128xf32, #tpu.memory_space<vmem>> -> memref<1x128x128xf32, #tpu.memory_space<vmem>>
    %dma_start3A_78 = tpu.memref_squeeze %dma_start3A_77 : memref<1x128x128xf32, #tpu.memory_space<vmem>> -> memref<128x128xf32, #tpu.memory_space<vmem>>
    tpu.enqueue_dma source(%dma_start3A_78 : memref<128x128xf32, #tpu.memory_space<vmem>>) target(%dma_start3A_74 : memref<128x128xf32, #tpu.memory_space<vmem_shared>>) target_semaphore(%arg13 : memref<!tpu.dma_semaphore, #tpu.memory_space<semaphore_mem>>)
    %dma_wait3A = arith.constant 0 : i32
    %dma_wait3A_79 = arith.constant 0 : i32
    %dma_wait3A_80 = arith.constant 0 : i32
    %dma_wait3A_81 = tpu.memref_slice %arg10[%dma_wait3A, %dma_wait3A_79, %dma_wait3A_80] : memref<2x128x128xf32, #tpu.memory_space<vmem>> -> memref<1x128x128xf32, #tpu.memory_space<vmem>>
    %dma_wait3A_82 = tpu.memref_squeeze %dma_wait3A_81 : memref<1x128x128xf32, #tpu.memory_space<vmem>> -> memref<128x128xf32, #tpu.memory_space<vmem>>
    %dma_wait3A_83 = arith.constant 0 : i32
    %dma_wait3A_84 = tpu.memref_slice %arg7[%add3A_6, %dma_wait3A_83] : memref<10240x128xf32, #tpu.memory_space<vmem_shared>> -> memref<128x128xf32, #tpu.memory_space<vmem_shared>>
    %dma_wait3A_85 = arith.constant 0 : i32
    %dma_wait3A_86 = tpu.memref_slice %arg7[%add3A_6, %dma_wait3A_85] : memref<10240x128xf32, #tpu.memory_space<vmem_shared>> -> memref<128x128xf32, #tpu.memory_space<vmem_shared>>
    %dma_wait3A_87 = arith.constant 0 : i32
    %dma_wait3A_88 = arith.constant 0 : i32
    %dma_wait3A_89 = tpu.memref_slice %arg10[%dma_wait3A, %dma_wait3A_87, %dma_wait3A_88] : memref<2x128x128xf32, #tpu.memory_space<vmem>> -> memref<1x128x128xf32, #tpu.memory_space<vmem>>
    %dma_wait3A_90 = tpu.memref_squeeze %dma_wait3A_89 : memref<1x128x128xf32, #tpu.memory_space<vmem>> -> memref<128x128xf32, #tpu.memory_space<vmem>>
    tpu.wait_dma2 semaphore(%arg13 : memref<!tpu.dma_semaphore, #tpu.memory_space<semaphore_mem>>) src(%dma_wait3A_90 : memref<128x128xf32, #tpu.memory_space<vmem>>) dst(%dma_wait3A_86 : memref<128x128xf32, #tpu.memory_space<vmem_shared>>)
    %dma_wait3A_91 = arith.constant 0 : i32
    %dma_wait3A_92 = arith.constant 0 : i32
    %dma_wait3A_93 = arith.constant 0 : i32
    %dma_wait3A_94 = tpu.memref_slice %arg10[%dma_wait3A_91, %dma_wait3A_92, %dma_wait3A_93] : memref<2x128x128xf32, #tpu.memory_space<vmem>> -> memref<1x128x128xf32, #tpu.memory_space<vmem>>
    %dma_wait3A_95 = tpu.memref_squeeze %dma_wait3A_94 : memref<1x128x128xf32, #tpu.memory_space<vmem>> -> memref<128x128xf32, #tpu.memory_space<vmem>>
    %dma_wait3A_96 = arith.constant 0 : i32
    %dma_wait3A_97 = tpu.memref_slice %arg7[%add3A_20, %dma_wait3A_96] : memref<10240x128xf32, #tpu.memory_space<vmem_shared>> -> memref<128x128xf32, #tpu.memory_space<vmem_shared>>
    %dma_wait3A_98 = arith.constant 0 : i32
    %dma_wait3A_99 = tpu.memref_slice %arg7[%add3A_20, %dma_wait3A_98] : memref<10240x128xf32, #tpu.memory_space<vmem_shared>> -> memref<128x128xf32, #tpu.memory_space<vmem_shared>>
    %dma_wait3A_100 = arith.constant 0 : i32
    %dma_wait3A_101 = arith.constant 0 : i32
    %dma_wait3A_102 = tpu.memref_slice %arg10[%dma_wait3A_91, %dma_wait3A_100, %dma_wait3A_101] : memref<2x128x128xf32, #tpu.memory_space<vmem>> -> memref<1x128x128xf32, #tpu.memory_space<vmem>>
    %dma_wait3A_103 = tpu.memref_squeeze %dma_wait3A_102 : memref<1x128x128xf32, #tpu.memory_space<vmem>> -> memref<128x128xf32, #tpu.memory_space<vmem>>
    tpu.wait_dma2 semaphore(%arg14 : memref<!tpu.dma_semaphore, #tpu.memory_space<semaphore_mem>>) src(%dma_wait3A_103 : memref<128x128xf32, #tpu.memory_space<vmem>>) dst(%dma_wait3A_99 : memref<128x128xf32, #tpu.memory_space<vmem_shared>>)
    %dma_wait3A_104 = arith.constant 0 : i32
    %dma_wait3A_105 = arith.constant 0 : i32
    %dma_wait3A_106 = arith.constant 0 : i32
    %dma_wait3A_107 = tpu.memref_slice %arg10[%dma_wait3A_104, %dma_wait3A_105, %dma_wait3A_106] : memref<2x128x128xf32, #tpu.memory_space<vmem>> -> memref<1x128x128xf32, #tpu.memory_space<vmem>>
    %dma_wait3A_108 = tpu.memref_squeeze %dma_wait3A_107 : memref<1x128x128xf32, #tpu.memory_space<vmem>> -> memref<128x128xf32, #tpu.memory_space<vmem>>
    %dma_wait3A_109 = arith.constant 0 : i32
    %dma_wait3A_110 = tpu.memref_slice %arg7[%add3A_35, %dma_wait3A_109] : memref<10240x128xf32, #tpu.memory_space<vmem_shared>> -> memref<128x128xf32, #tpu.memory_space<vmem_shared>>
    %dma_wait3A_111 = arith.constant 0 : i32
    %dma_wait3A_112 = tpu.memref_slice %arg7[%add3A_35, %dma_wait3A_111] : memref<10240x128xf32, #tpu.memory_space<vmem_shared>> -> memref<128x128xf32, #tpu.memory_space<vmem_shared>>
    %dma_wait3A_113 = arith.constant 0 : i32
    %dma_wait3A_114 = arith.constant 0 : i32
    %dma_wait3A_115 = tpu.memref_slice %arg10[%dma_wait3A_104, %dma_wait3A_113, %dma_wait3A_114] : memref<2x128x128xf32, #tpu.memory_space<vmem>> -> memref<1x128x128xf32, #tpu.memory_space<vmem>>
    %dma_wait3A_116 = tpu.memref_squeeze %dma_wait3A_115 : memref<1x128x128xf32, #tpu.memory_space<vmem>> -> memref<128x128xf32, #tpu.memory_space<vmem>>
    tpu.wait_dma2 semaphore(%arg13 : memref<!tpu.dma_semaphore, #tpu.memory_space<semaphore_mem>>) src(%dma_wait3A_116 : memref<128x128xf32, #tpu.memory_space<vmem>>) dst(%dma_wait3A_112 : memref<128x128xf32, #tpu.memory_space<vmem_shared>>)
    %dma_wait3A_117 = arith.constant 0 : i32
    %dma_wait3A_118 = arith.constant 0 : i32
    %dma_wait3A_119 = arith.constant 0 : i32
    %dma_wait3A_120 = tpu.memref_slice %arg10[%dma_wait3A_117, %dma_wait3A_118, %dma_wait3A_119] : memref<2x128x128xf32, #tpu.memory_space<vmem>> -> memref<1x128x128xf32, #tpu.memory_space<vmem>>
    %dma_wait3A_121 = tpu.memref_squeeze %dma_wait3A_120 : memref<1x128x128xf32, #tpu.memory_space<vmem>> -> memref<128x128xf32, #tpu.memory_space<vmem>>
    %dma_wait3A_122 = arith.constant 0 : i32
    %dma_wait3A_123 = tpu.memref_slice %arg7[%add3A_50, %dma_wait3A_122] : memref<10240x128xf32, #tpu.memory_space<vmem_shared>> -> memref<128x128xf32, #tpu.memory_space<vmem_shared>>
    %dma_wait3A_124 = arith.constant 0 : i32
    %dma_wait3A_125 = tpu.memref_slice %arg7[%add3A_50, %dma_wait3A_124] : memref<10240x128xf32, #tpu.memory_space<vmem_shared>> -> memref<128x128xf32, #tpu.memory_space<vmem_shared>>
    %dma_wait3A_126 = arith.constant 0 : i32
    %dma_wait3A_127 = arith.constant 0 : i32
    %dma_wait3A_128 = tpu.memref_slice %arg10[%dma_wait3A_117, %dma_wait3A_126, %dma_wait3A_127] : memref<2x128x128xf32, #tpu.memory_space<vmem>> -> memref<1x128x128xf32, #tpu.memory_space<vmem>>
    %dma_wait3A_129 = tpu.memref_squeeze %dma_wait3A_128 : memref<1x128x128xf32, #tpu.memory_space<vmem>> -> memref<128x128xf32, #tpu.memory_space<vmem>>
    tpu.wait_dma2 semaphore(%arg14 : memref<!tpu.dma_semaphore, #tpu.memory_space<semaphore_mem>>) src(%dma_wait3A_129 : memref<128x128xf32, #tpu.memory_space<vmem>>) dst(%dma_wait3A_125 : memref<128x128xf32, #tpu.memory_space<vmem_shared>>)
    %dma_wait3A_130 = arith.constant 0 : i32
    %dma_wait3A_131 = arith.constant 0 : i32
    %dma_wait3A_132 = arith.constant 0 : i32
    %dma_wait3A_133 = tpu.memref_slice %arg10[%dma_wait3A_130, %dma_wait3A_131, %dma_wait3A_132] : memref<2x128x128xf32, #tpu.memory_space<vmem>> -> memref<1x128x128xf32, #tpu.memory_space<vmem>>
    %dma_wait3A_134 = tpu.memref_squeeze %dma_wait3A_133 : memref<1x128x128xf32, #tpu.memory_space<vmem>> -> memref<128x128xf32, #tpu.memory_space<vmem>>
    %dma_wait3A_135 = arith.constant 0 : i32
    %dma_wait3A_136 = tpu.memref_slice %arg7[%add3A_65, %dma_wait3A_135] : memref<10240x128xf32, #tpu.memory_space<vmem_shared>> -> memref<128x128xf32, #tpu.memory_space<vmem_shared>>
    %dma_wait3A_137 = arith.constant 0 : i32
    %dma_wait3A_138 = tpu.memref_slice %arg7[%add3A_65, %dma_wait3A_137] : memref<10240x128xf32, #tpu.memory_space<vmem_shared>> -> memref<128x128xf32, #tpu.memory_space<vmem_shared>>
    %dma_wait3A_139 = arith.constant 0 : i32
    %dma_wait3A_140 = arith.constant 0 : i32
    %dma_wait3A_141 = tpu.memref_slice %arg10[%dma_wait3A_130, %dma_wait3A_139, %dma_wait3A_140] : memref<2x128x128xf32, #tpu.memory_space<vmem>> -> memref<1x128x128xf32, #tpu.memory_space<vmem>>
    %dma_wait3A_142 = tpu.memref_squeeze %dma_wait3A_141 : memref<1x128x128xf32, #tpu.memory_space<vmem>> -> memref<128x128xf32, #tpu.memory_space<vmem>>
    tpu.wait_dma2 semaphore(%arg13 : memref<!tpu.dma_semaphore, #tpu.memory_space<semaphore_mem>>) src(%dma_wait3A_142 : memref<128x128xf32, #tpu.memory_space<vmem>>) dst(%dma_wait3A_138 : memref<128x128xf32, #tpu.memory_space<vmem_shared>>)
    %barrier3A = arith.constant 0 : index
    tpu.barrier barrier_id(%barrier3A)
    %add3A_143 = arith.constant 0 : i32
    %add3A_144 = arith.addi %mul3A_4, %add3A_143 : i32
    "tpu.region"() ({
      %run_scoped3A_214 = tpu.sem_alloc : memref<!tpu.dma_semaphore, #tpu.memory_space<semaphore_mem>>
      %dma_start3A_215 = arith.constant 0 : i32
      %dma_start3A_216 = tpu.memref_slice %arg3[%add3A_144, %dma_start3A_215] : memref<2560x128xi32, #tpu.memory_space<hbm>> -> memref<40x128xi32, #tpu.memory_space<hbm>>
      %dma_start3A_217 = arith.constant 0 : i32
      %dma_start3A_218 = tpu.memref_slice %arg3[%add3A_144, %dma_start3A_217] : memref<2560x128xi32, #tpu.memory_space<hbm>> -> memref<40x128xi32, #tpu.memory_space<hbm>>
      tpu.enqueue_dma source(%dma_start3A_218 : memref<40x128xi32, #tpu.memory_space<hbm>>) target(%arg8 : memref<40x128xi32, #tpu.memory_space<vmem>>) target_semaphore(%run_scoped3A_214 : memref<!tpu.dma_semaphore, #tpu.memory_space<semaphore_mem>>)
      %dma_wait3A_219 = arith.constant 0 : i32
      %dma_wait3A_220 = tpu.memref_slice %arg3[%add3A_144, %dma_wait3A_219] : memref<2560x128xi32, #tpu.memory_space<hbm>> -> memref<40x128xi32, #tpu.memory_space<hbm>>
      %dma_wait3A_221 = arith.constant 0 : i32
      %dma_wait3A_222 = tpu.memref_slice %arg3[%add3A_144, %dma_wait3A_221] : memref<2560x128xi32, #tpu.memory_space<hbm>> -> memref<40x128xi32, #tpu.memory_space<hbm>>
      tpu.wait_dma2 semaphore(%run_scoped3A_214 : memref<!tpu.dma_semaphore, #tpu.memory_space<semaphore_mem>>) src(%dma_wait3A_222 : memref<40x128xi32, #tpu.memory_space<hbm>>) dst(%arg8 : memref<40x128xi32, #tpu.memory_space<vmem>>)
      tpu.yield
    }) : () -> ()
    %add3A_145 = arith.constant 0 : i32
    %add3A_146 = arith.addi %mul3A_4, %add3A_145 : i32
    "tpu.region"() ({
      %run_scoped3A_214 = tpu.sem_alloc : memref<!tpu.dma_semaphore, #tpu.memory_space<semaphore_mem>>
      %dma_start3A_215 = arith.constant 0 : i32
      %dma_start3A_216 = tpu.memref_slice %arg4[%add3A_146, %dma_start3A_215] : memref<2560x128xi32, #tpu.memory_space<hbm>> -> memref<40x128xi32, #tpu.memory_space<hbm>>
      %dma_start3A_217 = arith.constant 0 : i32
      %dma_start3A_218 = tpu.memref_slice %arg4[%add3A_146, %dma_start3A_217] : memref<2560x128xi32, #tpu.memory_space<hbm>> -> memref<40x128xi32, #tpu.memory_space<hbm>>
      tpu.enqueue_dma source(%dma_start3A_218 : memref<40x128xi32, #tpu.memory_space<hbm>>) target(%arg9 : memref<40x128xi32, #tpu.memory_space<vmem>>) target_semaphore(%run_scoped3A_214 : memref<!tpu.dma_semaphore, #tpu.memory_space<semaphore_mem>>)
      %dma_wait3A_219 = arith.constant 0 : i32
      %dma_wait3A_220 = tpu.memref_slice %arg4[%add3A_146, %dma_wait3A_219] : memref<2560x128xi32, #tpu.memory_space<hbm>> -> memref<40x128xi32, #tpu.memory_space<hbm>>
      %dma_wait3A_221 = arith.constant 0 : i32
      %dma_wait3A_222 = tpu.memref_slice %arg4[%add3A_146, %dma_wait3A_221] : memref<2560x128xi32, #tpu.memory_space<hbm>> -> memref<40x128xi32, #tpu.memory_space<hbm>>
      tpu.wait_dma2 semaphore(%run_scoped3A_214 : memref<!tpu.dma_semaphore, #tpu.memory_space<semaphore_mem>>) src(%dma_wait3A_222 : memref<40x128xi32, #tpu.memory_space<hbm>>) dst(%arg9 : memref<40x128xi32, #tpu.memory_space<vmem>>)
      tpu.yield
    }) : () -> ()
    %min3A = arith.constant 0 : i32
    %min3A_147 = arith.constant 39 : i32
    %min3A_148 = arith.minsi %min3A, %min3A_147 : i32
    %dma_start3A_149 = arith.constant 0 : i32
    %dma_start3A_150 = arith.constant 0 : i32
    %dma_start3A_151 = arith.constant 0 : i32
    %dma_start3A_152 = tpu.memref_slice %arg10[%dma_start3A_149, %dma_start3A_150, %dma_start3A_151] : memref<2x128x128xf32, #tpu.memory_space<vmem>> -> memref<1x128x128xf32, #tpu.memory_space<vmem>>
    %dma_start3A_153 = tpu.memref_squeeze %dma_start3A_152 : memref<1x128x128xf32, #tpu.memory_space<vmem>> -> memref<128x128xf32, #tpu.memory_space<vmem>>
    %dma_start3A_154 = arith.constant 0 : i32
    %dma_start3A_155 = tpu.memref_slice %arg8[%min3A_148, %dma_start3A_154] : memref<40x128xi32, #tpu.memory_space<vmem>> -> memref<1x128xi32, #tpu.memory_space<vmem>>
    %dma_start3A_156 = tpu.memref_squeeze %dma_start3A_155 : memref<1x128xi32, #tpu.memory_space<vmem>> -> memref<128xi32, #tpu.memory_space<vmem>>
    %dma_start3A_157 = arith.constant 0 : i32
    %dma_start3A_158 = arith.constant 0 : i32
    %dma_start3A_159 = tpu.memref_slice %arg2[%dma_start3A_157, %dma_start3A_158] : memref<10000x128xf32, #tpu.memory_space<hbm>> -> memref<10000x128xf32, #tpu.memory_space<hbm>>
    tpu.enqueue_indirect_dma source(%dma_start3A_159 : memref<10000x128xf32, #tpu.memory_space<hbm>>) target(%dma_start3A_153 : memref<128x128xf32, #tpu.memory_space<vmem>>) offsets(%dma_start3A_156 : memref<128xi32, #tpu.memory_space<vmem>>) semaphore(%arg11 : memref<!tpu.dma_semaphore, #tpu.memory_space<semaphore_mem>>)
    %scan3A = arith.constant 0 : i32
    %scan3A_160 = arith.constant 0 : i32
    %scan3A_161 = arith.constant 20 : i32
    %scan3A_162 = arith.addi %scan3A_160, %scan3A_161 : i32
    %scan3A_163 = arith.constant 1 : i32
    scf.for %scan3A_214 = %scan3A_160 to %scan3A_162 step %scan3A_163  : i32 {
      %mul3A_215 = arith.constant 2 : i32
      %mul3A_216 = arith.muli %mul3A_215, %scan3A_214 : i32
      %add3A_217 = arith.constant 1 : i32
      %add3A_218 = arith.addi %mul3A_216, %add3A_217 : i32
      %min3A_219 = arith.constant 39 : i32
      %min3A_220 = arith.minsi %add3A_218, %min3A_219 : i32
      %dma_start3A_221 = arith.constant 1 : i32
      %dma_start3A_222 = arith.constant 0 : i32
      %dma_start3A_223 = arith.constant 0 : i32
      %dma_start3A_224 = tpu.memref_slice %arg10[%dma_start3A_221, %dma_start3A_222, %dma_start3A_223] : memref<2x128x128xf32, #tpu.memory_space<vmem>> -> memref<1x128x128xf32, #tpu.memory_space<vmem>>
      %dma_start3A_225 = tpu.memref_squeeze %dma_start3A_224 : memref<1x128x128xf32, #tpu.memory_space<vmem>> -> memref<128x128xf32, #tpu.memory_space<vmem>>
      %dma_start3A_226 = arith.constant 0 : i32
      %dma_start3A_227 = tpu.memref_slice %arg8[%min3A_220, %dma_start3A_226] : memref<40x128xi32, #tpu.memory_space<vmem>> -> memref<1x128xi32, #tpu.memory_space<vmem>>
      %dma_start3A_228 = tpu.memref_squeeze %dma_start3A_227 : memref<1x128xi32, #tpu.memory_space<vmem>> -> memref<128xi32, #tpu.memory_space<vmem>>
      %dma_start3A_229 = arith.constant 0 : i32
      %dma_start3A_230 = arith.constant 0 : i32
      %dma_start3A_231 = tpu.memref_slice %arg2[%dma_start3A_229, %dma_start3A_230] : memref<10000x128xf32, #tpu.memory_space<hbm>> -> memref<10000x128xf32, #tpu.memory_space<hbm>>
      tpu.enqueue_indirect_dma source(%dma_start3A_231 : memref<10000x128xf32, #tpu.memory_space<hbm>>) target(%dma_start3A_225 : memref<128x128xf32, #tpu.memory_space<vmem>>) offsets(%dma_start3A_228 : memref<128xi32, #tpu.memory_space<vmem>>) semaphore(%arg12 : memref<!tpu.dma_semaphore, #tpu.memory_space<semaphore_mem>>)
      %dma_wait3A_232 = arith.constant 0 : i32
      %dma_wait3A_233 = arith.constant 0 : i32
      %dma_wait3A_234 = arith.constant 0 : i32
      %dma_wait3A_235 = arith.constant 0 : i32
      %dma_wait3A_236 = tpu.memref_slice %arg10[%dma_wait3A_233, %dma_wait3A_234, %dma_wait3A_235] : memref<2x128x128xf32, #tpu.memory_space<vmem>> -> memref<1x128x128xf32, #tpu.memory_space<vmem>>
      %dma_wait3A_237 = tpu.memref_squeeze %dma_wait3A_236 : memref<1x128x128xf32, #tpu.memory_space<vmem>> -> memref<128x128xf32, #tpu.memory_space<vmem>>
      %dma_wait3A_238 = arith.constant 0 : i32
      %dma_wait3A_239 = tpu.memref_slice %arg8[%dma_wait3A_232, %dma_wait3A_238] : memref<40x128xi32, #tpu.memory_space<vmem>> -> memref<1x128xi32, #tpu.memory_space<vmem>>
      %dma_wait3A_240 = tpu.memref_squeeze %dma_wait3A_239 : memref<1x128xi32, #tpu.memory_space<vmem>> -> memref<128xi32, #tpu.memory_space<vmem>>
      %dma_wait3A_241 = arith.constant 0 : i32
      %dma_wait3A_242 = arith.constant 0 : i32
      %dma_wait3A_243 = tpu.memref_slice %arg2[%dma_wait3A_241, %dma_wait3A_242] : memref<10000x128xf32, #tpu.memory_space<hbm>> -> memref<10000x128xf32, #tpu.memory_space<hbm>>
      tpu.wait_indirect_dma semaphore(%arg11 : memref<!tpu.dma_semaphore, #tpu.memory_space<semaphore_mem>>) src(%dma_wait3A_243 : memref<10000x128xf32, #tpu.memory_space<hbm>>) dst(%dma_wait3A_237 : memref<128x128xf32, #tpu.memory_space<vmem>>)
      %run_scoped3A_244 = arith.constant 0 : i32
      "tpu.region"() ({
        %run_scoped3A_275 = tpu.sem_alloc : memref<!tpu.dma_semaphore, #tpu.memory_space<semaphore_mem>>
        %dma_start3A_276 = arith.constant 0 : i32
        %dma_start3A_277 = arith.constant 0 : i32
        %dma_start3A_278 = tpu.memref_slice %arg10[%run_scoped3A_244, %dma_start3A_276, %dma_start3A_277] : memref<2x128x128xf32, #tpu.memory_space<vmem>> -> memref<1x128x128xf32, #tpu.memory_space<vmem>>
        %dma_start3A_279 = tpu.memref_squeeze %dma_start3A_278 : memref<1x128x128xf32, #tpu.memory_space<vmem>> -> memref<128x128xf32, #tpu.memory_space<vmem>>
        %dma_start3A_280 = arith.constant 0 : i32
        %dma_start3A_281 = tpu.memref_slice %arg9[%mul3A_216, %dma_start3A_280] : memref<40x128xi32, #tpu.memory_space<vmem>> -> memref<1x128xi32, #tpu.memory_space<vmem>>
        %dma_start3A_282 = tpu.memref_squeeze %dma_start3A_281 : memref<1x128xi32, #tpu.memory_space<vmem>> -> memref<128xi32, #tpu.memory_space<vmem>>
        %dma_start3A_283 = arith.constant 0 : i32
        %dma_start3A_284 = arith.constant 0 : i32
        %dma_start3A_285 = tpu.memref_slice %arg7[%dma_start3A_283, %dma_start3A_284] : memref<10240x128xf32, #tpu.memory_space<vmem_shared>> -> memref<10240x128xf32, #tpu.memory_space<vmem_shared>>
        tpu.enqueue_indirect_dma source(%dma_start3A_279 : memref<128x128xf32, #tpu.memory_space<vmem>>) target(%dma_start3A_285 : memref<10240x128xf32, #tpu.memory_space<vmem_shared>>) offsets(%dma_start3A_282 : memref<128xi32, #tpu.memory_space<vmem>>) semaphore(%run_scoped3A_275 : memref<!tpu.dma_semaphore, #tpu.memory_space<semaphore_mem>>) {add = true}
        %dma_wait3A_286 = arith.constant 0 : i32
        %dma_wait3A_287 = arith.constant 0 : i32
        %dma_wait3A_288 = tpu.memref_slice %arg10[%run_scoped3A_244, %dma_wait3A_286, %dma_wait3A_287] : memref<2x128x128xf32, #tpu.memory_space<vmem>> -> memref<1x128x128xf32, #tpu.memory_space<vmem>>
        %dma_wait3A_289 = tpu.memref_squeeze %dma_wait3A_288 : memref<1x128x128xf32, #tpu.memory_space<vmem>> -> memref<128x128xf32, #tpu.memory_space<vmem>>
        %dma_wait3A_290 = arith.constant 0 : i32
        %dma_wait3A_291 = tpu.memref_slice %arg9[%mul3A_216, %dma_wait3A_290] : memref<40x128xi32, #tpu.memory_space<vmem>> -> memref<1x128xi32, #tpu.memory_space<vmem>>
        %dma_wait3A_292 = tpu.memref_squeeze %dma_wait3A_291 : memref<1x128xi32, #tpu.memory_space<vmem>> -> memref<128xi32, #tpu.memory_space<vmem>>
        %dma_wait3A_293 = arith.constant 0 : i32
        %dma_wait3A_294 = arith.constant 0 : i32
        %dma_wait3A_295 = tpu.memref_slice %arg7[%dma_wait3A_293, %dma_wait3A_294] : memref<10240x128xf32, #tpu.memory_space<vmem_shared>> -> memref<10240x128xf32, #tpu.memory_space<vmem_shared>>
        tpu.wait_indirect_dma semaphore(%run_scoped3A_275 : memref<!tpu.dma_semaphore, #tpu.memory_space<semaphore_mem>>) src(%dma_wait3A_289 : memref<128x128xf32, #tpu.memory_space<vmem>>) dst(%dma_wait3A_295 : memref<10240x128xf32, #tpu.memory_space<vmem_shared>>)
        tpu.yield
      }) : () -> ()
      %add3A_245 = arith.constant 2 : i32
      %add3A_246 = arith.addi %mul3A_216, %add3A_245 : i32
      %min3A_247 = arith.constant 39 : i32
      %min3A_248 = arith.minsi %add3A_246, %min3A_247 : i32
      %dma_start3A_249 = arith.constant 0 : i32
      %dma_start3A_250 = arith.constant 0 : i32
      %dma_start3A_251 = arith.constant 0 : i32
      %dma_start3A_252 = tpu.memref_slice %arg10[%dma_start3A_249, %dma_start3A_250, %dma_start3A_251] : memref<2x128x128xf32, #tpu.memory_space<vmem>> -> memref<1x128x128xf32, #tpu.memory_space<vmem>>
      %dma_start3A_253 = tpu.memref_squeeze %dma_start3A_252 : memref<1x128x128xf32, #tpu.memory_space<vmem>> -> memref<128x128xf32, #tpu.memory_space<vmem>>
      %dma_start3A_254 = arith.constant 0 : i32
      %dma_start3A_255 = tpu.memref_slice %arg8[%min3A_248, %dma_start3A_254] : memref<40x128xi32, #tpu.memory_space<vmem>> -> memref<1x128xi32, #tpu.memory_space<vmem>>
      %dma_start3A_256 = tpu.memref_squeeze %dma_start3A_255 : memref<1x128xi32, #tpu.memory_space<vmem>> -> memref<128xi32, #tpu.memory_space<vmem>>
      %dma_start3A_257 = arith.constant 0 : i32
      %dma_start3A_258 = arith.constant 0 : i32
      %dma_start3A_259 = tpu.memref_slice %arg2[%dma_start3A_257, %dma_start3A_258] : memref<10000x128xf32, #tpu.memory_space<hbm>> -> memref<10000x128xf32, #tpu.memory_space<hbm>>
      tpu.enqueue_indirect_dma source(%dma_start3A_259 : memref<10000x128xf32, #tpu.memory_space<hbm>>) target(%dma_start3A_253 : memref<128x128xf32, #tpu.memory_space<vmem>>) offsets(%dma_start3A_256 : memref<128xi32, #tpu.memory_space<vmem>>) semaphore(%arg11 : memref<!tpu.dma_semaphore, #tpu.memory_space<semaphore_mem>>)
      %dma_wait3A_260 = arith.constant 0 : i32
      %dma_wait3A_261 = arith.constant 1 : i32
      %dma_wait3A_262 = arith.constant 0 : i32
      %dma_wait3A_263 = arith.constant 0 : i32
      %dma_wait3A_264 = tpu.memref_slice %arg10[%dma_wait3A_261, %dma_wait3A_262, %dma_wait3A_263] : memref<2x128x128xf32, #tpu.memory_space<vmem>> -> memref<1x128x128xf32, #tpu.memory_space<vmem>>
      %dma_wait3A_265 = tpu.memref_squeeze %dma_wait3A_264 : memref<1x128x128xf32, #tpu.memory_space<vmem>> -> memref<128x128xf32, #tpu.memory_space<vmem>>
      %dma_wait3A_266 = arith.constant 0 : i32
      %dma_wait3A_267 = tpu.memref_slice %arg8[%dma_wait3A_260, %dma_wait3A_266] : memref<40x128xi32, #tpu.memory_space<vmem>> -> memref<1x128xi32, #tpu.memory_space<vmem>>
      %dma_wait3A_268 = tpu.memref_squeeze %dma_wait3A_267 : memref<1x128xi32, #tpu.memory_space<vmem>> -> memref<128xi32, #tpu.memory_space<vmem>>
      %dma_wait3A_269 = arith.constant 0 : i32
      %dma_wait3A_270 = arith.constant 0 : i32
      %dma_wait3A_271 = tpu.memref_slice %arg2[%dma_wait3A_269, %dma_wait3A_270] : memref<10000x128xf32, #tpu.memory_space<hbm>> -> memref<10000x128xf32, #tpu.memory_space<hbm>>
      tpu.wait_indirect_dma semaphore(%arg12 : memref<!tpu.dma_semaphore, #tpu.memory_space<semaphore_mem>>) src(%dma_wait3A_271 : memref<10000x128xf32, #tpu.memory_space<hbm>>) dst(%dma_wait3A_265 : memref<128x128xf32, #tpu.memory_space<vmem>>)
      %add3A_272 = arith.constant 1 : i32
      %add3A_273 = arith.addi %mul3A_216, %add3A_272 : i32
      %run_scoped3A_274 = arith.constant 1 : i32
      "tpu.region"() ({
        %run_scoped3A_275 = tpu.sem_alloc : memref<!tpu.dma_semaphore, #tpu.memory_space<semaphore_mem>>
        %dma_start3A_276 = arith.constant 0 : i32
        %dma_start3A_277 = arith.constant 0 : i32
        %dma_start3A_278 = tpu.memref_slice %arg10[%run_scoped3A_274, %dma_start3A_276, %dma_start3A_277] : memref<2x128x128xf32, #tpu.memory_space<vmem>> -> memref<1x128x128xf32, #tpu.memory_space<vmem>>
        %dma_start3A_279 = tpu.memref_squeeze %dma_start3A_278 : memref<1x128x128xf32, #tpu.memory_space<vmem>> -> memref<128x128xf32, #tpu.memory_space<vmem>>
        %dma_start3A_280 = arith.constant 0 : i32
        %dma_start3A_281 = tpu.memref_slice %arg9[%add3A_273, %dma_start3A_280] : memref<40x128xi32, #tpu.memory_space<vmem>> -> memref<1x128xi32, #tpu.memory_space<vmem>>
        %dma_start3A_282 = tpu.memref_squeeze %dma_start3A_281 : memref<1x128xi32, #tpu.memory_space<vmem>> -> memref<128xi32, #tpu.memory_space<vmem>>
        %dma_start3A_283 = arith.constant 0 : i32
        %dma_start3A_284 = arith.constant 0 : i32
        %dma_start3A_285 = tpu.memref_slice %arg7[%dma_start3A_283, %dma_start3A_284] : memref<10240x128xf32, #tpu.memory_space<vmem_shared>> -> memref<10240x128xf32, #tpu.memory_space<vmem_shared>>
        tpu.enqueue_indirect_dma source(%dma_start3A_279 : memref<128x128xf32, #tpu.memory_space<vmem>>) target(%dma_start3A_285 : memref<10240x128xf32, #tpu.memory_space<vmem_shared>>) offsets(%dma_start3A_282 : memref<128xi32, #tpu.memory_space<vmem>>) semaphore(%run_scoped3A_275 : memref<!tpu.dma_semaphore, #tpu.memory_space<semaphore_mem>>) {add = true}
        %dma_wait3A_286 = arith.constant 0 : i32
        %dma_wait3A_287 = arith.constant 0 : i32
        %dma_wait3A_288 = tpu.memref_slice %arg10[%run_scoped3A_274, %dma_wait3A_286, %dma_wait3A_287] : memref<2x128x128xf32, #tpu.memory_space<vmem>> -> memref<1x128x128xf32, #tpu.memory_space<vmem>>
        %dma_wait3A_289 = tpu.memref_squeeze %dma_wait3A_288 : memref<1x128x128xf32, #tpu.memory_space<vmem>> -> memref<128x128xf32, #tpu.memory_space<vmem>>
        %dma_wait3A_290 = arith.constant 0 : i32
        %dma_wait3A_291 = tpu.memref_slice %arg9[%add3A_273, %dma_wait3A_290] : memref<40x128xi32, #tpu.memory_space<vmem>> -> memref<1x128xi32, #tpu.memory_space<vmem>>
        %dma_wait3A_292 = tpu.memref_squeeze %dma_wait3A_291 : memref<1x128xi32, #tpu.memory_space<vmem>> -> memref<128xi32, #tpu.memory_space<vmem>>
        %dma_wait3A_293 = arith.constant 0 : i32
        %dma_wait3A_294 = arith.constant 0 : i32
        %dma_wait3A_295 = tpu.memref_slice %arg7[%dma_wait3A_293, %dma_wait3A_294] : memref<10240x128xf32, #tpu.memory_space<vmem_shared>> -> memref<10240x128xf32, #tpu.memory_space<vmem_shared>>
        tpu.wait_indirect_dma semaphore(%run_scoped3A_275 : memref<!tpu.dma_semaphore, #tpu.memory_space<semaphore_mem>>) src(%dma_wait3A_289 : memref<128x128xf32, #tpu.memory_space<vmem>>) dst(%dma_wait3A_295 : memref<10240x128xf32, #tpu.memory_space<vmem_shared>>)
        tpu.yield
      }) : () -> ()
    }
    %scan3A_164 = arith.constant 20 : i32
    %dma_wait3A_165 = arith.constant 0 : i32
    %dma_wait3A_166 = arith.constant 0 : i32
    %dma_wait3A_167 = arith.constant 0 : i32
    %dma_wait3A_168 = arith.constant 0 : i32
    %dma_wait3A_169 = tpu.memref_slice %arg10[%dma_wait3A_166, %dma_wait3A_167, %dma_wait3A_168] : memref<2x128x128xf32, #tpu.memory_space<vmem>> -> memref<1x128x128xf32, #tpu.memory_space<vmem>>
    %dma_wait3A_170 = tpu.memref_squeeze %dma_wait3A_169 : memref<1x128x128xf32, #tpu.memory_space<vmem>> -> memref<128x128xf32, #tpu.memory_space<vmem>>
    %dma_wait3A_171 = arith.constant 0 : i32
    %dma_wait3A_172 = tpu.memref_slice %arg8[%dma_wait3A_165, %dma_wait3A_171] : memref<40x128xi32, #tpu.memory_space<vmem>> -> memref<1x128xi32, #tpu.memory_space<vmem>>
    %dma_wait3A_173 = tpu.memref_squeeze %dma_wait3A_172 : memref<1x128xi32, #tpu.memory_space<vmem>> -> memref<128xi32, #tpu.memory_space<vmem>>
    %dma_wait3A_174 = arith.constant 0 : i32
    %dma_wait3A_175 = arith.constant 0 : i32
    %dma_wait3A_176 = tpu.memref_slice %arg2[%dma_wait3A_174, %dma_wait3A_175] : memref<10000x128xf32, #tpu.memory_space<hbm>> -> memref<10000x128xf32, #tpu.memory_space<hbm>>
    tpu.wait_indirect_dma semaphore(%arg11 : memref<!tpu.dma_semaphore, #tpu.memory_space<semaphore_mem>>) src(%dma_wait3A_176 : memref<10000x128xf32, #tpu.memory_space<hbm>>) dst(%dma_wait3A_170 : memref<128x128xf32, #tpu.memory_space<vmem>>)
    %add3A_177 = arith.constant 40 : i32
    %add3A_178 = arith.addi %mul3A_4, %add3A_177 : i32
    "tpu.region"() ({
      %run_scoped3A_214 = tpu.sem_alloc : memref<!tpu.dma_semaphore, #tpu.memory_space<semaphore_mem>>
      %dma_start3A_215 = arith.constant 0 : i32
      %dma_start3A_216 = tpu.memref_slice %arg3[%add3A_178, %dma_start3A_215] : memref<2560x128xi32, #tpu.memory_space<hbm>> -> memref<40x128xi32, #tpu.memory_space<hbm>>
      %dma_start3A_217 = arith.constant 0 : i32
      %dma_start3A_218 = tpu.memref_slice %arg3[%add3A_178, %dma_start3A_217] : memref<2560x128xi32, #tpu.memory_space<hbm>> -> memref<40x128xi32, #tpu.memory_space<hbm>>
      tpu.enqueue_dma source(%dma_start3A_218 : memref<40x128xi32, #tpu.memory_space<hbm>>) target(%arg8 : memref<40x128xi32, #tpu.memory_space<vmem>>) target_semaphore(%run_scoped3A_214 : memref<!tpu.dma_semaphore, #tpu.memory_space<semaphore_mem>>)
      %dma_wait3A_219 = arith.constant 0 : i32
      %dma_wait3A_220 = tpu.memref_slice %arg3[%add3A_178, %dma_wait3A_219] : memref<2560x128xi32, #tpu.memory_space<hbm>> -> memref<40x128xi32, #tpu.memory_space<hbm>>
      %dma_wait3A_221 = arith.constant 0 : i32
      %dma_wait3A_222 = tpu.memref_slice %arg3[%add3A_178, %dma_wait3A_221] : memref<2560x128xi32, #tpu.memory_space<hbm>> -> memref<40x128xi32, #tpu.memory_space<hbm>>
      tpu.wait_dma2 semaphore(%run_scoped3A_214 : memref<!tpu.dma_semaphore, #tpu.memory_space<semaphore_mem>>) src(%dma_wait3A_222 : memref<40x128xi32, #tpu.memory_space<hbm>>) dst(%arg8 : memref<40x128xi32, #tpu.memory_space<vmem>>)
      tpu.yield
    }) : () -> ()
    %add3A_179 = arith.constant 40 : i32
    %add3A_180 = arith.addi %mul3A_4, %add3A_179 : i32
    "tpu.region"() ({
      %run_scoped3A_214 = tpu.sem_alloc : memref<!tpu.dma_semaphore, #tpu.memory_space<semaphore_mem>>
      %dma_start3A_215 = arith.constant 0 : i32
      %dma_start3A_216 = tpu.memref_slice %arg4[%add3A_180, %dma_start3A_215] : memref<2560x128xi32, #tpu.memory_space<hbm>> -> memref<40x128xi32, #tpu.memory_space<hbm>>
      %dma_start3A_217 = arith.constant 0 : i32
      %dma_start3A_218 = tpu.memref_slice %arg4[%add3A_180, %dma_start3A_217] : memref<2560x128xi32, #tpu.memory_space<hbm>> -> memref<40x128xi32, #tpu.memory_space<hbm>>
      tpu.enqueue_dma source(%dma_start3A_218 : memref<40x128xi32, #tpu.memory_space<hbm>>) target(%arg9 : memref<40x128xi32, #tpu.memory_space<vmem>>) target_semaphore(%run_scoped3A_214 : memref<!tpu.dma_semaphore, #tpu.memory_space<semaphore_mem>>)
      %dma_wait3A_219 = arith.constant 0 : i32
      %dma_wait3A_220 = tpu.memref_slice %arg4[%add3A_180, %dma_wait3A_219] : memref<2560x128xi32, #tpu.memory_space<hbm>> -> memref<40x128xi32, #tpu.memory_space<hbm>>
      %dma_wait3A_221 = arith.constant 0 : i32
      %dma_wait3A_222 = tpu.memref_slice %arg4[%add3A_180, %dma_wait3A_221] : memref<2560x128xi32, #tpu.memory_space<hbm>> -> memref<40x128xi32, #tpu.memory_space<hbm>>
      tpu.wait_dma2 semaphore(%run_scoped3A_214 : memref<!tpu.dma_semaphore, #tpu.memory_space<semaphore_mem>>) src(%dma_wait3A_222 : memref<40x128xi32, #tpu.memory_space<hbm>>) dst(%arg9 : memref<40x128xi32, #tpu.memory_space<vmem>>)
      tpu.yield
    }) : () -> ()
    %min3A_181 = arith.constant 0 : i32
    %min3A_182 = arith.constant 39 : i32
    %min3A_183 = arith.minsi %min3A_181, %min3A_182 : i32
    %dma_start3A_184 = arith.constant 0 : i32
    %dma_start3A_185 = arith.constant 0 : i32
    %dma_start3A_186 = arith.constant 0 : i32
    %dma_start3A_187 = tpu.memref_slice %arg10[%dma_start3A_184, %dma_start3A_185, %dma_start3A_186] : memref<2x128x128xf32, #tpu.memory_space<vmem>> -> memref<1x128x128xf32, #tpu.memory_space<vmem>>
    %dma_start3A_188 = tpu.memref_squeeze %dma_start3A_187 : memref<1x128x128xf32, #tpu.memory_space<vmem>> -> memref<128x128xf32, #tpu.memory_space<vmem>>
    %dma_start3A_189 = arith.constant 0 : i32
    %dma_start3A_190 = tpu.memref_slice %arg8[%min3A_183, %dma_start3A_189] : memref<40x128xi32, #tpu.memory_space<vmem>> -> memref<1x128xi32, #tpu.memory_space<vmem>>
    %dma_start3A_191 = tpu.memref_squeeze %dma_start3A_190 : memref<1x128xi32, #tpu.memory_space<vmem>> -> memref<128xi32, #tpu.memory_space<vmem>>
    %dma_start3A_192 = arith.constant 0 : i32
    %dma_start3A_193 = arith.constant 0 : i32
    %dma_start3A_194 = tpu.memref_slice %arg2[%dma_start3A_192, %dma_start3A_193] : memref<10000x128xf32, #tpu.memory_space<hbm>> -> memref<10000x128xf32, #tpu.memory_space<hbm>>
    tpu.enqueue_indirect_dma source(%dma_start3A_194 : memref<10000x128xf32, #tpu.memory_space<hbm>>) target(%dma_start3A_188 : memref<128x128xf32, #tpu.memory_space<vmem>>) offsets(%dma_start3A_191 : memref<128xi32, #tpu.memory_space<vmem>>) semaphore(%arg11 : memref<!tpu.dma_semaphore, #tpu.memory_space<semaphore_mem>>)
    %scan3A_195 = arith.constant 0 : i32
    %scan3A_196 = arith.constant 0 : i32
    %scan3A_197 = arith.constant 20 : i32
    %scan3A_198 = arith.addi %scan3A_196, %scan3A_197 : i32
    %scan3A_199 = arith.constant 1 : i32
    scf.for %scan3A_214 = %scan3A_196 to %scan3A_198 step %scan3A_199  : i32 {
      %mul3A_215 = arith.constant 2 : i32
      %mul3A_216 = arith.muli %mul3A_215, %scan3A_214 : i32
      %add3A_217 = arith.constant 1 : i32
      %add3A_218 = arith.addi %mul3A_216, %add3A_217 : i32
      %min3A_219 = arith.constant 39 : i32
      %min3A_220 = arith.minsi %add3A_218, %min3A_219 : i32
      %dma_start3A_221 = arith.constant 1 : i32
      %dma_start3A_222 = arith.constant 0 : i32
      %dma_start3A_223 = arith.constant 0 : i32
      %dma_start3A_224 = tpu.memref_slice %arg10[%dma_start3A_221, %dma_start3A_222, %dma_start3A_223] : memref<2x128x128xf32, #tpu.memory_space<vmem>> -> memref<1x128x128xf32, #tpu.memory_space<vmem>>
      %dma_start3A_225 = tpu.memref_squeeze %dma_start3A_224 : memref<1x128x128xf32, #tpu.memory_space<vmem>> -> memref<128x128xf32, #tpu.memory_space<vmem>>
      %dma_start3A_226 = arith.constant 0 : i32
      %dma_start3A_227 = tpu.memref_slice %arg8[%min3A_220, %dma_start3A_226] : memref<40x128xi32, #tpu.memory_space<vmem>> -> memref<1x128xi32, #tpu.memory_space<vmem>>
      %dma_start3A_228 = tpu.memref_squeeze %dma_start3A_227 : memref<1x128xi32, #tpu.memory_space<vmem>> -> memref<128xi32, #tpu.memory_space<vmem>>
      %dma_start3A_229 = arith.constant 0 : i32
      %dma_start3A_230 = arith.constant 0 : i32
      %dma_start3A_231 = tpu.memref_slice %arg2[%dma_start3A_229, %dma_start3A_230] : memref<10000x128xf32, #tpu.memory_space<hbm>> -> memref<10000x128xf32, #tpu.memory_space<hbm>>
      tpu.enqueue_indirect_dma source(%dma_start3A_231 : memref<10000x128xf32, #tpu.memory_space<hbm>>) target(%dma_start3A_225 : memref<128x128xf32, #tpu.memory_space<vmem>>) offsets(%dma_start3A_228 : memref<128xi32, #tpu.memory_space<vmem>>) semaphore(%arg12 : memref<!tpu.dma_semaphore, #tpu.memory_space<semaphore_mem>>)
      %dma_wait3A_232 = arith.constant 0 : i32
      %dma_wait3A_233 = arith.constant 0 : i32
      %dma_wait3A_234 = arith.constant 0 : i32
      %dma_wait3A_235 = arith.constant 0 : i32
      %dma_wait3A_236 = tpu.memref_slice %arg10[%dma_wait3A_233, %dma_wait3A_234, %dma_wait3A_235] : memref<2x128x128xf32, #tpu.memory_space<vmem>> -> memref<1x128x128xf32, #tpu.memory_space<vmem>>
      %dma_wait3A_237 = tpu.memref_squeeze %dma_wait3A_236 : memref<1x128x128xf32, #tpu.memory_space<vmem>> -> memref<128x128xf32, #tpu.memory_space<vmem>>
      %dma_wait3A_238 = arith.constant 0 : i32
      %dma_wait3A_239 = tpu.memref_slice %arg8[%dma_wait3A_232, %dma_wait3A_238] : memref<40x128xi32, #tpu.memory_space<vmem>> -> memref<1x128xi32, #tpu.memory_space<vmem>>
      %dma_wait3A_240 = tpu.memref_squeeze %dma_wait3A_239 : memref<1x128xi32, #tpu.memory_space<vmem>> -> memref<128xi32, #tpu.memory_space<vmem>>
      %dma_wait3A_241 = arith.constant 0 : i32
      %dma_wait3A_242 = arith.constant 0 : i32
      %dma_wait3A_243 = tpu.memref_slice %arg2[%dma_wait3A_241, %dma_wait3A_242] : memref<10000x128xf32, #tpu.memory_space<hbm>> -> memref<10000x128xf32, #tpu.memory_space<hbm>>
      tpu.wait_indirect_dma semaphore(%arg11 : memref<!tpu.dma_semaphore, #tpu.memory_space<semaphore_mem>>) src(%dma_wait3A_243 : memref<10000x128xf32, #tpu.memory_space<hbm>>) dst(%dma_wait3A_237 : memref<128x128xf32, #tpu.memory_space<vmem>>)
      %run_scoped3A_244 = arith.constant 0 : i32
      "tpu.region"() ({
        %run_scoped3A_275 = tpu.sem_alloc : memref<!tpu.dma_semaphore, #tpu.memory_space<semaphore_mem>>
        %dma_start3A_276 = arith.constant 0 : i32
        %dma_start3A_277 = arith.constant 0 : i32
        %dma_start3A_278 = tpu.memref_slice %arg10[%run_scoped3A_244, %dma_start3A_276, %dma_start3A_277] : memref<2x128x128xf32, #tpu.memory_space<vmem>> -> memref<1x128x128xf32, #tpu.memory_space<vmem>>
        %dma_start3A_279 = tpu.memref_squeeze %dma_start3A_278 : memref<1x128x128xf32, #tpu.memory_space<vmem>> -> memref<128x128xf32, #tpu.memory_space<vmem>>
        %dma_start3A_280 = arith.constant 0 : i32
        %dma_start3A_281 = tpu.memref_slice %arg9[%mul3A_216, %dma_start3A_280] : memref<40x128xi32, #tpu.memory_space<vmem>> -> memref<1x128xi32, #tpu.memory_space<vmem>>
        %dma_start3A_282 = tpu.memref_squeeze %dma_start3A_281 : memref<1x128xi32, #tpu.memory_space<vmem>> -> memref<128xi32, #tpu.memory_space<vmem>>
        %dma_start3A_283 = arith.constant 0 : i32
        %dma_start3A_284 = arith.constant 0 : i32
        %dma_start3A_285 = tpu.memref_slice %arg7[%dma_start3A_283, %dma_start3A_284] : memref<10240x128xf32, #tpu.memory_space<vmem_shared>> -> memref<10240x128xf32, #tpu.memory_space<vmem_shared>>
        tpu.enqueue_indirect_dma source(%dma_start3A_279 : memref<128x128xf32, #tpu.memory_space<vmem>>) target(%dma_start3A_285 : memref<10240x128xf32, #tpu.memory_space<vmem_shared>>) offsets(%dma_start3A_282 : memref<128xi32, #tpu.memory_space<vmem>>) semaphore(%run_scoped3A_275 : memref<!tpu.dma_semaphore, #tpu.memory_space<semaphore_mem>>) {add = true}
        %dma_wait3A_286 = arith.constant 0 : i32
        %dma_wait3A_287 = arith.constant 0 : i32
        %dma_wait3A_288 = tpu.memref_slice %arg10[%run_scoped3A_244, %dma_wait3A_286, %dma_wait3A_287] : memref<2x128x128xf32, #tpu.memory_space<vmem>> -> memref<1x128x128xf32, #tpu.memory_space<vmem>>
        %dma_wait3A_289 = tpu.memref_squeeze %dma_wait3A_288 : memref<1x128x128xf32, #tpu.memory_space<vmem>> -> memref<128x128xf32, #tpu.memory_space<vmem>>
        %dma_wait3A_290 = arith.constant 0 : i32
        %dma_wait3A_291 = tpu.memref_slice %arg9[%mul3A_216, %dma_wait3A_290] : memref<40x128xi32, #tpu.memory_space<vmem>> -> memref<1x128xi32, #tpu.memory_space<vmem>>
        %dma_wait3A_292 = tpu.memref_squeeze %dma_wait3A_291 : memref<1x128xi32, #tpu.memory_space<vmem>> -> memref<128xi32, #tpu.memory_space<vmem>>
        %dma_wait3A_293 = arith.constant 0 : i32
        %dma_wait3A_294 = arith.constant 0 : i32
        %dma_wait3A_295 = tpu.memref_slice %arg7[%dma_wait3A_293, %dma_wait3A_294] : memref<10240x128xf32, #tpu.memory_space<vmem_shared>> -> memref<10240x128xf32, #tpu.memory_space<vmem_shared>>
        tpu.wait_indirect_dma semaphore(%run_scoped3A_275 : memref<!tpu.dma_semaphore, #tpu.memory_space<semaphore_mem>>) src(%dma_wait3A_289 : memref<128x128xf32, #tpu.memory_space<vmem>>) dst(%dma_wait3A_295 : memref<10240x128xf32, #tpu.memory_space<vmem_shared>>)
        tpu.yield
      }) : () -> ()
      %add3A_245 = arith.constant 2 : i32
      %add3A_246 = arith.addi %mul3A_216, %add3A_245 : i32
      %min3A_247 = arith.constant 39 : i32
      %min3A_248 = arith.minsi %add3A_246, %min3A_247 : i32
      %dma_start3A_249 = arith.constant 0 : i32
      %dma_start3A_250 = arith.constant 0 : i32
      %dma_start3A_251 = arith.constant 0 : i32
      %dma_start3A_252 = tpu.memref_slice %arg10[%dma_start3A_249, %dma_start3A_250, %dma_start3A_251] : memref<2x128x128xf32, #tpu.memory_space<vmem>> -> memref<1x128x128xf32, #tpu.memory_space<vmem>>
      %dma_start3A_253 = tpu.memref_squeeze %dma_start3A_252 : memref<1x128x128xf32, #tpu.memory_space<vmem>> -> memref<128x128xf32, #tpu.memory_space<vmem>>
      %dma_start3A_254 = arith.constant 0 : i32
      %dma_start3A_255 = tpu.memref_slice %arg8[%min3A_248, %dma_start3A_254] : memref<40x128xi32, #tpu.memory_space<vmem>> -> memref<1x128xi32, #tpu.memory_space<vmem>>
      %dma_start3A_256 = tpu.memref_squeeze %dma_start3A_255 : memref<1x128xi32, #tpu.memory_space<vmem>> -> memref<128xi32, #tpu.memory_space<vmem>>
      %dma_start3A_257 = arith.constant 0 : i32
      %dma_start3A_258 = arith.constant 0 : i32
      %dma_start3A_259 = tpu.memref_slice %arg2[%dma_start3A_257, %dma_start3A_258] : memref<10000x128xf32, #tpu.memory_space<hbm>> -> memref<10000x128xf32, #tpu.memory_space<hbm>>
      tpu.enqueue_indirect_dma source(%dma_start3A_259 : memref<10000x128xf32, #tpu.memory_space<hbm>>) target(%dma_start3A_253 : memref<128x128xf32, #tpu.memory_space<vmem>>) offsets(%dma_start3A_256 : memref<128xi32, #tpu.memory_space<vmem>>) semaphore(%arg11 : memref<!tpu.dma_semaphore, #tpu.memory_space<semaphore_mem>>)
      %dma_wait3A_260 = arith.constant 0 : i32
      %dma_wait3A_261 = arith.constant 1 : i32
      %dma_wait3A_262 = arith.constant 0 : i32
      %dma_wait3A_263 = arith.constant 0 : i32
      %dma_wait3A_264 = tpu.memref_slice %arg10[%dma_wait3A_261, %dma_wait3A_262, %dma_wait3A_263] : memref<2x128x128xf32, #tpu.memory_space<vmem>> -> memref<1x128x128xf32, #tpu.memory_space<vmem>>
      %dma_wait3A_265 = tpu.memref_squeeze %dma_wait3A_264 : memref<1x128x128xf32, #tpu.memory_space<vmem>> -> memref<128x128xf32, #tpu.memory_space<vmem>>
      %dma_wait3A_266 = arith.constant 0 : i32
      %dma_wait3A_267 = tpu.memref_slice %arg8[%dma_wait3A_260, %dma_wait3A_266] : memref<40x128xi32, #tpu.memory_space<vmem>> -> memref<1x128xi32, #tpu.memory_space<vmem>>
      %dma_wait3A_268 = tpu.memref_squeeze %dma_wait3A_267 : memref<1x128xi32, #tpu.memory_space<vmem>> -> memref<128xi32, #tpu.memory_space<vmem>>
      %dma_wait3A_269 = arith.constant 0 : i32
      %dma_wait3A_270 = arith.constant 0 : i32
      %dma_wait3A_271 = tpu.memref_slice %arg2[%dma_wait3A_269, %dma_wait3A_270] : memref<10000x128xf32, #tpu.memory_space<hbm>> -> memref<10000x128xf32, #tpu.memory_space<hbm>>
      tpu.wait_indirect_dma semaphore(%arg12 : memref<!tpu.dma_semaphore, #tpu.memory_space<semaphore_mem>>) src(%dma_wait3A_271 : memref<10000x128xf32, #tpu.memory_space<hbm>>) dst(%dma_wait3A_265 : memref<128x128xf32, #tpu.memory_space<vmem>>)
      %add3A_272 = arith.constant 1 : i32
      %add3A_273 = arith.addi %mul3A_216, %add3A_272 : i32
      %run_scoped3A_274 = arith.constant 1 : i32
      "tpu.region"() ({
        %run_scoped3A_275 = tpu.sem_alloc : memref<!tpu.dma_semaphore, #tpu.memory_space<semaphore_mem>>
        %dma_start3A_276 = arith.constant 0 : i32
        %dma_start3A_277 = arith.constant 0 : i32
        %dma_start3A_278 = tpu.memref_slice %arg10[%run_scoped3A_274, %dma_start3A_276, %dma_start3A_277] : memref<2x128x128xf32, #tpu.memory_space<vmem>> -> memref<1x128x128xf32, #tpu.memory_space<vmem>>
        %dma_start3A_279 = tpu.memref_squeeze %dma_start3A_278 : memref<1x128x128xf32, #tpu.memory_space<vmem>> -> memref<128x128xf32, #tpu.memory_space<vmem>>
        %dma_start3A_280 = arith.constant 0 : i32
        %dma_start3A_281 = tpu.memref_slice %arg9[%add3A_273, %dma_start3A_280] : memref<40x128xi32, #tpu.memory_space<vmem>> -> memref<1x128xi32, #tpu.memory_space<vmem>>
        %dma_start3A_282 = tpu.memref_squeeze %dma_start3A_281 : memref<1x128xi32, #tpu.memory_space<vmem>> -> memref<128xi32, #tpu.memory_space<vmem>>
        %dma_start3A_283 = arith.constant 0 : i32
        %dma_start3A_284 = arith.constant 0 : i32
        %dma_start3A_285 = tpu.memref_slice %arg7[%dma_start3A_283, %dma_start3A_284] : memref<10240x128xf32, #tpu.memory_space<vmem_shared>> -> memref<10240x128xf32, #tpu.memory_space<vmem_shared>>
        tpu.enqueue_indirect_dma source(%dma_start3A_279 : memref<128x128xf32, #tpu.memory_space<vmem>>) target(%dma_start3A_285 : memref<10240x128xf32, #tpu.memory_space<vmem_shared>>) offsets(%dma_start3A_282 : memref<128xi32, #tpu.memory_space<vmem>>) semaphore(%run_scoped3A_275 : memref<!tpu.dma_semaphore, #tpu.memory_space<semaphore_mem>>) {add = true}
        %dma_wait3A_286 = arith.constant 0 : i32
        %dma_wait3A_287 = arith.constant 0 : i32
        %dma_wait3A_288 = tpu.memref_slice %arg10[%run_scoped3A_274, %dma_wait3A_286, %dma_wait3A_287] : memref<2x128x128xf32, #tpu.memory_space<vmem>> -> memref<1x128x128xf32, #tpu.memory_space<vmem>>
        %dma_wait3A_289 = tpu.memref_squeeze %dma_wait3A_288 : memref<1x128x128xf32, #tpu.memory_space<vmem>> -> memref<128x128xf32, #tpu.memory_space<vmem>>
        %dma_wait3A_290 = arith.constant 0 : i32
        %dma_wait3A_291 = tpu.memref_slice %arg9[%add3A_273, %dma_wait3A_290] : memref<40x128xi32, #tpu.memory_space<vmem>> -> memref<1x128xi32, #tpu.memory_space<vmem>>
        %dma_wait3A_292 = tpu.memref_squeeze %dma_wait3A_291 : memref<1x128xi32, #tpu.memory_space<vmem>> -> memref<128xi32, #tpu.memory_space<vmem>>
        %dma_wait3A_293 = arith.constant 0 : i32
        %dma_wait3A_294 = arith.constant 0 : i32
        %dma_wait3A_295 = tpu.memref_slice %arg7[%dma_wait3A_293, %dma_wait3A_294] : memref<10240x128xf32, #tpu.memory_space<vmem_shared>> -> memref<10240x128xf32, #tpu.memory_space<vmem_shared>>
        tpu.wait_indirect_dma semaphore(%run_scoped3A_275 : memref<!tpu.dma_semaphore, #tpu.memory_space<semaphore_mem>>) src(%dma_wait3A_289 : memref<128x128xf32, #tpu.memory_space<vmem>>) dst(%dma_wait3A_295 : memref<10240x128xf32, #tpu.memory_space<vmem_shared>>)
        tpu.yield
      }) : () -> ()
    }
    %scan3A_200 = arith.constant 20 : i32
    %dma_wait3A_201 = arith.constant 0 : i32
    %dma_wait3A_202 = arith.constant 0 : i32
    %dma_wait3A_203 = arith.constant 0 : i32
    %dma_wait3A_204 = arith.constant 0 : i32
    %dma_wait3A_205 = tpu.memref_slice %arg10[%dma_wait3A_202, %dma_wait3A_203, %dma_wait3A_204] : memref<2x128x128xf32, #tpu.memory_space<vmem>> -> memref<1x128x128xf32, #tpu.memory_space<vmem>>
    %dma_wait3A_206 = tpu.memref_squeeze %dma_wait3A_205 : memref<1x128x128xf32, #tpu.memory_space<vmem>> -> memref<128x128xf32, #tpu.memory_space<vmem>>
    %dma_wait3A_207 = arith.constant 0 : i32
    %dma_wait3A_208 = tpu.memref_slice %arg8[%dma_wait3A_201, %dma_wait3A_207] : memref<40x128xi32, #tpu.memory_space<vmem>> -> memref<1x128xi32, #tpu.memory_space<vmem>>
    %dma_wait3A_209 = tpu.memref_squeeze %dma_wait3A_208 : memref<1x128xi32, #tpu.memory_space<vmem>> -> memref<128xi32, #tpu.memory_space<vmem>>
    %dma_wait3A_210 = arith.constant 0 : i32
    %dma_wait3A_211 = arith.constant 0 : i32
    %dma_wait3A_212 = tpu.memref_slice %arg2[%dma_wait3A_210, %dma_wait3A_211] : memref<10000x128xf32, #tpu.memory_space<hbm>> -> memref<10000x128xf32, #tpu.memory_space<hbm>>
    tpu.wait_indirect_dma semaphore(%arg11 : memref<!tpu.dma_semaphore, #tpu.memory_space<semaphore_mem>>) src(%dma_wait3A_212 : memref<10000x128xf32, #tpu.memory_space<hbm>>) dst(%dma_wait3A_206 : memref<128x128xf32, #tpu.memory_space<vmem>>)
    %barrier3A_213 = arith.constant 0 : index
    tpu.barrier barrier_id(%barrier3A_213)
    "tpu.region"() ({
      %run_scoped3A_214 = tpu.sem_alloc : memref<!tpu.dma_semaphore, #tpu.memory_space<semaphore_mem>>
      %dma_start3A_215 = arith.constant 0 : i32
      %dma_start3A_216 = tpu.memref_slice %arg6[%arg0, %mul3A_2, %dma_start3A_215] : memref<2x10240x128xf32, #tpu.memory_space<hbm>> -> memref<1x640x128xf32, #tpu.memory_space<hbm>>
      %dma_start3A_217 = tpu.memref_squeeze %dma_start3A_216 : memref<1x640x128xf32, #tpu.memory_space<hbm>> -> memref<640x128xf32, #tpu.memory_space<hbm>>
      %dma_start3A_218 = arith.constant 0 : i32
      %dma_start3A_219 = tpu.memref_slice %arg7[%mul3A_2, %dma_start3A_218] : memref<10240x128xf32, #tpu.memory_space<vmem_shared>> -> memref<640x128xf32, #tpu.memory_space<vmem_shared>>
      tpu.enqueue_dma source(%dma_start3A_219 : memref<640x128xf32, #tpu.memory_space<vmem_shared>>) target(%dma_start3A_217 : memref<640x128xf32, #tpu.memory_space<hbm>>) target_semaphore(%run_scoped3A_214 : memref<!tpu.dma_semaphore, #tpu.memory_space<semaphore_mem>>)
      %dma_wait3A_220 = arith.constant 0 : i32
      %dma_wait3A_221 = tpu.memref_slice %arg6[%arg0, %mul3A_2, %dma_wait3A_220] : memref<2x10240x128xf32, #tpu.memory_space<hbm>> -> memref<1x640x128xf32, #tpu.memory_space<hbm>>
      %dma_wait3A_222 = tpu.memref_squeeze %dma_wait3A_221 : memref<1x640x128xf32, #tpu.memory_space<hbm>> -> memref<640x128xf32, #tpu.memory_space<hbm>>
      %dma_wait3A_223 = arith.constant 0 : i32
      %dma_wait3A_224 = tpu.memref_slice %arg7[%mul3A_2, %dma_wait3A_223] : memref<10240x128xf32, #tpu.memory_space<vmem_shared>> -> memref<640x128xf32, #tpu.memory_space<vmem_shared>>
      tpu.wait_dma2 semaphore(%run_scoped3A_214 : memref<!tpu.dma_semaphore, #tpu.memory_space<semaphore_mem>>) src(%dma_wait3A_224 : memref<640x128xf32, #tpu.memory_space<vmem_shared>>) dst(%dma_wait3A_222 : memref<640x128xf32, #tpu.memory_space<hbm>>)
      tpu.yield
    }) : () -> ()
    return
  }
}

#map = affine_map<(d0, d1) -> (0, 0)>
#map1 = affine_map<(d0, d1) -> (0, 0, 0)>
module attributes {stable_mosaic.version = 14 : i64} {
  func.func @_scatter_body(%arg0: i32, %arg1: i32, %arg2: memref<10000x128xf32, #tpu.memory_space<hbm>>, %arg3: memref<2560x128xi32, #tpu.memory_space<hbm>>, %arg4: memref<2560x128xi32, #tpu.memory_space<hbm>>, %arg5: memref<128x128xf32, #tpu.memory_space<hbm>>, %arg6: memref<2x10240x128xf32, #tpu.memory_space<hbm>>, %arg7: memref<10240x128xf32, #tpu.memory_space<vmem_shared>>, %arg8: memref<40x128xi32, #tpu.memory_space<vmem>>, %arg9: memref<40x128xi32, #tpu.memory_space<vmem>>, %arg10: memref<2x128x128xf32, #tpu.memory_space<vmem>>, %arg11: memref<!tpu.dma_semaphore, #tpu.memory_space<semaphore_mem>>, %arg12: memref<!tpu.dma_semaphore, #tpu.memory_space<semaphore_mem>>, %arg13: memref<!tpu.dma_semaphore, #tpu.memory_space<semaphore_mem>>, %arg14: memref<!tpu.dma_semaphore, #tpu.memory_space<semaphore_mem>>) attributes {dimension_semantics = [#tpu.dimension_semantics<core_parallel>, #tpu.dimension_semantics<subcore_parallel>], iteration_bounds = array<i64: 2, 16>, scalar_prefetch = 0 : i64, scratch_operands = 8 : i64, tpu.core_type = #tpu.core_type<sc_vector_subcore>, window_params = [{transform_indices = #map}, {transform_indices = #map}, {transform_indices = #map}, {transform_indices = #map}, {transform_indices = #map1}]} {
    %mul3A = arith.constant 2 : i32
    %mul3A_0 = arith.muli %arg1, %mul3A : i32
    %add3A = arith.addi %mul3A_0, %arg0 : i32
    %mul3A_1 = arith.constant 640 : i32
    %mul3A_2 = arith.muli %arg1, %mul3A_1 : i32
    %mul3A_3 = arith.constant 80 : i32
    %mul3A_4 = arith.muli %add3A, %mul3A_3 : i32
    %run_scoped3A = arith.constant 0 : i32
    "tpu.region"() ({
      %run_scoped3A_214 = tpu.sem_alloc : memref<!tpu.dma_semaphore, #tpu.memory_space<semaphore_mem>>
      %dma_start3A_215 = arith.constant 0 : i32
      %dma_start3A_216 = arith.constant 0 : i32
      %dma_start3A_217 = tpu.memref_slice %arg10[%run_scoped3A, %dma_start3A_215, %dma_start3A_216] : memref<2x128x128xf32, #tpu.memory_space<vmem>> -> memref<1x128x128xf32, #tpu.memory_space<vmem>>
      %dma_start3A_218 = tpu.memref_squeeze %dma_start3A_217 : memref<1x128x128xf32, #tpu.memory_space<vmem>> -> memref<128x128xf32, #tpu.memory_space<vmem>>
      %dma_start3A_219 = arith.constant 0 : i32
      %dma_start3A_220 = arith.constant 0 : i32
      %dma_start3A_221 = tpu.memref_slice %arg10[%run_scoped3A, %dma_start3A_219, %dma_start3A_220] : memref<2x128x128xf32, #tpu.memory_space<vmem>> -> memref<1x128x128xf32, #tpu.memory_space<vmem>>
      %dma_start3A_222 = tpu.memref_squeeze %dma_start3A_221 : memref<1x128x128xf32, #tpu.memory_space<vmem>> -> memref<128x128xf32, #tpu.memory_space<vmem>>
      tpu.enqueue_dma source(%arg5 : memref<128x128xf32, #tpu.memory_space<hbm>>) target(%dma_start3A_222 : memref<128x128xf32, #tpu.memory_space<vmem>>) target_semaphore(%run_scoped3A_214 : memref<!tpu.dma_semaphore, #tpu.memory_space<semaphore_mem>>)
      %dma_wait3A_223 = arith.constant 0 : i32
      %dma_wait3A_224 = arith.constant 0 : i32
      %dma_wait3A_225 = tpu.memref_slice %arg10[%run_scoped3A, %dma_wait3A_223, %dma_wait3A_224] : memref<2x128x128xf32, #tpu.memory_space<vmem>> -> memref<1x128x128xf32, #tpu.memory_space<vmem>>
      %dma_wait3A_226 = tpu.memref_squeeze %dma_wait3A_225 : memref<1x128x128xf32, #tpu.memory_space<vmem>> -> memref<128x128xf32, #tpu.memory_space<vmem>>
      %dma_wait3A_227 = arith.constant 0 : i32
      %dma_wait3A_228 = arith.constant 0 : i32
      %dma_wait3A_229 = tpu.memref_slice %arg10[%run_scoped3A, %dma_wait3A_227, %dma_wait3A_228] : memref<2x128x128xf32, #tpu.memory_space<vmem>> -> memref<1x128x128xf32, #tpu.memory_space<vmem>>
      %dma_wait3A_230 = tpu.memref_squeeze %dma_wait3A_229 : memref<1x128x128xf32, #tpu.memory_space<vmem>> -> memref<128x128xf32, #tpu.memory_space<vmem>>
      tpu.wait_dma2 semaphore(%run_scoped3A_214 : memref<!tpu.dma_semaphore, #tpu.memory_space<semaphore_mem>>) src(%arg5 : memref<128x128xf32, #tpu.memory_space<hbm>>) dst(%dma_wait3A_230 : memref<128x128xf32, #tpu.memory_space<vmem>>)
      tpu.yield
    }) : () -> ()
    %add3A_5 = arith.constant 0 : i32
    %add3A_6 = arith.addi %mul3A_2, %add3A_5 : i32
    %dma_start3A = arith.constant 0 : i32
    %dma_start3A_7 = arith.constant 0 : i32
    %dma_start3A_8 = arith.constant 0 : i32
    %dma_start3A_9 = tpu.memref_slice %arg10[%dma_start3A, %dma_start3A_7, %dma_start3A_8] : memref<2x128x128xf32, #tpu.memory_space<vmem>> -> memref<1x128x128xf32, #tpu.memory_space<vmem>>
    %dma_start3A_10 = tpu.memref_squeeze %dma_start3A_9 : memref<1x128x128xf32, #tpu.memory_space<vmem>> -> memref<128x128xf32, #tpu.memory_space<vmem>>
    %dma_start3A_11 = arith.constant 0 : i32
    %dma_start3A_12 = tpu.memref_slice %arg7[%add3A_6, %dma_start3A_11] : memref<10240x128xf32, #tpu.memory_space<vmem_shared>> -> memref<128x128xf32, #tpu.memory_space<vmem_shared>>
    %dma_start3A_13 = arith.constant 0 : i32
    %dma_start3A_14 = tpu.memref_slice %arg7[%add3A_6, %dma_start3A_13] : memref<10240x128xf32, #tpu.memory_space<vmem_shared>> -> memref<128x128xf32, #tpu.memory_space<vmem_shared>>
    %dma_start3A_15 = arith.constant 0 : i32
    %dma_start3A_16 = arith.constant 0 : i32
    %dma_start3A_17 = tpu.memref_slice %arg10[%dma_start3A, %dma_start3A_15, %dma_start3A_16] : memref<2x128x128xf32, #tpu.memory_space<vmem>> -> memref<1x128x128xf32, #tpu.memory_space<vmem>>
    %dma_start3A_18 = tpu.memref_squeeze %dma_start3A_17 : memref<1x128x128xf32, #tpu.memory_space<vmem>> -> memref<128x128xf32, #tpu.memory_space<vmem>>
    tpu.enqueue_dma source(%dma_start3A_18 : memref<128x128xf32, #tpu.memory_space<vmem>>) target(%dma_start3A_14 : memref<128x128xf32, #tpu.memory_space<vmem_shared>>) target_semaphore(%arg13 : memref<!tpu.dma_semaphore, #tpu.memory_space<semaphore_mem>>)
    %add3A_19 = arith.constant 128 : i32
    %add3A_20 = arith.addi %mul3A_2, %add3A_19 : i32
    %dma_start3A_21 = arith.constant 0 : i32
    %dma_start3A_22 = arith.constant 0 : i32
    %dma_start3A_23 = arith.constant 0 : i32
    %dma_start3A_24 = tpu.memref_slice %arg10[%dma_start3A_21, %dma_start3A_22, %dma_start3A_23] : memref<2x128x128xf32, #tpu.memory_space<vmem>> -> memref<1x128x128xf32, #tpu.memory_space<vmem>>
    %dma_start3A_25 = tpu.memref_squeeze %dma_start3A_24 : memref<1x128x128xf32, #tpu.memory_space<vmem>> -> memref<128x128xf32, #tpu.memory_space<vmem>>
    %dma_start3A_26 = arith.constant 0 : i32
    %dma_start3A_27 = tpu.memref_slice %arg7[%add3A_20, %dma_start3A_26] : memref<10240x128xf32, #tpu.memory_space<vmem_shared>> -> memref<128x128xf32, #tpu.memory_space<vmem_shared>>
    %dma_start3A_28 = arith.constant 0 : i32
    %dma_start3A_29 = tpu.memref_slice %arg7[%add3A_20, %dma_start3A_28] : memref<10240x128xf32, #tpu.memory_space<vmem_shared>> -> memref<128x128xf32, #tpu.memory_space<vmem_shared>>
    %dma_start3A_30 = arith.constant 0 : i32
    %dma_start3A_31 = arith.constant 0 : i32
    %dma_start3A_32 = tpu.memref_slice %arg10[%dma_start3A_21, %dma_start3A_30, %dma_start3A_31] : memref<2x128x128xf32, #tpu.memory_space<vmem>> -> memref<1x128x128xf32, #tpu.memory_space<vmem>>
    %dma_start3A_33 = tpu.memref_squeeze %dma_start3A_32 : memref<1x128x128xf32, #tpu.memory_space<vmem>> -> memref<128x128xf32, #tpu.memory_space<vmem>>
    tpu.enqueue_dma source(%dma_start3A_33 : memref<128x128xf32, #tpu.memory_space<vmem>>) target(%dma_start3A_29 : memref<128x128xf32, #tpu.memory_space<vmem_shared>>) target_semaphore(%arg14 : memref<!tpu.dma_semaphore, #tpu.memory_space<semaphore_mem>>)
    %add3A_34 = arith.constant 256 : i32
    %add3A_35 = arith.addi %mul3A_2, %add3A_34 : i32
    %dma_start3A_36 = arith.constant 0 : i32
    %dma_start3A_37 = arith.constant 0 : i32
    %dma_start3A_38 = arith.constant 0 : i32
    %dma_start3A_39 = tpu.memref_slice %arg10[%dma_start3A_36, %dma_start3A_37, %dma_start3A_38] : memref<2x128x128xf32, #tpu.memory_space<vmem>> -> memref<1x128x128xf32, #tpu.memory_space<vmem>>
    %dma_start3A_40 = tpu.memref_squeeze %dma_start3A_39 : memref<1x128x128xf32, #tpu.memory_space<vmem>> -> memref<128x128xf32, #tpu.memory_space<vmem>>
    %dma_start3A_41 = arith.constant 0 : i32
    %dma_start3A_42 = tpu.memref_slice %arg7[%add3A_35, %dma_start3A_41] : memref<10240x128xf32, #tpu.memory_space<vmem_shared>> -> memref<128x128xf32, #tpu.memory_space<vmem_shared>>
    %dma_start3A_43 = arith.constant 0 : i32
    %dma_start3A_44 = tpu.memref_slice %arg7[%add3A_35, %dma_start3A_43] : memref<10240x128xf32, #tpu.memory_space<vmem_shared>> -> memref<128x128xf32, #tpu.memory_space<vmem_shared>>
    %dma_start3A_45 = arith.constant 0 : i32
    %dma_start3A_46 = arith.constant 0 : i32
    %dma_start3A_47 = tpu.memref_slice %arg10[%dma_start3A_36, %dma_start3A_45, %dma_start3A_46] : memref<2x128x128xf32, #tpu.memory_space<vmem>> -> memref<1x128x128xf32, #tpu.memory_space<vmem>>
    %dma_start3A_48 = tpu.memref_squeeze %dma_start3A_47 : memref<1x128x128xf32, #tpu.memory_space<vmem>> -> memref<128x128xf32, #tpu.memory_space<vmem>>
    tpu.enqueue_dma source(%dma_start3A_48 : memref<128x128xf32, #tpu.memory_space<vmem>>) target(%dma_start3A_44 : memref<128x128xf32, #tpu.memory_space<vmem_shared>>) target_semaphore(%arg13 : memref<!tpu.dma_semaphore, #tpu.memory_space<semaphore_mem>>)
    %add3A_49 = arith.constant 384 : i32
    %add3A_50 = arith.addi %mul3A_2, %add3A_49 : i32
    %dma_start3A_51 = arith.constant 0 : i32
    %dma_start3A_52 = arith.constant 0 : i32
    %dma_start3A_53 = arith.constant 0 : i32
    %dma_start3A_54 = tpu.memref_slice %arg10[%dma_start3A_51, %dma_start3A_52, %dma_start3A_53] : memref<2x128x128xf32, #tpu.memory_space<vmem>> -> memref<1x128x128xf32, #tpu.memory_space<vmem>>
    %dma_start3A_55 = tpu.memref_squeeze %dma_start3A_54 : memref<1x128x128xf32, #tpu.memory_space<vmem>> -> memref<128x128xf32, #tpu.memory_space<vmem>>
    %dma_start3A_56 = arith.constant 0 : i32
    %dma_start3A_57 = tpu.memref_slice %arg7[%add3A_50, %dma_start3A_56] : memref<10240x128xf32, #tpu.memory_space<vmem_shared>> -> memref<128x128xf32, #tpu.memory_space<vmem_shared>>
    %dma_start3A_58 = arith.constant 0 : i32
    %dma_start3A_59 = tpu.memref_slice %arg7[%add3A_50, %dma_start3A_58] : memref<10240x128xf32, #tpu.memory_space<vmem_shared>> -> memref<128x128xf32, #tpu.memory_space<vmem_shared>>
    %dma_start3A_60 = arith.constant 0 : i32
    %dma_start3A_61 = arith.constant 0 : i32
    %dma_start3A_62 = tpu.memref_slice %arg10[%dma_start3A_51, %dma_start3A_60, %dma_start3A_61] : memref<2x128x128xf32, #tpu.memory_space<vmem>> -> memref<1x128x128xf32, #tpu.memory_space<vmem>>
    %dma_start3A_63 = tpu.memref_squeeze %dma_start3A_62 : memref<1x128x128xf32, #tpu.memory_space<vmem>> -> memref<128x128xf32, #tpu.memory_space<vmem>>
    tpu.enqueue_dma source(%dma_start3A_63 : memref<128x128xf32, #tpu.memory_space<vmem>>) target(%dma_start3A_59 : memref<128x128xf32, #tpu.memory_space<vmem_shared>>) target_semaphore(%arg14 : memref<!tpu.dma_semaphore, #tpu.memory_space<semaphore_mem>>)
    %add3A_64 = arith.constant 512 : i32
    %add3A_65 = arith.addi %mul3A_2, %add3A_64 : i32
    %dma_start3A_66 = arith.constant 0 : i32
    %dma_start3A_67 = arith.constant 0 : i32
    %dma_start3A_68 = arith.constant 0 : i32
    %dma_start3A_69 = tpu.memref_slice %arg10[%dma_start3A_66, %dma_start3A_67, %dma_start3A_68] : memref<2x128x128xf32, #tpu.memory_space<vmem>> -> memref<1x128x128xf32, #tpu.memory_space<vmem>>
    %dma_start3A_70 = tpu.memref_squeeze %dma_start3A_69 : memref<1x128x128xf32, #tpu.memory_space<vmem>> -> memref<128x128xf32, #tpu.memory_space<vmem>>
    %dma_start3A_71 = arith.constant 0 : i32
    %dma_start3A_72 = tpu.memref_slice %arg7[%add3A_65, %dma_start3A_71] : memref<10240x128xf32, #tpu.memory_space<vmem_shared>> -> memref<128x128xf32, #tpu.memory_space<vmem_shared>>
    %dma_start3A_73 = arith.constant 0 : i32
    %dma_start3A_74 = tpu.memref_slice %arg7[%add3A_65, %dma_start3A_73] : memref<10240x128xf32, #tpu.memory_space<vmem_shared>> -> memref<128x128xf32, #tpu.memory_space<vmem_shared>>
    %dma_start3A_75 = arith.constant 0 : i32
    %dma_start3A_76 = arith.constant 0 : i32
    %dma_start3A_77 = tpu.memref_slice %arg10[%dma_start3A_66, %dma_start3A_75, %dma_start3A_76] : memref<2x128x128xf32, #tpu.memory_space<vmem>> -> memref<1x128x128xf32, #tpu.memory_space<vmem>>
    %dma_start3A_78 = tpu.memref_squeeze %dma_start3A_77 : memref<1x128x128xf32, #tpu.memory_space<vmem>> -> memref<128x128xf32, #tpu.memory_space<vmem>>
    tpu.enqueue_dma source(%dma_start3A_78 : memref<128x128xf32, #tpu.memory_space<vmem>>) target(%dma_start3A_74 : memref<128x128xf32, #tpu.memory_space<vmem_shared>>) target_semaphore(%arg13 : memref<!tpu.dma_semaphore, #tpu.memory_space<semaphore_mem>>)
    %dma_wait3A = arith.constant 0 : i32
    %dma_wait3A_79 = arith.constant 0 : i32
    %dma_wait3A_80 = arith.constant 0 : i32
    %dma_wait3A_81 = tpu.memref_slice %arg10[%dma_wait3A, %dma_wait3A_79, %dma_wait3A_80] : memref<2x128x128xf32, #tpu.memory_space<vmem>> -> memref<1x128x128xf32, #tpu.memory_space<vmem>>
    %dma_wait3A_82 = tpu.memref_squeeze %dma_wait3A_81 : memref<1x128x128xf32, #tpu.memory_space<vmem>> -> memref<128x128xf32, #tpu.memory_space<vmem>>
    %dma_wait3A_83 = arith.constant 0 : i32
    %dma_wait3A_84 = tpu.memref_slice %arg7[%add3A_6, %dma_wait3A_83] : memref<10240x128xf32, #tpu.memory_space<vmem_shared>> -> memref<128x128xf32, #tpu.memory_space<vmem_shared>>
    %dma_wait3A_85 = arith.constant 0 : i32
    %dma_wait3A_86 = tpu.memref_slice %arg7[%add3A_6, %dma_wait3A_85] : memref<10240x128xf32, #tpu.memory_space<vmem_shared>> -> memref<128x128xf32, #tpu.memory_space<vmem_shared>>
    %dma_wait3A_87 = arith.constant 0 : i32
    %dma_wait3A_88 = arith.constant 0 : i32
    %dma_wait3A_89 = tpu.memref_slice %arg10[%dma_wait3A, %dma_wait3A_87, %dma_wait3A_88] : memref<2x128x128xf32, #tpu.memory_space<vmem>> -> memref<1x128x128xf32, #tpu.memory_space<vmem>>
    %dma_wait3A_90 = tpu.memref_squeeze %dma_wait3A_89 : memref<1x128x128xf32, #tpu.memory_space<vmem>> -> memref<128x128xf32, #tpu.memory_space<vmem>>
    tpu.wait_dma2 semaphore(%arg13 : memref<!tpu.dma_semaphore, #tpu.memory_space<semaphore_mem>>) src(%dma_wait3A_90 : memref<128x128xf32, #tpu.memory_space<vmem>>) dst(%dma_wait3A_86 : memref<128x128xf32, #tpu.memory_space<vmem_shared>>)
    %dma_wait3A_91 = arith.constant 0 : i32
    %dma_wait3A_92 = arith.constant 0 : i32
    %dma_wait3A_93 = arith.constant 0 : i32
    %dma_wait3A_94 = tpu.memref_slice %arg10[%dma_wait3A_91, %dma_wait3A_92, %dma_wait3A_93] : memref<2x128x128xf32, #tpu.memory_space<vmem>> -> memref<1x128x128xf32, #tpu.memory_space<vmem>>
    %dma_wait3A_95 = tpu.memref_squeeze %dma_wait3A_94 : memref<1x128x128xf32, #tpu.memory_space<vmem>> -> memref<128x128xf32, #tpu.memory_space<vmem>>
    %dma_wait3A_96 = arith.constant 0 : i32
    %dma_wait3A_97 = tpu.memref_slice %arg7[%add3A_20, %dma_wait3A_96] : memref<10240x128xf32, #tpu.memory_space<vmem_shared>> -> memref<128x128xf32, #tpu.memory_space<vmem_shared>>
    %dma_wait3A_98 = arith.constant 0 : i32
    %dma_wait3A_99 = tpu.memref_slice %arg7[%add3A_20, %dma_wait3A_98] : memref<10240x128xf32, #tpu.memory_space<vmem_shared>> -> memref<128x128xf32, #tpu.memory_space<vmem_shared>>
    %dma_wait3A_100 = arith.constant 0 : i32
    %dma_wait3A_101 = arith.constant 0 : i32
    %dma_wait3A_102 = tpu.memref_slice %arg10[%dma_wait3A_91, %dma_wait3A_100, %dma_wait3A_101] : memref<2x128x128xf32, #tpu.memory_space<vmem>> -> memref<1x128x128xf32, #tpu.memory_space<vmem>>
    %dma_wait3A_103 = tpu.memref_squeeze %dma_wait3A_102 : memref<1x128x128xf32, #tpu.memory_space<vmem>> -> memref<128x128xf32, #tpu.memory_space<vmem>>
    tpu.wait_dma2 semaphore(%arg14 : memref<!tpu.dma_semaphore, #tpu.memory_space<semaphore_mem>>) src(%dma_wait3A_103 : memref<128x128xf32, #tpu.memory_space<vmem>>) dst(%dma_wait3A_99 : memref<128x128xf32, #tpu.memory_space<vmem_shared>>)
    %dma_wait3A_104 = arith.constant 0 : i32
    %dma_wait3A_105 = arith.constant 0 : i32
    %dma_wait3A_106 = arith.constant 0 : i32
    %dma_wait3A_107 = tpu.memref_slice %arg10[%dma_wait3A_104, %dma_wait3A_105, %dma_wait3A_106] : memref<2x128x128xf32, #tpu.memory_space<vmem>> -> memref<1x128x128xf32, #tpu.memory_space<vmem>>
    %dma_wait3A_108 = tpu.memref_squeeze %dma_wait3A_107 : memref<1x128x128xf32, #tpu.memory_space<vmem>> -> memref<128x128xf32, #tpu.memory_space<vmem>>
    %dma_wait3A_109 = arith.constant 0 : i32
    %dma_wait3A_110 = tpu.memref_slice %arg7[%add3A_35, %dma_wait3A_109] : memref<10240x128xf32, #tpu.memory_space<vmem_shared>> -> memref<128x128xf32, #tpu.memory_space<vmem_shared>>
    %dma_wait3A_111 = arith.constant 0 : i32
    %dma_wait3A_112 = tpu.memref_slice %arg7[%add3A_35, %dma_wait3A_111] : memref<10240x128xf32, #tpu.memory_space<vmem_shared>> -> memref<128x128xf32, #tpu.memory_space<vmem_shared>>
    %dma_wait3A_113 = arith.constant 0 : i32
    %dma_wait3A_114 = arith.constant 0 : i32
    %dma_wait3A_115 = tpu.memref_slice %arg10[%dma_wait3A_104, %dma_wait3A_113, %dma_wait3A_114] : memref<2x128x128xf32, #tpu.memory_space<vmem>> -> memref<1x128x128xf32, #tpu.memory_space<vmem>>
    %dma_wait3A_116 = tpu.memref_squeeze %dma_wait3A_115 : memref<1x128x128xf32, #tpu.memory_space<vmem>> -> memref<128x128xf32, #tpu.memory_space<vmem>>
    tpu.wait_dma2 semaphore(%arg13 : memref<!tpu.dma_semaphore, #tpu.memory_space<semaphore_mem>>) src(%dma_wait3A_116 : memref<128x128xf32, #tpu.memory_space<vmem>>) dst(%dma_wait3A_112 : memref<128x128xf32, #tpu.memory_space<vmem_shared>>)
    %dma_wait3A_117 = arith.constant 0 : i32
    %dma_wait3A_118 = arith.constant 0 : i32
    %dma_wait3A_119 = arith.constant 0 : i32
    %dma_wait3A_120 = tpu.memref_slice %arg10[%dma_wait3A_117, %dma_wait3A_118, %dma_wait3A_119] : memref<2x128x128xf32, #tpu.memory_space<vmem>> -> memref<1x128x128xf32, #tpu.memory_space<vmem>>
    %dma_wait3A_121 = tpu.memref_squeeze %dma_wait3A_120 : memref<1x128x128xf32, #tpu.memory_space<vmem>> -> memref<128x128xf32, #tpu.memory_space<vmem>>
    %dma_wait3A_122 = arith.constant 0 : i32
    %dma_wait3A_123 = tpu.memref_slice %arg7[%add3A_50, %dma_wait3A_122] : memref<10240x128xf32, #tpu.memory_space<vmem_shared>> -> memref<128x128xf32, #tpu.memory_space<vmem_shared>>
    %dma_wait3A_124 = arith.constant 0 : i32
    %dma_wait3A_125 = tpu.memref_slice %arg7[%add3A_50, %dma_wait3A_124] : memref<10240x128xf32, #tpu.memory_space<vmem_shared>> -> memref<128x128xf32, #tpu.memory_space<vmem_shared>>
    %dma_wait3A_126 = arith.constant 0 : i32
    %dma_wait3A_127 = arith.constant 0 : i32
    %dma_wait3A_128 = tpu.memref_slice %arg10[%dma_wait3A_117, %dma_wait3A_126, %dma_wait3A_127] : memref<2x128x128xf32, #tpu.memory_space<vmem>> -> memref<1x128x128xf32, #tpu.memory_space<vmem>>
    %dma_wait3A_129 = tpu.memref_squeeze %dma_wait3A_128 : memref<1x128x128xf32, #tpu.memory_space<vmem>> -> memref<128x128xf32, #tpu.memory_space<vmem>>
    tpu.wait_dma2 semaphore(%arg14 : memref<!tpu.dma_semaphore, #tpu.memory_space<semaphore_mem>>) src(%dma_wait3A_129 : memref<128x128xf32, #tpu.memory_space<vmem>>) dst(%dma_wait3A_125 : memref<128x128xf32, #tpu.memory_space<vmem_shared>>)
    %dma_wait3A_130 = arith.constant 0 : i32
    %dma_wait3A_131 = arith.constant 0 : i32
    %dma_wait3A_132 = arith.constant 0 : i32
    %dma_wait3A_133 = tpu.memref_slice %arg10[%dma_wait3A_130, %dma_wait3A_131, %dma_wait3A_132] : memref<2x128x128xf32, #tpu.memory_space<vmem>> -> memref<1x128x128xf32, #tpu.memory_space<vmem>>
    %dma_wait3A_134 = tpu.memref_squeeze %dma_wait3A_133 : memref<1x128x128xf32, #tpu.memory_space<vmem>> -> memref<128x128xf32, #tpu.memory_space<vmem>>
    %dma_wait3A_135 = arith.constant 0 : i32
    %dma_wait3A_136 = tpu.memref_slice %arg7[%add3A_65, %dma_wait3A_135] : memref<10240x128xf32, #tpu.memory_space<vmem_shared>> -> memref<128x128xf32, #tpu.memory_space<vmem_shared>>
    %dma_wait3A_137 = arith.constant 0 : i32
    %dma_wait3A_138 = tpu.memref_slice %arg7[%add3A_65, %dma_wait3A_137] : memref<10240x128xf32, #tpu.memory_space<vmem_shared>> -> memref<128x128xf32, #tpu.memory_space<vmem_shared>>
    %dma_wait3A_139 = arith.constant 0 : i32
    %dma_wait3A_140 = arith.constant 0 : i32
    %dma_wait3A_141 = tpu.memref_slice %arg10[%dma_wait3A_130, %dma_wait3A_139, %dma_wait3A_140] : memref<2x128x128xf32, #tpu.memory_space<vmem>> -> memref<1x128x128xf32, #tpu.memory_space<vmem>>
    %dma_wait3A_142 = tpu.memref_squeeze %dma_wait3A_141 : memref<1x128x128xf32, #tpu.memory_space<vmem>> -> memref<128x128xf32, #tpu.memory_space<vmem>>
    tpu.wait_dma2 semaphore(%arg13 : memref<!tpu.dma_semaphore, #tpu.memory_space<semaphore_mem>>) src(%dma_wait3A_142 : memref<128x128xf32, #tpu.memory_space<vmem>>) dst(%dma_wait3A_138 : memref<128x128xf32, #tpu.memory_space<vmem_shared>>)
    %barrier3A = arith.constant 0 : index
    tpu.barrier barrier_id(%barrier3A)
    %add3A_143 = arith.constant 0 : i32
    %add3A_144 = arith.addi %mul3A_4, %add3A_143 : i32
    "tpu.region"() ({
      %run_scoped3A_214 = tpu.sem_alloc : memref<!tpu.dma_semaphore, #tpu.memory_space<semaphore_mem>>
      %dma_start3A_215 = arith.constant 0 : i32
      %dma_start3A_216 = tpu.memref_slice %arg3[%add3A_144, %dma_start3A_215] : memref<2560x128xi32, #tpu.memory_space<hbm>> -> memref<40x128xi32, #tpu.memory_space<hbm>>
      %dma_start3A_217 = arith.constant 0 : i32
      %dma_start3A_218 = tpu.memref_slice %arg3[%add3A_144, %dma_start3A_217] : memref<2560x128xi32, #tpu.memory_space<hbm>> -> memref<40x128xi32, #tpu.memory_space<hbm>>
      tpu.enqueue_dma source(%dma_start3A_218 : memref<40x128xi32, #tpu.memory_space<hbm>>) target(%arg8 : memref<40x128xi32, #tpu.memory_space<vmem>>) target_semaphore(%run_scoped3A_214 : memref<!tpu.dma_semaphore, #tpu.memory_space<semaphore_mem>>)
      %dma_wait3A_219 = arith.constant 0 : i32
      %dma_wait3A_220 = tpu.memref_slice %arg3[%add3A_144, %dma_wait3A_219] : memref<2560x128xi32, #tpu.memory_space<hbm>> -> memref<40x128xi32, #tpu.memory_space<hbm>>
      %dma_wait3A_221 = arith.constant 0 : i32
      %dma_wait3A_222 = tpu.memref_slice %arg3[%add3A_144, %dma_wait3A_221] : memref<2560x128xi32, #tpu.memory_space<hbm>> -> memref<40x128xi32, #tpu.memory_space<hbm>>
      tpu.wait_dma2 semaphore(%run_scoped3A_214 : memref<!tpu.dma_semaphore, #tpu.memory_space<semaphore_mem>>) src(%dma_wait3A_222 : memref<40x128xi32, #tpu.memory_space<hbm>>) dst(%arg8 : memref<40x128xi32, #tpu.memory_space<vmem>>)
      tpu.yield
    }) : () -> ()
    %add3A_145 = arith.constant 0 : i32
    %add3A_146 = arith.addi %mul3A_4, %add3A_145 : i32
    "tpu.region"() ({
      %run_scoped3A_214 = tpu.sem_alloc : memref<!tpu.dma_semaphore, #tpu.memory_space<semaphore_mem>>
      %dma_start3A_215 = arith.constant 0 : i32
      %dma_start3A_216 = tpu.memref_slice %arg4[%add3A_146, %dma_start3A_215] : memref<2560x128xi32, #tpu.memory_space<hbm>> -> memref<40x128xi32, #tpu.memory_space<hbm>>
      %dma_start3A_217 = arith.constant 0 : i32
      %dma_start3A_218 = tpu.memref_slice %arg4[%add3A_146, %dma_start3A_217] : memref<2560x128xi32, #tpu.memory_space<hbm>> -> memref<40x128xi32, #tpu.memory_space<hbm>>
      tpu.enqueue_dma source(%dma_start3A_218 : memref<40x128xi32, #tpu.memory_space<hbm>>) target(%arg9 : memref<40x128xi32, #tpu.memory_space<vmem>>) target_semaphore(%run_scoped3A_214 : memref<!tpu.dma_semaphore, #tpu.memory_space<semaphore_mem>>)
      %dma_wait3A_219 = arith.constant 0 : i32
      %dma_wait3A_220 = tpu.memref_slice %arg4[%add3A_146, %dma_wait3A_219] : memref<2560x128xi32, #tpu.memory_space<hbm>> -> memref<40x128xi32, #tpu.memory_space<hbm>>
      %dma_wait3A_221 = arith.constant 0 : i32
      %dma_wait3A_222 = tpu.memref_slice %arg4[%add3A_146, %dma_wait3A_221] : memref<2560x128xi32, #tpu.memory_space<hbm>> -> memref<40x128xi32, #tpu.memory_space<hbm>>
      tpu.wait_dma2 semaphore(%run_scoped3A_214 : memref<!tpu.dma_semaphore, #tpu.memory_space<semaphore_mem>>) src(%dma_wait3A_222 : memref<40x128xi32, #tpu.memory_space<hbm>>) dst(%arg9 : memref<40x128xi32, #tpu.memory_space<vmem>>)
      tpu.yield
    }) : () -> ()
    %min3A = arith.constant 0 : i32
    %min3A_147 = arith.constant 39 : i32
    %min3A_148 = arith.minsi %min3A, %min3A_147 : i32
    %dma_start3A_149 = arith.constant 0 : i32
    %dma_start3A_150 = arith.constant 0 : i32
    %dma_start3A_151 = arith.constant 0 : i32
    %dma_start3A_152 = tpu.memref_slice %arg10[%dma_start3A_149, %dma_start3A_150, %dma_start3A_151] : memref<2x128x128xf32, #tpu.memory_space<vmem>> -> memref<1x128x128xf32, #tpu.memory_space<vmem>>
    %dma_start3A_153 = tpu.memref_squeeze %dma_start3A_152 : memref<1x128x128xf32, #tpu.memory_space<vmem>> -> memref<128x128xf32, #tpu.memory_space<vmem>>
    %dma_start3A_154 = arith.constant 0 : i32
    %dma_start3A_155 = tpu.memref_slice %arg8[%min3A_148, %dma_start3A_154] : memref<40x128xi32, #tpu.memory_space<vmem>> -> memref<1x128xi32, #tpu.memory_space<vmem>>
    %dma_start3A_156 = tpu.memref_squeeze %dma_start3A_155 : memref<1x128xi32, #tpu.memory_space<vmem>> -> memref<128xi32, #tpu.memory_space<vmem>>
    %dma_start3A_157 = arith.constant 0 : i32
    %dma_start3A_158 = arith.constant 0 : i32
    %dma_start3A_159 = tpu.memref_slice %arg2[%dma_start3A_157, %dma_start3A_158] : memref<10000x128xf32, #tpu.memory_space<hbm>> -> memref<10000x128xf32, #tpu.memory_space<hbm>>
    tpu.enqueue_indirect_dma source(%dma_start3A_159 : memref<10000x128xf32, #tpu.memory_space<hbm>>) target(%dma_start3A_153 : memref<128x128xf32, #tpu.memory_space<vmem>>) offsets(%dma_start3A_156 : memref<128xi32, #tpu.memory_space<vmem>>) semaphore(%arg11 : memref<!tpu.dma_semaphore, #tpu.memory_space<semaphore_mem>>)
    %scan3A = arith.constant 0 : i32
    %scan3A_160 = arith.constant 0 : i32
    %scan3A_161 = arith.constant 20 : i32
    %scan3A_162 = arith.addi %scan3A_160, %scan3A_161 : i32
    %scan3A_163 = arith.constant 1 : i32
    scf.for %scan3A_214 = %scan3A_160 to %scan3A_162 step %scan3A_163  : i32 {
      %mul3A_215 = arith.constant 2 : i32
      %mul3A_216 = arith.muli %mul3A_215, %scan3A_214 : i32
      %add3A_217 = arith.constant 1 : i32
      %add3A_218 = arith.addi %mul3A_216, %add3A_217 : i32
      %min3A_219 = arith.constant 39 : i32
      %min3A_220 = arith.minsi %add3A_218, %min3A_219 : i32
      %dma_start3A_221 = arith.constant 1 : i32
      %dma_start3A_222 = arith.constant 0 : i32
      %dma_start3A_223 = arith.constant 0 : i32
      %dma_start3A_224 = tpu.memref_slice %arg10[%dma_start3A_221, %dma_start3A_222, %dma_start3A_223] : memref<2x128x128xf32, #tpu.memory_space<vmem>> -> memref<1x128x128xf32, #tpu.memory_space<vmem>>
      %dma_start3A_225 = tpu.memref_squeeze %dma_start3A_224 : memref<1x128x128xf32, #tpu.memory_space<vmem>> -> memref<128x128xf32, #tpu.memory_space<vmem>>
      %dma_start3A_226 = arith.constant 0 : i32
      %dma_start3A_227 = tpu.memref_slice %arg8[%min3A_220, %dma_start3A_226] : memref<40x128xi32, #tpu.memory_space<vmem>> -> memref<1x128xi32, #tpu.memory_space<vmem>>
      %dma_start3A_228 = tpu.memref_squeeze %dma_start3A_227 : memref<1x128xi32, #tpu.memory_space<vmem>> -> memref<128xi32, #tpu.memory_space<vmem>>
      %dma_start3A_229 = arith.constant 0 : i32
      %dma_start3A_230 = arith.constant 0 : i32
      %dma_start3A_231 = tpu.memref_slice %arg2[%dma_start3A_229, %dma_start3A_230] : memref<10000x128xf32, #tpu.memory_space<hbm>> -> memref<10000x128xf32, #tpu.memory_space<hbm>>
      tpu.enqueue_indirect_dma source(%dma_start3A_231 : memref<10000x128xf32, #tpu.memory_space<hbm>>) target(%dma_start3A_225 : memref<128x128xf32, #tpu.memory_space<vmem>>) offsets(%dma_start3A_228 : memref<128xi32, #tpu.memory_space<vmem>>) semaphore(%arg12 : memref<!tpu.dma_semaphore, #tpu.memory_space<semaphore_mem>>)
      %dma_wait3A_232 = arith.constant 0 : i32
      %dma_wait3A_233 = arith.constant 0 : i32
      %dma_wait3A_234 = arith.constant 0 : i32
      %dma_wait3A_235 = arith.constant 0 : i32
      %dma_wait3A_236 = tpu.memref_slice %arg10[%dma_wait3A_233, %dma_wait3A_234, %dma_wait3A_235] : memref<2x128x128xf32, #tpu.memory_space<vmem>> -> memref<1x128x128xf32, #tpu.memory_space<vmem>>
      %dma_wait3A_237 = tpu.memref_squeeze %dma_wait3A_236 : memref<1x128x128xf32, #tpu.memory_space<vmem>> -> memref<128x128xf32, #tpu.memory_space<vmem>>
      %dma_wait3A_238 = arith.constant 0 : i32
      %dma_wait3A_239 = tpu.memref_slice %arg8[%dma_wait3A_232, %dma_wait3A_238] : memref<40x128xi32, #tpu.memory_space<vmem>> -> memref<1x128xi32, #tpu.memory_space<vmem>>
      %dma_wait3A_240 = tpu.memref_squeeze %dma_wait3A_239 : memref<1x128xi32, #tpu.memory_space<vmem>> -> memref<128xi32, #tpu.memory_space<vmem>>
      %dma_wait3A_241 = arith.constant 0 : i32
      %dma_wait3A_242 = arith.constant 0 : i32
      %dma_wait3A_243 = tpu.memref_slice %arg2[%dma_wait3A_241, %dma_wait3A_242] : memref<10000x128xf32, #tpu.memory_space<hbm>> -> memref<10000x128xf32, #tpu.memory_space<hbm>>
      tpu.wait_indirect_dma semaphore(%arg11 : memref<!tpu.dma_semaphore, #tpu.memory_space<semaphore_mem>>) src(%dma_wait3A_243 : memref<10000x128xf32, #tpu.memory_space<hbm>>) dst(%dma_wait3A_237 : memref<128x128xf32, #tpu.memory_space<vmem>>)
      %run_scoped3A_244 = arith.constant 0 : i32
      "tpu.region"() ({
        %run_scoped3A_275 = tpu.sem_alloc : memref<!tpu.dma_semaphore, #tpu.memory_space<semaphore_mem>>
        %dma_start3A_276 = arith.constant 0 : i32
        %dma_start3A_277 = arith.constant 0 : i32
        %dma_start3A_278 = tpu.memref_slice %arg10[%run_scoped3A_244, %dma_start3A_276, %dma_start3A_277] : memref<2x128x128xf32, #tpu.memory_space<vmem>> -> memref<1x128x128xf32, #tpu.memory_space<vmem>>
        %dma_start3A_279 = tpu.memref_squeeze %dma_start3A_278 : memref<1x128x128xf32, #tpu.memory_space<vmem>> -> memref<128x128xf32, #tpu.memory_space<vmem>>
        %dma_start3A_280 = arith.constant 0 : i32
        %dma_start3A_281 = tpu.memref_slice %arg9[%mul3A_216, %dma_start3A_280] : memref<40x128xi32, #tpu.memory_space<vmem>> -> memref<1x128xi32, #tpu.memory_space<vmem>>
        %dma_start3A_282 = tpu.memref_squeeze %dma_start3A_281 : memref<1x128xi32, #tpu.memory_space<vmem>> -> memref<128xi32, #tpu.memory_space<vmem>>
        %dma_start3A_283 = arith.constant 0 : i32
        %dma_start3A_284 = arith.constant 0 : i32
        %dma_start3A_285 = tpu.memref_slice %arg7[%dma_start3A_283, %dma_start3A_284] : memref<10240x128xf32, #tpu.memory_space<vmem_shared>> -> memref<10240x128xf32, #tpu.memory_space<vmem_shared>>
        tpu.enqueue_indirect_dma source(%dma_start3A_279 : memref<128x128xf32, #tpu.memory_space<vmem>>) target(%dma_start3A_285 : memref<10240x128xf32, #tpu.memory_space<vmem_shared>>) offsets(%dma_start3A_282 : memref<128xi32, #tpu.memory_space<vmem>>) semaphore(%run_scoped3A_275 : memref<!tpu.dma_semaphore, #tpu.memory_space<semaphore_mem>>) {add = true}
        %dma_wait3A_286 = arith.constant 0 : i32
        %dma_wait3A_287 = arith.constant 0 : i32
        %dma_wait3A_288 = tpu.memref_slice %arg10[%run_scoped3A_244, %dma_wait3A_286, %dma_wait3A_287] : memref<2x128x128xf32, #tpu.memory_space<vmem>> -> memref<1x128x128xf32, #tpu.memory_space<vmem>>
        %dma_wait3A_289 = tpu.memref_squeeze %dma_wait3A_288 : memref<1x128x128xf32, #tpu.memory_space<vmem>> -> memref<128x128xf32, #tpu.memory_space<vmem>>
        %dma_wait3A_290 = arith.constant 0 : i32
        %dma_wait3A_291 = tpu.memref_slice %arg9[%mul3A_216, %dma_wait3A_290] : memref<40x128xi32, #tpu.memory_space<vmem>> -> memref<1x128xi32, #tpu.memory_space<vmem>>
        %dma_wait3A_292 = tpu.memref_squeeze %dma_wait3A_291 : memref<1x128xi32, #tpu.memory_space<vmem>> -> memref<128xi32, #tpu.memory_space<vmem>>
        %dma_wait3A_293 = arith.constant 0 : i32
        %dma_wait3A_294 = arith.constant 0 : i32
        %dma_wait3A_295 = tpu.memref_slice %arg7[%dma_wait3A_293, %dma_wait3A_294] : memref<10240x128xf32, #tpu.memory_space<vmem_shared>> -> memref<10240x128xf32, #tpu.memory_space<vmem_shared>>
        tpu.wait_indirect_dma semaphore(%run_scoped3A_275 : memref<!tpu.dma_semaphore, #tpu.memory_space<semaphore_mem>>) src(%dma_wait3A_289 : memref<128x128xf32, #tpu.memory_space<vmem>>) dst(%dma_wait3A_295 : memref<10240x128xf32, #tpu.memory_space<vmem_shared>>)
        tpu.yield
      }) : () -> ()
      %add3A_245 = arith.constant 2 : i32
      %add3A_246 = arith.addi %mul3A_216, %add3A_245 : i32
      %min3A_247 = arith.constant 39 : i32
      %min3A_248 = arith.minsi %add3A_246, %min3A_247 : i32
      %dma_start3A_249 = arith.constant 0 : i32
      %dma_start3A_250 = arith.constant 0 : i32
      %dma_start3A_251 = arith.constant 0 : i32
      %dma_start3A_252 = tpu.memref_slice %arg10[%dma_start3A_249, %dma_start3A_250, %dma_start3A_251] : memref<2x128x128xf32, #tpu.memory_space<vmem>> -> memref<1x128x128xf32, #tpu.memory_space<vmem>>
      %dma_start3A_253 = tpu.memref_squeeze %dma_start3A_252 : memref<1x128x128xf32, #tpu.memory_space<vmem>> -> memref<128x128xf32, #tpu.memory_space<vmem>>
      %dma_start3A_254 = arith.constant 0 : i32
      %dma_start3A_255 = tpu.memref_slice %arg8[%min3A_248, %dma_start3A_254] : memref<40x128xi32, #tpu.memory_space<vmem>> -> memref<1x128xi32, #tpu.memory_space<vmem>>
      %dma_start3A_256 = tpu.memref_squeeze %dma_start3A_255 : memref<1x128xi32, #tpu.memory_space<vmem>> -> memref<128xi32, #tpu.memory_space<vmem>>
      %dma_start3A_257 = arith.constant 0 : i32
      %dma_start3A_258 = arith.constant 0 : i32
      %dma_start3A_259 = tpu.memref_slice %arg2[%dma_start3A_257, %dma_start3A_258] : memref<10000x128xf32, #tpu.memory_space<hbm>> -> memref<10000x128xf32, #tpu.memory_space<hbm>>
      tpu.enqueue_indirect_dma source(%dma_start3A_259 : memref<10000x128xf32, #tpu.memory_space<hbm>>) target(%dma_start3A_253 : memref<128x128xf32, #tpu.memory_space<vmem>>) offsets(%dma_start3A_256 : memref<128xi32, #tpu.memory_space<vmem>>) semaphore(%arg11 : memref<!tpu.dma_semaphore, #tpu.memory_space<semaphore_mem>>)
      %dma_wait3A_260 = arith.constant 0 : i32
      %dma_wait3A_261 = arith.constant 1 : i32
      %dma_wait3A_262 = arith.constant 0 : i32
      %dma_wait3A_263 = arith.constant 0 : i32
      %dma_wait3A_264 = tpu.memref_slice %arg10[%dma_wait3A_261, %dma_wait3A_262, %dma_wait3A_263] : memref<2x128x128xf32, #tpu.memory_space<vmem>> -> memref<1x128x128xf32, #tpu.memory_space<vmem>>
      %dma_wait3A_265 = tpu.memref_squeeze %dma_wait3A_264 : memref<1x128x128xf32, #tpu.memory_space<vmem>> -> memref<128x128xf32, #tpu.memory_space<vmem>>
      %dma_wait3A_266 = arith.constant 0 : i32
      %dma_wait3A_267 = tpu.memref_slice %arg8[%dma_wait3A_260, %dma_wait3A_266] : memref<40x128xi32, #tpu.memory_space<vmem>> -> memref<1x128xi32, #tpu.memory_space<vmem>>
      %dma_wait3A_268 = tpu.memref_squeeze %dma_wait3A_267 : memref<1x128xi32, #tpu.memory_space<vmem>> -> memref<128xi32, #tpu.memory_space<vmem>>
      %dma_wait3A_269 = arith.constant 0 : i32
      %dma_wait3A_270 = arith.constant 0 : i32
      %dma_wait3A_271 = tpu.memref_slice %arg2[%dma_wait3A_269, %dma_wait3A_270] : memref<10000x128xf32, #tpu.memory_space<hbm>> -> memref<10000x128xf32, #tpu.memory_space<hbm>>
      tpu.wait_indirect_dma semaphore(%arg12 : memref<!tpu.dma_semaphore, #tpu.memory_space<semaphore_mem>>) src(%dma_wait3A_271 : memref<10000x128xf32, #tpu.memory_space<hbm>>) dst(%dma_wait3A_265 : memref<128x128xf32, #tpu.memory_space<vmem>>)
      %add3A_272 = arith.constant 1 : i32
      %add3A_273 = arith.addi %mul3A_216, %add3A_272 : i32
      %run_scoped3A_274 = arith.constant 1 : i32
      "tpu.region"() ({
        %run_scoped3A_275 = tpu.sem_alloc : memref<!tpu.dma_semaphore, #tpu.memory_space<semaphore_mem>>
        %dma_start3A_276 = arith.constant 0 : i32
        %dma_start3A_277 = arith.constant 0 : i32
        %dma_start3A_278 = tpu.memref_slice %arg10[%run_scoped3A_274, %dma_start3A_276, %dma_start3A_277] : memref<2x128x128xf32, #tpu.memory_space<vmem>> -> memref<1x128x128xf32, #tpu.memory_space<vmem>>
        %dma_start3A_279 = tpu.memref_squeeze %dma_start3A_278 : memref<1x128x128xf32, #tpu.memory_space<vmem>> -> memref<128x128xf32, #tpu.memory_space<vmem>>
        %dma_start3A_280 = arith.constant 0 : i32
        %dma_start3A_281 = tpu.memref_slice %arg9[%add3A_273, %dma_start3A_280] : memref<40x128xi32, #tpu.memory_space<vmem>> -> memref<1x128xi32, #tpu.memory_space<vmem>>
        %dma_start3A_282 = tpu.memref_squeeze %dma_start3A_281 : memref<1x128xi32, #tpu.memory_space<vmem>> -> memref<128xi32, #tpu.memory_space<vmem>>
        %dma_start3A_283 = arith.constant 0 : i32
        %dma_start3A_284 = arith.constant 0 : i32
        %dma_start3A_285 = tpu.memref_slice %arg7[%dma_start3A_283, %dma_start3A_284] : memref<10240x128xf32, #tpu.memory_space<vmem_shared>> -> memref<10240x128xf32, #tpu.memory_space<vmem_shared>>
        tpu.enqueue_indirect_dma source(%dma_start3A_279 : memref<128x128xf32, #tpu.memory_space<vmem>>) target(%dma_start3A_285 : memref<10240x128xf32, #tpu.memory_space<vmem_shared>>) offsets(%dma_start3A_282 : memref<128xi32, #tpu.memory_space<vmem>>) semaphore(%run_scoped3A_275 : memref<!tpu.dma_semaphore, #tpu.memory_space<semaphore_mem>>) {add = true}
        %dma_wait3A_286 = arith.constant 0 : i32
        %dma_wait3A_287 = arith.constant 0 : i32
        %dma_wait3A_288 = tpu.memref_slice %arg10[%run_scoped3A_274, %dma_wait3A_286, %dma_wait3A_287] : memref<2x128x128xf32, #tpu.memory_space<vmem>> -> memref<1x128x128xf32, #tpu.memory_space<vmem>>
        %dma_wait3A_289 = tpu.memref_squeeze %dma_wait3A_288 : memref<1x128x128xf32, #tpu.memory_space<vmem>> -> memref<128x128xf32, #tpu.memory_space<vmem>>
        %dma_wait3A_290 = arith.constant 0 : i32
        %dma_wait3A_291 = tpu.memref_slice %arg9[%add3A_273, %dma_wait3A_290] : memref<40x128xi32, #tpu.memory_space<vmem>> -> memref<1x128xi32, #tpu.memory_space<vmem>>
        %dma_wait3A_292 = tpu.memref_squeeze %dma_wait3A_291 : memref<1x128xi32, #tpu.memory_space<vmem>> -> memref<128xi32, #tpu.memory_space<vmem>>
        %dma_wait3A_293 = arith.constant 0 : i32
        %dma_wait3A_294 = arith.constant 0 : i32
        %dma_wait3A_295 = tpu.memref_slice %arg7[%dma_wait3A_293, %dma_wait3A_294] : memref<10240x128xf32, #tpu.memory_space<vmem_shared>> -> memref<10240x128xf32, #tpu.memory_space<vmem_shared>>
        tpu.wait_indirect_dma semaphore(%run_scoped3A_275 : memref<!tpu.dma_semaphore, #tpu.memory_space<semaphore_mem>>) src(%dma_wait3A_289 : memref<128x128xf32, #tpu.memory_space<vmem>>) dst(%dma_wait3A_295 : memref<10240x128xf32, #tpu.memory_space<vmem_shared>>)
        tpu.yield
      }) : () -> ()
    }
    %scan3A_164 = arith.constant 20 : i32
    %dma_wait3A_165 = arith.constant 0 : i32
    %dma_wait3A_166 = arith.constant 0 : i32
    %dma_wait3A_167 = arith.constant 0 : i32
    %dma_wait3A_168 = arith.constant 0 : i32
    %dma_wait3A_169 = tpu.memref_slice %arg10[%dma_wait3A_166, %dma_wait3A_167, %dma_wait3A_168] : memref<2x128x128xf32, #tpu.memory_space<vmem>> -> memref<1x128x128xf32, #tpu.memory_space<vmem>>
    %dma_wait3A_170 = tpu.memref_squeeze %dma_wait3A_169 : memref<1x128x128xf32, #tpu.memory_space<vmem>> -> memref<128x128xf32, #tpu.memory_space<vmem>>
    %dma_wait3A_171 = arith.constant 0 : i32
    %dma_wait3A_172 = tpu.memref_slice %arg8[%dma_wait3A_165, %dma_wait3A_171] : memref<40x128xi32, #tpu.memory_space<vmem>> -> memref<1x128xi32, #tpu.memory_space<vmem>>
    %dma_wait3A_173 = tpu.memref_squeeze %dma_wait3A_172 : memref<1x128xi32, #tpu.memory_space<vmem>> -> memref<128xi32, #tpu.memory_space<vmem>>
    %dma_wait3A_174 = arith.constant 0 : i32
    %dma_wait3A_175 = arith.constant 0 : i32
    %dma_wait3A_176 = tpu.memref_slice %arg2[%dma_wait3A_174, %dma_wait3A_175] : memref<10000x128xf32, #tpu.memory_space<hbm>> -> memref<10000x128xf32, #tpu.memory_space<hbm>>
    tpu.wait_indirect_dma semaphore(%arg11 : memref<!tpu.dma_semaphore, #tpu.memory_space<semaphore_mem>>) src(%dma_wait3A_176 : memref<10000x128xf32, #tpu.memory_space<hbm>>) dst(%dma_wait3A_170 : memref<128x128xf32, #tpu.memory_space<vmem>>)
    %add3A_177 = arith.constant 40 : i32
    %add3A_178 = arith.addi %mul3A_4, %add3A_177 : i32
    "tpu.region"() ({
      %run_scoped3A_214 = tpu.sem_alloc : memref<!tpu.dma_semaphore, #tpu.memory_space<semaphore_mem>>
      %dma_start3A_215 = arith.constant 0 : i32
      %dma_start3A_216 = tpu.memref_slice %arg3[%add3A_178, %dma_start3A_215] : memref<2560x128xi32, #tpu.memory_space<hbm>> -> memref<40x128xi32, #tpu.memory_space<hbm>>
      %dma_start3A_217 = arith.constant 0 : i32
      %dma_start3A_218 = tpu.memref_slice %arg3[%add3A_178, %dma_start3A_217] : memref<2560x128xi32, #tpu.memory_space<hbm>> -> memref<40x128xi32, #tpu.memory_space<hbm>>
      tpu.enqueue_dma source(%dma_start3A_218 : memref<40x128xi32, #tpu.memory_space<hbm>>) target(%arg8 : memref<40x128xi32, #tpu.memory_space<vmem>>) target_semaphore(%run_scoped3A_214 : memref<!tpu.dma_semaphore, #tpu.memory_space<semaphore_mem>>)
      %dma_wait3A_219 = arith.constant 0 : i32
      %dma_wait3A_220 = tpu.memref_slice %arg3[%add3A_178, %dma_wait3A_219] : memref<2560x128xi32, #tpu.memory_space<hbm>> -> memref<40x128xi32, #tpu.memory_space<hbm>>
      %dma_wait3A_221 = arith.constant 0 : i32
      %dma_wait3A_222 = tpu.memref_slice %arg3[%add3A_178, %dma_wait3A_221] : memref<2560x128xi32, #tpu.memory_space<hbm>> -> memref<40x128xi32, #tpu.memory_space<hbm>>
      tpu.wait_dma2 semaphore(%run_scoped3A_214 : memref<!tpu.dma_semaphore, #tpu.memory_space<semaphore_mem>>) src(%dma_wait3A_222 : memref<40x128xi32, #tpu.memory_space<hbm>>) dst(%arg8 : memref<40x128xi32, #tpu.memory_space<vmem>>)
      tpu.yield
    }) : () -> ()
    %add3A_179 = arith.constant 40 : i32
    %add3A_180 = arith.addi %mul3A_4, %add3A_179 : i32
    "tpu.region"() ({
      %run_scoped3A_214 = tpu.sem_alloc : memref<!tpu.dma_semaphore, #tpu.memory_space<semaphore_mem>>
      %dma_start3A_215 = arith.constant 0 : i32
      %dma_start3A_216 = tpu.memref_slice %arg4[%add3A_180, %dma_start3A_215] : memref<2560x128xi32, #tpu.memory_space<hbm>> -> memref<40x128xi32, #tpu.memory_space<hbm>>
      %dma_start3A_217 = arith.constant 0 : i32
      %dma_start3A_218 = tpu.memref_slice %arg4[%add3A_180, %dma_start3A_217] : memref<2560x128xi32, #tpu.memory_space<hbm>> -> memref<40x128xi32, #tpu.memory_space<hbm>>
      tpu.enqueue_dma source(%dma_start3A_218 : memref<40x128xi32, #tpu.memory_space<hbm>>) target(%arg9 : memref<40x128xi32, #tpu.memory_space<vmem>>) target_semaphore(%run_scoped3A_214 : memref<!tpu.dma_semaphore, #tpu.memory_space<semaphore_mem>>)
      %dma_wait3A_219 = arith.constant 0 : i32
      %dma_wait3A_220 = tpu.memref_slice %arg4[%add3A_180, %dma_wait3A_219] : memref<2560x128xi32, #tpu.memory_space<hbm>> -> memref<40x128xi32, #tpu.memory_space<hbm>>
      %dma_wait3A_221 = arith.constant 0 : i32
      %dma_wait3A_222 = tpu.memref_slice %arg4[%add3A_180, %dma_wait3A_221] : memref<2560x128xi32, #tpu.memory_space<hbm>> -> memref<40x128xi32, #tpu.memory_space<hbm>>
      tpu.wait_dma2 semaphore(%run_scoped3A_214 : memref<!tpu.dma_semaphore, #tpu.memory_space<semaphore_mem>>) src(%dma_wait3A_222 : memref<40x128xi32, #tpu.memory_space<hbm>>) dst(%arg9 : memref<40x128xi32, #tpu.memory_space<vmem>>)
      tpu.yield
    }) : () -> ()
    %min3A_181 = arith.constant 0 : i32
    %min3A_182 = arith.constant 39 : i32
    %min3A_183 = arith.minsi %min3A_181, %min3A_182 : i32
    %dma_start3A_184 = arith.constant 0 : i32
    %dma_start3A_185 = arith.constant 0 : i32
    %dma_start3A_186 = arith.constant 0 : i32
    %dma_start3A_187 = tpu.memref_slice %arg10[%dma_start3A_184, %dma_start3A_185, %dma_start3A_186] : memref<2x128x128xf32, #tpu.memory_space<vmem>> -> memref<1x128x128xf32, #tpu.memory_space<vmem>>
    %dma_start3A_188 = tpu.memref_squeeze %dma_start3A_187 : memref<1x128x128xf32, #tpu.memory_space<vmem>> -> memref<128x128xf32, #tpu.memory_space<vmem>>
    %dma_start3A_189 = arith.constant 0 : i32
    %dma_start3A_190 = tpu.memref_slice %arg8[%min3A_183, %dma_start3A_189] : memref<40x128xi32, #tpu.memory_space<vmem>> -> memref<1x128xi32, #tpu.memory_space<vmem>>
    %dma_start3A_191 = tpu.memref_squeeze %dma_start3A_190 : memref<1x128xi32, #tpu.memory_space<vmem>> -> memref<128xi32, #tpu.memory_space<vmem>>
    %dma_start3A_192 = arith.constant 0 : i32
    %dma_start3A_193 = arith.constant 0 : i32
    %dma_start3A_194 = tpu.memref_slice %arg2[%dma_start3A_192, %dma_start3A_193] : memref<10000x128xf32, #tpu.memory_space<hbm>> -> memref<10000x128xf32, #tpu.memory_space<hbm>>
    tpu.enqueue_indirect_dma source(%dma_start3A_194 : memref<10000x128xf32, #tpu.memory_space<hbm>>) target(%dma_start3A_188 : memref<128x128xf32, #tpu.memory_space<vmem>>) offsets(%dma_start3A_191 : memref<128xi32, #tpu.memory_space<vmem>>) semaphore(%arg11 : memref<!tpu.dma_semaphore, #tpu.memory_space<semaphore_mem>>)
    %scan3A_195 = arith.constant 0 : i32
    %scan3A_196 = arith.constant 0 : i32
    %scan3A_197 = arith.constant 20 : i32
    %scan3A_198 = arith.addi %scan3A_196, %scan3A_197 : i32
    %scan3A_199 = arith.constant 1 : i32
    scf.for %scan3A_214 = %scan3A_196 to %scan3A_198 step %scan3A_199  : i32 {
      %mul3A_215 = arith.constant 2 : i32
      %mul3A_216 = arith.muli %mul3A_215, %scan3A_214 : i32
      %add3A_217 = arith.constant 1 : i32
      %add3A_218 = arith.addi %mul3A_216, %add3A_217 : i32
      %min3A_219 = arith.constant 39 : i32
      %min3A_220 = arith.minsi %add3A_218, %min3A_219 : i32
      %dma_start3A_221 = arith.constant 1 : i32
      %dma_start3A_222 = arith.constant 0 : i32
      %dma_start3A_223 = arith.constant 0 : i32
      %dma_start3A_224 = tpu.memref_slice %arg10[%dma_start3A_221, %dma_start3A_222, %dma_start3A_223] : memref<2x128x128xf32, #tpu.memory_space<vmem>> -> memref<1x128x128xf32, #tpu.memory_space<vmem>>
      %dma_start3A_225 = tpu.memref_squeeze %dma_start3A_224 : memref<1x128x128xf32, #tpu.memory_space<vmem>> -> memref<128x128xf32, #tpu.memory_space<vmem>>
      %dma_start3A_226 = arith.constant 0 : i32
      %dma_start3A_227 = tpu.memref_slice %arg8[%min3A_220, %dma_start3A_226] : memref<40x128xi32, #tpu.memory_space<vmem>> -> memref<1x128xi32, #tpu.memory_space<vmem>>
      %dma_start3A_228 = tpu.memref_squeeze %dma_start3A_227 : memref<1x128xi32, #tpu.memory_space<vmem>> -> memref<128xi32, #tpu.memory_space<vmem>>
      %dma_start3A_229 = arith.constant 0 : i32
      %dma_start3A_230 = arith.constant 0 : i32
      %dma_start3A_231 = tpu.memref_slice %arg2[%dma_start3A_229, %dma_start3A_230] : memref<10000x128xf32, #tpu.memory_space<hbm>> -> memref<10000x128xf32, #tpu.memory_space<hbm>>
      tpu.enqueue_indirect_dma source(%dma_start3A_231 : memref<10000x128xf32, #tpu.memory_space<hbm>>) target(%dma_start3A_225 : memref<128x128xf32, #tpu.memory_space<vmem>>) offsets(%dma_start3A_228 : memref<128xi32, #tpu.memory_space<vmem>>) semaphore(%arg12 : memref<!tpu.dma_semaphore, #tpu.memory_space<semaphore_mem>>)
      %dma_wait3A_232 = arith.constant 0 : i32
      %dma_wait3A_233 = arith.constant 0 : i32
      %dma_wait3A_234 = arith.constant 0 : i32
      %dma_wait3A_235 = arith.constant 0 : i32
      %dma_wait3A_236 = tpu.memref_slice %arg10[%dma_wait3A_233, %dma_wait3A_234, %dma_wait3A_235] : memref<2x128x128xf32, #tpu.memory_space<vmem>> -> memref<1x128x128xf32, #tpu.memory_space<vmem>>
      %dma_wait3A_237 = tpu.memref_squeeze %dma_wait3A_236 : memref<1x128x128xf32, #tpu.memory_space<vmem>> -> memref<128x128xf32, #tpu.memory_space<vmem>>
      %dma_wait3A_238 = arith.constant 0 : i32
      %dma_wait3A_239 = tpu.memref_slice %arg8[%dma_wait3A_232, %dma_wait3A_238] : memref<40x128xi32, #tpu.memory_space<vmem>> -> memref<1x128xi32, #tpu.memory_space<vmem>>
      %dma_wait3A_240 = tpu.memref_squeeze %dma_wait3A_239 : memref<1x128xi32, #tpu.memory_space<vmem>> -> memref<128xi32, #tpu.memory_space<vmem>>
      %dma_wait3A_241 = arith.constant 0 : i32
      %dma_wait3A_242 = arith.constant 0 : i32
      %dma_wait3A_243 = tpu.memref_slice %arg2[%dma_wait3A_241, %dma_wait3A_242] : memref<10000x128xf32, #tpu.memory_space<hbm>> -> memref<10000x128xf32, #tpu.memory_space<hbm>>
      tpu.wait_indirect_dma semaphore(%arg11 : memref<!tpu.dma_semaphore, #tpu.memory_space<semaphore_mem>>) src(%dma_wait3A_243 : memref<10000x128xf32, #tpu.memory_space<hbm>>) dst(%dma_wait3A_237 : memref<128x128xf32, #tpu.memory_space<vmem>>)
      %run_scoped3A_244 = arith.constant 0 : i32
      "tpu.region"() ({
        %run_scoped3A_275 = tpu.sem_alloc : memref<!tpu.dma_semaphore, #tpu.memory_space<semaphore_mem>>
        %dma_start3A_276 = arith.constant 0 : i32
        %dma_start3A_277 = arith.constant 0 : i32
        %dma_start3A_278 = tpu.memref_slice %arg10[%run_scoped3A_244, %dma_start3A_276, %dma_start3A_277] : memref<2x128x128xf32, #tpu.memory_space<vmem>> -> memref<1x128x128xf32, #tpu.memory_space<vmem>>
        %dma_start3A_279 = tpu.memref_squeeze %dma_start3A_278 : memref<1x128x128xf32, #tpu.memory_space<vmem>> -> memref<128x128xf32, #tpu.memory_space<vmem>>
        %dma_start3A_280 = arith.constant 0 : i32
        %dma_start3A_281 = tpu.memref_slice %arg9[%mul3A_216, %dma_start3A_280] : memref<40x128xi32, #tpu.memory_space<vmem>> -> memref<1x128xi32, #tpu.memory_space<vmem>>
        %dma_start3A_282 = tpu.memref_squeeze %dma_start3A_281 : memref<1x128xi32, #tpu.memory_space<vmem>> -> memref<128xi32, #tpu.memory_space<vmem>>
        %dma_start3A_283 = arith.constant 0 : i32
        %dma_start3A_284 = arith.constant 0 : i32
        %dma_start3A_285 = tpu.memref_slice %arg7[%dma_start3A_283, %dma_start3A_284] : memref<10240x128xf32, #tpu.memory_space<vmem_shared>> -> memref<10240x128xf32, #tpu.memory_space<vmem_shared>>
        tpu.enqueue_indirect_dma source(%dma_start3A_279 : memref<128x128xf32, #tpu.memory_space<vmem>>) target(%dma_start3A_285 : memref<10240x128xf32, #tpu.memory_space<vmem_shared>>) offsets(%dma_start3A_282 : memref<128xi32, #tpu.memory_space<vmem>>) semaphore(%run_scoped3A_275 : memref<!tpu.dma_semaphore, #tpu.memory_space<semaphore_mem>>) {add = true}
        %dma_wait3A_286 = arith.constant 0 : i32
        %dma_wait3A_287 = arith.constant 0 : i32
        %dma_wait3A_288 = tpu.memref_slice %arg10[%run_scoped3A_244, %dma_wait3A_286, %dma_wait3A_287] : memref<2x128x128xf32, #tpu.memory_space<vmem>> -> memref<1x128x128xf32, #tpu.memory_space<vmem>>
        %dma_wait3A_289 = tpu.memref_squeeze %dma_wait3A_288 : memref<1x128x128xf32, #tpu.memory_space<vmem>> -> memref<128x128xf32, #tpu.memory_space<vmem>>
        %dma_wait3A_290 = arith.constant 0 : i32
        %dma_wait3A_291 = tpu.memref_slice %arg9[%mul3A_216, %dma_wait3A_290] : memref<40x128xi32, #tpu.memory_space<vmem>> -> memref<1x128xi32, #tpu.memory_space<vmem>>
        %dma_wait3A_292 = tpu.memref_squeeze %dma_wait3A_291 : memref<1x128xi32, #tpu.memory_space<vmem>> -> memref<128xi32, #tpu.memory_space<vmem>>
        %dma_wait3A_293 = arith.constant 0 : i32
        %dma_wait3A_294 = arith.constant 0 : i32
        %dma_wait3A_295 = tpu.memref_slice %arg7[%dma_wait3A_293, %dma_wait3A_294] : memref<10240x128xf32, #tpu.memory_space<vmem_shared>> -> memref<10240x128xf32, #tpu.memory_space<vmem_shared>>
        tpu.wait_indirect_dma semaphore(%run_scoped3A_275 : memref<!tpu.dma_semaphore, #tpu.memory_space<semaphore_mem>>) src(%dma_wait3A_289 : memref<128x128xf32, #tpu.memory_space<vmem>>) dst(%dma_wait3A_295 : memref<10240x128xf32, #tpu.memory_space<vmem_shared>>)
        tpu.yield
      }) : () -> ()
      %add3A_245 = arith.constant 2 : i32
      %add3A_246 = arith.addi %mul3A_216, %add3A_245 : i32
      %min3A_247 = arith.constant 39 : i32
      %min3A_248 = arith.minsi %add3A_246, %min3A_247 : i32
      %dma_start3A_249 = arith.constant 0 : i32
      %dma_start3A_250 = arith.constant 0 : i32
      %dma_start3A_251 = arith.constant 0 : i32
      %dma_start3A_252 = tpu.memref_slice %arg10[%dma_start3A_249, %dma_start3A_250, %dma_start3A_251] : memref<2x128x128xf32, #tpu.memory_space<vmem>> -> memref<1x128x128xf32, #tpu.memory_space<vmem>>
      %dma_start3A_253 = tpu.memref_squeeze %dma_start3A_252 : memref<1x128x128xf32, #tpu.memory_space<vmem>> -> memref<128x128xf32, #tpu.memory_space<vmem>>
      %dma_start3A_254 = arith.constant 0 : i32
      %dma_start3A_255 = tpu.memref_slice %arg8[%min3A_248, %dma_start3A_254] : memref<40x128xi32, #tpu.memory_space<vmem>> -> memref<1x128xi32, #tpu.memory_space<vmem>>
      %dma_start3A_256 = tpu.memref_squeeze %dma_start3A_255 : memref<1x128xi32, #tpu.memory_space<vmem>> -> memref<128xi32, #tpu.memory_space<vmem>>
      %dma_start3A_257 = arith.constant 0 : i32
      %dma_start3A_258 = arith.constant 0 : i32
      %dma_start3A_259 = tpu.memref_slice %arg2[%dma_start3A_257, %dma_start3A_258] : memref<10000x128xf32, #tpu.memory_space<hbm>> -> memref<10000x128xf32, #tpu.memory_space<hbm>>
      tpu.enqueue_indirect_dma source(%dma_start3A_259 : memref<10000x128xf32, #tpu.memory_space<hbm>>) target(%dma_start3A_253 : memref<128x128xf32, #tpu.memory_space<vmem>>) offsets(%dma_start3A_256 : memref<128xi32, #tpu.memory_space<vmem>>) semaphore(%arg11 : memref<!tpu.dma_semaphore, #tpu.memory_space<semaphore_mem>>)
      %dma_wait3A_260 = arith.constant 0 : i32
      %dma_wait3A_261 = arith.constant 1 : i32
      %dma_wait3A_262 = arith.constant 0 : i32
      %dma_wait3A_263 = arith.constant 0 : i32
      %dma_wait3A_264 = tpu.memref_slice %arg10[%dma_wait3A_261, %dma_wait3A_262, %dma_wait3A_263] : memref<2x128x128xf32, #tpu.memory_space<vmem>> -> memref<1x128x128xf32, #tpu.memory_space<vmem>>
      %dma_wait3A_265 = tpu.memref_squeeze %dma_wait3A_264 : memref<1x128x128xf32, #tpu.memory_space<vmem>> -> memref<128x128xf32, #tpu.memory_space<vmem>>
      %dma_wait3A_266 = arith.constant 0 : i32
      %dma_wait3A_267 = tpu.memref_slice %arg8[%dma_wait3A_260, %dma_wait3A_266] : memref<40x128xi32, #tpu.memory_space<vmem>> -> memref<1x128xi32, #tpu.memory_space<vmem>>
      %dma_wait3A_268 = tpu.memref_squeeze %dma_wait3A_267 : memref<1x128xi32, #tpu.memory_space<vmem>> -> memref<128xi32, #tpu.memory_space<vmem>>
      %dma_wait3A_269 = arith.constant 0 : i32
      %dma_wait3A_270 = arith.constant 0 : i32
      %dma_wait3A_271 = tpu.memref_slice %arg2[%dma_wait3A_269, %dma_wait3A_270] : memref<10000x128xf32, #tpu.memory_space<hbm>> -> memref<10000x128xf32, #tpu.memory_space<hbm>>
      tpu.wait_indirect_dma semaphore(%arg12 : memref<!tpu.dma_semaphore, #tpu.memory_space<semaphore_mem>>) src(%dma_wait3A_271 : memref<10000x128xf32, #tpu.memory_space<hbm>>) dst(%dma_wait3A_265 : memref<128x128xf32, #tpu.memory_space<vmem>>)
      %add3A_272 = arith.constant 1 : i32
      %add3A_273 = arith.addi %mul3A_216, %add3A_272 : i32
      %run_scoped3A_274 = arith.constant 1 : i32
      "tpu.region"() ({
        %run_scoped3A_275 = tpu.sem_alloc : memref<!tpu.dma_semaphore, #tpu.memory_space<semaphore_mem>>
        %dma_start3A_276 = arith.constant 0 : i32
        %dma_start3A_277 = arith.constant 0 : i32
        %dma_start3A_278 = tpu.memref_slice %arg10[%run_scoped3A_274, %dma_start3A_276, %dma_start3A_277] : memref<2x128x128xf32, #tpu.memory_space<vmem>> -> memref<1x128x128xf32, #tpu.memory_space<vmem>>
        %dma_start3A_279 = tpu.memref_squeeze %dma_start3A_278 : memref<1x128x128xf32, #tpu.memory_space<vmem>> -> memref<128x128xf32, #tpu.memory_space<vmem>>
        %dma_start3A_280 = arith.constant 0 : i32
        %dma_start3A_281 = tpu.memref_slice %arg9[%add3A_273, %dma_start3A_280] : memref<40x128xi32, #tpu.memory_space<vmem>> -> memref<1x128xi32, #tpu.memory_space<vmem>>
        %dma_start3A_282 = tpu.memref_squeeze %dma_start3A_281 : memref<1x128xi32, #tpu.memory_space<vmem>> -> memref<128xi32, #tpu.memory_space<vmem>>
        %dma_start3A_283 = arith.constant 0 : i32
        %dma_start3A_284 = arith.constant 0 : i32
        %dma_start3A_285 = tpu.memref_slice %arg7[%dma_start3A_283, %dma_start3A_284] : memref<10240x128xf32, #tpu.memory_space<vmem_shared>> -> memref<10240x128xf32, #tpu.memory_space<vmem_shared>>
        tpu.enqueue_indirect_dma source(%dma_start3A_279 : memref<128x128xf32, #tpu.memory_space<vmem>>) target(%dma_start3A_285 : memref<10240x128xf32, #tpu.memory_space<vmem_shared>>) offsets(%dma_start3A_282 : memref<128xi32, #tpu.memory_space<vmem>>) semaphore(%run_scoped3A_275 : memref<!tpu.dma_semaphore, #tpu.memory_space<semaphore_mem>>) {add = true}
        %dma_wait3A_286 = arith.constant 0 : i32
        %dma_wait3A_287 = arith.constant 0 : i32
        %dma_wait3A_288 = tpu.memref_slice %arg10[%run_scoped3A_274, %dma_wait3A_286, %dma_wait3A_287] : memref<2x128x128xf32, #tpu.memory_space<vmem>> -> memref<1x128x128xf32, #tpu.memory_space<vmem>>
        %dma_wait3A_289 = tpu.memref_squeeze %dma_wait3A_288 : memref<1x128x128xf32, #tpu.memory_space<vmem>> -> memref<128x128xf32, #tpu.memory_space<vmem>>
        %dma_wait3A_290 = arith.constant 0 : i32
        %dma_wait3A_291 = tpu.memref_slice %arg9[%add3A_273, %dma_wait3A_290] : memref<40x128xi32, #tpu.memory_space<vmem>> -> memref<1x128xi32, #tpu.memory_space<vmem>>
        %dma_wait3A_292 = tpu.memref_squeeze %dma_wait3A_291 : memref<1x128xi32, #tpu.memory_space<vmem>> -> memref<128xi32, #tpu.memory_space<vmem>>
        %dma_wait3A_293 = arith.constant 0 : i32
        %dma_wait3A_294 = arith.constant 0 : i32
        %dma_wait3A_295 = tpu.memref_slice %arg7[%dma_wait3A_293, %dma_wait3A_294] : memref<10240x128xf32, #tpu.memory_space<vmem_shared>> -> memref<10240x128xf32, #tpu.memory_space<vmem_shared>>
        tpu.wait_indirect_dma semaphore(%run_scoped3A_275 : memref<!tpu.dma_semaphore, #tpu.memory_space<semaphore_mem>>) src(%dma_wait3A_289 : memref<128x128xf32, #tpu.memory_space<vmem>>) dst(%dma_wait3A_295 : memref<10240x128xf32, #tpu.memory_space<vmem_shared>>)
        tpu.yield
      }) : () -> ()
    }
    %scan3A_200 = arith.constant 20 : i32
    %dma_wait3A_201 = arith.constant 0 : i32
    %dma_wait3A_202 = arith.constant 0 : i32
    %dma_wait3A_203 = arith.constant 0 : i32
    %dma_wait3A_204 = arith.constant 0 : i32
    %dma_wait3A_205 = tpu.memref_slice %arg10[%dma_wait3A_202, %dma_wait3A_203, %dma_wait3A_204] : memref<2x128x128xf32, #tpu.memory_space<vmem>> -> memref<1x128x128xf32, #tpu.memory_space<vmem>>
    %dma_wait3A_206 = tpu.memref_squeeze %dma_wait3A_205 : memref<1x128x128xf32, #tpu.memory_space<vmem>> -> memref<128x128xf32, #tpu.memory_space<vmem>>
    %dma_wait3A_207 = arith.constant 0 : i32
    %dma_wait3A_208 = tpu.memref_slice %arg8[%dma_wait3A_201, %dma_wait3A_207] : memref<40x128xi32, #tpu.memory_space<vmem>> -> memref<1x128xi32, #tpu.memory_space<vmem>>
    %dma_wait3A_209 = tpu.memref_squeeze %dma_wait3A_208 : memref<1x128xi32, #tpu.memory_space<vmem>> -> memref<128xi32, #tpu.memory_space<vmem>>
    %dma_wait3A_210 = arith.constant 0 : i32
    %dma_wait3A_211 = arith.constant 0 : i32
    %dma_wait3A_212 = tpu.memref_slice %arg2[%dma_wait3A_210, %dma_wait3A_211] : memref<10000x128xf32, #tpu.memory_space<hbm>> -> memref<10000x128xf32, #tpu.memory_space<hbm>>
    tpu.wait_indirect_dma semaphore(%arg11 : memref<!tpu.dma_semaphore, #tpu.memory_space<semaphore_mem>>) src(%dma_wait3A_212 : memref<10000x128xf32, #tpu.memory_space<hbm>>) dst(%dma_wait3A_206 : memref<128x128xf32, #tpu.memory_space<vmem>>)
    %barrier3A_213 = arith.constant 0 : index
    tpu.barrier barrier_id(%barrier3A_213)
    "tpu.region"() ({
      %run_scoped3A_214 = tpu.sem_alloc : memref<!tpu.dma_semaphore, #tpu.memory_space<semaphore_mem>>
      %dma_start3A_215 = arith.constant 0 : i32
      %dma_start3A_216 = tpu.memref_slice %arg6[%arg0, %mul3A_2, %dma_start3A_215] : memref<2x10240x128xf32, #tpu.memory_space<hbm>> -> memref<1x640x128xf32, #tpu.memory_space<hbm>>
      %dma_start3A_217 = tpu.memref_squeeze %dma_start3A_216 : memref<1x640x128xf32, #tpu.memory_space<hbm>> -> memref<640x128xf32, #tpu.memory_space<hbm>>
      %dma_start3A_218 = arith.constant 0 : i32
      %dma_start3A_219 = tpu.memref_slice %arg7[%mul3A_2, %dma_start3A_218] : memref<10240x128xf32, #tpu.memory_space<vmem_shared>> -> memref<640x128xf32, #tpu.memory_space<vmem_shared>>
      tpu.enqueue_dma source(%dma_start3A_219 : memref<640x128xf32, #tpu.memory_space<vmem_shared>>) target(%dma_start3A_217 : memref<640x128xf32, #tpu.memory_space<hbm>>) target_semaphore(%run_scoped3A_214 : memref<!tpu.dma_semaphore, #tpu.memory_space<semaphore_mem>>)
      %dma_wait3A_220 = arith.constant 0 : i32
      %dma_wait3A_221 = tpu.memref_slice %arg6[%arg0, %mul3A_2, %dma_wait3A_220] : memref<2x10240x128xf32, #tpu.memory_space<hbm>> -> memref<1x640x128xf32, #tpu.memory_space<hbm>>
      %dma_wait3A_222 = tpu.memref_squeeze %dma_wait3A_221 : memref<1x640x128xf32, #tpu.memory_space<hbm>> -> memref<640x128xf32, #tpu.memory_space<hbm>>
      %dma_wait3A_223 = arith.constant 0 : i32
      %dma_wait3A_224 = tpu.memref_slice %arg7[%mul3A_2, %dma_wait3A_223] : memref<10240x128xf32, #tpu.memory_space<vmem_shared>> -> memref<640x128xf32, #tpu.memory_space<vmem_shared>>
      tpu.wait_dma2 semaphore(%run_scoped3A_214 : memref<!tpu.dma_semaphore, #tpu.memory_space<semaphore_mem>>) src(%dma_wait3A_224 : memref<640x128xf32, #tpu.memory_space<vmem_shared>>) dst(%dma_wait3A_222 : memref<640x128xf32, #tpu.memory_space<hbm>>)
      tpu.yield
    }) : () -> ()
    return
  }
}

module attributes {stable_mosaic.version = 14 : i64} {
  func.func @_tc_first_body(%arg0: i32, %arg1: memref<2x2000x1xf32, #tpu.memory_space<vmem>>, %arg2: memref<2000x128xf32, #tpu.memory_space<vmem>>, %arg3: memref<128x128xf32, #tpu.memory_space<vmem>>, %arg4: memref<2000x128xf32, #tpu.memory_space<vmem>>, %arg5: memref<2000x1xf32, #tpu.memory_space<vmem>>) attributes {dimension_semantics = [#tpu.dimension_semantics<arbitrary>], iteration_bounds = array<i64: 5>, scalar_prefetch = 0 : i64, scratch_operands = 0 : i64, tpu.core_type = #tpu.core_type<tc>, window_params = [{transform_indices = @transform_0, window_bounds = array<i64: 2, 2000, 1>}, {transform_indices = @transform_1, window_bounds = array<i64: 2000, 128>}, {pipeline_mode = #tpu.pipeline_mode<synchronous>, transform_indices = @transform_2, window_bounds = array<i64: 128, 128>}, {transform_indices = @transform_3, window_bounds = array<i64: 2000, 128>}, {transform_indices = @transform_4, window_bounds = array<i64: 2000, 1>}]} {
    %get3A = arith.constant 0 : index
    %get3A_0 = arith.constant 0 : index
    %get3A_1 = arith.constant 0 : index
    %get3A_2 = vector.load %arg1[%get3A, %get3A_0, %get3A_1] : memref<2x2000x1xf32, #tpu.memory_space<vmem>>, vector<2x2000x1xf32>
    %slice3A = vector.extract_strided_slice %get3A_2 {offsets = [0, 0, 0], sizes = [1, 2000, 1], strides = [1, 1, 1]} : vector<2x2000x1xf32> to vector<1x2000x1xf32>
    %squeeze3A = vector.shape_cast %slice3A : vector<1x2000x1xf32> to vector<2000x1xf32>
    %slice3A_3 = vector.extract_strided_slice %get3A_2 {offsets = [1, 0, 0], sizes = [1, 2000, 1], strides = [1, 1, 1]} : vector<2x2000x1xf32> to vector<1x2000x1xf32>
    %squeeze3A_4 = vector.shape_cast %slice3A_3 : vector<1x2000x1xf32> to vector<2000x1xf32>
    %add3A = arith.addf %squeeze3A, %squeeze3A_4 : vector<2000x1xf32>
    %add3A_5 = arith.constant 1.000000e+00 : f32
    %add3A_6 = vector.broadcast %add3A_5 : f32 to vector<2000x1xf32>
    %add3A_7 = arith.addf %add3A, %add3A_6 : vector<2000x1xf32>
    %rsqrt3A = math.rsqrt %add3A_7 : vector<2000x1xf32>
    %get3A_8 = arith.constant 0 : index
    %get3A_9 = arith.constant 0 : index
    %get3A_10 = vector.load %arg2[%get3A_8, %get3A_9] : memref<2000x128xf32, #tpu.memory_space<vmem>>, vector<2000x128xf32>
    %get3A_11 = arith.constant 0 : index
    %get3A_12 = arith.constant 0 : index
    %get3A_13 = vector.load %arg3[%get3A_11, %get3A_12] : memref<128x128xf32, #tpu.memory_space<vmem>>, vector<128x128xf32>
    %dot_general3A = arith.constant dense<0.000000e+00> : vector<2000x128xf32>
    %dot_general3A_14 = tpu.matmul %get3A_10, %get3A_13, %dot_general3A {dimension_numbers = #tpu.dot_dimension_numbers<[1], [0], [0], [1], [0, 0, 1, 1], [], []>, transpose_lhs_hint = false} : vector<2000x128xf32>, vector<128x128xf32>, vector<2000x128xf32> -> vector<2000x128xf32>
    %mul3A = vector.broadcast %rsqrt3A : vector<2000x1xf32> to vector<2000x128xf32>
    %mul3A_15 = arith.mulf %mul3A, %dot_general3A_14 : vector<2000x128xf32>
    %swap3A = arith.constant 0 : index
    %swap3A_16 = arith.constant 0 : index
    %swap3A_17 = vector.load %arg4[%swap3A, %swap3A_16] : memref<2000x128xf32, #tpu.memory_space<vmem>>, vector<2000x128xf32>
    tpu.vector_store %arg4[%swap3A, %swap3A_16], %mul3A_15 {strides = array<i32>} : memref<2000x128xf32, #tpu.memory_space<vmem>>, vector<2000x128xf32>,
    %swap3A_18 = arith.constant 0 : index
    %swap3A_19 = arith.constant 0 : index
    %swap3A_20 = vector.load %arg5[%swap3A_18, %swap3A_19] : memref<2000x1xf32, #tpu.memory_space<vmem>>, vector<2000x1xf32>
    tpu.vector_store %arg5[%swap3A_18, %swap3A_19], %rsqrt3A {strides = array<i32>} : memref<2000x1xf32, #tpu.memory_space<vmem>>, vector<2000x1xf32>,
    return
  }
  func.func @transform_0(%arg0: i32) -> (i32, i32, i32) {
    %c0_i32 = arith.constant 0 : i32
    %c0_i32_0 = arith.constant 0 : i32
    %c0_i32_1 = arith.constant 0 : i32
    return %c0_i32, %arg0, %c0_i32_0 : i32, i32, i32
  }
  func.func @transform_1(%arg0: i32) -> (i32, i32) {
    %c0_i32 = arith.constant 0 : i32
    %c0_i32_0 = arith.constant 0 : i32
    return %arg0, %c0_i32 : i32, i32
  }
  func.func @transform_2(%arg0: i32) -> (i32, i32) {
    %c0_i32 = arith.constant 0 : i32
    %c0_i32_0 = arith.constant 0 : i32
    %c0_i32_1 = arith.constant 0 : i32
    return %c0_i32, %c0_i32_0 : i32, i32
  }
  func.func @transform_3(%arg0: i32) -> (i32, i32) {
    %c0_i32 = arith.constant 0 : i32
    %c0_i32_0 = arith.constant 0 : i32
    return %arg0, %c0_i32 : i32, i32
  }
  func.func @transform_4(%arg0: i32) -> (i32, i32) {
    %c0_i32 = arith.constant 0 : i32
    %c0_i32_0 = arith.constant 0 : i32
    return %arg0, %c0_i32 : i32, i32
  }
}

module attributes {stable_mosaic.version = 14 : i64} {
  func.func @_tc_mid_body(%arg0: i32, %arg1: memref<2x2000x128xf32, #tpu.memory_space<vmem>>, %arg2: memref<2000x128xf32, #tpu.memory_space<vmem>>, %arg3: memref<2000x1xf32, #tpu.memory_space<vmem>>, %arg4: memref<1x128xf32, #tpu.memory_space<vmem>>, %arg5: memref<128x128xf32, #tpu.memory_space<vmem>>, %arg6: memref<2000x128xf32, #tpu.memory_space<vmem>>) attributes {dimension_semantics = [#tpu.dimension_semantics<arbitrary>], iteration_bounds = array<i64: 5>, scalar_prefetch = 0 : i64, scratch_operands = 0 : i64, tpu.core_type = #tpu.core_type<tc>, window_params = [{transform_indices = @transform_0, window_bounds = array<i64: 2, 2000, 128>}, {transform_indices = @transform_1, window_bounds = array<i64: 2000, 128>}, {transform_indices = @transform_2, window_bounds = array<i64: 2000, 1>}, {pipeline_mode = #tpu.pipeline_mode<synchronous>, transform_indices = @transform_3, window_bounds = array<i64: 1, 128>}, {pipeline_mode = #tpu.pipeline_mode<synchronous>, transform_indices = @transform_4, window_bounds = array<i64: 128, 128>}, {transform_indices = @transform_5, window_bounds = array<i64: 2000, 128>}]} {
    %get3A = arith.constant 0 : index
    %get3A_0 = arith.constant 0 : index
    %get3A_1 = arith.constant 0 : index
    %get3A_2 = vector.load %arg1[%get3A, %get3A_0, %get3A_1] : memref<2x2000x128xf32, #tpu.memory_space<vmem>>, vector<1x2000x128xf32>
    %get3A_3 = vector.shape_cast %get3A_2 : vector<1x2000x128xf32> to vector<2000x128xf32>
    %get3A_4 = arith.constant 1 : index
    %get3A_5 = arith.constant 0 : index
    %get3A_6 = arith.constant 0 : index
    %get3A_7 = vector.load %arg1[%get3A_4, %get3A_5, %get3A_6] : memref<2x2000x128xf32, #tpu.memory_space<vmem>>, vector<1x2000x128xf32>
    %get3A_8 = vector.shape_cast %get3A_7 : vector<1x2000x128xf32> to vector<2000x128xf32>
    %add3A = arith.addf %get3A_3, %get3A_8 : vector<2000x128xf32>
    %get3A_9 = arith.constant 0 : index
    %get3A_10 = arith.constant 0 : index
    %get3A_11 = vector.load %arg3[%get3A_9, %get3A_10] : memref<2000x1xf32, #tpu.memory_space<vmem>>, vector<2000x1xf32>
    %get3A_12 = arith.constant 0 : index
    %get3A_13 = arith.constant 0 : index
    %get3A_14 = vector.load %arg2[%get3A_12, %get3A_13] : memref<2000x128xf32, #tpu.memory_space<vmem>>, vector<2000x128xf32>
    %add3A_15 = arith.addf %add3A, %get3A_14 : vector<2000x128xf32>
    %mul3A = vector.broadcast %get3A_11 : vector<2000x1xf32> to vector<2000x128xf32>
    %mul3A_16 = arith.mulf %mul3A, %add3A_15 : vector<2000x128xf32>
    %get3A_17 = arith.constant 0 : index
    %get3A_18 = arith.constant 0 : index
    %get3A_19 = vector.load %arg4[%get3A_17, %get3A_18] : memref<1x128xf32, #tpu.memory_space<vmem>>, vector<1x128xf32>
    %add3A_20 = vector.broadcast %get3A_19 : vector<1x128xf32> to vector<2000x128xf32>
    %add3A_21 = arith.addf %mul3A_16, %add3A_20 : vector<2000x128xf32>
    %max3A = arith.constant 0.000000e+00 : f32
    %max3A_22 = vector.broadcast %max3A : f32 to vector<2000x128xf32>
    %max3A_23 = arith.maximumf %add3A_21, %max3A_22 : vector<2000x128xf32>
    %get3A_24 = arith.constant 0 : index
    %get3A_25 = arith.constant 0 : index
    %get3A_26 = vector.load %arg5[%get3A_24, %get3A_25] : memref<128x128xf32, #tpu.memory_space<vmem>>, vector<128x128xf32>
    %dot_general3A = arith.constant dense<0.000000e+00> : vector<2000x128xf32>
    %dot_general3A_27 = tpu.matmul %max3A_23, %get3A_26, %dot_general3A {dimension_numbers = #tpu.dot_dimension_numbers<[1], [0], [0], [1], [0, 0, 1, 1], [], []>, transpose_lhs_hint = false} : vector<2000x128xf32>, vector<128x128xf32>, vector<2000x128xf32> -> vector<2000x128xf32>
    %mul3A_28 = vector.broadcast %get3A_11 : vector<2000x1xf32> to vector<2000x128xf32>
    %mul3A_29 = arith.mulf %mul3A_28, %dot_general3A_27 : vector<2000x128xf32>
    %swap3A = arith.constant 0 : index
    %swap3A_30 = arith.constant 0 : index
    %swap3A_31 = vector.load %arg6[%swap3A, %swap3A_30] : memref<2000x128xf32, #tpu.memory_space<vmem>>, vector<2000x128xf32>
    tpu.vector_store %arg6[%swap3A, %swap3A_30], %mul3A_29 {strides = array<i32>} : memref<2000x128xf32, #tpu.memory_space<vmem>>, vector<2000x128xf32>,
    return
  }
  func.func @transform_0(%arg0: i32) -> (i32, i32, i32) {
    %c0_i32 = arith.constant 0 : i32
    %c0_i32_0 = arith.constant 0 : i32
    %c0_i32_1 = arith.constant 0 : i32
    return %c0_i32, %arg0, %c0_i32_0 : i32, i32, i32
  }
  func.func @transform_1(%arg0: i32) -> (i32, i32) {
    %c0_i32 = arith.constant 0 : i32
    %c0_i32_0 = arith.constant 0 : i32
    return %arg0, %c0_i32 : i32, i32
  }
  func.func @transform_2(%arg0: i32) -> (i32, i32) {
    %c0_i32 = arith.constant 0 : i32
    %c0_i32_0 = arith.constant 0 : i32
    return %arg0, %c0_i32 : i32, i32
  }
  func.func @transform_3(%arg0: i32) -> (i32, i32) {
    %c0_i32 = arith.constant 0 : i32
    %c0_i32_0 = arith.constant 0 : i32
    %c0_i32_1 = arith.constant 0 : i32
    return %c0_i32, %c0_i32_0 : i32, i32
  }
  func.func @transform_4(%arg0: i32) -> (i32, i32) {
    %c0_i32 = arith.constant 0 : i32
    %c0_i32_0 = arith.constant 0 : i32
    %c0_i32_1 = arith.constant 0 : i32
    return %c0_i32, %c0_i32_0 : i32, i32
  }
  func.func @transform_5(%arg0: i32) -> (i32, i32) {
    %c0_i32 = arith.constant 0 : i32
    %c0_i32_0 = arith.constant 0 : i32
    return %arg0, %c0_i32 : i32, i32
  }
}

module attributes {stable_mosaic.version = 14 : i64} {
  func.func @_tc_final_body(%arg0: i32, %arg1: memref<2x2000x128xf32, #tpu.memory_space<vmem>>, %arg2: memref<2000x128xf32, #tpu.memory_space<vmem>>, %arg3: memref<2000x1xf32, #tpu.memory_space<vmem>>, %arg4: memref<1x128xf32, #tpu.memory_space<vmem>>, %arg5: memref<2000x128xf32, #tpu.memory_space<vmem>>) attributes {dimension_semantics = [#tpu.dimension_semantics<arbitrary>], iteration_bounds = array<i64: 5>, scalar_prefetch = 0 : i64, scratch_operands = 0 : i64, tpu.core_type = #tpu.core_type<tc>, window_params = [{transform_indices = @transform_0, window_bounds = array<i64: 2, 2000, 128>}, {transform_indices = @transform_1, window_bounds = array<i64: 2000, 128>}, {transform_indices = @transform_2, window_bounds = array<i64: 2000, 1>}, {pipeline_mode = #tpu.pipeline_mode<synchronous>, transform_indices = @transform_3, window_bounds = array<i64: 1, 128>}, {transform_indices = @transform_4, window_bounds = array<i64: 2000, 128>}]} {
    %get3A = arith.constant 0 : index
    %get3A_0 = arith.constant 0 : index
    %get3A_1 = arith.constant 0 : index
    %get3A_2 = vector.load %arg1[%get3A, %get3A_0, %get3A_1] : memref<2x2000x128xf32, #tpu.memory_space<vmem>>, vector<1x2000x128xf32>
    %get3A_3 = vector.shape_cast %get3A_2 : vector<1x2000x128xf32> to vector<2000x128xf32>
    %get3A_4 = arith.constant 1 : index
    %get3A_5 = arith.constant 0 : index
    %get3A_6 = arith.constant 0 : index
    %get3A_7 = vector.load %arg1[%get3A_4, %get3A_5, %get3A_6] : memref<2x2000x128xf32, #tpu.memory_space<vmem>>, vector<1x2000x128xf32>
    %get3A_8 = vector.shape_cast %get3A_7 : vector<1x2000x128xf32> to vector<2000x128xf32>
    %add3A = arith.addf %get3A_3, %get3A_8 : vector<2000x128xf32>
    %get3A_9 = arith.constant 0 : index
    %get3A_10 = arith.constant 0 : index
    %get3A_11 = vector.load %arg3[%get3A_9, %get3A_10] : memref<2000x1xf32, #tpu.memory_space<vmem>>, vector<2000x1xf32>
    %get3A_12 = arith.constant 0 : index
    %get3A_13 = arith.constant 0 : index
    %get3A_14 = vector.load %arg2[%get3A_12, %get3A_13] : memref<2000x128xf32, #tpu.memory_space<vmem>>, vector<2000x128xf32>
    %add3A_15 = arith.addf %add3A, %get3A_14 : vector<2000x128xf32>
    %mul3A = vector.broadcast %get3A_11 : vector<2000x1xf32> to vector<2000x128xf32>
    %mul3A_16 = arith.mulf %mul3A, %add3A_15 : vector<2000x128xf32>
    %get3A_17 = arith.constant 0 : index
    %get3A_18 = arith.constant 0 : index
    %get3A_19 = vector.load %arg4[%get3A_17, %get3A_18] : memref<1x128xf32, #tpu.memory_space<vmem>>, vector<1x128xf32>
    %add3A_20 = vector.broadcast %get3A_19 : vector<1x128xf32> to vector<2000x128xf32>
    %add3A_21 = arith.addf %mul3A_16, %add3A_20 : vector<2000x128xf32>
    %swap3A = arith.constant 0 : index
    %swap3A_22 = arith.constant 0 : index
    %swap3A_23 = vector.load %arg5[%swap3A, %swap3A_22] : memref<2000x128xf32, #tpu.memory_space<vmem>>, vector<2000x128xf32>
    tpu.vector_store %arg5[%swap3A, %swap3A_22], %add3A_21 {strides = array<i32>} : memref<2000x128xf32, #tpu.memory_space<vmem>>, vector<2000x128xf32>,
    return
  }
  func.func @transform_0(%arg0: i32) -> (i32, i32, i32) {
    %c0_i32 = arith.constant 0 : i32
    %c0_i32_0 = arith.constant 0 : i32
    %c0_i32_1 = arith.constant 0 : i32
    return %c0_i32, %arg0, %c0_i32_0 : i32, i32, i32
  }
  func.func @transform_1(%arg0: i32) -> (i32, i32) {
    %c0_i32 = arith.constant 0 : i32
    %c0_i32_0 = arith.constant 0 : i32
    return %arg0, %c0_i32 : i32, i32
  }
  func.func @transform_2(%arg0: i32) -> (i32, i32) {
    %c0_i32 = arith.constant 0 : i32
    %c0_i32_0 = arith.constant 0 : i32
    return %arg0, %c0_i32 : i32, i32
  }
  func.func @transform_3(%arg0: i32) -> (i32, i32) {
    %c0_i32 = arith.constant 0 : i32
    %c0_i32_0 = arith.constant 0 : i32
    %c0_i32_1 = arith.constant 0 : i32
    return %c0_i32, %c0_i32_0 : i32, i32
  }
  func.func @transform_4(%arg0: i32) -> (i32, i32) {
    %c0_i32 = arith.constant 0 : i32
    %c0_i32_0 = arith.constant 0 : i32
    return %arg0, %c0_i32 : i32, i32
  }
}

</mosaic_0001>

<sc_bundles>
// kernel: kernel.10.cloned.1.call-start
scs
__scs_entry_jumppad:
0x0: {  	(pc) =	sbr.rel $0x88, $3  }
0x1: {  	(tag) =	ssettag $0x0;
	lr =	simm.s32 $0x1  }
0x2: {  	[smem:$0x3F99] =	sst lr;
	_ =	strace $0xD0000000  }
0x3: {  	_ = 	snop  }
0x4: {  	_ = 	snop  }
0x5: {  	_ = 	snop  }
0x6: {  	_ = 	snop  }
0x7: {  	_ = 	snop  }
__scs_overlays_trampoline_lowered:
0x8: {  	[smem:$0x3FA8] =	sst s0  }
0x9: {  	[smem:$0x3FA9] =	sst s1  }
0xa: {  	[smem:$0x3FAA] =	sst s2  }
0xb: {  	[smem:$0x3FAB] =	sst s3  }
0xc: {  	[smem:$0x3FAC] =	sst s4  }
0xd: {  	[smem:$0x3FAD] =	sst s5  }
0xe: {  	[smem:$0x3FAE] =	sst s6  }
0xf: {  	[smem:$0x3FAF] =	sst s7  }
0x10: {  	[smem:$0x3FB0] =	sst s8  }
0x11: {  	[smem:$0x3FB1] =	sst s9;
	s0 =	simm.s32 @!p0 $0x0  }
0x12: {  	s1 =	sld [smem:$0x3F97];
	s0 =	simm.s32 @p0 $0x1  }
0x13: {  	[smem:$0x3FB2] =	sst s0;
	s0 =	simm.s32 @!p1 $0x0  }
0x14: {  	s2 =	sld [smem:$0x3F96];
	s0 =	simm.s32 @p1 $0x1  }
0x15: {  	[smem:$0x3FB3] =	sst s0;
	s0 =	simm.s32 @!p2 $0x0  }
0x16: {  	s3 =	sld [smem:$0x3FDB];
	s0 =	simm.s32 @p2 $0x1  }
0x17: {  	s4 =	simm.s32 $0x1BF5;
	[smem:$0x3FB5] =	sst s0  }
0x18: {  	s0 =	sld [smem:$0x3F98];
	_ =	swait.ge [sflag:s4], $0x0  }
0x19: {  	s7 =	sld [smem:$0x3F99]  }
0x1a: {  	s8 =	sadd.s32 $0xFFFFE003, lr  }
0x1b: {  	s9 =	sadd.s32 $0xFFFFFEF7, lr;
	s5 =	simm.s32 $0xFFFFFFFF;
	p2 =	slt.u32 s8, $0xFFFFF086  }
0x1c: {  	p1 =	slt.u32 s9, $0xF7A;
	s5 =	simm.s32 @!p2 $0x0  }
0x1d: {  	s5 =	simm.s32 @p1 $0x1;
	p0 =	seq.s32 s7, s2  }
0x1e: {  	s7 =	smul.u32 @!p0 $0xF7A, s2;
	p2 =	seq.s32 @!p0 s5, $0x0  }
0x1f: {  	s9 =	smul.u32 $0xF7A, s1;
	s8 =	simm.s32 @!p0 $0x1BF5;
	p2 =	por !p2, p0  }
0x20: {  	[sflag:s8] =	ssyncset.s32 @!p0 $0xFFFFF086;
	s6 =	sadd.s32 @!p0 s3, s7;
	s7 =	simm.s32 @!p0 $0x108  }
0x21: {  	s3 =	sadd.s32 s3, s9;
	s6 =	sadd.s32 @!p0 $0x88, s6;
	s7 =	simm.s32 @p2 $0x1082  }
0x22: {  	[simem:s7], [sflag:s8] =	dma.local @!p0 [hbm:s6], $0xF7A  }
0x23: {  	s9 =	sor.u32 $0xD0000000, s2;
	s6 =	simm.s32 $0x108;
	_ =	swait.ge @!p0 [sflag:s8], $0x0  }
0x24: {  	s3 =	sadd.s32 $0x88, s3;
	s6 =	simm.s32 @!p1 $0x1082;
	[sflag:s4] =	ssyncset.s32 $0xFFFFF086  }
0x25: {  	[simem:s6], [sflag:s4] =	dma.local [hbm:s3], $0xF7A  }
0x26: {  	[smem:$0x3F99] =	sst s1;
	(tag) =	ssettag s2;
	_ =	strace s9  }
0x27: {  	s1 =	sld [smem:$0x3FA9]  }
0x28: {  	s2 =	sld [smem:$0x3FAA]  }
0x29: {  	s4 =	sld [smem:$0x3FAC]  }
0x2a: {  	p0 =	seq.s32 s5, $0x0;
	s5 =	sld [smem:$0x3FAD]  }
0x2b: {  	s6 =	sld [smem:$0x3FAE]  }
0x2c: {  	s7 =	sld [smem:$0x3FAF]  }
0x2d: {  	s3 =	simm.s32 $0x108;
	s8 =	sld [smem:$0x3FB0]  }
0x2e: {  	s3 =	simm.s32 @!p0 $0x1082;
	s9 =	sld [smem:$0x3FB1]  }
0x2f: {  	lr =	sadd.s32 s0, s3;
	s0 =	sld [smem:$0x3FA8]  }
0x30: {  	s3 =	sld [smem:$0x3FAB]  }
0x31: {  	[smem:$0x3FB4] =	sst s10  }
0x32: {  	s10 =	sld [smem:$0x3FB2];
	_ =	sdelay $0x3  }
0x33: {  	p0 =	seq.s32 s10, $0x1;
	s10 =	sld [smem:$0x3FB4];
	_ =	sdelay $0x3  }
0x34: {  	[smem:$0x3FB4] =	sst s10  }
0x35: {  	s10 =	sld [smem:$0x3FB3];
	_ =	sdelay $0x3  }
0x36: {  	p1 =	seq.s32 s10, $0x1;
	s10 =	sld [smem:$0x3FB4];
	_ =	sdelay $0x3  }
0x37: {  	[smem:$0x3FB4] =	sst s10  }
0x38: {  	s10 =	sld [smem:$0x3FB5]  }
0x39: {  	_ = 	snop;
	(pc) =	sbr.ind lr, $3  }
0x3a: {  	_ = 	snop  }
0x3b: {  	_ = 	snop  }
0x3c: {  	p2 =	seq.s32 s10, $0x1;
	s10 =	sld [smem:$0x3FB4]  }
0x3d: {  	_ =	shalt  }
0x3e: {  	_ =	shalt  }
0x3f: {  	_ =	shalt  }
0x40: {  	_ =	shalt  }
0x41: {  	_ =	shalt  }
0x42: {  	_ =	shalt  }
0x43: {  	_ =	shalt  }
0x44: {  	_ =	shalt  }
0x45: {  	_ =	shalt  }
0x46: {  	_ =	shalt  }
0x47: {  	_ =	shalt  }
0x48: {  	_ =	shalt  }
0x49: {  	_ =	shalt  }
0x4a: {  	_ =	shalt  }
0x4b: {  	_ =	shalt  }
0x4c: {  	_ =	shalt  }
0x4d: {  	_ =	shalt  }
0x4e: {  	_ =	shalt  }
0x4f: {  	_ =	shalt  }
0x50: {  	_ =	shalt  }
0x51: {  	_ =	shalt  }
0x52: {  	_ =	shalt  }
0x53: {  	_ =	shalt  }
0x54: {  	_ =	shalt  }
0x55: {  	_ =	shalt  }
0x56: {  	_ =	shalt  }
0x57: {  	_ =	shalt  }
0x58: {  	_ =	shalt  }
0x59: {  	_ =	shalt  }
0x5a: {  	_ =	shalt  }
0x5b: {  	_ =	shalt  }
0x5c: {  	_ =	shalt  }
0x5d: {  	_ =	shalt  }
0x5e: {  	_ =	shalt  }
0x5f: {  	_ =	shalt  }
0x60: {  	_ =	shalt  }
0x61: {  	_ =	shalt  }
0x62: {  	_ =	shalt  }
0x63: {  	_ =	shalt  }
0x64: {  	_ =	shalt  }
0x65: {  	_ =	shalt  }
0x66: {  	_ =	shalt  }
0x67: {  	_ =	shalt  }
0x68: {  	_ =	shalt  }
0x69: {  	_ =	shalt  }
0x6a: {  	_ =	shalt  }
0x6b: {  	_ =	shalt  }
0x6c: {  	_ =	shalt  }
0x6d: {  	_ =	shalt  }
0x6e: {  	_ =	shalt  }
0x6f: {  	_ =	shalt  }
0x70: {  	_ =	shalt  }
0x71: {  	_ =	shalt  }
0x72: {  	_ =	shalt  }
0x73: {  	_ =	shalt  }
0x74: {  	_ =	shalt  }
0x75: {  	_ =	shalt  }
0x76: {  	_ =	shalt  }
0x77: {  	_ =	shalt  }
0x78: {  	_ =	shalt  }
0x79: {  	_ =	shalt  }
0x7a: {  	_ =	shalt  }
0x7b: {  	_ =	shalt  }
0x7c: {  	_ =	shalt  }
0x7d: {  	_ =	shalt  }
0x7e: {  	_ =	shalt  }
0x7f: {  	_ =	shalt  }
0x80: {  	_ =	shalt  }
0x81: {  	_ =	shalt  }
0x82: {  	_ =	shalt  }
0x83: {  	_ =	shalt  }
0x84: {  	_ =	shalt  }
0x85: {  	_ =	shalt  }
0x86: {  	_ =	shalt  }
0x87: {  	_ =	shalt  }
.Lfunc_end0:
.L_simem_size_0:
called_computation_lowered:
.L_overlay_start_0:
0x88: {  	s2 =	sld [smem:$0x3FD9]  }
0x89: {  	s3 =	sld [smem:$0x3FFE];
	_ =	sdelay $0x1  }
0x8a: {  	s1 =	srdreg.scid  }
0x8b: {  	s0 =	sand.u32 $0x1, s1  }
0x8c: {  	s17 =	sshll.u32 s0, $0xA;
	s2 =	sadd.s32 s3, s2  }
0x8d: {  	s2 =	sadd.s32 s2, s17  }
0x8e: {  	[smem:$0x3FC0] =	sst s2  }
0x8f: {  	_ = 	snop  }
0x90: {  	s2 =	sld [smem:$0x3FD0];
	(tm) =	ssettm $0x1  }
0x91: {  	s18 =	sld [smem:$0x3FFB];
	_ =	sdelay $0x3  }
0x92: {  	_ =	strace s18  }
0x93: {  	s3 =	sld [smem:$0x3FFC];
	_ =	sdelay $0x3  }
0x94: {  	_ =	strace s3  }
0x95: {  	s3 =	sld [smem:$0x3FFD];
	_ =	sdelay $0x3  }
0x96: {  	_ =	strace s3  }
0x97: {  	_ =	strace $0x8FFFFFFF  }
0x98: {  	s19 =	sld [smem:$0x3FDB];
	_ =	sdelay $0x1  }
0x99: {  	s4 =	simm.s32 $_scs_section_size  }
0x9a: {  	s5 =	simm.s32 $_size__tile_overlayer_lowered;
	s6 =	simm.s32 $_tile_overlayer_lowered  }
0x9b: {  	s22 =	simm.s32 $0x1BFF;
	s21 =	sshll.u32 s6, $0x1;
	s3 =	sadd.s32 s4, s19  }
0x9c: {  	s7 =	simm.s32 $0x0;
	s20 =	sshll.u32 s5, $0x1;
	s5 =	sadd.s32 s21, s3  }
0x9d: {  	[timem:s7], [sflag:s22] =	dma.local [hbm:s5], s20  }
0x9e: {  	_ =	swait.ge [sflag:s22], s20  }
0x9f: {  	s4 =	ssub.s32 $0x0, s20;
	[sflag:s22] =	ssyncset.done $0x0  }
0xa0: {  	[sflag:s22] =	ssyncadd.s32 s4;
	_ =	sdelay $0x1  }
0xa1: {  	s23 =	simm.s32 $0x1B8B  }
0xa2: {  	_ =	swait.ge [sflag:s23], $0x1  }
0xa3: {  	[sflag:s23] =	ssyncset.done $0x0  }
0xa4: {  	s25 =	simm.s32 $0x1B8E;
	s24 =	sld [smem:$0x3FFE];
	[sflag:s23] =	ssyncadd.s32 $0xFFFFFFFF  }
0xa5: {  	s26 =	simm.s32 $execute0_lowered;
	[smem:$0x3FD2] =	sst s25  }
0xa6: {  	s5 =	sshll.u32 s26, $0x1;
	_ =	strace $0x80000046;
	[dreg:$0x1] =	wrdreg $0xFFFFFFFF  }
0xa7: {  	s28 =	simm.s32 $_size_execute0_lowered;
	s3 =	sadd.s32 s3, s5;
	[dreg:$0x0] =	wrdreg $0x0  }
0xa8: {  	s5 =	sshll.u32 s28, $0x1;
	[dreg:$0x2] =	wrdreg s3  }
0xa9: {  	[dreg:$0x3] =	wrdreg s5  }
0xaa: {  	[dreg:$0x4] =	wrdreg $0xC0  }
0xab: {  	_ =	task [dreg:s7], $0x5FFFF  }
0xac: {  	[dreg:$0x1] =	wrdreg $0xFFFFFFFF  }
0xad: {  	[dreg:$0x0] =	wrdreg $0x60  }
0xae: {  	[dreg:$0x2] =	wrdreg s24  }
0xaf: {  	[dreg:$0x3] =	wrdreg s2  }
0xb0: {  	[dreg:$0x4] =	wrdreg $0x0  }
0xb1: {  	[dreg:$0x5] =	wrdreg $0x9  }
0xb2: {  	_ =	task.clear_ibuf [dreg:s7], $0x6FFFF;
	_ =	strace $0x90000046  }
0xb3: {  	s29 =	simm.s32 $0x9;
	_ =	strace $0x80000048  }
0xb4: {  	_ =	swait.ge [sflag:s29], $0x1  }
0xb5: {  	[sflag:s29] =	ssyncadd.s32 $0xFFFFFFFF  }
0xb6: {  	_ =	strace $0x90000048  }
0xb7: {  	_ =	sfence  }
0xb8: {  	s30 =	sld [smem:$0x0];
	_ =	sdelay $0x2  }
0xb9: {  	s31 =	sshll.u32 s1, $0xD;
	s1 =	sshrl.u32 s1, $0x2  }
0xba: {  	s3 =	sand.u32 $0x4000, s31;
	s1 =	sadd.s32 s1, s30  }
0xbb: {  	s0 =	sor.u32 s3, s0;
	s1 =	sshll.u32 s1, $0x11  }
0xbc: {  	s0 =	sor.u32 s1, s0  }
0xbd: {  	s0 =	sadd.s32 $0x8F2B, s0  }
0xbe: {  	[sflag:s0] =	ssyncadd.remote.s32 $0x1  }
0xbf: {  	_ =	sfence.sel $0xFFFF  }
0xc0: {  	[dreg:$0x0] =	wrdreg $0xFFFFFFFF;
	(pc) =	sbr.abs _section_cstart, $3  }
0xc1: {  	[dreg:$0x1] =	wrdreg $0xFFFFFFFF  }
0xc2: {  	_ =	task.clear_ibuf [dreg:s7], $0x2FFFF;
	_ =	strace $0x9FFFFFFF  }
0xc3: {  	(tm) =	ssettm $0x7FFFFFFF  }
tec
execute0_lowered:
.L_overlay_start_1:
0x0: {  	(tag) =	ssettag $0x1  }
0x1: {  	s5 =	rddreg [dreg:$0x0]  }
0x2: {  	s1 =	srdreg.scid;
	s8 =	rddreg [dreg:$0x1]  }
0x3: {  	s0 =	stileid.u32;
	s2 =	rddreg [dreg:$0x2]  }
0x4: {  	s3 =	simm.s32 $0x0;
	s12 =	simm.s32 $0x2A80;
	s13 =	simm.s32 $0x280  }
0x5: {  	s14 =	simm.s32 $0x80;
	s15 =	simm.s32 $0x1;
	s16 =	simm.s32 $0x2  }
0x6: {  	s17 =	simm.s32 $0x3;
	s18 =	simm.s32 $0x4;
	s19 =	simm.s32 $0x5  }
0x7: {  	s20 =	simm.s32 $0x6;
	s21 =	simm.s32 $0x7;
	s22 =	simm.s32 $0x8  }
0x8: {  	s25 =	simm.s32 $0x0;
	s4 =	sand.u32 $0x1, s1;
	s30 =	sshll.u32 s0, $0x1  }
0x9: {  	s7 =	smul.u32 $0x280, s0;
	[smem:$0x7FF] =	sst s3;
	s23 =	sshll.u32 s0, $0x6  }
0xa: {  	s1 =	sor.u32 s4, s30;
	s9 =	smul.u32 $0x2800, s4;
	s31 =	ssub.s32 $0x2, s4  }
0xb: {  	s4 =	sadd.s32 $0x17400, s5;
	s23 =	sor.u32 $0x1C09, s23;
	s6 =	smul.u32 $0x500, s1  }
0xc: {  	s1 =	rddreg [dreg:$0x3];
	_ =	strace $0x80000047;
	s11 =	sshrl.u32 s31, $0x1  }
0xd: {  	s9 =	sadd.s32 s7, s9;
	s11 =	ssub.s32 s31, s11;
	s10 =	sadd.s32 s6, s5  }
0xe: {  	s5 =	sadd.s32 $0x17600, s5;
	s9 =	sshrl.u32 s9, $0x3;
	s6 =	sadd.s32 s7, s2  }
0xf: {  	s7 =	sadd.s32 $0x3400, s10;
	s8 =	sadd.s32 s8, s9;
	s9 =	smax.u32 s11, $0x1  }
0x10: {  	s10 =	simm.s32 $0x2B00;
	s11 =	simm.s32 $0x9;
	s24 =	sshrl.u32 s6, $0x3  }
.LBB2_1:
0x11: {  	[tilespmem:s10], [sflag:$0x9] =	stream.linear.gather [hbm4b:s5+s3], $0x280, $0x38;
	[tilespmem:$0x2D80] =	vst v63  }
0x12: {  	_ =	swait.ge [sflag:s11], $0x280  }
0x13: {  	[sflag:s11] =	ssyncset.done $0x0  }
0x14: {  	[sflag:s11] =	ssyncadd.s32 $0xFFFFFD80  }
0x15: {  	[spmem:s6] =	stream.linear.scatter [tilespmem:s10], [sflag:$0x9], $0x280, $0x38;
	[tilespmem:$0x2D80] =	vst v63  }
0x16: {  	_ =	swait.ge [sflag:s11], $0x280  }
0x17: {  	[sflag:s11] =	ssyncset.done $0x0  }
0x18: {  	[sflag:s11] =	ssyncadd.s32 $0xFFFFFD80  }
0x19: {  	[tilespmem:s12], [sflag:$0x9] =	stream.linear.gather [hbm4b:s4+s3], $0x80, $0x38;
	[tilespmem:$0x2D80] =	vst v63  }
0x1a: {  	_ =	swait.ge [sflag:s11], $0x80  }
0x1b: {  	[sflag:s11] =	ssyncset.done $0x0  }
0x1c: {  	[sflag:s11] =	ssyncadd.s32 $0xFFFFFF80  }
0x1d: {  	[tilespmem:s13], [sflag:$0x9] =	stream.linear.gather [hbm4b:s7+s3], $0x2800, $0x38;
	[tilespmem:$0x2D80] =	vst v63  }
0x1e: {  	_ =	swait.ge [sflag:s11], $0x2800  }
0x1f: {  	[sflag:s11] =	ssyncset.done $0x0  }
0x20: {  	[sflag:s11] =	ssyncadd.s32 $0xFFFFD800  }
0x21: {  	s26 =	simm.s32 $0x280;
	[bflag:$0x0] =	sbarrier.arrive $0xFFFF  }
0x22: {  	[spmem:s2] =	stream.indirect.scatter.add.f32 [tilespmem:s12], [sflag:$0x1], $0x1, s26, s14, $0xb8;
	[tilespmem:$0x2D80] =	vst v63  }
0x23: {  	s31 =	simm.s32 $0x300  }
0x24: {  	[spmem:s2] =	stream.indirect.scatter.add.f32 [tilespmem:s12], [sflag:$0x2], $0x1, s31, s14, $0xb8;
	[tilespmem:$0x2D80] =	vst v63  }
0x25: {  	s28 =	simm.s32 $0x380  }
0x26: {  	[spmem:s2] =	stream.indirect.scatter.add.f32 [tilespmem:s12], [sflag:$0x3], $0x1, s28, s14, $0xb8;
	[tilespmem:$0x2D80] =	vst v63  }
0x27: {  	s31 =	simm.s32 $0x400  }
0x28: {  	[spmem:s2] =	stream.indirect.scatter.add.f32 [tilespmem:s12], [sflag:$0x4], $0x1, s31, s14, $0xb8;
	[tilespmem:$0x2D80] =	vst v63  }
0x29: {  	s28 =	simm.s32 $0x480  }
0x2a: {  	[spmem:s2] =	stream.indirect.scatter.add.f32 [tilespmem:s12], [sflag:$0x5], $0x1, s28, s14, $0xb8;
	[tilespmem:$0x2D80] =	vst v63  }
0x2b: {  	s31 =	simm.s32 $0x500  }
0x2c: {  	[spmem:s2] =	stream.indirect.scatter.add.f32 [tilespmem:s12], [sflag:$0x6], $0x1, s31, s14, $0xb8;
	[tilespmem:$0x2D80] =	vst v63  }
0x2d: {  	s28 =	simm.s32 $0x580  }
0x2e: {  	[spmem:s2] =	stream.indirect.scatter.add.f32 [tilespmem:s12], [sflag:$0x7], $0x1, s28, s14, $0xb8;
	[tilespmem:$0x2D80] =	vst v63  }
0x2f: {  	s31 =	simm.s32 $0x600  }
0x30: {  	[spmem:s2] =	stream.indirect.scatter.add.f32 [tilespmem:s12], [sflag:$0x8], $0x1, s31, s14, $0xb8;
	[tilespmem:$0x2D80] =	vst v63  }
0x31: {  	_ =	swait.ge [sflag:s15], $0x80  }
0x32: {  	[sflag:s15] =	ssyncset.done $0x0  }
0x33: {  	[sflag:s15] =	ssyncadd.s32 $0xFFFFFF80  }
0x34: {  	_ =	swait.ge [sflag:s16], $0x80  }
0x35: {  	[sflag:s16] =	ssyncset.done $0x0  }
0x36: {  	[sflag:s16] =	ssyncadd.s32 $0xFFFFFF80  }
0x37: {  	_ =	swait.ge [sflag:s17], $0x80  }
0x38: {  	[sflag:s17] =	ssyncset.done $0x0  }
0x39: {  	[sflag:s17] =	ssyncadd.s32 $0xFFFFFF80  }
0x3a: {  	_ =	swait.ge [sflag:s18], $0x80  }
0x3b: {  	[sflag:s18] =	ssyncset.done $0x0  }
0x3c: {  	[sflag:s18] =	ssyncadd.s32 $0xFFFFFF80  }
0x3d: {  	_ =	swait.ge [sflag:s19], $0x80  }
0x3e: {  	[sflag:s19] =	ssyncset.done $0x0  }
0x3f: {  	[sflag:s19] =	ssyncadd.s32 $0xFFFFFF80  }
0x40: {  	_ =	swait.ge [sflag:s20], $0x80  }
0x41: {  	[sflag:s20] =	ssyncset.done $0x0  }
0x42: {  	[sflag:s20] =	ssyncadd.s32 $0xFFFFFF80  }
0x43: {  	_ =	swait.ge [sflag:s21], $0x80  }
0x44: {  	[sflag:s21] =	ssyncset.done $0x0  }
0x45: {  	[sflag:s21] =	ssyncadd.s32 $0xFFFFFF80  }
0x46: {  	_ =	swait.ge [sflag:s22], $0x80  }
0x47: {  	s30 =	simm.s32 $0x2000;
	s29 =	simm.s32 $0x400;
	[sflag:s22] =	ssyncset.done $0x0  }
.LBB2_2:
0x48: {  	s31 =	sadd.s32 $0x280, s29  }
0x49: {  	[sflag:s22] =	ssyncadd.s32 $0xFFFFFF80;
	s28 =	smov.u32 s30;
	s26 =	sadd.s32 $0x1000, s30  }
0x4a: {  	[spmem:s2] =	stream.indirect.scatter.add.f32 [tilespmem:s12], [sflag:$0x1], $0x1, s31, s14, $0xb8;
	[tilespmem:$0x2D80] =	vst v63  }
0x4b: {  	p0 =	sne.s32 s30, $0x9000;
	s30 =	sadd.s32 $0x300, s29  }
0x4c: {  	[spmem:s2] =	stream.indirect.scatter.add.f32 [tilespmem:s12], [sflag:$0x2], $0x1, s30, s14, $0xb8;
	[tilespmem:$0x2D80] =	vst v63  }
0x4d: {  	s30 =	sadd.s32 $0x380, s29  }
0x4e: {  	[spmem:s2] =	stream.indirect.scatter.add.f32 [tilespmem:s12], [sflag:$0x3], $0x1, s30, s14, $0xb8;
	[tilespmem:$0x2D80] =	vst v63  }
0x4f: {  	s30 =	sadd.s32 $0x400, s29  }
0x50: {  	[spmem:s2] =	stream.indirect.scatter.add.f32 [tilespmem:s12], [sflag:$0x4], $0x1, s30, s14, $0xb8;
	[tilespmem:$0x2D80] =	vst v63  }
0x51: {  	s30 =	sadd.s32 $0x480, s29  }
0x52: {  	[spmem:s2] =	stream.indirect.scatter.add.f32 [tilespmem:s12], [sflag:$0x5], $0x1, s30, s14, $0xb8;
	[tilespmem:$0x2D80] =	vst v63  }
0x53: {  	s30 =	sadd.s32 $0x500, s29  }
0x54: {  	[spmem:s2] =	stream.indirect.scatter.add.f32 [tilespmem:s12], [sflag:$0x6], $0x1, s30, s14, $0xb8;
	[tilespmem:$0x2D80] =	vst v63  }
0x55: {  	s30 =	sadd.s32 $0x580, s29  }
0x56: {  	[spmem:s2] =	stream.indirect.scatter.add.f32 [tilespmem:s12], [sflag:$0x7], $0x1, s30, s14, $0xb8;
	[tilespmem:$0x2D80] =	vst v63  }
0x57: {  	s29 =	sadd.s32 $0x600, s29  }
0x58: {  	[spmem:s2] =	stream.indirect.scatter.add.f32 [tilespmem:s12], [sflag:$0x8], $0x1, s29, s14, $0xb8;
	[tilespmem:$0x2D80] =	vst v63  }
0x59: {  	_ =	swait.ge [sflag:s15], $0x80  }
0x5a: {  	[sflag:s15] =	ssyncset.done $0x0  }
0x5b: {  	[sflag:s15] =	ssyncadd.s32 $0xFFFFFF80  }
0x5c: {  	_ =	swait.ge [sflag:s16], $0x80  }
0x5d: {  	[sflag:s16] =	ssyncset.done $0x0  }
0x5e: {  	[sflag:s16] =	ssyncadd.s32 $0xFFFFFF80  }
0x5f: {  	_ =	swait.ge [sflag:s17], $0x80  }
0x60: {  	[sflag:s17] =	ssyncset.done $0x0  }
0x61: {  	[sflag:s17] =	ssyncadd.s32 $0xFFFFFF80  }
0x62: {  	_ =	swait.ge [sflag:s18], $0x80  }
0x63: {  	[sflag:s18] =	ssyncset.done $0x0  }
0x64: {  	[sflag:s18] =	ssyncadd.s32 $0xFFFFFF80  }
0x65: {  	_ =	swait.ge [sflag:s19], $0x80  }
0x66: {  	[sflag:s19] =	ssyncset.done $0x0  }
0x67: {  	[sflag:s19] =	ssyncadd.s32 $0xFFFFFF80  }
0x68: {  	_ =	swait.ge [sflag:s20], $0x80  }
0x69: {  	[sflag:s20] =	ssyncset.done $0x0  }
0x6a: {  	[sflag:s20] =	ssyncadd.s32 $0xFFFFFF80  }
.Ltmp0:
0x6b: {  	_ =	swait.ge [sflag:s21], $0x80;
	(pc) =	sbr.rel @p0 .LBB2_2-.Ltmp0, $4  }
0x6c: {  	[sflag:s21] =	ssyncset.done $0x0  }
0x6d: {  	[sflag:s21] =	ssyncadd.s32 $0xFFFFFF80  }
0x6e: {  	_ =	swait.ge [sflag:s22], $0x80  }
0x6f: {  	s30 =	smov.u32 s26;
	s29 =	sshra.s32 s28, $0x2;
	[sflag:s22] =	ssyncset.done $0x0  }
0x70: {  	s26 =	sadd.s32 $0x280, s29;
	[sflag:s22] =	ssyncadd.s32 $0xFFFFFF80  }
0x71: {  	[spmem:s2] =	stream.indirect.scatter.add.f32 [tilespmem:s12], [sflag:$0x1], $0x1, s26, s14, $0xb8;
	[tilespmem:$0x2D80] =	vst v63  }
0x72: {  	s31 =	sadd.s32 $0x300, s29  }
0x73: {  	[spmem:s2] =	stream.indirect.scatter.add.f32 [tilespmem:s12], [sflag:$0x2], $0x1, s31, s14, $0xb8;
	[tilespmem:$0x2D80] =	vst v63  }
0x74: {  	s28 =	sadd.s32 $0x380, s29  }
0x75: {  	[spmem:s2] =	stream.indirect.scatter.add.f32 [tilespmem:s12], [sflag:$0x3], $0x1, s28, s14, $0xb8;
	[tilespmem:$0x2D80] =	vst v63  }
0x76: {  	s30 =	sadd.s32 $0x400, s29  }
0x77: {  	[spmem:s2] =	stream.indirect.scatter.add.f32 [tilespmem:s12], [sflag:$0x4], $0x1, s30, s14, $0xb8;
	[tilespmem:$0x2D80] =	vst v63  }
0x78: {  	s31 =	sadd.s32 $0x480, s29  }
0x79: {  	[spmem:s2] =	stream.indirect.scatter.add.f32 [tilespmem:s12], [sflag:$0x5], $0x1, s31, s14, $0xb8;
	[tilespmem:$0x2D80] =	vst v63  }
0x7a: {  	s28 =	sadd.s32 $0x500, s29  }
0x7b: {  	[spmem:s2] =	stream.indirect.scatter.add.f32 [tilespmem:s12], [sflag:$0x6], $0x1, s28, s14, $0xb8;
	[tilespmem:$0x2D80] =	vst v63  }
0x7c: {  	s30 =	sadd.s32 $0x580, s29  }
0x7d: {  	[spmem:s2] =	stream.indirect.scatter.add.f32 [tilespmem:s12], [sflag:$0x7], $0x1, s30, s14, $0xb8;
	[tilespmem:$0x2D80] =	vst v63  }
0x7e: {  	s31 =	sadd.s32 $0x600, s29  }
0x7f: {  	[spmem:s2] =	stream.indirect.scatter.add.f32 [tilespmem:s12], [sflag:$0x8], $0x1, s31, s14, $0xb8;
	[tilespmem:$0x2D80] =	vst v63  }
0x80: {  	_ =	swait.ge [sflag:s15], $0x80  }
0x81: {  	[sflag:s15] =	ssyncset.done $0x0  }
0x82: {  	[sflag:s15] =	ssyncadd.s32 $0xFFFFFF80  }
0x83: {  	_ =	swait.ge [sflag:s16], $0x80  }
0x84: {  	[sflag:s16] =	ssyncset.done $0x0  }
0x85: {  	[sflag:s16] =	ssyncadd.s32 $0xFFFFFF80  }
0x86: {  	_ =	swait.ge [sflag:s17], $0x80  }
0x87: {  	[sflag:s17] =	ssyncset.done $0x0  }
0x88: {  	[sflag:s17] =	ssyncadd.s32 $0xFFFFFF80  }
0x89: {  	_ =	swait.ge [sflag:s18], $0x80  }
0x8a: {  	[sflag:s18] =	ssyncset.done $0x0  }
0x8b: {  	[sflag:s18] =	ssyncadd.s32 $0xFFFFFF80  }
0x8c: {  	_ =	swait.ge [sflag:s19], $0x80  }
0x8d: {  	[sflag:s19] =	ssyncset.done $0x0  }
0x8e: {  	[sflag:s19] =	ssyncadd.s32 $0xFFFFFF80  }
0x8f: {  	_ =	swait.ge [sflag:s20], $0x80  }
0x90: {  	[sflag:s20] =	ssyncset.done $0x0  }
0x91: {  	[sflag:s20] =	ssyncadd.s32 $0xFFFFFF80  }
0x92: {  	_ =	swait.ge [sflag:s21], $0x80  }
0x93: {  	[sflag:s21] =	ssyncset.done $0x0  }
0x94: {  	[sflag:s21] =	ssyncadd.s32 $0xFFFFFF80  }
0x95: {  	_ =	swait.ge [sflag:s22], $0x80  }
0x96: {  	s25 =	sadd.s32 $0x1, s25;
	[sflag:s22] =	ssyncset.done $0x0  }
0x97: {  	p0 =	sne.s32 s25, s9;
	[sflag:s22] =	ssyncadd.s32 $0xFFFFFF80  }
.Ltmp1:
0x98: {  	[bflag:$0x0] =	sbarrier.arrive $0xFFFF;
	(pc) =	sbr.rel @p0 .LBB2_1-.Ltmp1, $4  }
0x99: {  	[hbm:s8], [sflag:s23] =	dma.local [spmem:s24], $0x50  }
0x9a: {  	_ =	swait.ge [sflag:s11], $0x50  }
0x9b: {  	[sflag:s11] =	ssyncset.done $0x0  }
0x9c: {  	[sflag:s11] =	ssyncadd.s32 $0xFFFFFFB0  }
0x9d: {  	_ =	sfence.sel $0x180000  }
0x9e: {  	[bflag:$0x0] =	sbarrier.arrive $0xFFFF  }
0x9f: {  	p0 =	sne.s32 s0, $0x0;
	_ =	strace $0x90000047  }
0xa0: {  	s0 =	sadd.s32 @!p0 $0x100000, s1;
	[bflag:$0x2] =	sbarrier.arrive $0xFFFF  }
0xa1: {  	[sflag:s0] =	ssyncadd.tile.s32 @!p0 $0x1;
	_ =	shalt  }
.Lfunc_end2:
_tile_overlayer_lowered:
.L_overlay_start_2:
0xa2: {  	(tag) =	ssettag $0x2  }
0xa3: {  	s0 =	rddreg [dreg:$0x0];
	s2 =	stileid.u32  }
0xa4: {  	s1 =	rddreg [dreg:$0x1];
	p0 =	sne.s32 s2, $0x0  }
0xa5: {  	s3 =	rddreg [dreg:$0x2];
	[bflag:$0x3] =	sbarrier.arrive $0xFFFF;
	s2 =	simm.s32 @!p0 $0x1C09  }
0xa6: {  	[timem:s3], [sflag:s2] =	dma.local @!p0 [hbm:s0], s1  }
0xa7: {  	s0 =	simm.s32 @!p0 $0x9  }
0xa8: {  	_ =	swait.ge @!p0 [sflag:s0], s1  }
0xa9: {  	s1 =	ssub.s32 @!p0 $0x0, s1;
	[sflag:s0] =	ssyncset.done @!p0 $0x0  }
0xaa: {  	[sflag:s0] =	ssyncadd.s32 @!p0 s1  }
0xab: {  	[bflag:$0x3] =	sbarrier.arrive $0xFFFF  }
0xac: {  	_ =	shalt  }

// kernel: kernel.13.cloned.1.call-start
scs
__scs_entry_jumppad:
0x0: {  	(pc) =	sbr.rel $0x88, $3  }
0x1: {  	(tag) =	ssettag $0x0;
	lr =	simm.s32 $0x1  }
0x2: {  	[smem:$0x3F99] =	sst lr;
	_ =	strace $0xD0000000  }
0x3: {  	_ = 	snop  }
0x4: {  	_ = 	snop  }
0x5: {  	_ = 	snop  }
0x6: {  	_ = 	snop  }
0x7: {  	_ = 	snop  }
__scs_overlays_trampoline_lowered:
0x8: {  	[smem:$0x3FA8] =	sst s0  }
0x9: {  	[smem:$0x3FA9] =	sst s1  }
0xa: {  	[smem:$0x3FAA] =	sst s2  }
0xb: {  	[smem:$0x3FAB] =	sst s3  }
0xc: {  	[smem:$0x3FAC] =	sst s4  }
0xd: {  	[smem:$0x3FAD] =	sst s5  }
0xe: {  	[smem:$0x3FAE] =	sst s6  }
0xf: {  	[smem:$0x3FAF] =	sst s7  }
0x10: {  	[smem:$0x3FB0] =	sst s8  }
0x11: {  	[smem:$0x3FB1] =	sst s9;
	s0 =	simm.s32 @!p0 $0x0  }
0x12: {  	s1 =	sld [smem:$0x3F97];
	s0 =	simm.s32 @p0 $0x1  }
0x13: {  	[smem:$0x3FB2] =	sst s0;
	s0 =	simm.s32 @!p1 $0x0  }
0x14: {  	s2 =	sld [smem:$0x3F96];
	s0 =	simm.s32 @p1 $0x1  }
0x15: {  	[smem:$0x3FB3] =	sst s0;
	s0 =	simm.s32 @!p2 $0x0  }
0x16: {  	s3 =	sld [smem:$0x3FDB];
	s0 =	simm.s32 @p2 $0x1  }
0x17: {  	s4 =	simm.s32 $0x1BF5;
	[smem:$0x3FB5] =	sst s0  }
0x18: {  	s0 =	sld [smem:$0x3F98];
	_ =	swait.ge [sflag:s4], $0x0  }
0x19: {  	s7 =	sld [smem:$0x3F99]  }
0x1a: {  	s8 =	sadd.s32 $0xFFFFE003, lr  }
0x1b: {  	s9 =	sadd.s32 $0xFFFFFEF7, lr;
	s5 =	simm.s32 $0xFFFFFFFF;
	p2 =	slt.u32 s8, $0xFFFFF086  }
0x1c: {  	p1 =	slt.u32 s9, $0xF7A;
	s5 =	simm.s32 @!p2 $0x0  }
0x1d: {  	s5 =	simm.s32 @p1 $0x1;
	p0 =	seq.s32 s7, s2  }
0x1e: {  	s7 =	smul.u32 @!p0 $0xF7A, s2;
	p2 =	seq.s32 @!p0 s5, $0x0  }
0x1f: {  	s9 =	smul.u32 $0xF7A, s1;
	s8 =	simm.s32 @!p0 $0x1BF5;
	p2 =	por !p2, p0  }
0x20: {  	[sflag:s8] =	ssyncset.s32 @!p0 $0xFFFFF086;
	s6 =	sadd.s32 @!p0 s3, s7;
	s7 =	simm.s32 @!p0 $0x108  }
0x21: {  	s3 =	sadd.s32 s3, s9;
	s6 =	sadd.s32 @!p0 $0x88, s6;
	s7 =	simm.s32 @p2 $0x1082  }
0x22: {  	[simem:s7], [sflag:s8] =	dma.local @!p0 [hbm:s6], $0xF7A  }
0x23: {  	s9 =	sor.u32 $0xD0000000, s2;
	s6 =	simm.s32 $0x108;
	_ =	swait.ge @!p0 [sflag:s8], $0x0  }
0x24: {  	s3 =	sadd.s32 $0x88, s3;
	s6 =	simm.s32 @!p1 $0x1082;
	[sflag:s4] =	ssyncset.s32 $0xFFFFF086  }
0x25: {  	[simem:s6], [sflag:s4] =	dma.local [hbm:s3], $0xF7A  }
0x26: {  	[smem:$0x3F99] =	sst s1;
	(tag) =	ssettag s2;
	_ =	strace s9  }
0x27: {  	s1 =	sld [smem:$0x3FA9]  }
0x28: {  	s2 =	sld [smem:$0x3FAA]  }
0x29: {  	s4 =	sld [smem:$0x3FAC]  }
0x2a: {  	p0 =	seq.s32 s5, $0x0;
	s5 =	sld [smem:$0x3FAD]  }
0x2b: {  	s6 =	sld [smem:$0x3FAE]  }
0x2c: {  	s7 =	sld [smem:$0x3FAF]  }
0x2d: {  	s3 =	simm.s32 $0x108;
	s8 =	sld [smem:$0x3FB0]  }
0x2e: {  	s3 =	simm.s32 @!p0 $0x1082;
	s9 =	sld [smem:$0x3FB1]  }
0x2f: {  	lr =	sadd.s32 s0, s3;
	s0 =	sld [smem:$0x3FA8]  }
0x30: {  	s3 =	sld [smem:$0x3FAB]  }
0x31: {  	[smem:$0x3FB4] =	sst s10  }
0x32: {  	s10 =	sld [smem:$0x3FB2];
	_ =	sdelay $0x3  }
0x33: {  	p0 =	seq.s32 s10, $0x1;
	s10 =	sld [smem:$0x3FB4];
	_ =	sdelay $0x3  }
0x34: {  	[smem:$0x3FB4] =	sst s10  }
0x35: {  	s10 =	sld [smem:$0x3FB3];
	_ =	sdelay $0x3  }
0x36: {  	p1 =	seq.s32 s10, $0x1;
	s10 =	sld [smem:$0x3FB4];
	_ =	sdelay $0x3  }
0x37: {  	[smem:$0x3FB4] =	sst s10  }
0x38: {  	s10 =	sld [smem:$0x3FB5]  }
0x39: {  	_ = 	snop;
	(pc) =	sbr.ind lr, $3  }
0x3a: {  	_ = 	snop  }
0x3b: {  	_ = 	snop  }
0x3c: {  	p2 =	seq.s32 s10, $0x1;
	s10 =	sld [smem:$0x3FB4]  }
0x3d: {  	_ =	shalt  }
0x3e: {  	_ =	shalt  }
0x3f: {  	_ =	shalt  }
0x40: {  	_ =	shalt  }
0x41: {  	_ =	shalt  }
0x42: {  	_ =	shalt  }
0x43: {  	_ =	shalt  }
0x44: {  	_ =	shalt  }
0x45: {  	_ =	shalt  }
0x46: {  	_ =	shalt  }
0x47: {  	_ =	shalt  }
0x48: {  	_ =	shalt  }
0x49: {  	_ =	shalt  }
0x4a: {  	_ =	shalt  }
0x4b: {  	_ =	shalt  }
0x4c: {  	_ =	shalt  }
0x4d: {  	_ =	shalt  }
0x4e: {  	_ =	shalt  }
0x4f: {  	_ =	shalt  }
0x50: {  	_ =	shalt  }
0x51: {  	_ =	shalt  }
0x52: {  	_ =	shalt  }
0x53: {  	_ =	shalt  }
0x54: {  	_ =	shalt  }
0x55: {  	_ =	shalt  }
0x56: {  	_ =	shalt  }
0x57: {  	_ =	shalt  }
0x58: {  	_ =	shalt  }
0x59: {  	_ =	shalt  }
0x5a: {  	_ =	shalt  }
0x5b: {  	_ =	shalt  }
0x5c: {  	_ =	shalt  }
0x5d: {  	_ =	shalt  }
0x5e: {  	_ =	shalt  }
0x5f: {  	_ =	shalt  }
0x60: {  	_ =	shalt  }
0x61: {  	_ =	shalt  }
0x62: {  	_ =	shalt  }
0x63: {  	_ =	shalt  }
0x64: {  	_ =	shalt  }
0x65: {  	_ =	shalt  }
0x66: {  	_ =	shalt  }
0x67: {  	_ =	shalt  }
0x68: {  	_ =	shalt  }
0x69: {  	_ =	shalt  }
0x6a: {  	_ =	shalt  }
0x6b: {  	_ =	shalt  }
0x6c: {  	_ =	shalt  }
0x6d: {  	_ =	shalt  }
0x6e: {  	_ =	shalt  }
0x6f: {  	_ =	shalt  }
0x70: {  	_ =	shalt  }
0x71: {  	_ =	shalt  }
0x72: {  	_ =	shalt  }
0x73: {  	_ =	shalt  }
0x74: {  	_ =	shalt  }
0x75: {  	_ =	shalt  }
0x76: {  	_ =	shalt  }
0x77: {  	_ =	shalt  }
0x78: {  	_ =	shalt  }
0x79: {  	_ =	shalt  }
0x7a: {  	_ =	shalt  }
0x7b: {  	_ =	shalt  }
0x7c: {  	_ =	shalt  }
0x7d: {  	_ =	shalt  }
0x7e: {  	_ =	shalt  }
0x7f: {  	_ =	shalt  }
0x80: {  	_ =	shalt  }
0x81: {  	_ =	shalt  }
0x82: {  	_ =	shalt  }
0x83: {  	_ =	shalt  }
0x84: {  	_ =	shalt  }
0x85: {  	_ =	shalt  }
0x86: {  	_ =	shalt  }
0x87: {  	_ =	shalt  }
.Lfunc_end0:
.L_simem_size_0:
called_computation.1_lowered:
.L_overlay_start_0:
0x88: {  	s2 =	sld [smem:$0x3FD9]  }
0x89: {  	s3 =	sld [smem:$0x3FFE];
	_ =	sdelay $0x1  }
0x8a: {  	s1 =	srdreg.scid  }
0x8b: {  	s0 =	sand.u32 $0x1, s1  }
0x8c: {  	s17 =	sshll.u32 s0, $0xA;
	s2 =	sadd.s32 s3, s2  }
0x8d: {  	s2 =	sadd.s32 s2, s17  }
0x8e: {  	[smem:$0x3FC0] =	sst s2  }
0x8f: {  	_ = 	snop  }
0x90: {  	s2 =	sld [smem:$0x3FD0];
	(tm) =	ssettm $0x1  }
0x91: {  	s18 =	sld [smem:$0x3FFB];
	_ =	sdelay $0x3  }
0x92: {  	_ =	strace s18  }
0x93: {  	s3 =	sld [smem:$0x3FFC];
	_ =	sdelay $0x3  }
0x94: {  	_ =	strace s3  }
0x95: {  	s3 =	sld [smem:$0x3FFD];
	_ =	sdelay $0x3  }
0x96: {  	_ =	strace s3  }
0x97: {  	_ =	strace $0x8FFFFFFF  }
0x98: {  	s19 =	sld [smem:$0x3FDB];
	_ =	sdelay $0x1  }
0x99: {  	s4 =	simm.s32 $_scs_section_size  }
0x9a: {  	s5 =	simm.s32 $_size__tile_overlayer_lowered;
	s6 =	simm.s32 $_tile_overlayer_lowered  }
0x9b: {  	s22 =	simm.s32 $0x1BFF;
	s21 =	sshll.u32 s6, $0x1;
	s3 =	sadd.s32 s4, s19  }
0x9c: {  	s7 =	simm.s32 $0x0;
	s20 =	sshll.u32 s5, $0x1;
	s5 =	sadd.s32 s21, s3  }
0x9d: {  	[timem:s7], [sflag:s22] =	dma.local [hbm:s5], s20  }
0x9e: {  	_ =	swait.ge [sflag:s22], s20  }
0x9f: {  	s4 =	ssub.s32 $0x0, s20;
	[sflag:s22] =	ssyncset.done $0x0  }
0xa0: {  	[sflag:s22] =	ssyncadd.s32 s4;
	_ =	sdelay $0x1  }
0xa1: {  	s23 =	simm.s32 $0x1B8B  }
0xa2: {  	_ =	swait.ge [sflag:s23], $0x1  }
0xa3: {  	[sflag:s23] =	ssyncset.done $0x0  }
0xa4: {  	s25 =	simm.s32 $0x1B8E;
	s24 =	sld [smem:$0x3FFE];
	[sflag:s23] =	ssyncadd.s32 $0xFFFFFFFF  }
0xa5: {  	s26 =	simm.s32 $execute0_lowered;
	[smem:$0x3FD2] =	sst s25  }
0xa6: {  	s5 =	sshll.u32 s26, $0x1;
	_ =	strace $0x80000049;
	[dreg:$0x1] =	wrdreg $0xFFFFFFFF  }
0xa7: {  	s28 =	simm.s32 $_size_execute0_lowered;
	s3 =	sadd.s32 s3, s5;
	[dreg:$0x0] =	wrdreg $0x0  }
0xa8: {  	s5 =	sshll.u32 s28, $0x1;
	[dreg:$0x2] =	wrdreg s3  }
0xa9: {  	[dreg:$0x3] =	wrdreg s5  }
0xaa: {  	[dreg:$0x4] =	wrdreg $0xC0  }
0xab: {  	_ =	task [dreg:s7], $0x5FFFF  }
0xac: {  	[dreg:$0x1] =	wrdreg $0xFFFFFFFF  }
0xad: {  	[dreg:$0x0] =	wrdreg $0x60  }
0xae: {  	[dreg:$0x2] =	wrdreg s2  }
0xaf: {  	[dreg:$0x3] =	wrdreg s24  }
0xb0: {  	[dreg:$0x4] =	wrdreg $0x0  }
0xb1: {  	[dreg:$0x5] =	wrdreg $0x9  }
0xb2: {  	_ =	task.clear_ibuf [dreg:s7], $0x6FFFF;
	_ =	strace $0x90000049  }
0xb3: {  	s29 =	simm.s32 $0x9;
	_ =	strace $0x8000004B  }
0xb4: {  	_ =	swait.ge [sflag:s29], $0x1  }
0xb5: {  	[sflag:s29] =	ssyncadd.s32 $0xFFFFFFFF  }
0xb6: {  	_ =	strace $0x9000004B  }
0xb7: {  	_ =	sfence  }
0xb8: {  	s30 =	sld [smem:$0x0];
	_ =	sdelay $0x2  }
0xb9: {  	s31 =	sshll.u32 s1, $0xD;
	s1 =	sshrl.u32 s1, $0x2  }
0xba: {  	s3 =	sand.u32 $0x4000, s31;
	s1 =	sadd.s32 s1, s30  }
0xbb: {  	s0 =	sor.u32 s3, s0;
	s1 =	sshll.u32 s1, $0x11  }
0xbc: {  	s0 =	sor.u32 s1, s0  }
0xbd: {  	s0 =	sadd.s32 $0x8F2B, s0  }
0xbe: {  	[sflag:s0] =	ssyncadd.remote.s32 $0x1  }
0xbf: {  	_ =	sfence.sel $0xFFFF  }
0xc0: {  	[dreg:$0x0] =	wrdreg $0xFFFFFFFF;
	(pc) =	sbr.abs _section_cstart, $3  }
0xc1: {  	[dreg:$0x1] =	wrdreg $0xFFFFFFFF  }
0xc2: {  	_ =	task.clear_ibuf [dreg:s7], $0x2FFFF;
	_ =	strace $0x9FFFFFFF  }
0xc3: {  	(tm) =	ssettm $0x7FFFFFFF  }
tec
execute0_lowered:
.L_overlay_start_1:
0x0: {  	(tag) =	ssettag $0x1  }
0x1: {  	s1 =	rddreg [dreg:$0x0]  }
0x2: {  	s0 =	rddreg [dreg:$0x1]  }
0x3: {  	s2 =	rddreg [dreg:$0x2];
	s3 =	srdreg.scid;
	s4 =	simm.s32 $0x0  }
0x4: {  	s8 =	stileid.u32;
	s17 =	simm.s32 $0x16800;
	s18 =	simm.s32 $0x5  }
0x5: {  	s19 =	simm.s32 $0x3;
	s20 =	simm.s32 $0x4;
	s21 =	simm.s32 $0x14000  }
0x6: {  	s28 =	simm.s32 $0x15380;
	s29 =	simm.s32 $0x16700;
	s30 =	simm.s32 $0x16780  }
0x7: {  	s31 =	simm.s32 $0x0;
	s3 =	sand.u32 $0x1, s3;
	[smem:$0x7FF] =	sst s4  }
0x8: {  	s6 =	smul.u32 $0x14000, s8;
	s13 =	sadd.s32 $0xD400, s0;
	s14 =	sadd.s32 $0x3400, s0  }
0x9: {  	s22 =	sadd.s32 $0x17400, s0;
	s7 =	smul.u32 $0x50000, s8;
	s8 =	sshll.u32 s8, $0x1  }
0xa: {  	s5 =	smul.u32 $0x140000, s3;
	_ =	strace $0x8000004A;
	[dreg:$0x4] =	wrdreg s22  }
0xb: {  	s23 =	ssub.s32 $0x2, s3;
	s3 =	sor.u32 s3, s8;
	s22 =	simm.s32 $0x15400  }
0xc: {  	s9 =	sshrl.u32 s23, $0x1;
	s7 =	sshrl.u32 s7, $0x2;
	s11 =	smul.u32 $0x2800, s3  }
0xd: {  	s3 =	smul.u32 $0x500, s3;
	s6 =	sadd.s32 s6, s5;
	s16 =	ssub.s32 s23, s9  }
0xe: {  	s23 =	simm.s32 $0x80;
	s6 =	sshrl.u32 s6, $0x3;
	s15 =	sshrl.u32 s11, $0x3  }
0xf: {  	s11 =	sadd.s32 s13, s3;
	s12 =	sadd.s32 s14, s3;
	s16 =	smax.u32 s16, $0x1  }
0x10: {  	s0 =	sadd.s32 s6, s0;
	s6 =	sadd.s32 s7, s2;
	s26 =	sadd.s32 $0x280, s15  }
0x11: {  	s24 =	sadd.s32 $0x4000, s6;
	s25 =	sadd.s32 $0x8000, s6;
	s9 =	sadd.s32 $0xC000, s6  }
0x12: {  	s10 =	sadd.s32 $0x10000, s6;
	s13 =	sadd.s32 s13, s26;
	s14 =	sadd.s32 s14, s26  }
0x13: {  	s15 =	sadd.s32 $0x17C00, s0;
	s26 =	simm.s32 $0x2;
	[dreg:$0x5] =	wrdreg s24  }
0x14: {  	[dreg:$0x6] =	wrdreg s25;
	s24 =	simm.s32 $0x1A800;
	s25 =	simm.s32 $0x1  }
.LBB2_1:
0x15: {  	s0 =	rddreg [dreg:$0x4]  }
0x16: {  	[tilespmem:s17], [sflag:$0x5] =	stream.linear.gather [hbm4b:s0+s4], $0x4000, $0x38;
	[tilespmem:$0x1E800] =	vst v63  }
0x17: {  	_ =	swait.ge [sflag:s18], $0x4000  }
0x18: {  	[sflag:s18] =	ssyncset.done $0x0  }
0x19: {  	[sflag:s18] =	ssyncadd.s32 $0xFFFFC000  }
0x1a: {  	[spmem:s6] =	stream.linear.scatter [tilespmem:s17], [sflag:$0x3], $0x4000, $0x38;
	[tilespmem:$0x1E800] =	vst v63  }
0x1b: {  	s7 =	rddreg [dreg:$0x5]  }
0x1c: {  	[spmem:s7] =	stream.linear.scatter [tilespmem:s17], [sflag:$0x4], $0x4000, $0x38;
	[tilespmem:$0x1E800] =	vst v63  }
0x1d: {  	s8 =	rddreg [dreg:$0x6]  }
0x1e: {  	[spmem:s8] =	stream.linear.scatter [tilespmem:s17], [sflag:$0x3], $0x4000, $0x38;
	[tilespmem:$0x1E800] =	vst v63  }
0x1f: {  	_ = 	snop  }
0x20: {  	[spmem:s9] =	stream.linear.scatter [tilespmem:s17], [sflag:$0x4], $0x4000, $0x38;
	[tilespmem:$0x1E800] =	vst v63  }
0x21: {  	_ = 	snop  }
0x22: {  	[spmem:s10] =	stream.linear.scatter [tilespmem:s17], [sflag:$0x3], $0x4000, $0x38;
	[tilespmem:$0x1E800] =	vst v63  }
0x23: {  	_ =	swait.ge [sflag:s19], $0x4000  }
0x24: {  	[sflag:s19] =	ssyncset.done $0x0  }
0x25: {  	[sflag:s19] =	ssyncadd.s32 $0xFFFFC000  }
0x26: {  	_ =	swait.ge [sflag:s20], $0x4000  }
0x27: {  	[sflag:s20] =	ssyncset.done $0x0  }
0x28: {  	[sflag:s20] =	ssyncadd.s32 $0xFFFFC000  }
0x29: {  	_ =	swait.ge [sflag:s19], $0x4000  }
0x2a: {  	[sflag:s19] =	ssyncset.done $0x0  }
0x2b: {  	[sflag:s19] =	ssyncadd.s32 $0xFFFFC000  }
0x2c: {  	_ =	swait.ge [sflag:s20], $0x4000  }
0x2d: {  	[sflag:s20] =	ssyncset.done $0x0  }
0x2e: {  	[sflag:s20] =	ssyncadd.s32 $0xFFFFC000  }
0x2f: {  	_ =	swait.ge [sflag:s19], $0x4000  }
0x30: {  	[sflag:s19] =	ssyncset.done $0x0  }
0x31: {  	[sflag:s19] =	ssyncadd.s32 $0xFFFFC000  }
0x32: {  	[bflag:$0x0] =	sbarrier.arrive $0xFFFF  }
0x33: {  	[tilespmem:s21], [sflag:$0x5] =	stream.linear.gather [hbm4b:s11+s4], $0x1400, $0x38;
	[tilespmem:$0x1E800] =	vst v63  }
0x34: {  	_ =	swait.ge [sflag:s18], $0x1400  }
0x35: {  	[sflag:s18] =	ssyncset.done $0x0  }
0x36: {  	[sflag:s18] =	ssyncadd.s32 $0xFFFFEC00  }
0x37: {  	[tilespmem:s22], [sflag:$0x5] =	stream.linear.gather [hbm4b:s12+s4], $0x1400, $0x38;
	[tilespmem:$0x1E800] =	vst v63  }
0x38: {  	_ =	swait.ge [sflag:s18], $0x1400  }
0x39: {  	[sflag:s18] =	ssyncset.done $0x0  }
0x3a: {  	[sflag:s18] =	ssyncadd.s32 $0xFFFFEC00  }
0x3b: {  	[tilespmem:s17], [sflag:$0x1] =	stream.indirect.gather [hbm4b:s1+s23], $0x80, s21, s23, $0xb8;
	[tilespmem:$0x1E800] =	vst v63  }
0x3c: {  	s3 =	simm.s32 $0x14080  }
0x3d: {  	[tilespmem:s24], [sflag:$0x2] =	stream.indirect.gather [hbm4b:s1+s23], $0x80, s3, s23, $0xb8;
	[tilespmem:$0x1E800] =	vst v63  }
0x3e: {  	_ =	swait.ge [sflag:s25], $0x4000  }
0x3f: {  	[sflag:s25] =	ssyncset.done $0x0  }
0x40: {  	s5 =	simm.s32 $0x15400;
	[sflag:s25] =	ssyncadd.s32 $0xFFFFC000  }
0x41: {  	[spmem:s2] =	stream.indirect.scatter.add.f32 [tilespmem:s17], [sflag:$0x5], $0x80, s5, s23, $0xb8;
	[tilespmem:$0x1E800] =	vst v63  }
0x42: {  	_ =	swait.ge [sflag:s18], $0x4000  }
0x43: {  	[sflag:s18] =	ssyncset.done $0x0  }
0x44: {  	s7 =	simm.s32 $0x14100;
	[sflag:s18] =	ssyncadd.s32 $0xFFFFC000  }
0x45: {  	[tilespmem:s17], [sflag:$0x1] =	stream.indirect.gather [hbm4b:s1+s23], $0x80, s7, s23, $0xb8;
	[tilespmem:$0x1E800] =	vst v63  }
0x46: {  	_ =	swait.ge [sflag:s26], $0x4000  }
0x47: {  	[sflag:s26] =	ssyncset.done $0x0  }
0x48: {  	s8 =	simm.s32 $0x15480;
	[sflag:s26] =	ssyncadd.s32 $0xFFFFC000  }
0x49: {  	[spmem:s2] =	stream.indirect.scatter.add.f32 [tilespmem:s24], [sflag:$0x5], $0x80, s8, s23, $0xb8;
	[tilespmem:$0x1E800] =	vst v63  }
0x4a: {  	_ =	swait.ge [sflag:s18], $0x4000  }
0x4b: {  	s0 =	simm.s32 $0x100;
	s3 =	simm.s32 $0x800;
	[sflag:s18] =	ssyncset.done $0x0  }
.LBB2_2:
0x4c: {  	s5 =	sadd.s32 $0x14080, s0  }
0x4d: {  	[sflag:s18] =	ssyncadd.s32 $0xFFFFC000;
	s7 =	smov.u32 s3;
	s8 =	sadd.s32 $0x400, s3  }
0x4e: {  	[tilespmem:s24], [sflag:$0x2] =	stream.indirect.gather [hbm4b:s1+s23], $0x80, s5, s23, $0xb8;
	[tilespmem:$0x1E800] =	vst v63  }
0x4f: {  	p0 =	sne.s32 s3, $0x4800;
	_ =	swait.ge [sflag:s25], $0x4000  }
0x50: {  	[sflag:s25] =	ssyncset.done $0x0  }
0x51: {  	s3 =	sadd.s32 $0x15400, s0;
	[sflag:s25] =	ssyncadd.s32 $0xFFFFC000  }
0x52: {  	[spmem:s2] =	stream.indirect.scatter.add.f32 [tilespmem:s17], [sflag:$0x5], $0x80, s3, s23, $0xb8;
	[tilespmem:$0x1E800] =	vst v63  }
0x53: {  	_ =	swait.ge [sflag:s18], $0x4000  }
0x54: {  	[sflag:s18] =	ssyncset.done $0x0  }
0x55: {  	s3 =	sadd.s32 $0x14100, s0;
	[sflag:s18] =	ssyncadd.s32 $0xFFFFC000  }
0x56: {  	[tilespmem:s17], [sflag:$0x1] =	stream.indirect.gather [hbm4b:s1+s23], $0x80, s3, s23, $0xb8;
	[tilespmem:$0x1E800] =	vst v63  }
0x57: {  	_ =	swait.ge [sflag:s26], $0x4000  }
.Ltmp0:
0x58: {  	[sflag:s26] =	ssyncset.done $0x0;
	(pc) =	sbr.rel @p0 .LBB2_2-.Ltmp0, $4  }
0x59: {  	s0 =	sadd.s32 $0x15480, s0;
	[sflag:s26] =	ssyncadd.s32 $0xFFFFC000  }
0x5a: {  	[spmem:s2] =	stream.indirect.scatter.add.f32 [tilespmem:s24], [sflag:$0x5], $0x80, s0, s23, $0xb8;
	[tilespmem:$0x1E800] =	vst v63  }
0x5b: {  	_ =	swait.ge [sflag:s18], $0x4000  }
0x5c: {  	s3 =	smov.u32 s8;
	s0 =	sshra.s32 s7, $0x2;
	[sflag:s18] =	ssyncset.done $0x0  }
0x5d: {  	s3 =	sadd.s32 $0x14080, s0;
	[sflag:s18] =	ssyncadd.s32 $0xFFFFC000  }
0x5e: {  	[tilespmem:s24], [sflag:$0x2] =	stream.indirect.gather [hbm4b:s1+s23], $0x80, s3, s23, $0xb8;
	[tilespmem:$0x1E800] =	vst v63  }
0x5f: {  	_ =	swait.ge [sflag:s25], $0x4000  }
0x60: {  	[sflag:s25] =	ssyncset.done $0x0  }
0x61: {  	s8 =	sadd.s32 $0x15400, s0;
	[sflag:s25] =	ssyncadd.s32 $0xFFFFC000  }
0x62: {  	[spmem:s2] =	stream.indirect.scatter.add.f32 [tilespmem:s17], [sflag:$0x5], $0x80, s8, s23, $0xb8;
	[tilespmem:$0x1E800] =	vst v63  }
0x63: {  	_ =	swait.ge [sflag:s18], $0x4000  }
0x64: {  	[sflag:s18] =	ssyncset.done $0x0  }
0x65: {  	s5 =	sadd.s32 $0x14100, s0;
	[sflag:s18] =	ssyncadd.s32 $0xFFFFC000  }
0x66: {  	[tilespmem:s17], [sflag:$0x1] =	stream.indirect.gather [hbm4b:s1+s23], $0x80, s5, s23, $0xb8;
	[tilespmem:$0x1E800] =	vst v63  }
0x67: {  	_ =	swait.ge [sflag:s26], $0x4000  }
0x68: {  	[sflag:s26] =	ssyncset.done $0x0  }
0x69: {  	s7 =	sadd.s32 $0x15480, s0;
	[sflag:s26] =	ssyncadd.s32 $0xFFFFC000  }
0x6a: {  	[spmem:s2] =	stream.indirect.scatter.add.f32 [tilespmem:s24], [sflag:$0x5], $0x80, s7, s23, $0xb8;
	[tilespmem:$0x1E800] =	vst v63  }
0x6b: {  	_ =	swait.ge [sflag:s18], $0x4000  }
0x6c: {  	[sflag:s18] =	ssyncset.done $0x0  }
0x6d: {  	[sflag:s18] =	ssyncadd.s32 $0xFFFFC000  }
0x6e: {  	[tilespmem:s24], [sflag:$0x2] =	stream.indirect.gather [hbm4b:s1+s23], $0x80, s28, s23, $0xb8;
	[tilespmem:$0x1E800] =	vst v63  }
0x6f: {  	_ =	swait.ge [sflag:s25], $0x4000  }
0x70: {  	[sflag:s25] =	ssyncset.done $0x0  }
0x71: {  	[sflag:s25] =	ssyncadd.s32 $0xFFFFC000  }
0x72: {  	[spmem:s2] =	stream.indirect.scatter.add.f32 [tilespmem:s17], [sflag:$0x5], $0x80, s29, s23, $0xb8;
	[tilespmem:$0x1E800] =	vst v63  }
0x73: {  	_ =	swait.ge [sflag:s18], $0x4000  }
0x74: {  	[sflag:s18] =	ssyncset.done $0x0  }
0x75: {  	[sflag:s18] =	ssyncadd.s32 $0xFFFFC000  }
0x76: {  	[tilespmem:s17], [sflag:$0x1] =	stream.indirect.gather [hbm4b:s1+s23], $0x80, s28, s23, $0xb8;
	[tilespmem:$0x1E800] =	vst v63  }
0x77: {  	_ =	swait.ge [sflag:s26], $0x4000  }
0x78: {  	[sflag:s26] =	ssyncset.done $0x0  }
0x79: {  	[sflag:s26] =	ssyncadd.s32 $0xFFFFC000  }
0x7a: {  	[spmem:s2] =	stream.indirect.scatter.add.f32 [tilespmem:s24], [sflag:$0x5], $0x80, s30, s23, $0xb8;
	[tilespmem:$0x1E800] =	vst v63  }
0x7b: {  	_ =	swait.ge [sflag:s18], $0x4000  }
0x7c: {  	[sflag:s18] =	ssyncset.done $0x0  }
0x7d: {  	[sflag:s18] =	ssyncadd.s32 $0xFFFFC000  }
0x7e: {  	_ =	swait.ge [sflag:s25], $0x4000  }
0x7f: {  	[sflag:s25] =	ssyncset.done $0x0  }
0x80: {  	s8 =	simm.s32 $0x0;
	[sflag:s25] =	ssyncadd.s32 $0xFFFFC000  }
0x81: {  	[tilespmem:s21], [sflag:$0x5] =	stream.linear.gather [hbm4b:s13+s8], $0x1400, $0x38;
	[tilespmem:$0x1E800] =	vst v63  }
0x82: {  	_ =	swait.ge [sflag:s18], $0x1400  }
0x83: {  	[sflag:s18] =	ssyncset.done $0x0  }
0x84: {  	[sflag:s18] =	ssyncadd.s32 $0xFFFFEC00  }
0x85: {  	[tilespmem:s22], [sflag:$0x5] =	stream.linear.gather [hbm4b:s14+s8], $0x1400, $0x38;
	[tilespmem:$0x1E800] =	vst v63  }
0x86: {  	_ =	swait.ge [sflag:s18], $0x1400  }
0x87: {  	[sflag:s18] =	ssyncset.done $0x0  }
0x88: {  	[sflag:s18] =	ssyncadd.s32 $0xFFFFEC00  }
0x89: {  	[tilespmem:s17], [sflag:$0x1] =	stream.indirect.gather [hbm4b:s1+s23], $0x80, s21, s23, $0xb8;
	[tilespmem:$0x1E800] =	vst v63  }
0x8a: {  	s3 =	simm.s32 $0x14080  }
0x8b: {  	[tilespmem:s24], [sflag:$0x2] =	stream.indirect.gather [hbm4b:s1+s23], $0x80, s3, s23, $0xb8;
	[tilespmem:$0x1E800] =	vst v63  }
0x8c: {  	_ =	swait.ge [sflag:s25], $0x4000  }
0x8d: {  	[sflag:s25] =	ssyncset.done $0x0  }
0x8e: {  	s5 =	simm.s32 $0x15400;
	[sflag:s25] =	ssyncadd.s32 $0xFFFFC000  }
0x8f: {  	[spmem:s2] =	stream.indirect.scatter.add.f32 [tilespmem:s17], [sflag:$0x5], $0x80, s5, s23, $0xb8;
	[tilespmem:$0x1E800] =	vst v63  }
0x90: {  	_ =	swait.ge [sflag:s18], $0x4000  }
0x91: {  	[sflag:s18] =	ssyncset.done $0x0  }
0x92: {  	s7 =	simm.s32 $0x14100;
	[sflag:s18] =	ssyncadd.s32 $0xFFFFC000  }
0x93: {  	[tilespmem:s17], [sflag:$0x1] =	stream.indirect.gather [hbm4b:s1+s23], $0x80, s7, s23, $0xb8;
	[tilespmem:$0x1E800] =	vst v63  }
0x94: {  	_ =	swait.ge [sflag:s26], $0x4000  }
0x95: {  	[sflag:s26] =	ssyncset.done $0x0  }
0x96: {  	s8 =	simm.s32 $0x15480;
	[sflag:s26] =	ssyncadd.s32 $0xFFFFC000  }
0x97: {  	[spmem:s2] =	stream.indirect.scatter.add.f32 [tilespmem:s24], [sflag:$0x5], $0x80, s8, s23, $0xb8;
	[tilespmem:$0x1E800] =	vst v63  }
0x98: {  	_ =	swait.ge [sflag:s18], $0x4000  }
0x99: {  	s0 =	simm.s32 $0x100;
	s3 =	simm.s32 $0x800;
	[sflag:s18] =	ssyncset.done $0x0  }
.LBB2_4:
0x9a: {  	s5 =	sadd.s32 $0x14080, s0  }
0x9b: {  	[sflag:s18] =	ssyncadd.s32 $0xFFFFC000;
	s7 =	smov.u32 s3;
	s8 =	sadd.s32 $0x400, s3  }
0x9c: {  	[tilespmem:s24], [sflag:$0x2] =	stream.indirect.gather [hbm4b:s1+s23], $0x80, s5, s23, $0xb8;
	[tilespmem:$0x1E800] =	vst v63  }
0x9d: {  	p0 =	sne.s32 s3, $0x4800;
	_ =	swait.ge [sflag:s25], $0x4000  }
0x9e: {  	[sflag:s25] =	ssyncset.done $0x0  }
0x9f: {  	s3 =	sadd.s32 $0x15400, s0;
	[sflag:s25] =	ssyncadd.s32 $0xFFFFC000  }
0xa0: {  	[spmem:s2] =	stream.indirect.scatter.add.f32 [tilespmem:s17], [sflag:$0x5], $0x80, s3, s23, $0xb8;
	[tilespmem:$0x1E800] =	vst v63  }
0xa1: {  	_ =	swait.ge [sflag:s18], $0x4000  }
0xa2: {  	[sflag:s18] =	ssyncset.done $0x0  }
0xa3: {  	s3 =	sadd.s32 $0x14100, s0;
	[sflag:s18] =	ssyncadd.s32 $0xFFFFC000  }
0xa4: {  	[tilespmem:s17], [sflag:$0x1] =	stream.indirect.gather [hbm4b:s1+s23], $0x80, s3, s23, $0xb8;
	[tilespmem:$0x1E800] =	vst v63  }
0xa5: {  	_ =	swait.ge [sflag:s26], $0x4000  }
.Ltmp1:
0xa6: {  	[sflag:s26] =	ssyncset.done $0x0;
	(pc) =	sbr.rel @p0 .LBB2_4-.Ltmp1, $4  }
0xa7: {  	s0 =	sadd.s32 $0x15480, s0;
	[sflag:s26] =	ssyncadd.s32 $0xFFFFC000  }
0xa8: {  	[spmem:s2] =	stream.indirect.scatter.add.f32 [tilespmem:s24], [sflag:$0x5], $0x80, s0, s23, $0xb8;
	[tilespmem:$0x1E800] =	vst v63  }
0xa9: {  	_ =	swait.ge [sflag:s18], $0x4000  }
0xaa: {  	s3 =	smov.u32 s8;
	s0 =	sshra.s32 s7, $0x2;
	[sflag:s18] =	ssyncset.done $0x0  }
0xab: {  	s3 =	sadd.s32 $0x14080, s0;
	[sflag:s18] =	ssyncadd.s32 $0xFFFFC000  }
0xac: {  	[tilespmem:s24], [sflag:$0x2] =	stream.indirect.gather [hbm4b:s1+s23], $0x80, s3, s23, $0xb8;
	[tilespmem:$0x1E800] =	vst v63  }
0xad: {  	_ =	swait.ge [sflag:s25], $0x4000  }
0xae: {  	[sflag:s25] =	ssyncset.done $0x0  }
0xaf: {  	s7 =	sadd.s32 $0x15400, s0;
	[sflag:s25] =	ssyncadd.s32 $0xFFFFC000  }
0xb0: {  	[spmem:s2] =	stream.indirect.scatter.add.f32 [tilespmem:s17], [sflag:$0x5], $0x80, s7, s23, $0xb8;
	[tilespmem:$0x1E800] =	vst v63  }
0xb1: {  	_ =	swait.ge [sflag:s18], $0x4000  }
0xb2: {  	[sflag:s18] =	ssyncset.done $0x0  }
0xb3: {  	s8 =	sadd.s32 $0x14100, s0;
	[sflag:s18] =	ssyncadd.s32 $0xFFFFC000  }
0xb4: {  	[tilespmem:s17], [sflag:$0x1] =	stream.indirect.gather [hbm4b:s1+s23], $0x80, s8, s23, $0xb8;
	[tilespmem:$0x1E800] =	vst v63  }
0xb5: {  	_ =	swait.ge [sflag:s26], $0x4000  }
0xb6: {  	[sflag:s26] =	ssyncset.done $0x0  }
0xb7: {  	s5 =	sadd.s32 $0x15480, s0;
	[sflag:s26] =	ssyncadd.s32 $0xFFFFC000  }
0xb8: {  	[spmem:s2] =	stream.indirect.scatter.add.f32 [tilespmem:s24], [sflag:$0x5], $0x80, s5, s23, $0xb8;
	[tilespmem:$0x1E800] =	vst v63  }
0xb9: {  	_ =	swait.ge [sflag:s18], $0x4000  }
0xba: {  	[sflag:s18] =	ssyncset.done $0x0  }
0xbb: {  	[sflag:s18] =	ssyncadd.s32 $0xFFFFC000  }
0xbc: {  	[tilespmem:s24], [sflag:$0x2] =	stream.indirect.gather [hbm4b:s1+s23], $0x80, s28, s23, $0xb8;
	[tilespmem:$0x1E800] =	vst v63  }
0xbd: {  	_ =	swait.ge [sflag:s25], $0x4000  }
0xbe: {  	[sflag:s25] =	ssyncset.done $0x0  }
0xbf: {  	[sflag:s25] =	ssyncadd.s32 $0xFFFFC000  }
0xc0: {  	[spmem:s2] =	stream.indirect.scatter.add.f32 [tilespmem:s17], [sflag:$0x5], $0x80, s29, s23, $0xb8;
	[tilespmem:$0x1E800] =	vst v63  }
0xc1: {  	_ =	swait.ge [sflag:s18], $0x4000  }
0xc2: {  	[sflag:s18] =	ssyncset.done $0x0  }
0xc3: {  	[sflag:s18] =	ssyncadd.s32 $0xFFFFC000  }
0xc4: {  	[tilespmem:s17], [sflag:$0x1] =	stream.indirect.gather [hbm4b:s1+s23], $0x80, s28, s23, $0xb8;
	[tilespmem:$0x1E800] =	vst v63  }
0xc5: {  	_ =	swait.ge [sflag:s26], $0x4000  }
0xc6: {  	[sflag:s26] =	ssyncset.done $0x0  }
0xc7: {  	[sflag:s26] =	ssyncadd.s32 $0xFFFFC000  }
0xc8: {  	[spmem:s2] =	stream.indirect.scatter.add.f32 [tilespmem:s24], [sflag:$0x5], $0x80, s30, s23, $0xb8;
	[tilespmem:$0x1E800] =	vst v63  }
0xc9: {  	_ =	swait.ge [sflag:s18], $0x4000  }
0xca: {  	[sflag:s18] =	ssyncset.done $0x0  }
0xcb: {  	[sflag:s18] =	ssyncadd.s32 $0xFFFFC000  }
0xcc: {  	s7 =	stileid.u32;
	_ =	swait.ge [sflag:s25], $0x4000  }
0xcd: {  	s31 =	sadd.s32 $0x1, s31;
	s0 =	sshll.u32 s7, $0x6;
	[sflag:s25] =	ssyncset.done $0x0  }
0xce: {  	p0 =	sne.s32 s31, s16;
	s0 =	sor.u32 $0x1C05, s0;
	[sflag:s25] =	ssyncadd.s32 $0xFFFFC000  }
.Ltmp2:
0xcf: {  	s8 =	sshrl.u32 s6, $0x3;
	[bflag:$0x0] =	sbarrier.arrive $0xFFFF;
	(pc) =	sbr.rel @p0 .LBB2_1-.Ltmp2, $4  }
0xd0: {  	[hbm:s15], [sflag:s0] =	dma.local [spmem:s8], $0x2800  }
0xd1: {  	_ =	swait.ge [sflag:s18], $0x2800  }
0xd2: {  	[sflag:s18] =	ssyncset.done $0x0  }
0xd3: {  	[sflag:s18] =	ssyncadd.s32 $0xFFFFD800  }
0xd4: {  	_ =	sfence.sel $0x180000  }
0xd5: {  	[bflag:$0x0] =	sbarrier.arrive $0xFFFF  }
0xd6: {  	_ =	strace $0x9000004A  }
0xd7: {  	s0 =	stileid.u32;
	[bflag:$0x2] =	sbarrier.arrive $0xFFFF  }
0xd8: {  	p0 =	sne.s32 s0, $0x0;
	s0 =	rddreg [dreg:$0x3]  }
0xd9: {  	s0 =	sadd.s32 @!p0 $0x100000, s0  }
0xda: {  	[sflag:s0] =	ssyncadd.tile.s32 @!p0 $0x1;
	_ =	shalt  }
.Lfunc_end2:
_tile_overlayer_lowered:
.L_overlay_start_2:
0xdb: {  	(tag) =	ssettag $0x2  }
0xdc: {  	s0 =	rddreg [dreg:$0x0];
	s2 =	stileid.u32  }
0xdd: {  	s1 =	rddreg [dreg:$0x1];
	p0 =	sne.s32 s2, $0x0  }
0xde: {  	s3 =	rddreg [dreg:$0x2];
	[bflag:$0x3] =	sbarrier.arrive $0xFFFF;
	s2 =	simm.s32 @!p0 $0x1C05  }
0xdf: {  	[timem:s3], [sflag:s2] =	dma.local @!p0 [hbm:s0], s1  }
0xe0: {  	s0 =	simm.s32 @!p0 $0x5  }
0xe1: {  	_ =	swait.ge @!p0 [sflag:s0], s1  }
0xe2: {  	s1 =	ssub.s32 @!p0 $0x0, s1;
	[sflag:s0] =	ssyncset.done @!p0 $0x0  }
0xe3: {  	[sflag:s0] =	ssyncadd.s32 @!p0 s1  }
0xe4: {  	[bflag:$0x3] =	sbarrier.arrive $0xFFFF  }
0xe5: {  	_ =	shalt  }

// kernel: kernel.16.cloned.1.call-start
scs
__scs_entry_jumppad:
0x0: {  	(pc) =	sbr.rel $0x88, $3  }
0x1: {  	(tag) =	ssettag $0x0;
	lr =	simm.s32 $0x1  }
0x2: {  	[smem:$0x3F99] =	sst lr;
	_ =	strace $0xD0000000  }
0x3: {  	_ = 	snop  }
0x4: {  	_ = 	snop  }
0x5: {  	_ = 	snop  }
0x6: {  	_ = 	snop  }
0x7: {  	_ = 	snop  }
__scs_overlays_trampoline_lowered:
0x8: {  	[smem:$0x3FA8] =	sst s0  }
0x9: {  	[smem:$0x3FA9] =	sst s1  }
0xa: {  	[smem:$0x3FAA] =	sst s2  }
0xb: {  	[smem:$0x3FAB] =	sst s3  }
0xc: {  	[smem:$0x3FAC] =	sst s4  }
0xd: {  	[smem:$0x3FAD] =	sst s5  }
0xe: {  	[smem:$0x3FAE] =	sst s6  }
0xf: {  	[smem:$0x3FAF] =	sst s7  }
0x10: {  	[smem:$0x3FB0] =	sst s8  }
0x11: {  	[smem:$0x3FB1] =	sst s9;
	s0 =	simm.s32 @!p0 $0x0  }
0x12: {  	s1 =	sld [smem:$0x3F97];
	s0 =	simm.s32 @p0 $0x1  }
0x13: {  	[smem:$0x3FB2] =	sst s0;
	s0 =	simm.s32 @!p1 $0x0  }
0x14: {  	s2 =	sld [smem:$0x3F96];
	s0 =	simm.s32 @p1 $0x1  }
0x15: {  	[smem:$0x3FB3] =	sst s0;
	s0 =	simm.s32 @!p2 $0x0  }
0x16: {  	s3 =	sld [smem:$0x3FDB];
	s0 =	simm.s32 @p2 $0x1  }
0x17: {  	s4 =	simm.s32 $0x1BF5;
	[smem:$0x3FB5] =	sst s0  }
0x18: {  	s0 =	sld [smem:$0x3F98];
	_ =	swait.ge [sflag:s4], $0x0  }
0x19: {  	s7 =	sld [smem:$0x3F99]  }
0x1a: {  	s8 =	sadd.s32 $0xFFFFE003, lr  }
0x1b: {  	s9 =	sadd.s32 $0xFFFFFEF7, lr;
	s5 =	simm.s32 $0xFFFFFFFF;
	p2 =	slt.u32 s8, $0xFFFFF086  }
0x1c: {  	p1 =	slt.u32 s9, $0xF7A;
	s5 =	simm.s32 @!p2 $0x0  }
0x1d: {  	s5 =	simm.s32 @p1 $0x1;
	p0 =	seq.s32 s7, s2  }
0x1e: {  	s7 =	smul.u32 @!p0 $0xF7A, s2;
	p2 =	seq.s32 @!p0 s5, $0x0  }
0x1f: {  	s9 =	smul.u32 $0xF7A, s1;
	s8 =	simm.s32 @!p0 $0x1BF5;
	p2 =	por !p2, p0  }
0x20: {  	[sflag:s8] =	ssyncset.s32 @!p0 $0xFFFFF086;
	s6 =	sadd.s32 @!p0 s3, s7;
	s7 =	simm.s32 @!p0 $0x108  }
0x21: {  	s3 =	sadd.s32 s3, s9;
	s6 =	sadd.s32 @!p0 $0x88, s6;
	s7 =	simm.s32 @p2 $0x1082  }
0x22: {  	[simem:s7], [sflag:s8] =	dma.local @!p0 [hbm:s6], $0xF7A  }
0x23: {  	s9 =	sor.u32 $0xD0000000, s2;
	s6 =	simm.s32 $0x108;
	_ =	swait.ge @!p0 [sflag:s8], $0x0  }
0x24: {  	s3 =	sadd.s32 $0x88, s3;
	s6 =	simm.s32 @!p1 $0x1082;
	[sflag:s4] =	ssyncset.s32 $0xFFFFF086  }
0x25: {  	[simem:s6], [sflag:s4] =	dma.local [hbm:s3], $0xF7A  }
0x26: {  	[smem:$0x3F99] =	sst s1;
	(tag) =	ssettag s2;
	_ =	strace s9  }
0x27: {  	s1 =	sld [smem:$0x3FA9]  }
0x28: {  	s2 =	sld [smem:$0x3FAA]  }
0x29: {  	s4 =	sld [smem:$0x3FAC]  }
0x2a: {  	p0 =	seq.s32 s5, $0x0;
	s5 =	sld [smem:$0x3FAD]  }
0x2b: {  	s6 =	sld [smem:$0x3FAE]  }
0x2c: {  	s7 =	sld [smem:$0x3FAF]  }
0x2d: {  	s3 =	simm.s32 $0x108;
	s8 =	sld [smem:$0x3FB0]  }
0x2e: {  	s3 =	simm.s32 @!p0 $0x1082;
	s9 =	sld [smem:$0x3FB1]  }
0x2f: {  	lr =	sadd.s32 s0, s3;
	s0 =	sld [smem:$0x3FA8]  }
0x30: {  	s3 =	sld [smem:$0x3FAB]  }
0x31: {  	[smem:$0x3FB4] =	sst s10  }
0x32: {  	s10 =	sld [smem:$0x3FB2];
	_ =	sdelay $0x3  }
0x33: {  	p0 =	seq.s32 s10, $0x1;
	s10 =	sld [smem:$0x3FB4];
	_ =	sdelay $0x3  }
0x34: {  	[smem:$0x3FB4] =	sst s10  }
0x35: {  	s10 =	sld [smem:$0x3FB3];
	_ =	sdelay $0x3  }
0x36: {  	p1 =	seq.s32 s10, $0x1;
	s10 =	sld [smem:$0x3FB4];
	_ =	sdelay $0x3  }
0x37: {  	[smem:$0x3FB4] =	sst s10  }
0x38: {  	s10 =	sld [smem:$0x3FB5]  }
0x39: {  	_ = 	snop;
	(pc) =	sbr.ind lr, $3  }
0x3a: {  	_ = 	snop  }
0x3b: {  	_ = 	snop  }
0x3c: {  	p2 =	seq.s32 s10, $0x1;
	s10 =	sld [smem:$0x3FB4]  }
0x3d: {  	_ =	shalt  }
0x3e: {  	_ =	shalt  }
0x3f: {  	_ =	shalt  }
0x40: {  	_ =	shalt  }
0x41: {  	_ =	shalt  }
0x42: {  	_ =	shalt  }
0x43: {  	_ =	shalt  }
0x44: {  	_ =	shalt  }
0x45: {  	_ =	shalt  }
0x46: {  	_ =	shalt  }
0x47: {  	_ =	shalt  }
0x48: {  	_ =	shalt  }
0x49: {  	_ =	shalt  }
0x4a: {  	_ =	shalt  }
0x4b: {  	_ =	shalt  }
0x4c: {  	_ =	shalt  }
0x4d: {  	_ =	shalt  }
0x4e: {  	_ =	shalt  }
0x4f: {  	_ =	shalt  }
0x50: {  	_ =	shalt  }
0x51: {  	_ =	shalt  }
0x52: {  	_ =	shalt  }
0x53: {  	_ =	shalt  }
0x54: {  	_ =	shalt  }
0x55: {  	_ =	shalt  }
0x56: {  	_ =	shalt  }
0x57: {  	_ =	shalt  }
0x58: {  	_ =	shalt  }
0x59: {  	_ =	shalt  }
0x5a: {  	_ =	shalt  }
0x5b: {  	_ =	shalt  }
0x5c: {  	_ =	shalt  }
0x5d: {  	_ =	shalt  }
0x5e: {  	_ =	shalt  }
0x5f: {  	_ =	shalt  }
0x60: {  	_ =	shalt  }
0x61: {  	_ =	shalt  }
0x62: {  	_ =	shalt  }
0x63: {  	_ =	shalt  }
0x64: {  	_ =	shalt  }
0x65: {  	_ =	shalt  }
0x66: {  	_ =	shalt  }
0x67: {  	_ =	shalt  }
0x68: {  	_ =	shalt  }
0x69: {  	_ =	shalt  }
0x6a: {  	_ =	shalt  }
0x6b: {  	_ =	shalt  }
0x6c: {  	_ =	shalt  }
0x6d: {  	_ =	shalt  }
0x6e: {  	_ =	shalt  }
0x6f: {  	_ =	shalt  }
0x70: {  	_ =	shalt  }
0x71: {  	_ =	shalt  }
0x72: {  	_ =	shalt  }
0x73: {  	_ =	shalt  }
0x74: {  	_ =	shalt  }
0x75: {  	_ =	shalt  }
0x76: {  	_ =	shalt  }
0x77: {  	_ =	shalt  }
0x78: {  	_ =	shalt  }
0x79: {  	_ =	shalt  }
0x7a: {  	_ =	shalt  }
0x7b: {  	_ =	shalt  }
0x7c: {  	_ =	shalt  }
0x7d: {  	_ =	shalt  }
0x7e: {  	_ =	shalt  }
0x7f: {  	_ =	shalt  }
0x80: {  	_ =	shalt  }
0x81: {  	_ =	shalt  }
0x82: {  	_ =	shalt  }
0x83: {  	_ =	shalt  }
0x84: {  	_ =	shalt  }
0x85: {  	_ =	shalt  }
0x86: {  	_ =	shalt  }
0x87: {  	_ =	shalt  }
.Lfunc_end0:
.L_simem_size_0:
called_computation.2_lowered:
.L_overlay_start_0:
0x88: {  	s2 =	sld [smem:$0x3FD9]  }
0x89: {  	s3 =	sld [smem:$0x3FFE];
	_ =	sdelay $0x1  }
0x8a: {  	s1 =	srdreg.scid  }
0x8b: {  	s0 =	sand.u32 $0x1, s1  }
0x8c: {  	s17 =	sshll.u32 s0, $0xA;
	s2 =	sadd.s32 s3, s2  }
0x8d: {  	s2 =	sadd.s32 s2, s17  }
0x8e: {  	[smem:$0x3FC0] =	sst s2  }
0x8f: {  	_ = 	snop  }
0x90: {  	s2 =	sld [smem:$0x3FD0];
	(tm) =	ssettm $0x1  }
0x91: {  	s18 =	sld [smem:$0x3FFB];
	_ =	sdelay $0x3  }
0x92: {  	_ =	strace s18  }
0x93: {  	s3 =	sld [smem:$0x3FFC];
	_ =	sdelay $0x3  }
0x94: {  	_ =	strace s3  }
0x95: {  	s3 =	sld [smem:$0x3FFD];
	_ =	sdelay $0x3  }
0x96: {  	_ =	strace s3  }
0x97: {  	_ =	strace $0x8FFFFFFF  }
0x98: {  	s19 =	sld [smem:$0x3FDB];
	_ =	sdelay $0x1  }
0x99: {  	s4 =	simm.s32 $_scs_section_size  }
0x9a: {  	s5 =	simm.s32 $_size__tile_overlayer_lowered;
	s6 =	simm.s32 $_tile_overlayer_lowered  }
0x9b: {  	s22 =	simm.s32 $0x1BFF;
	s21 =	sshll.u32 s6, $0x1;
	s3 =	sadd.s32 s4, s19  }
0x9c: {  	s7 =	simm.s32 $0x0;
	s20 =	sshll.u32 s5, $0x1;
	s5 =	sadd.s32 s21, s3  }
0x9d: {  	[timem:s7], [sflag:s22] =	dma.local [hbm:s5], s20  }
0x9e: {  	_ =	swait.ge [sflag:s22], s20  }
0x9f: {  	s4 =	ssub.s32 $0x0, s20;
	[sflag:s22] =	ssyncset.done $0x0  }
0xa0: {  	[sflag:s22] =	ssyncadd.s32 s4;
	_ =	sdelay $0x1  }
0xa1: {  	s23 =	simm.s32 $0x1B8B  }
0xa2: {  	_ =	swait.ge [sflag:s23], $0x1  }
0xa3: {  	[sflag:s23] =	ssyncset.done $0x0  }
0xa4: {  	s25 =	simm.s32 $0x1B8E;
	s24 =	sld [smem:$0x3FFE];
	[sflag:s23] =	ssyncadd.s32 $0xFFFFFFFF  }
0xa5: {  	s26 =	simm.s32 $execute0_lowered;
	[smem:$0x3FD2] =	sst s25  }
0xa6: {  	s5 =	sshll.u32 s26, $0x1;
	_ =	strace $0x8000004C;
	[dreg:$0x1] =	wrdreg $0xFFFFFFFF  }
0xa7: {  	s28 =	simm.s32 $_size_execute0_lowered;
	s3 =	sadd.s32 s3, s5;
	[dreg:$0x0] =	wrdreg $0x0  }
0xa8: {  	s5 =	sshll.u32 s28, $0x1;
	[dreg:$0x2] =	wrdreg s3  }
0xa9: {  	[dreg:$0x3] =	wrdreg s5  }
0xaa: {  	[dreg:$0x4] =	wrdreg $0xC0  }
0xab: {  	_ =	task [dreg:s7], $0x5FFFF  }
0xac: {  	[dreg:$0x1] =	wrdreg $0xFFFFFFFF  }
0xad: {  	[dreg:$0x0] =	wrdreg $0x60  }
0xae: {  	[dreg:$0x2] =	wrdreg s2  }
0xaf: {  	[dreg:$0x3] =	wrdreg s24  }
0xb0: {  	[dreg:$0x4] =	wrdreg $0x0  }
0xb1: {  	[dreg:$0x5] =	wrdreg $0x9  }
0xb2: {  	_ =	task.clear_ibuf [dreg:s7], $0x6FFFF;
	_ =	strace $0x9000004C  }
0xb3: {  	s29 =	simm.s32 $0x9;
	_ =	strace $0x8000004E  }
0xb4: {  	_ =	swait.ge [sflag:s29], $0x1  }
0xb5: {  	[sflag:s29] =	ssyncadd.s32 $0xFFFFFFFF  }
0xb6: {  	_ =	strace $0x9000004E  }
0xb7: {  	_ =	sfence  }
0xb8: {  	s30 =	sld [smem:$0x0];
	_ =	sdelay $0x2  }
0xb9: {  	s31 =	sshll.u32 s1, $0xD;
	s1 =	sshrl.u32 s1, $0x2  }
0xba: {  	s3 =	sand.u32 $0x4000, s31;
	s1 =	sadd.s32 s1, s30  }
0xbb: {  	s0 =	sor.u32 s3, s0;
	s1 =	sshll.u32 s1, $0x11  }
0xbc: {  	s0 =	sor.u32 s1, s0  }
0xbd: {  	s0 =	sadd.s32 $0x8F2B, s0  }
0xbe: {  	[sflag:s0] =	ssyncadd.remote.s32 $0x1  }
0xbf: {  	_ =	sfence.sel $0xFFFF  }
0xc0: {  	[dreg:$0x0] =	wrdreg $0xFFFFFFFF;
	(pc) =	sbr.abs _section_cstart, $3  }
0xc1: {  	[dreg:$0x1] =	wrdreg $0xFFFFFFFF  }
0xc2: {  	_ =	task.clear_ibuf [dreg:s7], $0x2FFFF;
	_ =	strace $0x9FFFFFFF  }
0xc3: {  	(tm) =	ssettm $0x7FFFFFFF  }
tec
execute0_lowered:
.L_overlay_start_1:
0x0: {  	(tag) =	ssettag $0x1  }
0x1: {  	s1 =	rddreg [dreg:$0x0]  }
0x2: {  	s0 =	rddreg [dreg:$0x1]  }
0x3: {  	s2 =	rddreg [dreg:$0x2];
	s3 =	srdreg.scid;
	s4 =	simm.s32 $0x0  }
0x4: {  	s8 =	stileid.u32;
	s17 =	simm.s32 $0x16800;
	s18 =	simm.s32 $0x5  }
0x5: {  	s19 =	simm.s32 $0x3;
	s20 =	simm.s32 $0x4;
	s21 =	simm.s32 $0x14000  }
0x6: {  	s28 =	simm.s32 $0x15380;
	s29 =	simm.s32 $0x16700;
	s30 =	simm.s32 $0x16780  }
0x7: {  	s31 =	simm.s32 $0x0;
	s3 =	sand.u32 $0x1, s3;
	[smem:$0x7FF] =	sst s4  }
0x8: {  	s6 =	smul.u32 $0x14000, s8;
	s13 =	sadd.s32 $0xD400, s0;
	s14 =	sadd.s32 $0x3400, s0  }
0x9: {  	s22 =	sadd.s32 $0x17400, s0;
	s7 =	smul.u32 $0x50000, s8;
	s8 =	sshll.u32 s8, $0x1  }
0xa: {  	s5 =	smul.u32 $0x140000, s3;
	_ =	strace $0x8000004D;
	[dreg:$0x4] =	wrdreg s22  }
0xb: {  	s23 =	ssub.s32 $0x2, s3;
	s3 =	sor.u32 s3, s8;
	s22 =	simm.s32 $0x15400  }
0xc: {  	s9 =	sshrl.u32 s23, $0x1;
	s7 =	sshrl.u32 s7, $0x2;
	s11 =	smul.u32 $0x2800, s3  }
0xd: {  	s3 =	smul.u32 $0x500, s3;
	s6 =	sadd.s32 s6, s5;
	s16 =	ssub.s32 s23, s9  }
0xe: {  	s23 =	simm.s32 $0x80;
	s6 =	sshrl.u32 s6, $0x3;
	s15 =	sshrl.u32 s11, $0x3  }
0xf: {  	s11 =	sadd.s32 s13, s3;
	s12 =	sadd.s32 s14, s3;
	s16 =	smax.u32 s16, $0x1  }
0x10: {  	s0 =	sadd.s32 s6, s0;
	s6 =	sadd.s32 s7, s2;
	s26 =	sadd.s32 $0x280, s15  }
0x11: {  	s24 =	sadd.s32 $0x4000, s6;
	s25 =	sadd.s32 $0x8000, s6;
	s9 =	sadd.s32 $0xC000, s6  }
0x12: {  	s10 =	sadd.s32 $0x10000, s6;
	s13 =	sadd.s32 s13, s26;
	s14 =	sadd.s32 s14, s26  }
0x13: {  	s15 =	sadd.s32 $0x17C00, s0;
	s26 =	simm.s32 $0x2;
	[dreg:$0x5] =	wrdreg s24  }
0x14: {  	[dreg:$0x6] =	wrdreg s25;
	s24 =	simm.s32 $0x1A800;
	s25 =	simm.s32 $0x1  }
.LBB2_1:
0x15: {  	s0 =	rddreg [dreg:$0x4]  }
0x16: {  	[tilespmem:s17], [sflag:$0x5] =	stream.linear.gather [hbm4b:s0+s4], $0x4000, $0x38;
	[tilespmem:$0x1E800] =	vst v63  }
0x17: {  	_ =	swait.ge [sflag:s18], $0x4000  }
0x18: {  	[sflag:s18] =	ssyncset.done $0x0  }
0x19: {  	[sflag:s18] =	ssyncadd.s32 $0xFFFFC000  }
0x1a: {  	[spmem:s6] =	stream.linear.scatter [tilespmem:s17], [sflag:$0x3], $0x4000, $0x38;
	[tilespmem:$0x1E800] =	vst v63  }
0x1b: {  	s7 =	rddreg [dreg:$0x5]  }
0x1c: {  	[spmem:s7] =	stream.linear.scatter [tilespmem:s17], [sflag:$0x4], $0x4000, $0x38;
	[tilespmem:$0x1E800] =	vst v63  }
0x1d: {  	s8 =	rddreg [dreg:$0x6]  }
0x1e: {  	[spmem:s8] =	stream.linear.scatter [tilespmem:s17], [sflag:$0x3], $0x4000, $0x38;
	[tilespmem:$0x1E800] =	vst v63  }
0x1f: {  	_ = 	snop  }
0x20: {  	[spmem:s9] =	stream.linear.scatter [tilespmem:s17], [sflag:$0x4], $0x4000, $0x38;
	[tilespmem:$0x1E800] =	vst v63  }
0x21: {  	_ = 	snop  }
0x22: {  	[spmem:s10] =	stream.linear.scatter [tilespmem:s17], [sflag:$0x3], $0x4000, $0x38;
	[tilespmem:$0x1E800] =	vst v63  }
0x23: {  	_ =	swait.ge [sflag:s19], $0x4000  }
0x24: {  	[sflag:s19] =	ssyncset.done $0x0  }
0x25: {  	[sflag:s19] =	ssyncadd.s32 $0xFFFFC000  }
0x26: {  	_ =	swait.ge [sflag:s20], $0x4000  }
0x27: {  	[sflag:s20] =	ssyncset.done $0x0  }
0x28: {  	[sflag:s20] =	ssyncadd.s32 $0xFFFFC000  }
0x29: {  	_ =	swait.ge [sflag:s19], $0x4000  }
0x2a: {  	[sflag:s19] =	ssyncset.done $0x0  }
0x2b: {  	[sflag:s19] =	ssyncadd.s32 $0xFFFFC000  }
0x2c: {  	_ =	swait.ge [sflag:s20], $0x4000  }
0x2d: {  	[sflag:s20] =	ssyncset.done $0x0  }
0x2e: {  	[sflag:s20] =	ssyncadd.s32 $0xFFFFC000  }
0x2f: {  	_ =	swait.ge [sflag:s19], $0x4000  }
0x30: {  	[sflag:s19] =	ssyncset.done $0x0  }
0x31: {  	[sflag:s19] =	ssyncadd.s32 $0xFFFFC000  }
0x32: {  	[bflag:$0x0] =	sbarrier.arrive $0xFFFF  }
0x33: {  	[tilespmem:s21], [sflag:$0x5] =	stream.linear.gather [hbm4b:s11+s4], $0x1400, $0x38;
	[tilespmem:$0x1E800] =	vst v63  }
0x34: {  	_ =	swait.ge [sflag:s18], $0x1400  }
0x35: {  	[sflag:s18] =	ssyncset.done $0x0  }
0x36: {  	[sflag:s18] =	ssyncadd.s32 $0xFFFFEC00  }
0x37: {  	[tilespmem:s22], [sflag:$0x5] =	stream.linear.gather [hbm4b:s12+s4], $0x1400, $0x38;
	[tilespmem:$0x1E800] =	vst v63  }
0x38: {  	_ =	swait.ge [sflag:s18], $0x1400  }
0x39: {  	[sflag:s18] =	ssyncset.done $0x0  }
0x3a: {  	[sflag:s18] =	ssyncadd.s32 $0xFFFFEC00  }
0x3b: {  	[tilespmem:s17], [sflag:$0x1] =	stream.indirect.gather [hbm4b:s1+s23], $0x80, s21, s23, $0xb8;
	[tilespmem:$0x1E800] =	vst v63  }
0x3c: {  	s3 =	simm.s32 $0x14080  }
0x3d: {  	[tilespmem:s24], [sflag:$0x2] =	stream.indirect.gather [hbm4b:s1+s23], $0x80, s3, s23, $0xb8;
	[tilespmem:$0x1E800] =	vst v63  }
0x3e: {  	_ =	swait.ge [sflag:s25], $0x4000  }
0x3f: {  	[sflag:s25] =	ssyncset.done $0x0  }
0x40: {  	s5 =	simm.s32 $0x15400;
	[sflag:s25] =	ssyncadd.s32 $0xFFFFC000  }
0x41: {  	[spmem:s2] =	stream.indirect.scatter.add.f32 [tilespmem:s17], [sflag:$0x5], $0x80, s5, s23, $0xb8;
	[tilespmem:$0x1E800] =	vst v63  }
0x42: {  	_ =	swait.ge [sflag:s18], $0x4000  }
0x43: {  	[sflag:s18] =	ssyncset.done $0x0  }
0x44: {  	s7 =	simm.s32 $0x14100;
	[sflag:s18] =	ssyncadd.s32 $0xFFFFC000  }
0x45: {  	[tilespmem:s17], [sflag:$0x1] =	stream.indirect.gather [hbm4b:s1+s23], $0x80, s7, s23, $0xb8;
	[tilespmem:$0x1E800] =	vst v63  }
0x46: {  	_ =	swait.ge [sflag:s26], $0x4000  }
0x47: {  	[sflag:s26] =	ssyncset.done $0x0  }
0x48: {  	s8 =	simm.s32 $0x15480;
	[sflag:s26] =	ssyncadd.s32 $0xFFFFC000  }
0x49: {  	[spmem:s2] =	stream.indirect.scatter.add.f32 [tilespmem:s24], [sflag:$0x5], $0x80, s8, s23, $0xb8;
	[tilespmem:$0x1E800] =	vst v63  }
0x4a: {  	_ =	swait.ge [sflag:s18], $0x4000  }
0x4b: {  	s0 =	simm.s32 $0x100;
	s3 =	simm.s32 $0x800;
	[sflag:s18] =	ssyncset.done $0x0  }
.LBB2_2:
0x4c: {  	s5 =	sadd.s32 $0x14080, s0  }
0x4d: {  	[sflag:s18] =	ssyncadd.s32 $0xFFFFC000;
	s7 =	smov.u32 s3;
	s8 =	sadd.s32 $0x400, s3  }
0x4e: {  	[tilespmem:s24], [sflag:$0x2] =	stream.indirect.gather [hbm4b:s1+s23], $0x80, s5, s23, $0xb8;
	[tilespmem:$0x1E800] =	vst v63  }
0x4f: {  	p0 =	sne.s32 s3, $0x4800;
	_ =	swait.ge [sflag:s25], $0x4000  }
0x50: {  	[sflag:s25] =	ssyncset.done $0x0  }
0x51: {  	s3 =	sadd.s32 $0x15400, s0;
	[sflag:s25] =	ssyncadd.s32 $0xFFFFC000  }
0x52: {  	[spmem:s2] =	stream.indirect.scatter.add.f32 [tilespmem:s17], [sflag:$0x5], $0x80, s3, s23, $0xb8;
	[tilespmem:$0x1E800] =	vst v63  }
0x53: {  	_ =	swait.ge [sflag:s18], $0x4000  }
0x54: {  	[sflag:s18] =	ssyncset.done $0x0  }
0x55: {  	s3 =	sadd.s32 $0x14100, s0;
	[sflag:s18] =	ssyncadd.s32 $0xFFFFC000  }
0x56: {  	[tilespmem:s17], [sflag:$0x1] =	stream.indirect.gather [hbm4b:s1+s23], $0x80, s3, s23, $0xb8;
	[tilespmem:$0x1E800] =	vst v63  }
0x57: {  	_ =	swait.ge [sflag:s26], $0x4000  }
.Ltmp0:
0x58: {  	[sflag:s26] =	ssyncset.done $0x0;
	(pc) =	sbr.rel @p0 .LBB2_2-.Ltmp0, $4  }
0x59: {  	s0 =	sadd.s32 $0x15480, s0;
	[sflag:s26] =	ssyncadd.s32 $0xFFFFC000  }
0x5a: {  	[spmem:s2] =	stream.indirect.scatter.add.f32 [tilespmem:s24], [sflag:$0x5], $0x80, s0, s23, $0xb8;
	[tilespmem:$0x1E800] =	vst v63  }
0x5b: {  	_ =	swait.ge [sflag:s18], $0x4000  }
0x5c: {  	s3 =	smov.u32 s8;
	s0 =	sshra.s32 s7, $0x2;
	[sflag:s18] =	ssyncset.done $0x0  }
0x5d: {  	s3 =	sadd.s32 $0x14080, s0;
	[sflag:s18] =	ssyncadd.s32 $0xFFFFC000  }
0x5e: {  	[tilespmem:s24], [sflag:$0x2] =	stream.indirect.gather [hbm4b:s1+s23], $0x80, s3, s23, $0xb8;
	[tilespmem:$0x1E800] =	vst v63  }
0x5f: {  	_ =	swait.ge [sflag:s25], $0x4000  }
0x60: {  	[sflag:s25] =	ssyncset.done $0x0  }
0x61: {  	s8 =	sadd.s32 $0x15400, s0;
	[sflag:s25] =	ssyncadd.s32 $0xFFFFC000  }
0x62: {  	[spmem:s2] =	stream.indirect.scatter.add.f32 [tilespmem:s17], [sflag:$0x5], $0x80, s8, s23, $0xb8;
	[tilespmem:$0x1E800] =	vst v63  }
0x63: {  	_ =	swait.ge [sflag:s18], $0x4000  }
0x64: {  	[sflag:s18] =	ssyncset.done $0x0  }
0x65: {  	s5 =	sadd.s32 $0x14100, s0;
	[sflag:s18] =	ssyncadd.s32 $0xFFFFC000  }
0x66: {  	[tilespmem:s17], [sflag:$0x1] =	stream.indirect.gather [hbm4b:s1+s23], $0x80, s5, s23, $0xb8;
	[tilespmem:$0x1E800] =	vst v63  }
0x67: {  	_ =	swait.ge [sflag:s26], $0x4000  }
0x68: {  	[sflag:s26] =	ssyncset.done $0x0  }
0x69: {  	s7 =	sadd.s32 $0x15480, s0;
	[sflag:s26] =	ssyncadd.s32 $0xFFFFC000  }
0x6a: {  	[spmem:s2] =	stream.indirect.scatter.add.f32 [tilespmem:s24], [sflag:$0x5], $0x80, s7, s23, $0xb8;
	[tilespmem:$0x1E800] =	vst v63  }
0x6b: {  	_ =	swait.ge [sflag:s18], $0x4000  }
0x6c: {  	[sflag:s18] =	ssyncset.done $0x0  }
0x6d: {  	[sflag:s18] =	ssyncadd.s32 $0xFFFFC000  }
0x6e: {  	[tilespmem:s24], [sflag:$0x2] =	stream.indirect.gather [hbm4b:s1+s23], $0x80, s28, s23, $0xb8;
	[tilespmem:$0x1E800] =	vst v63  }
0x6f: {  	_ =	swait.ge [sflag:s25], $0x4000  }
0x70: {  	[sflag:s25] =	ssyncset.done $0x0  }
0x71: {  	[sflag:s25] =	ssyncadd.s32 $0xFFFFC000  }
0x72: {  	[spmem:s2] =	stream.indirect.scatter.add.f32 [tilespmem:s17], [sflag:$0x5], $0x80, s29, s23, $0xb8;
	[tilespmem:$0x1E800] =	vst v63  }
0x73: {  	_ =	swait.ge [sflag:s18], $0x4000  }
0x74: {  	[sflag:s18] =	ssyncset.done $0x0  }
0x75: {  	[sflag:s18] =	ssyncadd.s32 $0xFFFFC000  }
0x76: {  	[tilespmem:s17], [sflag:$0x1] =	stream.indirect.gather [hbm4b:s1+s23], $0x80, s28, s23, $0xb8;
	[tilespmem:$0x1E800] =	vst v63  }
0x77: {  	_ =	swait.ge [sflag:s26], $0x4000  }
0x78: {  	[sflag:s26] =	ssyncset.done $0x0  }
0x79: {  	[sflag:s26] =	ssyncadd.s32 $0xFFFFC000  }
0x7a: {  	[spmem:s2] =	stream.indirect.scatter.add.f32 [tilespmem:s24], [sflag:$0x5], $0x80, s30, s23, $0xb8;
	[tilespmem:$0x1E800] =	vst v63  }
0x7b: {  	_ =	swait.ge [sflag:s18], $0x4000  }
0x7c: {  	[sflag:s18] =	ssyncset.done $0x0  }
0x7d: {  	[sflag:s18] =	ssyncadd.s32 $0xFFFFC000  }
0x7e: {  	_ =	swait.ge [sflag:s25], $0x4000  }
0x7f: {  	[sflag:s25] =	ssyncset.done $0x0  }
0x80: {  	s8 =	simm.s32 $0x0;
	[sflag:s25] =	ssyncadd.s32 $0xFFFFC000  }
0x81: {  	[tilespmem:s21], [sflag:$0x5] =	stream.linear.gather [hbm4b:s13+s8], $0x1400, $0x38;
	[tilespmem:$0x1E800] =	vst v63  }
0x82: {  	_ =	swait.ge [sflag:s18], $0x1400  }
0x83: {  	[sflag:s18] =	ssyncset.done $0x0  }
0x84: {  	[sflag:s18] =	ssyncadd.s32 $0xFFFFEC00  }
0x85: {  	[tilespmem:s22], [sflag:$0x5] =	stream.linear.gather [hbm4b:s14+s8], $0x1400, $0x38;
	[tilespmem:$0x1E800] =	vst v63  }
0x86: {  	_ =	swait.ge [sflag:s18], $0x1400  }
0x87: {  	[sflag:s18] =	ssyncset.done $0x0  }
0x88: {  	[sflag:s18] =	ssyncadd.s32 $0xFFFFEC00  }
0x89: {  	[tilespmem:s17], [sflag:$0x1] =	stream.indirect.gather [hbm4b:s1+s23], $0x80, s21, s23, $0xb8;
	[tilespmem:$0x1E800] =	vst v63  }
0x8a: {  	s3 =	simm.s32 $0x14080  }
0x8b: {  	[tilespmem:s24], [sflag:$0x2] =	stream.indirect.gather [hbm4b:s1+s23], $0x80, s3, s23, $0xb8;
	[tilespmem:$0x1E800] =	vst v63  }
0x8c: {  	_ =	swait.ge [sflag:s25], $0x4000  }
0x8d: {  	[sflag:s25] =	ssyncset.done $0x0  }
0x8e: {  	s5 =	simm.s32 $0x15400;
	[sflag:s25] =	ssyncadd.s32 $0xFFFFC000  }
0x8f: {  	[spmem:s2] =	stream.indirect.scatter.add.f32 [tilespmem:s17], [sflag:$0x5], $0x80, s5, s23, $0xb8;
	[tilespmem:$0x1E800] =	vst v63  }
0x90: {  	_ =	swait.ge [sflag:s18], $0x4000  }
0x91: {  	[sflag:s18] =	ssyncset.done $0x0  }
0x92: {  	s7 =	simm.s32 $0x14100;
	[sflag:s18] =	ssyncadd.s32 $0xFFFFC000  }
0x93: {  	[tilespmem:s17], [sflag:$0x1] =	stream.indirect.gather [hbm4b:s1+s23], $0x80, s7, s23, $0xb8;
	[tilespmem:$0x1E800] =	vst v63  }
0x94: {  	_ =	swait.ge [sflag:s26], $0x4000  }
0x95: {  	[sflag:s26] =	ssyncset.done $0x0  }
0x96: {  	s8 =	simm.s32 $0x15480;
	[sflag:s26] =	ssyncadd.s32 $0xFFFFC000  }
0x97: {  	[spmem:s2] =	stream.indirect.scatter.add.f32 [tilespmem:s24], [sflag:$0x5], $0x80, s8, s23, $0xb8;
	[tilespmem:$0x1E800] =	vst v63  }
0x98: {  	_ =	swait.ge [sflag:s18], $0x4000  }
0x99: {  	s0 =	simm.s32 $0x100;
	s3 =	simm.s32 $0x800;
	[sflag:s18] =	ssyncset.done $0x0  }
.LBB2_4:
0x9a: {  	s5 =	sadd.s32 $0x14080, s0  }
0x9b: {  	[sflag:s18] =	ssyncadd.s32 $0xFFFFC000;
	s7 =	smov.u32 s3;
	s8 =	sadd.s32 $0x400, s3  }
0x9c: {  	[tilespmem:s24], [sflag:$0x2] =	stream.indirect.gather [hbm4b:s1+s23], $0x80, s5, s23, $0xb8;
	[tilespmem:$0x1E800] =	vst v63  }
0x9d: {  	p0 =	sne.s32 s3, $0x4800;
	_ =	swait.ge [sflag:s25], $0x4000  }
0x9e: {  	[sflag:s25] =	ssyncset.done $0x0  }
0x9f: {  	s3 =	sadd.s32 $0x15400, s0;
	[sflag:s25] =	ssyncadd.s32 $0xFFFFC000  }
0xa0: {  	[spmem:s2] =	stream.indirect.scatter.add.f32 [tilespmem:s17], [sflag:$0x5], $0x80, s3, s23, $0xb8;
	[tilespmem:$0x1E800] =	vst v63  }
0xa1: {  	_ =	swait.ge [sflag:s18], $0x4000  }
0xa2: {  	[sflag:s18] =	ssyncset.done $0x0  }
0xa3: {  	s3 =	sadd.s32 $0x14100, s0;
	[sflag:s18] =	ssyncadd.s32 $0xFFFFC000  }
0xa4: {  	[tilespmem:s17], [sflag:$0x1] =	stream.indirect.gather [hbm4b:s1+s23], $0x80, s3, s23, $0xb8;
	[tilespmem:$0x1E800] =	vst v63  }
0xa5: {  	_ =	swait.ge [sflag:s26], $0x4000  }
.Ltmp1:
0xa6: {  	[sflag:s26] =	ssyncset.done $0x0;
	(pc) =	sbr.rel @p0 .LBB2_4-.Ltmp1, $4  }
0xa7: {  	s0 =	sadd.s32 $0x15480, s0;
	[sflag:s26] =	ssyncadd.s32 $0xFFFFC000  }
0xa8: {  	[spmem:s2] =	stream.indirect.scatter.add.f32 [tilespmem:s24], [sflag:$0x5], $0x80, s0, s23, $0xb8;
	[tilespmem:$0x1E800] =	vst v63  }
0xa9: {  	_ =	swait.ge [sflag:s18], $0x4000  }
0xaa: {  	s3 =	smov.u32 s8;
	s0 =	sshra.s32 s7, $0x2;
	[sflag:s18] =	ssyncset.done $0x0  }
0xab: {  	s3 =	sadd.s32 $0x14080, s0;
	[sflag:s18] =	ssyncadd.s32 $0xFFFFC000  }
0xac: {  	[tilespmem:s24], [sflag:$0x2] =	stream.indirect.gather [hbm4b:s1+s23], $0x80, s3, s23, $0xb8;
	[tilespmem:$0x1E800] =	vst v63  }
0xad: {  	_ =	swait.ge [sflag:s25], $0x4000  }
0xae: {  	[sflag:s25] =	ssyncset.done $0x0  }
0xaf: {  	s7 =	sadd.s32 $0x15400, s0;
	[sflag:s25] =	ssyncadd.s32 $0xFFFFC000  }
0xb0: {  	[spmem:s2] =	stream.indirect.scatter.add.f32 [tilespmem:s17], [sflag:$0x5], $0x80, s7, s23, $0xb8;
	[tilespmem:$0x1E800] =	vst v63  }
0xb1: {  	_ =	swait.ge [sflag:s18], $0x4000  }
0xb2: {  	[sflag:s18] =	ssyncset.done $0x0  }
0xb3: {  	s8 =	sadd.s32 $0x14100, s0;
	[sflag:s18] =	ssyncadd.s32 $0xFFFFC000  }
0xb4: {  	[tilespmem:s17], [sflag:$0x1] =	stream.indirect.gather [hbm4b:s1+s23], $0x80, s8, s23, $0xb8;
	[tilespmem:$0x1E800] =	vst v63  }
0xb5: {  	_ =	swait.ge [sflag:s26], $0x4000  }
0xb6: {  	[sflag:s26] =	ssyncset.done $0x0  }
0xb7: {  	s5 =	sadd.s32 $0x15480, s0;
	[sflag:s26] =	ssyncadd.s32 $0xFFFFC000  }
0xb8: {  	[spmem:s2] =	stream.indirect.scatter.add.f32 [tilespmem:s24], [sflag:$0x5], $0x80, s5, s23, $0xb8;
	[tilespmem:$0x1E800] =	vst v63  }
0xb9: {  	_ =	swait.ge [sflag:s18], $0x4000  }
0xba: {  	[sflag:s18] =	ssyncset.done $0x0  }
0xbb: {  	[sflag:s18] =	ssyncadd.s32 $0xFFFFC000  }
0xbc: {  	[tilespmem:s24], [sflag:$0x2] =	stream.indirect.gather [hbm4b:s1+s23], $0x80, s28, s23, $0xb8;
	[tilespmem:$0x1E800] =	vst v63  }
0xbd: {  	_ =	swait.ge [sflag:s25], $0x4000  }
0xbe: {  	[sflag:s25] =	ssyncset.done $0x0  }
0xbf: {  	[sflag:s25] =	ssyncadd.s32 $0xFFFFC000  }
0xc0: {  	[spmem:s2] =	stream.indirect.scatter.add.f32 [tilespmem:s17], [sflag:$0x5], $0x80, s29, s23, $0xb8;
	[tilespmem:$0x1E800] =	vst v63  }
0xc1: {  	_ =	swait.ge [sflag:s18], $0x4000  }
0xc2: {  	[sflag:s18] =	ssyncset.done $0x0  }
0xc3: {  	[sflag:s18] =	ssyncadd.s32 $0xFFFFC000  }
0xc4: {  	[tilespmem:s17], [sflag:$0x1] =	stream.indirect.gather [hbm4b:s1+s23], $0x80, s28, s23, $0xb8;
	[tilespmem:$0x1E800] =	vst v63  }
0xc5: {  	_ =	swait.ge [sflag:s26], $0x4000  }
0xc6: {  	[sflag:s26] =	ssyncset.done $0x0  }
0xc7: {  	[sflag:s26] =	ssyncadd.s32 $0xFFFFC000  }
0xc8: {  	[spmem:s2] =	stream.indirect.scatter.add.f32 [tilespmem:s24], [sflag:$0x5], $0x80, s30, s23, $0xb8;
	[tilespmem:$0x1E800] =	vst v63  }
0xc9: {  	_ =	swait.ge [sflag:s18], $0x4000  }
0xca: {  	[sflag:s18] =	ssyncset.done $0x0  }
0xcb: {  	[sflag:s18] =	ssyncadd.s32 $0xFFFFC000  }
0xcc: {  	s7 =	stileid.u32;
	_ =	swait.ge [sflag:s25], $0x4000  }
0xcd: {  	s31 =	sadd.s32 $0x1, s31;
	s0 =	sshll.u32 s7, $0x6;
	[sflag:s25] =	ssyncset.done $0x0  }
0xce: {  	p0 =	sne.s32 s31, s16;
	s0 =	sor.u32 $0x1C05, s0;
	[sflag:s25] =	ssyncadd.s32 $0xFFFFC000  }
.Ltmp2:
0xcf: {  	s8 =	sshrl.u32 s6, $0x3;
	[bflag:$0x0] =	sbarrier.arrive $0xFFFF;
	(pc) =	sbr.rel @p0 .LBB2_1-.Ltmp2, $4  }
0xd0: {  	[hbm:s15], [sflag:s0] =	dma.local [spmem:s8], $0x2800  }
0xd1: {  	_ =	swait.ge [sflag:s18], $0x2800  }
0xd2: {  	[sflag:s18] =	ssyncset.done $0x0  }
0xd3: {  	[sflag:s18] =	ssyncadd.s32 $0xFFFFD800  }
0xd4: {  	_ =	sfence.sel $0x180000  }
0xd5: {  	[bflag:$0x0] =	sbarrier.arrive $0xFFFF  }
0xd6: {  	_ =	strace $0x9000004D  }
0xd7: {  	s0 =	stileid.u32;
	[bflag:$0x2] =	sbarrier.arrive $0xFFFF  }
0xd8: {  	p0 =	sne.s32 s0, $0x0;
	s0 =	rddreg [dreg:$0x3]  }
0xd9: {  	s0 =	sadd.s32 @!p0 $0x100000, s0  }
0xda: {  	[sflag:s0] =	ssyncadd.tile.s32 @!p0 $0x1;
	_ =	shalt  }
.Lfunc_end2:
_tile_overlayer_lowered:
.L_overlay_start_2:
0xdb: {  	(tag) =	ssettag $0x2  }
0xdc: {  	s0 =	rddreg [dreg:$0x0];
	s2 =	stileid.u32  }
0xdd: {  	s1 =	rddreg [dreg:$0x1];
	p0 =	sne.s32 s2, $0x0  }
0xde: {  	s3 =	rddreg [dreg:$0x2];
	[bflag:$0x3] =	sbarrier.arrive $0xFFFF;
	s2 =	simm.s32 @!p0 $0x1C05  }
0xdf: {  	[timem:s3], [sflag:s2] =	dma.local @!p0 [hbm:s0], s1  }
0xe0: {  	s0 =	simm.s32 @!p0 $0x5  }
0xe1: {  	_ =	swait.ge @!p0 [sflag:s0], s1  }
0xe2: {  	s1 =	ssub.s32 @!p0 $0x0, s1;
	[sflag:s0] =	ssyncset.done @!p0 $0x0  }
0xe3: {  	[sflag:s0] =	ssyncadd.s32 @!p0 s1  }
0xe4: {  	[bflag:$0x3] =	sbarrier.arrive $0xFFFF  }
0xe5: {  	_ =	shalt  }

// kernel: kernel.19.cloned.1.call-start
scs
__scs_entry_jumppad:
0x0: {  	(pc) =	sbr.rel $0x88, $3  }
0x1: {  	(tag) =	ssettag $0x0;
	lr =	simm.s32 $0x1  }
0x2: {  	[smem:$0x3F99] =	sst lr;
	_ =	strace $0xD0000000  }
0x3: {  	_ = 	snop  }
0x4: {  	_ = 	snop  }
0x5: {  	_ = 	snop  }
0x6: {  	_ = 	snop  }
0x7: {  	_ = 	snop  }
__scs_overlays_trampoline_lowered:
0x8: {  	[smem:$0x3FA8] =	sst s0  }
0x9: {  	[smem:$0x3FA9] =	sst s1  }
0xa: {  	[smem:$0x3FAA] =	sst s2  }
0xb: {  	[smem:$0x3FAB] =	sst s3  }
0xc: {  	[smem:$0x3FAC] =	sst s4  }
0xd: {  	[smem:$0x3FAD] =	sst s5  }
0xe: {  	[smem:$0x3FAE] =	sst s6  }
0xf: {  	[smem:$0x3FAF] =	sst s7  }
0x10: {  	[smem:$0x3FB0] =	sst s8  }
0x11: {  	[smem:$0x3FB1] =	sst s9;
	s0 =	simm.s32 @!p0 $0x0  }
0x12: {  	s1 =	sld [smem:$0x3F97];
	s0 =	simm.s32 @p0 $0x1  }
0x13: {  	[smem:$0x3FB2] =	sst s0;
	s0 =	simm.s32 @!p1 $0x0  }
0x14: {  	s2 =	sld [smem:$0x3F96];
	s0 =	simm.s32 @p1 $0x1  }
0x15: {  	[smem:$0x3FB3] =	sst s0;
	s0 =	simm.s32 @!p2 $0x0  }
0x16: {  	s3 =	sld [smem:$0x3FDB];
	s0 =	simm.s32 @p2 $0x1  }
0x17: {  	s4 =	simm.s32 $0x1BF5;
	[smem:$0x3FB5] =	sst s0  }
0x18: {  	s0 =	sld [smem:$0x3F98];
	_ =	swait.ge [sflag:s4], $0x0  }
0x19: {  	s7 =	sld [smem:$0x3F99]  }
0x1a: {  	s8 =	sadd.s32 $0xFFFFE003, lr  }
0x1b: {  	s9 =	sadd.s32 $0xFFFFFEF7, lr;
	s5 =	simm.s32 $0xFFFFFFFF;
	p2 =	slt.u32 s8, $0xFFFFF086  }
0x1c: {  	p1 =	slt.u32 s9, $0xF7A;
	s5 =	simm.s32 @!p2 $0x0  }
0x1d: {  	s5 =	simm.s32 @p1 $0x1;
	p0 =	seq.s32 s7, s2  }
0x1e: {  	s7 =	smul.u32 @!p0 $0xF7A, s2;
	p2 =	seq.s32 @!p0 s5, $0x0  }
0x1f: {  	s9 =	smul.u32 $0xF7A, s1;
	s8 =	simm.s32 @!p0 $0x1BF5;
	p2 =	por !p2, p0  }
0x20: {  	[sflag:s8] =	ssyncset.s32 @!p0 $0xFFFFF086;
	s6 =	sadd.s32 @!p0 s3, s7;
	s7 =	simm.s32 @!p0 $0x108  }
0x21: {  	s3 =	sadd.s32 s3, s9;
	s6 =	sadd.s32 @!p0 $0x88, s6;
	s7 =	simm.s32 @p2 $0x1082  }
0x22: {  	[simem:s7], [sflag:s8] =	dma.local @!p0 [hbm:s6], $0xF7A  }
0x23: {  	s9 =	sor.u32 $0xD0000000, s2;
	s6 =	simm.s32 $0x108;
	_ =	swait.ge @!p0 [sflag:s8], $0x0  }
0x24: {  	s3 =	sadd.s32 $0x88, s3;
	s6 =	simm.s32 @!p1 $0x1082;
	[sflag:s4] =	ssyncset.s32 $0xFFFFF086  }
0x25: {  	[simem:s6], [sflag:s4] =	dma.local [hbm:s3], $0xF7A  }
0x26: {  	[smem:$0x3F99] =	sst s1;
	(tag) =	ssettag s2;
	_ =	strace s9  }
0x27: {  	s1 =	sld [smem:$0x3FA9]  }
0x28: {  	s2 =	sld [smem:$0x3FAA]  }
0x29: {  	s4 =	sld [smem:$0x3FAC]  }
0x2a: {  	p0 =	seq.s32 s5, $0x0;
	s5 =	sld [smem:$0x3FAD]  }
0x2b: {  	s6 =	sld [smem:$0x3FAE]  }
0x2c: {  	s7 =	sld [smem:$0x3FAF]  }
0x2d: {  	s3 =	simm.s32 $0x108;
	s8 =	sld [smem:$0x3FB0]  }
0x2e: {  	s3 =	simm.s32 @!p0 $0x1082;
	s9 =	sld [smem:$0x3FB1]  }
0x2f: {  	lr =	sadd.s32 s0, s3;
	s0 =	sld [smem:$0x3FA8]  }
0x30: {  	s3 =	sld [smem:$0x3FAB]  }
0x31: {  	[smem:$0x3FB4] =	sst s10  }
0x32: {  	s10 =	sld [smem:$0x3FB2];
	_ =	sdelay $0x3  }
0x33: {  	p0 =	seq.s32 s10, $0x1;
	s10 =	sld [smem:$0x3FB4];
	_ =	sdelay $0x3  }
0x34: {  	[smem:$0x3FB4] =	sst s10  }
0x35: {  	s10 =	sld [smem:$0x3FB3];
	_ =	sdelay $0x3  }
0x36: {  	p1 =	seq.s32 s10, $0x1;
	s10 =	sld [smem:$0x3FB4];
	_ =	sdelay $0x3  }
0x37: {  	[smem:$0x3FB4] =	sst s10  }
0x38: {  	s10 =	sld [smem:$0x3FB5]  }
0x39: {  	_ = 	snop;
	(pc) =	sbr.ind lr, $3  }
0x3a: {  	_ = 	snop  }
0x3b: {  	_ = 	snop  }
0x3c: {  	p2 =	seq.s32 s10, $0x1;
	s10 =	sld [smem:$0x3FB4]  }
0x3d: {  	_ =	shalt  }
0x3e: {  	_ =	shalt  }
0x3f: {  	_ =	shalt  }
0x40: {  	_ =	shalt  }
0x41: {  	_ =	shalt  }
0x42: {  	_ =	shalt  }
0x43: {  	_ =	shalt  }
0x44: {  	_ =	shalt  }
0x45: {  	_ =	shalt  }
0x46: {  	_ =	shalt  }
0x47: {  	_ =	shalt  }
0x48: {  	_ =	shalt  }
0x49: {  	_ =	shalt  }
0x4a: {  	_ =	shalt  }
0x4b: {  	_ =	shalt  }
0x4c: {  	_ =	shalt  }
0x4d: {  	_ =	shalt  }
0x4e: {  	_ =	shalt  }
0x4f: {  	_ =	shalt  }
0x50: {  	_ =	shalt  }
0x51: {  	_ =	shalt  }
0x52: {  	_ =	shalt  }
0x53: {  	_ =	shalt  }
0x54: {  	_ =	shalt  }
0x55: {  	_ =	shalt  }
0x56: {  	_ =	shalt  }
0x57: {  	_ =	shalt  }
0x58: {  	_ =	shalt  }
0x59: {  	_ =	shalt  }
0x5a: {  	_ =	shalt  }
0x5b: {  	_ =	shalt  }
0x5c: {  	_ =	shalt  }
0x5d: {  	_ =	shalt  }
0x5e: {  	_ =	shalt  }
0x5f: {  	_ =	shalt  }
0x60: {  	_ =	shalt  }
0x61: {  	_ =	shalt  }
0x62: {  	_ =	shalt  }
0x63: {  	_ =	shalt  }
0x64: {  	_ =	shalt  }
0x65: {  	_ =	shalt  }
0x66: {  	_ =	shalt  }
0x67: {  	_ =	shalt  }
0x68: {  	_ =	shalt  }
0x69: {  	_ =	shalt  }
0x6a: {  	_ =	shalt  }
0x6b: {  	_ =	shalt  }
0x6c: {  	_ =	shalt  }
0x6d: {  	_ =	shalt  }
0x6e: {  	_ =	shalt  }
0x6f: {  	_ =	shalt  }
0x70: {  	_ =	shalt  }
0x71: {  	_ =	shalt  }
0x72: {  	_ =	shalt  }
0x73: {  	_ =	shalt  }
0x74: {  	_ =	shalt  }
0x75: {  	_ =	shalt  }
0x76: {  	_ =	shalt  }
0x77: {  	_ =	shalt  }
0x78: {  	_ =	shalt  }
0x79: {  	_ =	shalt  }
0x7a: {  	_ =	shalt  }
0x7b: {  	_ =	shalt  }
0x7c: {  	_ =	shalt  }
0x7d: {  	_ =	shalt  }
0x7e: {  	_ =	shalt  }
0x7f: {  	_ =	shalt  }
0x80: {  	_ =	shalt  }
0x81: {  	_ =	shalt  }
0x82: {  	_ =	shalt  }
0x83: {  	_ =	shalt  }
0x84: {  	_ =	shalt  }
0x85: {  	_ =	shalt  }
0x86: {  	_ =	shalt  }
0x87: {  	_ =	shalt  }
.Lfunc_end0:
.L_simem_size_0:
called_computation.3_lowered:
.L_overlay_start_0:
0x88: {  	s2 =	sld [smem:$0x3FD9]  }
0x89: {  	s3 =	sld [smem:$0x3FFE];
	_ =	sdelay $0x1  }
0x8a: {  	s1 =	srdreg.scid  }
0x8b: {  	s0 =	sand.u32 $0x1, s1  }
0x8c: {  	s17 =	sshll.u32 s0, $0xA;
	s2 =	sadd.s32 s3, s2  }
0x8d: {  	s2 =	sadd.s32 s2, s17  }
0x8e: {  	[smem:$0x3FC0] =	sst s2  }
0x8f: {  	_ = 	snop  }
0x90: {  	s2 =	sld [smem:$0x3FD0];
	(tm) =	ssettm $0x1  }
0x91: {  	s18 =	sld [smem:$0x3FFB];
	_ =	sdelay $0x3  }
0x92: {  	_ =	strace s18  }
0x93: {  	s3 =	sld [smem:$0x3FFC];
	_ =	sdelay $0x3  }
0x94: {  	_ =	strace s3  }
0x95: {  	s3 =	sld [smem:$0x3FFD];
	_ =	sdelay $0x3  }
0x96: {  	_ =	strace s3  }
0x97: {  	_ =	strace $0x8FFFFFFF  }
0x98: {  	s19 =	sld [smem:$0x3FDB];
	_ =	sdelay $0x1  }
0x99: {  	s4 =	simm.s32 $_scs_section_size  }
0x9a: {  	s5 =	simm.s32 $_size__tile_overlayer_lowered;
	s6 =	simm.s32 $_tile_overlayer_lowered  }
0x9b: {  	s22 =	simm.s32 $0x1BFF;
	s21 =	sshll.u32 s6, $0x1;
	s3 =	sadd.s32 s4, s19  }
0x9c: {  	s7 =	simm.s32 $0x0;
	s20 =	sshll.u32 s5, $0x1;
	s5 =	sadd.s32 s21, s3  }
0x9d: {  	[timem:s7], [sflag:s22] =	dma.local [hbm:s5], s20  }
0x9e: {  	_ =	swait.ge [sflag:s22], s20  }
0x9f: {  	s4 =	ssub.s32 $0x0, s20;
	[sflag:s22] =	ssyncset.done $0x0  }
0xa0: {  	[sflag:s22] =	ssyncadd.s32 s4;
	_ =	sdelay $0x1  }
0xa1: {  	s23 =	simm.s32 $0x1B8B  }
0xa2: {  	_ =	swait.ge [sflag:s23], $0x1  }
0xa3: {  	[sflag:s23] =	ssyncset.done $0x0  }
0xa4: {  	s25 =	simm.s32 $0x1B8E;
	s24 =	sld [smem:$0x3FFE];
	[sflag:s23] =	ssyncadd.s32 $0xFFFFFFFF  }
0xa5: {  	s26 =	simm.s32 $execute0_lowered;
	[smem:$0x3FD2] =	sst s25  }
0xa6: {  	s5 =	sshll.u32 s26, $0x1;
	_ =	strace $0x8000004F;
	[dreg:$0x1] =	wrdreg $0xFFFFFFFF  }
0xa7: {  	s28 =	simm.s32 $_size_execute0_lowered;
	s3 =	sadd.s32 s3, s5;
	[dreg:$0x0] =	wrdreg $0x0  }
0xa8: {  	s5 =	sshll.u32 s28, $0x1;
	[dreg:$0x2] =	wrdreg s3  }
0xa9: {  	[dreg:$0x3] =	wrdreg s5  }
0xaa: {  	[dreg:$0x4] =	wrdreg $0xC0  }
0xab: {  	_ =	task [dreg:s7], $0x5FFFF  }
0xac: {  	[dreg:$0x1] =	wrdreg $0xFFFFFFFF  }
0xad: {  	[dreg:$0x0] =	wrdreg $0x60  }
0xae: {  	[dreg:$0x2] =	wrdreg s2  }
0xaf: {  	[dreg:$0x3] =	wrdreg s24  }
0xb0: {  	[dreg:$0x4] =	wrdreg $0x0  }
0xb1: {  	[dreg:$0x5] =	wrdreg $0x9  }
0xb2: {  	_ =	task.clear_ibuf [dreg:s7], $0x6FFFF;
	_ =	strace $0x9000004F  }
0xb3: {  	s29 =	simm.s32 $0x9;
	_ =	strace $0x80000051  }
0xb4: {  	_ =	swait.ge [sflag:s29], $0x1  }
0xb5: {  	[sflag:s29] =	ssyncadd.s32 $0xFFFFFFFF  }
0xb6: {  	_ =	strace $0x90000051  }
0xb7: {  	_ =	sfence  }
0xb8: {  	s30 =	sld [smem:$0x0];
	_ =	sdelay $0x2  }
0xb9: {  	s31 =	sshll.u32 s1, $0xD;
	s1 =	sshrl.u32 s1, $0x2  }
0xba: {  	s3 =	sand.u32 $0x4000, s31;
	s1 =	sadd.s32 s1, s30  }
0xbb: {  	s0 =	sor.u32 s3, s0;
	s1 =	sshll.u32 s1, $0x11  }
0xbc: {  	s0 =	sor.u32 s1, s0  }
0xbd: {  	s0 =	sadd.s32 $0x8F2B, s0  }
0xbe: {  	[sflag:s0] =	ssyncadd.remote.s32 $0x1  }
0xbf: {  	_ =	sfence.sel $0xFFFF  }
0xc0: {  	[dreg:$0x0] =	wrdreg $0xFFFFFFFF;
	(pc) =	sbr.abs _section_cstart, $3  }
0xc1: {  	[dreg:$0x1] =	wrdreg $0xFFFFFFFF  }
0xc2: {  	_ =	task.clear_ibuf [dreg:s7], $0x2FFFF;
	_ =	strace $0x9FFFFFFF  }
0xc3: {  	(tm) =	ssettm $0x7FFFFFFF  }
tec
execute0_lowered:
.L_overlay_start_1:
0x0: {  	(tag) =	ssettag $0x1  }
0x1: {  	s1 =	rddreg [dreg:$0x0]  }
0x2: {  	s0 =	rddreg [dreg:$0x1]  }
0x3: {  	s2 =	rddreg [dreg:$0x2];
	s3 =	srdreg.scid;
	s4 =	simm.s32 $0x0  }
0x4: {  	s8 =	stileid.u32;
	s17 =	simm.s32 $0x16800;
	s18 =	simm.s32 $0x5  }
0x5: {  	s19 =	simm.s32 $0x3;
	s20 =	simm.s32 $0x4;
	s21 =	simm.s32 $0x14000  }
0x6: {  	s28 =	simm.s32 $0x15380;
	s29 =	simm.s32 $0x16700;
	s30 =	simm.s32 $0x16780  }
0x7: {  	s31 =	simm.s32 $0x0;
	s3 =	sand.u32 $0x1, s3;
	[smem:$0x7FF] =	sst s4  }
0x8: {  	s6 =	smul.u32 $0x14000, s8;
	s13 =	sadd.s32 $0xD400, s0;
	s14 =	sadd.s32 $0x3400, s0  }
0x9: {  	s22 =	sadd.s32 $0x17400, s0;
	s7 =	smul.u32 $0x50000, s8;
	s8 =	sshll.u32 s8, $0x1  }
0xa: {  	s5 =	smul.u32 $0x140000, s3;
	_ =	strace $0x80000050;
	[dreg:$0x4] =	wrdreg s22  }
0xb: {  	s23 =	ssub.s32 $0x2, s3;
	s3 =	sor.u32 s3, s8;
	s22 =	simm.s32 $0x15400  }
0xc: {  	s9 =	sshrl.u32 s23, $0x1;
	s7 =	sshrl.u32 s7, $0x2;
	s11 =	smul.u32 $0x2800, s3  }
0xd: {  	s3 =	smul.u32 $0x500, s3;
	s6 =	sadd.s32 s6, s5;
	s16 =	ssub.s32 s23, s9  }
0xe: {  	s23 =	simm.s32 $0x80;
	s6 =	sshrl.u32 s6, $0x3;
	s15 =	sshrl.u32 s11, $0x3  }
0xf: {  	s11 =	sadd.s32 s13, s3;
	s12 =	sadd.s32 s14, s3;
	s16 =	smax.u32 s16, $0x1  }
0x10: {  	s0 =	sadd.s32 s6, s0;
	s6 =	sadd.s32 s7, s2;
	s26 =	sadd.s32 $0x280, s15  }
0x11: {  	s24 =	sadd.s32 $0x4000, s6;
	s25 =	sadd.s32 $0x8000, s6;
	s9 =	sadd.s32 $0xC000, s6  }
0x12: {  	s10 =	sadd.s32 $0x10000, s6;
	s13 =	sadd.s32 s13, s26;
	s14 =	sadd.s32 s14, s26  }
0x13: {  	s15 =	sadd.s32 $0x17C00, s0;
	s26 =	simm.s32 $0x2;
	[dreg:$0x5] =	wrdreg s24  }
0x14: {  	[dreg:$0x6] =	wrdreg s25;
	s24 =	simm.s32 $0x1A800;
	s25 =	simm.s32 $0x1  }
.LBB2_1:
0x15: {  	s0 =	rddreg [dreg:$0x4]  }
0x16: {  	[tilespmem:s17], [sflag:$0x5] =	stream.linear.gather [hbm4b:s0+s4], $0x4000, $0x38;
	[tilespmem:$0x1E800] =	vst v63  }
0x17: {  	_ =	swait.ge [sflag:s18], $0x4000  }
0x18: {  	[sflag:s18] =	ssyncset.done $0x0  }
0x19: {  	[sflag:s18] =	ssyncadd.s32 $0xFFFFC000  }
0x1a: {  	[spmem:s6] =	stream.linear.scatter [tilespmem:s17], [sflag:$0x3], $0x4000, $0x38;
	[tilespmem:$0x1E800] =	vst v63  }
0x1b: {  	s7 =	rddreg [dreg:$0x5]  }
0x1c: {  	[spmem:s7] =	stream.linear.scatter [tilespmem:s17], [sflag:$0x4], $0x4000, $0x38;
	[tilespmem:$0x1E800] =	vst v63  }
0x1d: {  	s8 =	rddreg [dreg:$0x6]  }
0x1e: {  	[spmem:s8] =	stream.linear.scatter [tilespmem:s17], [sflag:$0x3], $0x4000, $0x38;
	[tilespmem:$0x1E800] =	vst v63  }
0x1f: {  	_ = 	snop  }
0x20: {  	[spmem:s9] =	stream.linear.scatter [tilespmem:s17], [sflag:$0x4], $0x4000, $0x38;
	[tilespmem:$0x1E800] =	vst v63  }
0x21: {  	_ = 	snop  }
0x22: {  	[spmem:s10] =	stream.linear.scatter [tilespmem:s17], [sflag:$0x3], $0x4000, $0x38;
	[tilespmem:$0x1E800] =	vst v63  }
0x23: {  	_ =	swait.ge [sflag:s19], $0x4000  }
0x24: {  	[sflag:s19] =	ssyncset.done $0x0  }
0x25: {  	[sflag:s19] =	ssyncadd.s32 $0xFFFFC000  }
0x26: {  	_ =	swait.ge [sflag:s20], $0x4000  }
0x27: {  	[sflag:s20] =	ssyncset.done $0x0  }
0x28: {  	[sflag:s20] =	ssyncadd.s32 $0xFFFFC000  }
0x29: {  	_ =	swait.ge [sflag:s19], $0x4000  }
0x2a: {  	[sflag:s19] =	ssyncset.done $0x0  }
0x2b: {  	[sflag:s19] =	ssyncadd.s32 $0xFFFFC000  }
0x2c: {  	_ =	swait.ge [sflag:s20], $0x4000  }
0x2d: {  	[sflag:s20] =	ssyncset.done $0x0  }
0x2e: {  	[sflag:s20] =	ssyncadd.s32 $0xFFFFC000  }
0x2f: {  	_ =	swait.ge [sflag:s19], $0x4000  }
0x30: {  	[sflag:s19] =	ssyncset.done $0x0  }
0x31: {  	[sflag:s19] =	ssyncadd.s32 $0xFFFFC000  }
0x32: {  	[bflag:$0x0] =	sbarrier.arrive $0xFFFF  }
0x33: {  	[tilespmem:s21], [sflag:$0x5] =	stream.linear.gather [hbm4b:s11+s4], $0x1400, $0x38;
	[tilespmem:$0x1E800] =	vst v63  }
0x34: {  	_ =	swait.ge [sflag:s18], $0x1400  }
0x35: {  	[sflag:s18] =	ssyncset.done $0x0  }
0x36: {  	[sflag:s18] =	ssyncadd.s32 $0xFFFFEC00  }
0x37: {  	[tilespmem:s22], [sflag:$0x5] =	stream.linear.gather [hbm4b:s12+s4], $0x1400, $0x38;
	[tilespmem:$0x1E800] =	vst v63  }
0x38: {  	_ =	swait.ge [sflag:s18], $0x1400  }
0x39: {  	[sflag:s18] =	ssyncset.done $0x0  }
0x3a: {  	[sflag:s18] =	ssyncadd.s32 $0xFFFFEC00  }
0x3b: {  	[tilespmem:s17], [sflag:$0x1] =	stream.indirect.gather [hbm4b:s1+s23], $0x80, s21, s23, $0xb8;
	[tilespmem:$0x1E800] =	vst v63  }
0x3c: {  	s3 =	simm.s32 $0x14080  }
0x3d: {  	[tilespmem:s24], [sflag:$0x2] =	stream.indirect.gather [hbm4b:s1+s23], $0x80, s3, s23, $0xb8;
	[tilespmem:$0x1E800] =	vst v63  }
0x3e: {  	_ =	swait.ge [sflag:s25], $0x4000  }
0x3f: {  	[sflag:s25] =	ssyncset.done $0x0  }
0x40: {  	s5 =	simm.s32 $0x15400;
	[sflag:s25] =	ssyncadd.s32 $0xFFFFC000  }
0x41: {  	[spmem:s2] =	stream.indirect.scatter.add.f32 [tilespmem:s17], [sflag:$0x5], $0x80, s5, s23, $0xb8;
	[tilespmem:$0x1E800] =	vst v63  }
0x42: {  	_ =	swait.ge [sflag:s18], $0x4000  }
0x43: {  	[sflag:s18] =	ssyncset.done $0x0  }
0x44: {  	s7 =	simm.s32 $0x14100;
	[sflag:s18] =	ssyncadd.s32 $0xFFFFC000  }
0x45: {  	[tilespmem:s17], [sflag:$0x1] =	stream.indirect.gather [hbm4b:s1+s23], $0x80, s7, s23, $0xb8;
	[tilespmem:$0x1E800] =	vst v63  }
0x46: {  	_ =	swait.ge [sflag:s26], $0x4000  }
0x47: {  	[sflag:s26] =	ssyncset.done $0x0  }
0x48: {  	s8 =	simm.s32 $0x15480;
	[sflag:s26] =	ssyncadd.s32 $0xFFFFC000  }
0x49: {  	[spmem:s2] =	stream.indirect.scatter.add.f32 [tilespmem:s24], [sflag:$0x5], $0x80, s8, s23, $0xb8;
	[tilespmem:$0x1E800] =	vst v63  }
0x4a: {  	_ =	swait.ge [sflag:s18], $0x4000  }
0x4b: {  	s0 =	simm.s32 $0x100;
	s3 =	simm.s32 $0x800;
	[sflag:s18] =	ssyncset.done $0x0  }
.LBB2_2:
0x4c: {  	s5 =	sadd.s32 $0x14080, s0  }
0x4d: {  	[sflag:s18] =	ssyncadd.s32 $0xFFFFC000;
	s7 =	smov.u32 s3;
	s8 =	sadd.s32 $0x400, s3  }
0x4e: {  	[tilespmem:s24], [sflag:$0x2] =	stream.indirect.gather [hbm4b:s1+s23], $0x80, s5, s23, $0xb8;
	[tilespmem:$0x1E800] =	vst v63  }
0x4f: {  	p0 =	sne.s32 s3, $0x4800;
	_ =	swait.ge [sflag:s25], $0x4000  }
0x50: {  	[sflag:s25] =	ssyncset.done $0x0  }
0x51: {  	s3 =	sadd.s32 $0x15400, s0;
	[sflag:s25] =	ssyncadd.s32 $0xFFFFC000  }
0x52: {  	[spmem:s2] =	stream.indirect.scatter.add.f32 [tilespmem:s17], [sflag:$0x5], $0x80, s3, s23, $0xb8;
	[tilespmem:$0x1E800] =	vst v63  }
0x53: {  	_ =	swait.ge [sflag:s18], $0x4000  }
0x54: {  	[sflag:s18] =	ssyncset.done $0x0  }
0x55: {  	s3 =	sadd.s32 $0x14100, s0;
	[sflag:s18] =	ssyncadd.s32 $0xFFFFC000  }
0x56: {  	[tilespmem:s17], [sflag:$0x1] =	stream.indirect.gather [hbm4b:s1+s23], $0x80, s3, s23, $0xb8;
	[tilespmem:$0x1E800] =	vst v63  }
0x57: {  	_ =	swait.ge [sflag:s26], $0x4000  }
.Ltmp0:
0x58: {  	[sflag:s26] =	ssyncset.done $0x0;
	(pc) =	sbr.rel @p0 .LBB2_2-.Ltmp0, $4  }
0x59: {  	s0 =	sadd.s32 $0x15480, s0;
	[sflag:s26] =	ssyncadd.s32 $0xFFFFC000  }
0x5a: {  	[spmem:s2] =	stream.indirect.scatter.add.f32 [tilespmem:s24], [sflag:$0x5], $0x80, s0, s23, $0xb8;
	[tilespmem:$0x1E800] =	vst v63  }
0x5b: {  	_ =	swait.ge [sflag:s18], $0x4000  }
0x5c: {  	s3 =	smov.u32 s8;
	s0 =	sshra.s32 s7, $0x2;
	[sflag:s18] =	ssyncset.done $0x0  }
0x5d: {  	s3 =	sadd.s32 $0x14080, s0;
	[sflag:s18] =	ssyncadd.s32 $0xFFFFC000  }
0x5e: {  	[tilespmem:s24], [sflag:$0x2] =	stream.indirect.gather [hbm4b:s1+s23], $0x80, s3, s23, $0xb8;
	[tilespmem:$0x1E800] =	vst v63  }
0x5f: {  	_ =	swait.ge [sflag:s25], $0x4000  }
0x60: {  	[sflag:s25] =	ssyncset.done $0x0  }
0x61: {  	s8 =	sadd.s32 $0x15400, s0;
	[sflag:s25] =	ssyncadd.s32 $0xFFFFC000  }
0x62: {  	[spmem:s2] =	stream.indirect.scatter.add.f32 [tilespmem:s17], [sflag:$0x5], $0x80, s8, s23, $0xb8;
	[tilespmem:$0x1E800] =	vst v63  }
0x63: {  	_ =	swait.ge [sflag:s18], $0x4000  }
0x64: {  	[sflag:s18] =	ssyncset.done $0x0  }
0x65: {  	s5 =	sadd.s32 $0x14100, s0;
	[sflag:s18] =	ssyncadd.s32 $0xFFFFC000  }
0x66: {  	[tilespmem:s17], [sflag:$0x1] =	stream.indirect.gather [hbm4b:s1+s23], $0x80, s5, s23, $0xb8;
	[tilespmem:$0x1E800] =	vst v63  }
0x67: {  	_ =	swait.ge [sflag:s26], $0x4000  }
0x68: {  	[sflag:s26] =	ssyncset.done $0x0  }
0x69: {  	s7 =	sadd.s32 $0x15480, s0;
	[sflag:s26] =	ssyncadd.s32 $0xFFFFC000  }
0x6a: {  	[spmem:s2] =	stream.indirect.scatter.add.f32 [tilespmem:s24], [sflag:$0x5], $0x80, s7, s23, $0xb8;
	[tilespmem:$0x1E800] =	vst v63  }
0x6b: {  	_ =	swait.ge [sflag:s18], $0x4000  }
0x6c: {  	[sflag:s18] =	ssyncset.done $0x0  }
0x6d: {  	[sflag:s18] =	ssyncadd.s32 $0xFFFFC000  }
0x6e: {  	[tilespmem:s24], [sflag:$0x2] =	stream.indirect.gather [hbm4b:s1+s23], $0x80, s28, s23, $0xb8;
	[tilespmem:$0x1E800] =	vst v63  }
0x6f: {  	_ =	swait.ge [sflag:s25], $0x4000  }
0x70: {  	[sflag:s25] =	ssyncset.done $0x0  }
0x71: {  	[sflag:s25] =	ssyncadd.s32 $0xFFFFC000  }
0x72: {  	[spmem:s2] =	stream.indirect.scatter.add.f32 [tilespmem:s17], [sflag:$0x5], $0x80, s29, s23, $0xb8;
	[tilespmem:$0x1E800] =	vst v63  }
0x73: {  	_ =	swait.ge [sflag:s18], $0x4000  }
0x74: {  	[sflag:s18] =	ssyncset.done $0x0  }
0x75: {  	[sflag:s18] =	ssyncadd.s32 $0xFFFFC000  }
0x76: {  	[tilespmem:s17], [sflag:$0x1] =	stream.indirect.gather [hbm4b:s1+s23], $0x80, s28, s23, $0xb8;
	[tilespmem:$0x1E800] =	vst v63  }
0x77: {  	_ =	swait.ge [sflag:s26], $0x4000  }
0x78: {  	[sflag:s26] =	ssyncset.done $0x0  }
0x79: {  	[sflag:s26] =	ssyncadd.s32 $0xFFFFC000  }
0x7a: {  	[spmem:s2] =	stream.indirect.scatter.add.f32 [tilespmem:s24], [sflag:$0x5], $0x80, s30, s23, $0xb8;
	[tilespmem:$0x1E800] =	vst v63  }
0x7b: {  	_ =	swait.ge [sflag:s18], $0x4000  }
0x7c: {  	[sflag:s18] =	ssyncset.done $0x0  }
0x7d: {  	[sflag:s18] =	ssyncadd.s32 $0xFFFFC000  }
0x7e: {  	_ =	swait.ge [sflag:s25], $0x4000  }
0x7f: {  	[sflag:s25] =	ssyncset.done $0x0  }
0x80: {  	s8 =	simm.s32 $0x0;
	[sflag:s25] =	ssyncadd.s32 $0xFFFFC000  }
0x81: {  	[tilespmem:s21], [sflag:$0x5] =	stream.linear.gather [hbm4b:s13+s8], $0x1400, $0x38;
	[tilespmem:$0x1E800] =	vst v63  }
0x82: {  	_ =	swait.ge [sflag:s18], $0x1400  }
0x83: {  	[sflag:s18] =	ssyncset.done $0x0  }
0x84: {  	[sflag:s18] =	ssyncadd.s32 $0xFFFFEC00  }
0x85: {  	[tilespmem:s22], [sflag:$0x5] =	stream.linear.gather [hbm4b:s14+s8], $0x1400, $0x38;
	[tilespmem:$0x1E800] =	vst v63  }
0x86: {  	_ =	swait.ge [sflag:s18], $0x1400  }
0x87: {  	[sflag:s18] =	ssyncset.done $0x0  }
0x88: {  	[sflag:s18] =	ssyncadd.s32 $0xFFFFEC00  }
0x89: {  	[tilespmem:s17], [sflag:$0x1] =	stream.indirect.gather [hbm4b:s1+s23], $0x80, s21, s23, $0xb8;
	[tilespmem:$0x1E800] =	vst v63  }
0x8a: {  	s3 =	simm.s32 $0x14080  }
0x8b: {  	[tilespmem:s24], [sflag:$0x2] =	stream.indirect.gather [hbm4b:s1+s23], $0x80, s3, s23, $0xb8;
	[tilespmem:$0x1E800] =	vst v63  }
0x8c: {  	_ =	swait.ge [sflag:s25], $0x4000  }
0x8d: {  	[sflag:s25] =	ssyncset.done $0x0  }
0x8e: {  	s5 =	simm.s32 $0x15400;
	[sflag:s25] =	ssyncadd.s32 $0xFFFFC000  }
0x8f: {  	[spmem:s2] =	stream.indirect.scatter.add.f32 [tilespmem:s17], [sflag:$0x5], $0x80, s5, s23, $0xb8;
	[tilespmem:$0x1E800] =	vst v63  }
0x90: {  	_ =	swait.ge [sflag:s18], $0x4000  }
0x91: {  	[sflag:s18] =	ssyncset.done $0x0  }
0x92: {  	s7 =	simm.s32 $0x14100;
	[sflag:s18] =	ssyncadd.s32 $0xFFFFC000  }
0x93: {  	[tilespmem:s17], [sflag:$0x1] =	stream.indirect.gather [hbm4b:s1+s23], $0x80, s7, s23, $0xb8;
	[tilespmem:$0x1E800] =	vst v63  }
0x94: {  	_ =	swait.ge [sflag:s26], $0x4000  }
0x95: {  	[sflag:s26] =	ssyncset.done $0x0  }
0x96: {  	s8 =	simm.s32 $0x15480;
	[sflag:s26] =	ssyncadd.s32 $0xFFFFC000  }
0x97: {  	[spmem:s2] =	stream.indirect.scatter.add.f32 [tilespmem:s24], [sflag:$0x5], $0x80, s8, s23, $0xb8;
	[tilespmem:$0x1E800] =	vst v63  }
0x98: {  	_ =	swait.ge [sflag:s18], $0x4000  }
0x99: {  	s0 =	simm.s32 $0x100;
	s3 =	simm.s32 $0x800;
	[sflag:s18] =	ssyncset.done $0x0  }
.LBB2_4:
0x9a: {  	s5 =	sadd.s32 $0x14080, s0  }
0x9b: {  	[sflag:s18] =	ssyncadd.s32 $0xFFFFC000;
	s7 =	smov.u32 s3;
	s8 =	sadd.s32 $0x400, s3  }
0x9c: {  	[tilespmem:s24], [sflag:$0x2] =	stream.indirect.gather [hbm4b:s1+s23], $0x80, s5, s23, $0xb8;
	[tilespmem:$0x1E800] =	vst v63  }
0x9d: {  	p0 =	sne.s32 s3, $0x4800;
	_ =	swait.ge [sflag:s25], $0x4000  }
0x9e: {  	[sflag:s25] =	ssyncset.done $0x0  }
0x9f: {  	s3 =	sadd.s32 $0x15400, s0;
	[sflag:s25] =	ssyncadd.s32 $0xFFFFC000  }
0xa0: {  	[spmem:s2] =	stream.indirect.scatter.add.f32 [tilespmem:s17], [sflag:$0x5], $0x80, s3, s23, $0xb8;
	[tilespmem:$0x1E800] =	vst v63  }
0xa1: {  	_ =	swait.ge [sflag:s18], $0x4000  }
0xa2: {  	[sflag:s18] =	ssyncset.done $0x0  }
0xa3: {  	s3 =	sadd.s32 $0x14100, s0;
	[sflag:s18] =	ssyncadd.s32 $0xFFFFC000  }
0xa4: {  	[tilespmem:s17], [sflag:$0x1] =	stream.indirect.gather [hbm4b:s1+s23], $0x80, s3, s23, $0xb8;
	[tilespmem:$0x1E800] =	vst v63  }
0xa5: {  	_ =	swait.ge [sflag:s26], $0x4000  }
.Ltmp1:
0xa6: {  	[sflag:s26] =	ssyncset.done $0x0;
	(pc) =	sbr.rel @p0 .LBB2_4-.Ltmp1, $4  }
0xa7: {  	s0 =	sadd.s32 $0x15480, s0;
	[sflag:s26] =	ssyncadd.s32 $0xFFFFC000  }
0xa8: {  	[spmem:s2] =	stream.indirect.scatter.add.f32 [tilespmem:s24], [sflag:$0x5], $0x80, s0, s23, $0xb8;
	[tilespmem:$0x1E800] =	vst v63  }
0xa9: {  	_ =	swait.ge [sflag:s18], $0x4000  }
0xaa: {  	s3 =	smov.u32 s8;
	s0 =	sshra.s32 s7, $0x2;
	[sflag:s18] =	ssyncset.done $0x0  }
0xab: {  	s3 =	sadd.s32 $0x14080, s0;
	[sflag:s18] =	ssyncadd.s32 $0xFFFFC000  }
0xac: {  	[tilespmem:s24], [sflag:$0x2] =	stream.indirect.gather [hbm4b:s1+s23], $0x80, s3, s23, $0xb8;
	[tilespmem:$0x1E800] =	vst v63  }
0xad: {  	_ =	swait.ge [sflag:s25], $0x4000  }
0xae: {  	[sflag:s25] =	ssyncset.done $0x0  }
0xaf: {  	s7 =	sadd.s32 $0x15400, s0;
	[sflag:s25] =	ssyncadd.s32 $0xFFFFC000  }
0xb0: {  	[spmem:s2] =	stream.indirect.scatter.add.f32 [tilespmem:s17], [sflag:$0x5], $0x80, s7, s23, $0xb8;
	[tilespmem:$0x1E800] =	vst v63  }
0xb1: {  	_ =	swait.ge [sflag:s18], $0x4000  }
0xb2: {  	[sflag:s18] =	ssyncset.done $0x0  }
0xb3: {  	s8 =	sadd.s32 $0x14100, s0;
	[sflag:s18] =	ssyncadd.s32 $0xFFFFC000  }
0xb4: {  	[tilespmem:s17], [sflag:$0x1] =	stream.indirect.gather [hbm4b:s1+s23], $0x80, s8, s23, $0xb8;
	[tilespmem:$0x1E800] =	vst v63  }
0xb5: {  	_ =	swait.ge [sflag:s26], $0x4000  }
0xb6: {  	[sflag:s26] =	ssyncset.done $0x0  }
0xb7: {  	s5 =	sadd.s32 $0x15480, s0;
	[sflag:s26] =	ssyncadd.s32 $0xFFFFC000  }
0xb8: {  	[spmem:s2] =	stream.indirect.scatter.add.f32 [tilespmem:s24], [sflag:$0x5], $0x80, s5, s23, $0xb8;
	[tilespmem:$0x1E800] =	vst v63  }
0xb9: {  	_ =	swait.ge [sflag:s18], $0x4000  }
0xba: {  	[sflag:s18] =	ssyncset.done $0x0  }
0xbb: {  	[sflag:s18] =	ssyncadd.s32 $0xFFFFC000  }
0xbc: {  	[tilespmem:s24], [sflag:$0x2] =	stream.indirect.gather [hbm4b:s1+s23], $0x80, s28, s23, $0xb8;
	[tilespmem:$0x1E800] =	vst v63  }
0xbd: {  	_ =	swait.ge [sflag:s25], $0x4000  }
0xbe: {  	[sflag:s25] =	ssyncset.done $0x0  }
0xbf: {  	[sflag:s25] =	ssyncadd.s32 $0xFFFFC000  }
0xc0: {  	[spmem:s2] =	stream.indirect.scatter.add.f32 [tilespmem:s17], [sflag:$0x5], $0x80, s29, s23, $0xb8;
	[tilespmem:$0x1E800] =	vst v63  }
0xc1: {  	_ =	swait.ge [sflag:s18], $0x4000  }
0xc2: {  	[sflag:s18] =	ssyncset.done $0x0  }
0xc3: {  	[sflag:s18] =	ssyncadd.s32 $0xFFFFC000  }
0xc4: {  	[tilespmem:s17], [sflag:$0x1] =	stream.indirect.gather [hbm4b:s1+s23], $0x80, s28, s23, $0xb8;
	[tilespmem:$0x1E800] =	vst v63  }
0xc5: {  	_ =	swait.ge [sflag:s26], $0x4000  }
0xc6: {  	[sflag:s26] =	ssyncset.done $0x0  }
0xc7: {  	[sflag:s26] =	ssyncadd.s32 $0xFFFFC000  }
0xc8: {  	[spmem:s2] =	stream.indirect.scatter.add.f32 [tilespmem:s24], [sflag:$0x5], $0x80, s30, s23, $0xb8;
	[tilespmem:$0x1E800] =	vst v63  }
0xc9: {  	_ =	swait.ge [sflag:s18], $0x4000  }
0xca: {  	[sflag:s18] =	ssyncset.done $0x0  }
0xcb: {  	[sflag:s18] =	ssyncadd.s32 $0xFFFFC000  }
0xcc: {  	s7 =	stileid.u32;
	_ =	swait.ge [sflag:s25], $0x4000  }
0xcd: {  	s31 =	sadd.s32 $0x1, s31;
	s0 =	sshll.u32 s7, $0x6;
	[sflag:s25] =	ssyncset.done $0x0  }
0xce: {  	p0 =	sne.s32 s31, s16;
	s0 =	sor.u32 $0x1C05, s0;
	[sflag:s25] =	ssyncadd.s32 $0xFFFFC000  }
.Ltmp2:
0xcf: {  	s8 =	sshrl.u32 s6, $0x3;
	[bflag:$0x0] =	sbarrier.arrive $0xFFFF;
	(pc) =	sbr.rel @p0 .LBB2_1-.Ltmp2, $4  }
0xd0: {  	[hbm:s15], [sflag:s0] =	dma.local [spmem:s8], $0x2800  }
0xd1: {  	_ =	swait.ge [sflag:s18], $0x2800  }
0xd2: {  	[sflag:s18] =	ssyncset.done $0x0  }
0xd3: {  	[sflag:s18] =	ssyncadd.s32 $0xFFFFD800  }
0xd4: {  	_ =	sfence.sel $0x180000  }
0xd5: {  	[bflag:$0x0] =	sbarrier.arrive $0xFFFF  }
0xd6: {  	_ =	strace $0x90000050  }
0xd7: {  	s0 =	stileid.u32;
	[bflag:$0x2] =	sbarrier.arrive $0xFFFF  }
0xd8: {  	p0 =	sne.s32 s0, $0x0;
	s0 =	rddreg [dreg:$0x3]  }
0xd9: {  	s0 =	sadd.s32 @!p0 $0x100000, s0  }
0xda: {  	[sflag:s0] =	ssyncadd.tile.s32 @!p0 $0x1;
	_ =	shalt  }
.Lfunc_end2:
_tile_overlayer_lowered:
.L_overlay_start_2:
0xdb: {  	(tag) =	ssettag $0x2  }
0xdc: {  	s0 =	rddreg [dreg:$0x0];
	s2 =	stileid.u32  }
0xdd: {  	s1 =	rddreg [dreg:$0x1];
	p0 =	sne.s32 s2, $0x0  }
0xde: {  	s3 =	rddreg [dreg:$0x2];
	[bflag:$0x3] =	sbarrier.arrive $0xFFFF;
	s2 =	simm.s32 @!p0 $0x1C05  }
0xdf: {  	[timem:s3], [sflag:s2] =	dma.local @!p0 [hbm:s0], s1  }
0xe0: {  	s0 =	simm.s32 @!p0 $0x5  }
0xe1: {  	_ =	swait.ge @!p0 [sflag:s0], s1  }
0xe2: {  	s1 =	ssub.s32 @!p0 $0x0, s1;
	[sflag:s0] =	ssyncset.done @!p0 $0x0  }
0xe3: {  	[sflag:s0] =	ssyncadd.s32 @!p0 s1  }
0xe4: {  	[bflag:$0x3] =	sbarrier.arrive $0xFFFF  }
0xe5: {  	_ =	shalt  }

</sc_bundles>
